<compile_context>
chip_gen: v7x
topology: tpu7x:2x2x1
jax: 0.10.2.dev20260603
libtpu: 0.0.44.dev20260713+nightly
codegen_flags: <defaults>
</compile_context>

<pallas_src>
import jax
import jax.numpy as jnp
from jax import lax
from jax.experimental import pallas as pl
from jax.experimental.pallas import tpu as pltpu
from jax.experimental.pallas import tpu_sc as plsc

N = 10000
NPAD = 10240
E = 320000
NC, NS = 2, 16
NW = NC * NS
CHUNK = 128
CPT = 80
EPW = CPT * CHUNK
EPAD = EPW * NW
ROWS2D = EPAD // CHUNK
STRIPE = NPAD // NS
PAD_SRC = N
PAD_DST = N + 100

_mesh = plsc.VectorSubcoreMesh(core_axis_name="c", subcore_axis_name="s")


def _fill_vmem(ref, rows, width, value):
    lanes = 32 if ref.dtype == jnp.bfloat16 else 16
    kpr = width // lanes

    def body(i, _):
        r = i // kpr
        k = i % kpr
        ref[r, pl.ds(k * lanes, lanes)] = jnp.full((lanes,), value, ref.dtype)
        return 0

    lax.fori_loop(0, rows * kpr, body, 0)


def _fill_vmem1d(ref, n, value):

    def body(i, _):
        ref[pl.ds(i * 16, 16)] = jnp.full((16,), value, jnp.float32)
        return 0

    lax.fori_loop(0, n // 16, body, 0)


def _deg_body(dst_hbm, out_hbm, dstv, onesv, zrow, acc, sem):
    del sem
    c = lax.axis_index("c")
    s = lax.axis_index("s")
    w = c * NS + s
    _fill_vmem(onesv, 1, CHUNK, 1.0)
    _fill_vmem1d(zrow, STRIPE, 0.0)
    pltpu.sync_copy(zrow, acc.at[pl.ds(s * STRIPE, STRIPE)])
    plsc.subcore_barrier()
    pltpu.sync_copy(dst_hbm.at[pl.ds(w * CPT, CPT)], dstv)

    def body(j, _):
        pltpu.sync_copy(onesv.at[0], acc.at[dstv.at[j]], add=True)
        return 0

    lax.fori_loop(0, CPT, body, 0)
    plsc.subcore_barrier()
    pltpu.sync_copy(acc.at[pl.ds(s * STRIPE, STRIPE)],
                    out_hbm.at[c, pl.ds(s * STRIPE, STRIPE)])


def _degree_kernel(dst2d):
    return pl.kernel(
        _deg_body,
        out_type=jax.ShapeDtypeStruct((NC, NPAD), jnp.float32),
        mesh=_mesh,
        scratch_types=[
            pltpu.VMEM((CPT, CHUNK), jnp.int32),
            pltpu.VMEM((1, CHUNK), jnp.float32),
            pltpu.VMEM((STRIPE,), jnp.float32),
            pltpu.VMEM_SHARED((NPAD,), jnp.float32),
            pltpu.SemaphoreType.DMA,
        ],
    )(dst2d)


IDXG = 16
NBUF = 4
CPT2 = ROWS2D // NS


def _prop_body(g_hbm, src_hbm, dst_hbm, out_hbm, srcv, dstv, bufs_and_sems,
               gsh, acc):
    c = lax.axis_index("c")
    s = lax.axis_index("s")
    bufs = bufs_and_sems[:NBUF]
    gsems = bufs_and_sems[NBUF:2 * NBUF]
    ssems = bufs_and_sems[2 * NBUF:]
    d2 = bufs[0].shape[1]
    pltpu.sync_copy(g_hbm.at[pl.ds(s * STRIPE, STRIPE), pl.ds(c * d2, d2)],
                    gsh.at[pl.ds(s * STRIPE, STRIPE)])
    _fill_vmem(bufs[0], CHUNK, d2, 0.0)

    def zs(i, _):
        pltpu.sync_copy(bufs[0], acc.at[pl.ds(s * STRIPE + i * CHUNK, CHUNK)])
        return 0

    lax.fori_loop(0, STRIPE // CHUNK, zs, 0)
    plsc.subcore_barrier()

    def group(jg, _):
        base = s * CPT2 + jg * IDXG
        pltpu.sync_copy(src_hbm.at[pl.ds(base, IDXG)], srcv)
        pltpu.sync_copy(dst_hbm.at[pl.ds(base, IDXG)], dstv)
        gd = [None] * NBUF
        sd = [None] * NBUF
        gd[0] = pltpu.async_copy(gsh.at[srcv.at[0]], bufs[0], gsems[0])
        for jj in range(IDXG):
            b = jj % NBUF
            if jj + 1 < IDXG:
                nb = (jj + 1) % NBUF
                if sd[nb] is not None:
                    sd[nb].wait()
                gd[nb] = pltpu.async_copy(gsh.at[srcv.at[jj + 1]],
                                          bufs[nb], gsems[nb])
            gd[b].wait()
            sd[b] = pltpu.async_copy(bufs[b], acc.at[dstv.at[jj]], ssems[b],
                                     add=True)
        for b in range(NBUF):
            if sd[b] is not None:
                sd[b].wait()
        return 0

    lax.fori_loop(0, CPT2 // IDXG, group, 0)
    plsc.subcore_barrier()
    pltpu.sync_copy(acc.at[pl.ds(s * STRIPE, STRIPE)],
                    out_hbm.at[pl.ds(s * STRIPE, STRIPE), pl.ds(c * d2, d2)])


def _propagate(gh, src2d, dst2d, d2):
    return pl.kernel(
        _prop_body,
        out_type=jax.ShapeDtypeStruct((NPAD, 2 * d2), jnp.bfloat16),
        mesh=_mesh,
        scratch_types=[
            pltpu.VMEM((IDXG, CHUNK), jnp.int32),
            pltpu.VMEM((IDXG, CHUNK), jnp.int32),
            [pltpu.VMEM((CHUNK, d2), jnp.bfloat16) for _ in range(NBUF)]
            + [pltpu.SemaphoreType.DMA for _ in range(2 * NBUF)],
            pltpu.VMEM_SHARED((NPAD, d2), jnp.bfloat16),
            pltpu.VMEM_SHARED((NPAD, d2), jnp.bfloat16),
        ],
        compiler_params=pltpu.CompilerParams(use_tc_tiling_on_sc=False),
    )(gh, src2d, dst2d)



_MBLK = 1024
_GRID = NPAD // _MBLK


def _col_spec():
    return pl.BlockSpec((_MBLK, 1), lambda i: (i, 0))


def _mat_spec(d):
    return pl.BlockSpec((_MBLK, d), lambda i: (i, 0))


def _full_spec(r, c):
    return pl.BlockSpec((r, c), lambda i: (0, 0))


def _tc1_body(p0, p1, m, x, w1, g1, dv):
    deg = p0[...] + p1[...] + m[...]
    dinv = jnp.where(deg > 0, lax.rsqrt(deg), 0.0)
    g1[...] = (dinv * jnp.dot(x[...], w1[...],
                              preferred_element_type=jnp.float32)
               ).astype(jnp.bfloat16)
    dv[...] = dinv


def _tc1(p0, p1, m, x, w1):
    return pl.pallas_call(
        _tc1_body,
        grid=(_GRID,),
        in_specs=[_col_spec(), _col_spec(), _col_spec(), _mat_spec(128),
                  _full_spec(128, 128)],
        out_specs=[_mat_spec(128), _col_spec()],
        out_shape=[jax.ShapeDtypeStruct((NPAD, 128), jnp.bfloat16),
                   jax.ShapeDtypeStruct((NPAD, 1), jnp.float32)],
    )(p0, p1, m, x, w1)


def _tc2_body(q, g1, dv, b1, w2, g2):
    dinv = dv[...]
    s = q[...].astype(jnp.float32) + g1[...].astype(jnp.float32)
    h1 = jnp.maximum(dinv * s + b1[...], 0.0)
    g2[...] = (dinv * jnp.dot(h1, w2[...],
                              preferred_element_type=jnp.float32)
               ).astype(jnp.bfloat16)


def _tc2(q, g1, dv, b1, w2):
    return pl.pallas_call(
        _tc2_body,
        grid=(_GRID,),
        in_specs=[_mat_spec(128), _mat_spec(128), _col_spec(),
                  _full_spec(1, 128), _full_spec(128, 64)],
        out_specs=_mat_spec(64),
        out_shape=jax.ShapeDtypeStruct((NPAD, 64), jnp.bfloat16),
    )(q, g1, dv, b1, w2)


def _tc3_body(r, g2, dv, b2, out):
    s = r[...].astype(jnp.float32) + g2[...].astype(jnp.float32)
    out[...] = jnp.maximum(dv[...] * s + b2[...], 0.0)


def _tc3(r, g2, dv, b2):
    return pl.pallas_call(
        _tc3_body,
        grid=(_GRID,),
        in_specs=[_mat_spec(64), _mat_spec(64), _col_spec(),
                  _full_spec(1, 64)],
        out_specs=_mat_spec(64),
        out_shape=jax.ShapeDtypeStruct((NPAD, 64), jnp.float32),
    )(r, g2, dv, b2)


@jax.jit
def kernel(x, edge_index, W1, b1, W2, b2):
    src = edge_index[0].astype(jnp.int32)
    dst = edge_index[1].astype(jnp.int32)
    pad = EPAD - E
    src2d = jnp.concatenate(
        [src, jnp.full((pad,), PAD_SRC, jnp.int32)]).reshape(ROWS2D, CHUNK)
    dst2d = jnp.concatenate(
        [dst, jnp.full((pad,), PAD_DST, jnp.int32)]).reshape(ROWS2D, CHUNK)
    xp = jnp.pad(x, ((0, NPAD - N), (0, 0)))
    maskc = (jnp.arange(NPAD) < N).astype(jnp.float32).reshape(NPAD, 1)

    degp = _degree_kernel(dst2d)
    p0 = degp[0].reshape(NPAD, 1)
    p1 = degp[1].reshape(NPAD, 1)
    g1, dv = _tc1(p0, p1, maskc, xp, W1)

    s1 = _propagate(g1, src2d, dst2d, 64)
    g2 = _tc2(s1, g1, dv, b1.reshape(1, 128), W2)

    s2 = _propagate(g2, src2d, dst2d, 32)
    out = _tc3(s2, g2, dv, b2.reshape(1, 64))
    return out[:N]

# --- scband reference (transcript-rebuilt; emitter-appended) ---
"""Pipeline reference for scband-encoder-27496380629729 (READ-ONLY COPY).

The authoritative reference and input builder live on the scoring server;
editing this copy changes nothing except your own understanding.
"""

import jax, jax.numpy as jnp
import numpy as np

N_NODES = 10000


def setup_inputs(seed: int = 0) -> dict:
    key = jax.random.key(seed)
    k1, k2, k3, k4 = jax.random.split(key, 4)
    x = jax.random.normal(k1, (N_NODES, 128), dtype=jnp.float32)
    edge_index = jax.random.randint(k2, (2, 320000), 0, N_NODES, dtype=jnp.int64)
    # GCNConv layer 1: dim_in=128 -> 2*dim_out=128
    W1 = jax.random.normal(k3, (128, 128), dtype=jnp.float32) * (1.0 / np.sqrt(128))
    b1 = jnp.zeros((128,), dtype=jnp.float32)
    # GCNConv layer 2: 128 -> dim_out=64
    W2 = jax.random.normal(k4, (128, 64), dtype=jnp.float32) * (1.0 / np.sqrt(128))
    b2 = jnp.zeros((64,), dtype=jnp.float32)
    return {"x": x, "edge_index": edge_index, "W1": W1, "b1": b1, "W2": W2, "b2": b2}


def _gcn_conv(x, edge_index, W, b, num_nodes):
    # x' = D^{-1/2} (A + I) D^{-1/2} X W + b  (PyG GCNConv with self-loops)
    h = x @ W
    src = edge_index[0]
    dst = edge_index[1]
    loop = jnp.arange(num_nodes, dtype=src.dtype)
    src = jnp.concatenate([src, loop])
    dst = jnp.concatenate([dst, loop])
    deg = jax.ops.segment_sum(jnp.ones_like(dst, dtype=h.dtype), dst, num_segments=num_nodes)
    dinv = jnp.where(deg > 0, jax.lax.rsqrt(deg), 0.0)
    norm = dinv[src] * dinv[dst]
    msg = h[src] * norm[:, None]
    out = jax.ops.segment_sum(msg, dst, num_segments=num_nodes)
    return out + b


def reference(x, edge_index, W1, b1, W2, b2):
    h = jax.nn.relu(_gcn_conv(x, edge_index, W1, b1, N_NODES))
    out = jax.nn.relu(_gcn_conv(h, edge_index, W2, b2, N_NODES))
    return out

if __name__ == "__main__":
    import jax
    _d = setup_inputs()
    print(jax.jit(kernel)(*tuple(_d.values())))

</pallas_src>

<mosaic_0001>
#map = affine_map<(d0, d1) -> (0, 0)>
module attributes {stable_mosaic.version = 14 : i64} {
  func.func @_deg_body(%arg0: i32, %arg1: i32, %arg2: memref<2560x128xi32, #tpu.memory_space<hbm>>, %arg3: memref<2x10240xf32, #tpu.memory_space<hbm>>, %arg4: memref<80x128xi32, #tpu.memory_space<vmem>>, %arg5: memref<1x128xf32, #tpu.memory_space<vmem>>, %arg6: memref<640xf32, #tpu.memory_space<vmem>>, %arg7: memref<10240xf32, #tpu.memory_space<vmem_shared>>, %arg8: memref<!tpu.dma_semaphore, #tpu.memory_space<semaphore_mem>>) attributes {dimension_semantics = [#tpu.dimension_semantics<core_parallel>, #tpu.dimension_semantics<subcore_parallel>], iteration_bounds = array<i64: 2, 16>, scalar_prefetch = 0 : i64, scratch_operands = 5 : i64, tpu.core_type = #tpu.core_type<sc_vector_subcore>, window_params = [{transform_indices = #map}, {transform_indices = #map}]} {
    %mul3A = arith.constant 16 : i32
    %mul3A_0 = arith.muli %arg0, %mul3A : i32
    %add3A = arith.addi %mul3A_0, %arg1 : i32
    %scan3A = arith.constant 0 : i32
    %scan3A_1 = arith.constant 0 : i32
    %scan3A_2 = arith.constant 8 : i32
    %scan3A_3 = arith.addi %scan3A_1, %scan3A_2 : i32
    %scan3A_4 = arith.constant 1 : i32
    %scan3A_5 = scf.for %scan3A_30 = %scan3A_1 to %scan3A_3 step %scan3A_4 iter_args(%scan3A_31 = %scan3A) -> (i32)  : i32 {
      %jit3A = arith.constant 8 : i32
      %div3A = arith.divsi %scan3A_30, %jit3A : i32
      %sign3A = arith.constant 0 : i32
      %sign3A_32 = arith.cmpi sgt, %scan3A_30, %sign3A : i32
      %sign3A_33 = arith.extui %sign3A_32 : i1 to i32
      %sign3A_34 = arith.constant 0 : i32
      %sign3A_35 = arith.cmpi slt, %scan3A_30, %sign3A_34 : i32
      %sign3A_36 = arith.extui %sign3A_35 : i1 to i32
      %sign3A_37 = arith.subi %sign3A_33, %sign3A_36 : i32
      %sign3A_38 = arith.constant 0 : i32
      %sign3A_39 = arith.cmpi sgt, %jit3A, %sign3A_38 : i32
      %sign3A_40 = arith.extui %sign3A_39 : i1 to i32
      %sign3A_41 = arith.constant 0 : i32
      %sign3A_42 = arith.cmpi slt, %jit3A, %sign3A_41 : i32
      %sign3A_43 = arith.extui %sign3A_42 : i1 to i32
      %sign3A_44 = arith.subi %sign3A_40, %sign3A_43 : i32
      %ne3A = arith.cmpi ne, %sign3A_37, %sign3A_44 : i32
      %rem3A = arith.remsi %scan3A_30, %jit3A : i32
      %ne3A_45 = arith.constant 0 : i32
      %ne3A_46 = arith.cmpi ne, %rem3A, %ne3A_45 : i32
      %and3A = arith.andi %ne3A, %ne3A_46 : i1
      %sub3A = arith.constant 1 : i32
      %sub3A_47 = arith.subi %div3A, %sub3A : i32
      %select_n3A = arith.select %and3A, %sub3A_47, %div3A : i32
      %jit3A_48 = arith.constant 8 : i32
      %eq3A = arith.constant 0 : i32
      %eq3A_49 = arith.cmpi eq, %jit3A_48, %eq3A : i32
      %jit3A_50 = arith.constant 1 : i32
      %select_n3A_51 = arith.select %eq3A_49, %jit3A_50, %jit3A_48 : i32
      %rem3A_52 = arith.remsi %scan3A_30, %select_n3A_51 : i32
      %ne3A_53 = arith.constant 0 : i32
      %ne3A_54 = arith.cmpi ne, %rem3A_52, %ne3A_53 : i32
      %lt3A = arith.constant 0 : i32
      %lt3A_55 = arith.cmpi slt, %rem3A_52, %lt3A : i32
      %lt3A_56 = arith.constant 0 : i32
      %lt3A_57 = arith.cmpi slt, %select_n3A_51, %lt3A_56 : i32
      %ne3A_58 = arith.xori %lt3A_55, %lt3A_57 : i1
      %and3A_59 = arith.andi %ne3A_58, %ne3A_54 : i1
      %add3A_60 = arith.addi %rem3A_52, %select_n3A_51 : i32
      %select_n3A_61 = arith.select %and3A_59, %add3A_60, %rem3A_52 : i32
      %broadcast_in_dim3A = arith.constant 1.000000e+00 : f32
      %broadcast_in_dim3A_62 = vector.broadcast %broadcast_in_dim3A : f32 to vector<16xf32>
      %mul3A_63 = arith.constant 16 : i32
      %mul3A_64 = arith.muli %select_n3A_61, %mul3A_63 : i32
      %swap3A = arith.index_cast %select_n3A : i32 to index
      %swap3A_65 = arith.index_cast %mul3A_64 : i32 to index
      %swap3A_66 = tpu.vector_load %arg5[%swap3A, %swap3A_65] {strides = array<i32>} : memref<1x128xf32, #tpu.memory_space<vmem>>, vector<1x16xf32>,
      %swap3A_67 = vector.shape_cast %swap3A_66 : vector<1x16xf32> to vector<16xf32>
      %swap3A_68 = vector.shape_cast %broadcast_in_dim3A_62 : vector<16xf32> to vector<1x16xf32>
      tpu.vector_store %arg5[%swap3A, %swap3A_65], %swap3A_68 {strides = array<i32>} : memref<1x128xf32, #tpu.memory_space<vmem>>, vector<1x16xf32>,
      %scan3A_69 = arith.constant 0 : i32
      scf.yield %scan3A_69 : i32
    }
    %scan3A_6 = arith.constant 8 : i32
    %scan3A_7 = arith.constant 0 : i32
    %scan3A_8 = arith.constant 0 : i32
    %scan3A_9 = arith.constant 40 : i32
    %scan3A_10 = arith.addi %scan3A_8, %scan3A_9 : i32
    %scan3A_11 = arith.constant 1 : i32
    %scan3A_12 = scf.for %scan3A_30 = %scan3A_8 to %scan3A_10 step %scan3A_11 iter_args(%scan3A_31 = %scan3A_7) -> (i32)  : i32 {
      %broadcast_in_dim3A = arith.constant 0.000000e+00 : f32
      %broadcast_in_dim3A_32 = vector.broadcast %broadcast_in_dim3A : f32 to vector<16xf32>
      %mul3A_33 = arith.constant 16 : i32
      %mul3A_34 = arith.muli %scan3A_30, %mul3A_33 : i32
      %swap3A = arith.index_cast %mul3A_34 : i32 to index
      %swap3A_35 = tpu.vector_load %arg6[%swap3A] {strides = array<i32>} : memref<640xf32, #tpu.memory_space<vmem>>, vector<16xf32>,
      %swap3A_36 = vector.shape_cast %swap3A_35 : vector<16xf32> to vector<16xf32>
      %swap3A_37 = vector.shape_cast %broadcast_in_dim3A_32 : vector<16xf32> to vector<16xf32>
      tpu.vector_store %arg6[%swap3A], %swap3A_37 {strides = array<i32>} : memref<640xf32, #tpu.memory_space<vmem>>, vector<16xf32>,
      %scan3A_38 = arith.constant 0 : i32
      scf.yield %scan3A_38 : i32
    }
    %scan3A_13 = arith.constant 40 : i32
    %mul3A_14 = arith.constant 640 : i32
    %mul3A_15 = arith.muli %arg1, %mul3A_14 : i32
    "tpu.region"() ({
      %run_scoped3A = tpu.sem_alloc : memref<!tpu.dma_semaphore, #tpu.memory_space<semaphore_mem>>
      %dma_start3A = tpu.memref_slice %arg7[%mul3A_15] : memref<10240xf32, #tpu.memory_space<vmem_shared>> -> memref<640xf32, #tpu.memory_space<vmem_shared>>
      %dma_start3A_30 = tpu.memref_slice %arg7[%mul3A_15] : memref<10240xf32, #tpu.memory_space<vmem_shared>> -> memref<640xf32, #tpu.memory_space<vmem_shared>>
      tpu.enqueue_dma source(%arg6 : memref<640xf32, #tpu.memory_space<vmem>>) target(%dma_start3A_30 : memref<640xf32, #tpu.memory_space<vmem_shared>>) target_semaphore(%run_scoped3A : memref<!tpu.dma_semaphore, #tpu.memory_space<semaphore_mem>>)
      %dma_wait3A = tpu.memref_slice %arg7[%mul3A_15] : memref<10240xf32, #tpu.memory_space<vmem_shared>> -> memref<640xf32, #tpu.memory_space<vmem_shared>>
      %dma_wait3A_31 = tpu.memref_slice %arg7[%mul3A_15] : memref<10240xf32, #tpu.memory_space<vmem_shared>> -> memref<640xf32, #tpu.memory_space<vmem_shared>>
      tpu.wait_dma2 semaphore(%run_scoped3A : memref<!tpu.dma_semaphore, #tpu.memory_space<semaphore_mem>>) src(%arg6 : memref<640xf32, #tpu.memory_space<vmem>>) dst(%dma_wait3A_31 : memref<640xf32, #tpu.memory_space<vmem_shared>>)
      tpu.yield
    }) : () -> ()
    %barrier3A = arith.constant 0 : index
    tpu.barrier barrier_id(%barrier3A)
    %mul3A_16 = arith.constant 80 : i32
    %mul3A_17 = arith.muli %add3A, %mul3A_16 : i32
    "tpu.region"() ({
      %run_scoped3A = tpu.sem_alloc : memref<!tpu.dma_semaphore, #tpu.memory_space<semaphore_mem>>
      %dma_start3A = arith.constant 0 : i32
      %dma_start3A_30 = tpu.memref_slice %arg2[%mul3A_17, %dma_start3A] : memref<2560x128xi32, #tpu.memory_space<hbm>> -> memref<80x128xi32, #tpu.memory_space<hbm>>
      %dma_start3A_31 = arith.constant 0 : i32
      %dma_start3A_32 = tpu.memref_slice %arg2[%mul3A_17, %dma_start3A_31] : memref<2560x128xi32, #tpu.memory_space<hbm>> -> memref<80x128xi32, #tpu.memory_space<hbm>>
      tpu.enqueue_dma source(%dma_start3A_32 : memref<80x128xi32, #tpu.memory_space<hbm>>) target(%arg4 : memref<80x128xi32, #tpu.memory_space<vmem>>) target_semaphore(%run_scoped3A : memref<!tpu.dma_semaphore, #tpu.memory_space<semaphore_mem>>)
      %dma_wait3A = arith.constant 0 : i32
      %dma_wait3A_33 = tpu.memref_slice %arg2[%mul3A_17, %dma_wait3A] : memref<2560x128xi32, #tpu.memory_space<hbm>> -> memref<80x128xi32, #tpu.memory_space<hbm>>
      %dma_wait3A_34 = arith.constant 0 : i32
      %dma_wait3A_35 = tpu.memref_slice %arg2[%mul3A_17, %dma_wait3A_34] : memref<2560x128xi32, #tpu.memory_space<hbm>> -> memref<80x128xi32, #tpu.memory_space<hbm>>
      tpu.wait_dma2 semaphore(%run_scoped3A : memref<!tpu.dma_semaphore, #tpu.memory_space<semaphore_mem>>) src(%dma_wait3A_35 : memref<80x128xi32, #tpu.memory_space<hbm>>) dst(%arg4 : memref<80x128xi32, #tpu.memory_space<vmem>>)
      tpu.yield
    }) : () -> ()
    %scan3A_18 = arith.constant 0 : i32
    %scan3A_19 = arith.constant 0 : i32
    %scan3A_20 = arith.constant 80 : i32
    %scan3A_21 = arith.addi %scan3A_19, %scan3A_20 : i32
    %scan3A_22 = arith.constant 1 : i32
    %scan3A_23 = scf.for %scan3A_30 = %scan3A_19 to %scan3A_21 step %scan3A_22 iter_args(%scan3A_31 = %scan3A_18) -> (i32)  : i32 {
      %run_scoped3A = arith.constant 0 : i32
      "tpu.region"() ({
        %run_scoped3A_33 = tpu.sem_alloc : memref<!tpu.dma_semaphore, #tpu.memory_space<semaphore_mem>>
        %dma_start3A = arith.constant 0 : i32
        %dma_start3A_34 = tpu.memref_slice %arg5[%run_scoped3A, %dma_start3A] : memref<1x128xf32, #tpu.memory_space<vmem>> -> memref<1x128xf32, #tpu.memory_space<vmem>>
        %dma_start3A_35 = tpu.memref_squeeze %dma_start3A_34 : memref<1x128xf32, #tpu.memory_space<vmem>> -> memref<128xf32, #tpu.memory_space<vmem>>
        %dma_start3A_36 = arith.constant 0 : i32
        %dma_start3A_37 = tpu.memref_slice %arg4[%scan3A_30, %dma_start3A_36] : memref<80x128xi32, #tpu.memory_space<vmem>> -> memref<1x128xi32, #tpu.memory_space<vmem>>
        %dma_start3A_38 = tpu.memref_squeeze %dma_start3A_37 : memref<1x128xi32, #tpu.memory_space<vmem>> -> memref<128xi32, #tpu.memory_space<vmem>>
        %dma_start3A_39 = arith.constant 0 : i32
        %dma_start3A_40 = tpu.memref_slice %arg7[%dma_start3A_39] : memref<10240xf32, #tpu.memory_space<vmem_shared>> -> memref<10240xf32, #tpu.memory_space<vmem_shared>>
        tpu.enqueue_indirect_dma source(%dma_start3A_35 : memref<128xf32, #tpu.memory_space<vmem>>) target(%dma_start3A_40 : memref<10240xf32, #tpu.memory_space<vmem_shared>>) offsets(%dma_start3A_38 : memref<128xi32, #tpu.memory_space<vmem>>) semaphore(%run_scoped3A_33 : memref<!tpu.dma_semaphore, #tpu.memory_space<semaphore_mem>>) {add = true}
        %dma_wait3A = arith.constant 0 : i32
        %dma_wait3A_41 = tpu.memref_slice %arg5[%run_scoped3A, %dma_wait3A] : memref<1x128xf32, #tpu.memory_space<vmem>> -> memref<1x128xf32, #tpu.memory_space<vmem>>
        %dma_wait3A_42 = tpu.memref_squeeze %dma_wait3A_41 : memref<1x128xf32, #tpu.memory_space<vmem>> -> memref<128xf32, #tpu.memory_space<vmem>>
        %dma_wait3A_43 = arith.constant 0 : i32
        %dma_wait3A_44 = tpu.memref_slice %arg4[%scan3A_30, %dma_wait3A_43] : memref<80x128xi32, #tpu.memory_space<vmem>> -> memref<1x128xi32, #tpu.memory_space<vmem>>
        %dma_wait3A_45 = tpu.memref_squeeze %dma_wait3A_44 : memref<1x128xi32, #tpu.memory_space<vmem>> -> memref<128xi32, #tpu.memory_space<vmem>>
        %dma_wait3A_46 = arith.constant 0 : i32
        %dma_wait3A_47 = tpu.memref_slice %arg7[%dma_wait3A_46] : memref<10240xf32, #tpu.memory_space<vmem_shared>> -> memref<10240xf32, #tpu.memory_space<vmem_shared>>
        tpu.wait_indirect_dma semaphore(%run_scoped3A_33 : memref<!tpu.dma_semaphore, #tpu.memory_space<semaphore_mem>>) src(%dma_wait3A_42 : memref<128xf32, #tpu.memory_space<vmem>>) dst(%dma_wait3A_47 : memref<10240xf32, #tpu.memory_space<vmem_shared>>)
        tpu.yield
      }) : () -> ()
      %scan3A_32 = arith.constant 0 : i32
      scf.yield %scan3A_32 : i32
    }
    %scan3A_24 = arith.constant 80 : i32
    %barrier3A_25 = arith.constant 0 : index
    tpu.barrier barrier_id(%barrier3A_25)
    %mul3A_26 = arith.constant 640 : i32
    %mul3A_27 = arith.muli %arg1, %mul3A_26 : i32
    %mul3A_28 = arith.constant 640 : i32
    %mul3A_29 = arith.muli %arg1, %mul3A_28 : i32
    "tpu.region"() ({
      %run_scoped3A = tpu.sem_alloc : memref<!tpu.dma_semaphore, #tpu.memory_space<semaphore_mem>>
      %dma_start3A = tpu.memref_slice %arg3[%arg0, %mul3A_29] : memref<2x10240xf32, #tpu.memory_space<hbm>> -> memref<1x640xf32, #tpu.memory_space<hbm>>
      %dma_start3A_30 = tpu.memref_squeeze %dma_start3A : memref<1x640xf32, #tpu.memory_space<hbm>> -> memref<640xf32, #tpu.memory_space<hbm>>
      %dma_start3A_31 = tpu.memref_slice %arg7[%mul3A_27] : memref<10240xf32, #tpu.memory_space<vmem_shared>> -> memref<640xf32, #tpu.memory_space<vmem_shared>>
      tpu.enqueue_dma source(%dma_start3A_31 : memref<640xf32, #tpu.memory_space<vmem_shared>>) target(%dma_start3A_30 : memref<640xf32, #tpu.memory_space<hbm>>) target_semaphore(%run_scoped3A : memref<!tpu.dma_semaphore, #tpu.memory_space<semaphore_mem>>)
      %dma_wait3A = tpu.memref_slice %arg3[%arg0, %mul3A_29] : memref<2x10240xf32, #tpu.memory_space<hbm>> -> memref<1x640xf32, #tpu.memory_space<hbm>>
      %dma_wait3A_32 = tpu.memref_squeeze %dma_wait3A : memref<1x640xf32, #tpu.memory_space<hbm>> -> memref<640xf32, #tpu.memory_space<hbm>>
      %dma_wait3A_33 = tpu.memref_slice %arg7[%mul3A_27] : memref<10240xf32, #tpu.memory_space<vmem_shared>> -> memref<640xf32, #tpu.memory_space<vmem_shared>>
      tpu.wait_dma2 semaphore(%run_scoped3A : memref<!tpu.dma_semaphore, #tpu.memory_space<semaphore_mem>>) src(%dma_wait3A_33 : memref<640xf32, #tpu.memory_space<vmem_shared>>) dst(%dma_wait3A_32 : memref<640xf32, #tpu.memory_space<hbm>>)
      tpu.yield
    }) : () -> ()
    return
  }
}

#map = affine_map<(d0, d1) -> (0, 0)>
module attributes {stable_mosaic.version = 14 : i64} {
  func.func @_prop_body(%arg0: i32, %arg1: i32, %arg2: memref<10240x64xbf16, #tpu.memory_space<hbm>>, %arg3: memref<2560x128xi32, #tpu.memory_space<hbm>>, %arg4: memref<2560x128xi32, #tpu.memory_space<hbm>>, %arg5: memref<10240x64xbf16, #tpu.memory_space<hbm>>, %arg6: memref<16x128xi32, #tpu.memory_space<vmem>>, %arg7: memref<16x128xi32, #tpu.memory_space<vmem>>, %arg8: memref<128x32xbf16, #tpu.memory_space<vmem>>, %arg9: memref<128x32xbf16, #tpu.memory_space<vmem>>, %arg10: memref<128x32xbf16, #tpu.memory_space<vmem>>, %arg11: memref<128x32xbf16, #tpu.memory_space<vmem>>, %arg12: memref<!tpu.dma_semaphore, #tpu.memory_space<semaphore_mem>>, %arg13: memref<!tpu.dma_semaphore, #tpu.memory_space<semaphore_mem>>, %arg14: memref<!tpu.dma_semaphore, #tpu.memory_space<semaphore_mem>>, %arg15: memref<!tpu.dma_semaphore, #tpu.memory_space<semaphore_mem>>, %arg16: memref<!tpu.dma_semaphore, #tpu.memory_space<semaphore_mem>>, %arg17: memref<!tpu.dma_semaphore, #tpu.memory_space<semaphore_mem>>, %arg18: memref<!tpu.dma_semaphore, #tpu.memory_space<semaphore_mem>>, %arg19: memref<!tpu.dma_semaphore, #tpu.memory_space<semaphore_mem>>, %arg20: memref<10240x32xbf16, #tpu.memory_space<vmem_shared>>, %arg21: memref<10240x32xbf16, #tpu.memory_space<vmem_shared>>) attributes {dimension_semantics = [#tpu.dimension_semantics<core_parallel>, #tpu.dimension_semantics<subcore_parallel>], iteration_bounds = array<i64: 2, 16>, scalar_prefetch = 0 : i64, scratch_operands = 16 : i64, tpu.core_type = #tpu.core_type<sc_vector_subcore>, window_params = [{transform_indices = #map}, {transform_indices = #map}, {transform_indices = #map}, {transform_indices = #map}]} {
    %mul3A = arith.constant 640 : i32
    %mul3A_0 = arith.muli %arg1, %mul3A : i32
    %mul3A_1 = arith.constant 32 : i32
    %mul3A_2 = arith.muli %arg0, %mul3A_1 : i32
    %mul3A_3 = arith.constant 640 : i32
    %mul3A_4 = arith.muli %arg1, %mul3A_3 : i32
    "tpu.region"() ({
      %run_scoped3A = tpu.sem_alloc : memref<!tpu.dma_semaphore, #tpu.memory_space<semaphore_mem>>
      %dma_start3A = arith.constant 0 : i32
      %dma_start3A_32 = tpu.memref_slice %arg20[%mul3A_4, %dma_start3A] : memref<10240x32xbf16, #tpu.memory_space<vmem_shared>> -> memref<640x32xbf16, #tpu.memory_space<vmem_shared>>
      %dma_start3A_33 = tpu.memref_slice %arg2[%mul3A_0, %mul3A_2] : memref<10240x64xbf16, #tpu.memory_space<hbm>> -> memref<640x32xbf16, #tpu.memory_space<hbm>>
      tpu.enqueue_dma source(%dma_start3A_33 : memref<640x32xbf16, #tpu.memory_space<hbm>>) target(%dma_start3A_32 : memref<640x32xbf16, #tpu.memory_space<vmem_shared>>) target_semaphore(%run_scoped3A : memref<!tpu.dma_semaphore, #tpu.memory_space<semaphore_mem>>)
      %dma_wait3A = arith.constant 0 : i32
      %dma_wait3A_34 = tpu.memref_slice %arg20[%mul3A_4, %dma_wait3A] : memref<10240x32xbf16, #tpu.memory_space<vmem_shared>> -> memref<640x32xbf16, #tpu.memory_space<vmem_shared>>
      %dma_wait3A_35 = tpu.memref_slice %arg2[%mul3A_0, %mul3A_2] : memref<10240x64xbf16, #tpu.memory_space<hbm>> -> memref<640x32xbf16, #tpu.memory_space<hbm>>
      tpu.wait_dma2 semaphore(%run_scoped3A : memref<!tpu.dma_semaphore, #tpu.memory_space<semaphore_mem>>) src(%dma_wait3A_35 : memref<640x32xbf16, #tpu.memory_space<hbm>>) dst(%dma_wait3A_34 : memref<640x32xbf16, #tpu.memory_space<vmem_shared>>)
      tpu.yield
    }) : () -> ()
    %scan3A = arith.constant 0 : i32
    %scan3A_5 = arith.constant 0 : i32
    %scan3A_6 = arith.constant 128 : i32
    %scan3A_7 = arith.addi %scan3A_5, %scan3A_6 : i32
    %scan3A_8 = arith.constant 1 : i32
    %scan3A_9 = scf.for %scan3A_32 = %scan3A_5 to %scan3A_7 step %scan3A_8 iter_args(%scan3A_33 = %scan3A) -> (i32)  : i32 {
      %jit3A = arith.constant 1 : i32
      %div3A = arith.divsi %scan3A_32, %jit3A : i32
      %sign3A = arith.constant 0 : i32
      %sign3A_34 = arith.cmpi sgt, %scan3A_32, %sign3A : i32
      %sign3A_35 = arith.extui %sign3A_34 : i1 to i32
      %sign3A_36 = arith.constant 0 : i32
      %sign3A_37 = arith.cmpi slt, %scan3A_32, %sign3A_36 : i32
      %sign3A_38 = arith.extui %sign3A_37 : i1 to i32
      %sign3A_39 = arith.subi %sign3A_35, %sign3A_38 : i32
      %sign3A_40 = arith.constant 0 : i32
      %sign3A_41 = arith.cmpi sgt, %jit3A, %sign3A_40 : i32
      %sign3A_42 = arith.extui %sign3A_41 : i1 to i32
      %sign3A_43 = arith.constant 0 : i32
      %sign3A_44 = arith.cmpi slt, %jit3A, %sign3A_43 : i32
      %sign3A_45 = arith.extui %sign3A_44 : i1 to i32
      %sign3A_46 = arith.subi %sign3A_42, %sign3A_45 : i32
      %ne3A = arith.cmpi ne, %sign3A_39, %sign3A_46 : i32
      %rem3A = arith.remsi %scan3A_32, %jit3A : i32
      %ne3A_47 = arith.constant 0 : i32
      %ne3A_48 = arith.cmpi ne, %rem3A, %ne3A_47 : i32
      %and3A = arith.andi %ne3A, %ne3A_48 : i1
      %sub3A = arith.constant 1 : i32
      %sub3A_49 = arith.subi %div3A, %sub3A : i32
      %select_n3A = arith.select %and3A, %sub3A_49, %div3A : i32
      %jit3A_50 = arith.constant 1 : i32
      %eq3A = arith.constant 0 : i32
      %eq3A_51 = arith.cmpi eq, %jit3A_50, %eq3A : i32
      %jit3A_52 = arith.constant 1 : i32
      %select_n3A_53 = arith.select %eq3A_51, %jit3A_52, %jit3A_50 : i32
      %rem3A_54 = arith.remsi %scan3A_32, %select_n3A_53 : i32
      %ne3A_55 = arith.constant 0 : i32
      %ne3A_56 = arith.cmpi ne, %rem3A_54, %ne3A_55 : i32
      %lt3A = arith.constant 0 : i32
      %lt3A_57 = arith.cmpi slt, %rem3A_54, %lt3A : i32
      %lt3A_58 = arith.constant 0 : i32
      %lt3A_59 = arith.cmpi slt, %select_n3A_53, %lt3A_58 : i32
      %ne3A_60 = arith.xori %lt3A_57, %lt3A_59 : i1
      %and3A_61 = arith.andi %ne3A_60, %ne3A_56 : i1
      %add3A = arith.addi %rem3A_54, %select_n3A_53 : i32
      %select_n3A_62 = arith.select %and3A_61, %add3A, %rem3A_54 : i32
      %broadcast_in_dim3A = arith.constant 0.000000e+00 : bf16
      %broadcast_in_dim3A_63 = vector.broadcast %broadcast_in_dim3A : bf16 to vector<32xbf16>
      %mul3A_64 = arith.constant 32 : i32
      %mul3A_65 = arith.muli %select_n3A_62, %mul3A_64 : i32
      %swap3A = arith.index_cast %select_n3A : i32 to index
      %swap3A_66 = arith.index_cast %mul3A_65 : i32 to index
      %swap3A_67 = tpu.vector_load %arg8[%swap3A, %swap3A_66] {strides = array<i32>} : memref<128x32xbf16, #tpu.memory_space<vmem>>, vector<1x32xbf16>,
      %swap3A_68 = vector.shape_cast %swap3A_67 : vector<1x32xbf16> to vector<32xbf16>
      %swap3A_69 = vector.shape_cast %broadcast_in_dim3A_63 : vector<32xbf16> to vector<1x32xbf16>
      tpu.vector_store %arg8[%swap3A, %swap3A_66], %swap3A_69 {strides = array<i32>} : memref<128x32xbf16, #tpu.memory_space<vmem>>, vector<1x32xbf16>,
      %scan3A_70 = arith.constant 0 : i32
      scf.yield %scan3A_70 : i32
    }
    %scan3A_10 = arith.constant 128 : i32
    %scan3A_11 = arith.constant 0 : i32
    %scan3A_12 = arith.constant 0 : i32
    %scan3A_13 = arith.constant 5 : i32
    %scan3A_14 = arith.addi %scan3A_12, %scan3A_13 : i32
    %scan3A_15 = arith.constant 1 : i32
    %scan3A_16 = scf.for %scan3A_32 = %scan3A_12 to %scan3A_14 step %scan3A_15 iter_args(%scan3A_33 = %scan3A_11) -> (i32)  : i32 {
      %mul3A_34 = arith.constant 640 : i32
      %mul3A_35 = arith.muli %arg1, %mul3A_34 : i32
      %mul3A_36 = arith.constant 128 : i32
      %mul3A_37 = arith.muli %scan3A_32, %mul3A_36 : i32
      %add3A = arith.addi %mul3A_35, %mul3A_37 : i32
      "tpu.region"() ({
        %run_scoped3A = tpu.sem_alloc : memref<!tpu.dma_semaphore, #tpu.memory_space<semaphore_mem>>
        %dma_start3A = arith.constant 0 : i32
        %dma_start3A_39 = tpu.memref_slice %arg21[%add3A, %dma_start3A] : memref<10240x32xbf16, #tpu.memory_space<vmem_shared>> -> memref<128x32xbf16, #tpu.memory_space<vmem_shared>>
        %dma_start3A_40 = arith.constant 0 : i32
        %dma_start3A_41 = tpu.memref_slice %arg21[%add3A, %dma_start3A_40] : memref<10240x32xbf16, #tpu.memory_space<vmem_shared>> -> memref<128x32xbf16, #tpu.memory_space<vmem_shared>>
        tpu.enqueue_dma source(%arg8 : memref<128x32xbf16, #tpu.memory_space<vmem>>) target(%dma_start3A_41 : memref<128x32xbf16, #tpu.memory_space<vmem_shared>>) target_semaphore(%run_scoped3A : memref<!tpu.dma_semaphore, #tpu.memory_space<semaphore_mem>>)
        %dma_wait3A = arith.constant 0 : i32
        %dma_wait3A_42 = tpu.memref_slice %arg21[%add3A, %dma_wait3A] : memref<10240x32xbf16, #tpu.memory_space<vmem_shared>> -> memref<128x32xbf16, #tpu.memory_space<vmem_shared>>
        %dma_wait3A_43 = arith.constant 0 : i32
        %dma_wait3A_44 = tpu.memref_slice %arg21[%add3A, %dma_wait3A_43] : memref<10240x32xbf16, #tpu.memory_space<vmem_shared>> -> memref<128x32xbf16, #tpu.memory_space<vmem_shared>>
        tpu.wait_dma2 semaphore(%run_scoped3A : memref<!tpu.dma_semaphore, #tpu.memory_space<semaphore_mem>>) src(%arg8 : memref<128x32xbf16, #tpu.memory_space<vmem>>) dst(%dma_wait3A_44 : memref<128x32xbf16, #tpu.memory_space<vmem_shared>>)
        tpu.yield
      }) : () -> ()
      %scan3A_38 = arith.constant 0 : i32
      scf.yield %scan3A_38 : i32
    }
    %scan3A_17 = arith.constant 5 : i32
    %barrier3A = arith.constant 0 : index
    tpu.barrier barrier_id(%barrier3A)
    %scan3A_18 = arith.constant 0 : i32
    %scan3A_19 = arith.constant 0 : i32
    %scan3A_20 = arith.constant 10 : i32
    %scan3A_21 = arith.addi %scan3A_19, %scan3A_20 : i32
    %scan3A_22 = arith.constant 1 : i32
    %scan3A_23 = scf.for %scan3A_32 = %scan3A_19 to %scan3A_21 step %scan3A_22 iter_args(%scan3A_33 = %scan3A_18) -> (i32)  : i32 {
      %mul3A_34 = arith.constant 160 : i32
      %mul3A_35 = arith.muli %arg1, %mul3A_34 : i32
      %mul3A_36 = arith.constant 16 : i32
      %mul3A_37 = arith.muli %scan3A_32, %mul3A_36 : i32
      %add3A = arith.addi %mul3A_35, %mul3A_37 : i32
      "tpu.region"() ({
        %run_scoped3A = tpu.sem_alloc : memref<!tpu.dma_semaphore, #tpu.memory_space<semaphore_mem>>
        %dma_start3A_485 = arith.constant 0 : i32
        %dma_start3A_486 = tpu.memref_slice %arg3[%add3A, %dma_start3A_485] : memref<2560x128xi32, #tpu.memory_space<hbm>> -> memref<16x128xi32, #tpu.memory_space<hbm>>
        %dma_start3A_487 = arith.constant 0 : i32
        %dma_start3A_488 = tpu.memref_slice %arg3[%add3A, %dma_start3A_487] : memref<2560x128xi32, #tpu.memory_space<hbm>> -> memref<16x128xi32, #tpu.memory_space<hbm>>
        tpu.enqueue_dma source(%dma_start3A_488 : memref<16x128xi32, #tpu.memory_space<hbm>>) target(%arg6 : memref<16x128xi32, #tpu.memory_space<vmem>>) target_semaphore(%run_scoped3A : memref<!tpu.dma_semaphore, #tpu.memory_space<semaphore_mem>>)
        %dma_wait3A_489 = arith.constant 0 : i32
        %dma_wait3A_490 = tpu.memref_slice %arg3[%add3A, %dma_wait3A_489] : memref<2560x128xi32, #tpu.memory_space<hbm>> -> memref<16x128xi32, #tpu.memory_space<hbm>>
        %dma_wait3A_491 = arith.constant 0 : i32
        %dma_wait3A_492 = tpu.memref_slice %arg3[%add3A, %dma_wait3A_491] : memref<2560x128xi32, #tpu.memory_space<hbm>> -> memref<16x128xi32, #tpu.memory_space<hbm>>
        tpu.wait_dma2 semaphore(%run_scoped3A : memref<!tpu.dma_semaphore, #tpu.memory_space<semaphore_mem>>) src(%dma_wait3A_492 : memref<16x128xi32, #tpu.memory_space<hbm>>) dst(%arg6 : memref<16x128xi32, #tpu.memory_space<vmem>>)
        tpu.yield
      }) : () -> ()
      "tpu.region"() ({
        %run_scoped3A = tpu.sem_alloc : memref<!tpu.dma_semaphore, #tpu.memory_space<semaphore_mem>>
        %dma_start3A_485 = arith.constant 0 : i32
        %dma_start3A_486 = tpu.memref_slice %arg4[%add3A, %dma_start3A_485] : memref<2560x128xi32, #tpu.memory_space<hbm>> -> memref<16x128xi32, #tpu.memory_space<hbm>>
        %dma_start3A_487 = arith.constant 0 : i32
        %dma_start3A_488 = tpu.memref_slice %arg4[%add3A, %dma_start3A_487] : memref<2560x128xi32, #tpu.memory_space<hbm>> -> memref<16x128xi32, #tpu.memory_space<hbm>>
        tpu.enqueue_dma source(%dma_start3A_488 : memref<16x128xi32, #tpu.memory_space<hbm>>) target(%arg7 : memref<16x128xi32, #tpu.memory_space<vmem>>) target_semaphore(%run_scoped3A : memref<!tpu.dma_semaphore, #tpu.memory_space<semaphore_mem>>)
        %dma_wait3A_489 = arith.constant 0 : i32
        %dma_wait3A_490 = tpu.memref_slice %arg4[%add3A, %dma_wait3A_489] : memref<2560x128xi32, #tpu.memory_space<hbm>> -> memref<16x128xi32, #tpu.memory_space<hbm>>
        %dma_wait3A_491 = arith.constant 0 : i32
        %dma_wait3A_492 = tpu.memref_slice %arg4[%add3A, %dma_wait3A_491] : memref<2560x128xi32, #tpu.memory_space<hbm>> -> memref<16x128xi32, #tpu.memory_space<hbm>>
        tpu.wait_dma2 semaphore(%run_scoped3A : memref<!tpu.dma_semaphore, #tpu.memory_space<semaphore_mem>>) src(%dma_wait3A_492 : memref<16x128xi32, #tpu.memory_space<hbm>>) dst(%arg7 : memref<16x128xi32, #tpu.memory_space<vmem>>)
        tpu.yield
      }) : () -> ()
      %dma_start3A = arith.constant 0 : i32
      %dma_start3A_38 = arith.constant 0 : i32
      %dma_start3A_39 = tpu.memref_slice %arg6[%dma_start3A, %dma_start3A_38] : memref<16x128xi32, #tpu.memory_space<vmem>> -> memref<1x128xi32, #tpu.memory_space<vmem>>
      %dma_start3A_40 = tpu.memref_squeeze %dma_start3A_39 : memref<1x128xi32, #tpu.memory_space<vmem>> -> memref<128xi32, #tpu.memory_space<vmem>>
      %dma_start3A_41 = arith.constant 0 : i32
      %dma_start3A_42 = arith.constant 0 : i32
      %dma_start3A_43 = tpu.memref_slice %arg20[%dma_start3A_41, %dma_start3A_42] : memref<10240x32xbf16, #tpu.memory_space<vmem_shared>> -> memref<10240x32xbf16, #tpu.memory_space<vmem_shared>>
      tpu.enqueue_indirect_dma source(%dma_start3A_43 : memref<10240x32xbf16, #tpu.memory_space<vmem_shared>>) target(%arg8 : memref<128x32xbf16, #tpu.memory_space<vmem>>) offsets(%dma_start3A_40 : memref<128xi32, #tpu.memory_space<vmem>>) semaphore(%arg12 : memref<!tpu.dma_semaphore, #tpu.memory_space<semaphore_mem>>)
      %dma_start3A_44 = arith.constant 1 : i32
      %dma_start3A_45 = arith.constant 0 : i32
      %dma_start3A_46 = tpu.memref_slice %arg6[%dma_start3A_44, %dma_start3A_45] : memref<16x128xi32, #tpu.memory_space<vmem>> -> memref<1x128xi32, #tpu.memory_space<vmem>>
      %dma_start3A_47 = tpu.memref_squeeze %dma_start3A_46 : memref<1x128xi32, #tpu.memory_space<vmem>> -> memref<128xi32, #tpu.memory_space<vmem>>
      %dma_start3A_48 = arith.constant 0 : i32
      %dma_start3A_49 = arith.constant 0 : i32
      %dma_start3A_50 = tpu.memref_slice %arg20[%dma_start3A_48, %dma_start3A_49] : memref<10240x32xbf16, #tpu.memory_space<vmem_shared>> -> memref<10240x32xbf16, #tpu.memory_space<vmem_shared>>
      tpu.enqueue_indirect_dma source(%dma_start3A_50 : memref<10240x32xbf16, #tpu.memory_space<vmem_shared>>) target(%arg9 : memref<128x32xbf16, #tpu.memory_space<vmem>>) offsets(%dma_start3A_47 : memref<128xi32, #tpu.memory_space<vmem>>) semaphore(%arg13 : memref<!tpu.dma_semaphore, #tpu.memory_space<semaphore_mem>>)
      %dma_wait3A = arith.constant 0 : i32
      %dma_wait3A_51 = arith.constant 0 : i32
      %dma_wait3A_52 = tpu.memref_slice %arg6[%dma_wait3A, %dma_wait3A_51] : memref<16x128xi32, #tpu.memory_space<vmem>> -> memref<1x128xi32, #tpu.memory_space<vmem>>
      %dma_wait3A_53 = tpu.memref_squeeze %dma_wait3A_52 : memref<1x128xi32, #tpu.memory_space<vmem>> -> memref<128xi32, #tpu.memory_space<vmem>>
      %dma_wait3A_54 = arith.constant 0 : i32
      %dma_wait3A_55 = arith.constant 0 : i32
      %dma_wait3A_56 = tpu.memref_slice %arg20[%dma_wait3A_54, %dma_wait3A_55] : memref<10240x32xbf16, #tpu.memory_space<vmem_shared>> -> memref<10240x32xbf16, #tpu.memory_space<vmem_shared>>
      tpu.wait_indirect_dma semaphore(%arg12 : memref<!tpu.dma_semaphore, #tpu.memory_space<semaphore_mem>>) src(%dma_wait3A_56 : memref<10240x32xbf16, #tpu.memory_space<vmem_shared>>) dst(%arg8 : memref<128x32xbf16, #tpu.memory_space<vmem>>)
      %dma_start3A_57 = arith.constant 0 : i32
      %dma_start3A_58 = arith.constant 0 : i32
      %dma_start3A_59 = tpu.memref_slice %arg7[%dma_start3A_57, %dma_start3A_58] : memref<16x128xi32, #tpu.memory_space<vmem>> -> memref<1x128xi32, #tpu.memory_space<vmem>>
      %dma_start3A_60 = tpu.memref_squeeze %dma_start3A_59 : memref<1x128xi32, #tpu.memory_space<vmem>> -> memref<128xi32, #tpu.memory_space<vmem>>
      %dma_start3A_61 = arith.constant 0 : i32
      %dma_start3A_62 = arith.constant 0 : i32
      %dma_start3A_63 = tpu.memref_slice %arg21[%dma_start3A_61, %dma_start3A_62] : memref<10240x32xbf16, #tpu.memory_space<vmem_shared>> -> memref<10240x32xbf16, #tpu.memory_space<vmem_shared>>
      tpu.enqueue_indirect_dma source(%arg8 : memref<128x32xbf16, #tpu.memory_space<vmem>>) target(%dma_start3A_63 : memref<10240x32xbf16, #tpu.memory_space<vmem_shared>>) offsets(%dma_start3A_60 : memref<128xi32, #tpu.memory_space<vmem>>) semaphore(%arg16 : memref<!tpu.dma_semaphore, #tpu.memory_space<semaphore_mem>>) {add = true}
      %dma_start3A_64 = arith.constant 2 : i32
      %dma_start3A_65 = arith.constant 0 : i32
      %dma_start3A_66 = tpu.memref_slice %arg6[%dma_start3A_64, %dma_start3A_65] : memref<16x128xi32, #tpu.memory_space<vmem>> -> memref<1x128xi32, #tpu.memory_space<vmem>>
      %dma_start3A_67 = tpu.memref_squeeze %dma_start3A_66 : memref<1x128xi32, #tpu.memory_space<vmem>> -> memref<128xi32, #tpu.memory_space<vmem>>
      %dma_start3A_68 = arith.constant 0 : i32
      %dma_start3A_69 = arith.constant 0 : i32
      %dma_start3A_70 = tpu.memref_slice %arg20[%dma_start3A_68, %dma_start3A_69] : memref<10240x32xbf16, #tpu.memory_space<vmem_shared>> -> memref<10240x32xbf16, #tpu.memory_space<vmem_shared>>
      tpu.enqueue_indirect_dma source(%dma_start3A_70 : memref<10240x32xbf16, #tpu.memory_space<vmem_shared>>) target(%arg10 : memref<128x32xbf16, #tpu.memory_space<vmem>>) offsets(%dma_start3A_67 : memref<128xi32, #tpu.memory_space<vmem>>) semaphore(%arg14 : memref<!tpu.dma_semaphore, #tpu.memory_space<semaphore_mem>>)
      %dma_wait3A_71 = arith.constant 1 : i32
      %dma_wait3A_72 = arith.constant 0 : i32
      %dma_wait3A_73 = tpu.memref_slice %arg6[%dma_wait3A_71, %dma_wait3A_72] : memref<16x128xi32, #tpu.memory_space<vmem>> -> memref<1x128xi32, #tpu.memory_space<vmem>>
      %dma_wait3A_74 = tpu.memref_squeeze %dma_wait3A_73 : memref<1x128xi32, #tpu.memory_space<vmem>> -> memref<128xi32, #tpu.memory_space<vmem>>
      %dma_wait3A_75 = arith.constant 0 : i32
      %dma_wait3A_76 = arith.constant 0 : i32
      %dma_wait3A_77 = tpu.memref_slice %arg20[%dma_wait3A_75, %dma_wait3A_76] : memref<10240x32xbf16, #tpu.memory_space<vmem_shared>> -> memref<10240x32xbf16, #tpu.memory_space<vmem_shared>>
      tpu.wait_indirect_dma semaphore(%arg13 : memref<!tpu.dma_semaphore, #tpu.memory_space<semaphore_mem>>) src(%dma_wait3A_77 : memref<10240x32xbf16, #tpu.memory_space<vmem_shared>>) dst(%arg9 : memref<128x32xbf16, #tpu.memory_space<vmem>>)
      %dma_start3A_78 = arith.constant 1 : i32
      %dma_start3A_79 = arith.constant 0 : i32
      %dma_start3A_80 = tpu.memref_slice %arg7[%dma_start3A_78, %dma_start3A_79] : memref<16x128xi32, #tpu.memory_space<vmem>> -> memref<1x128xi32, #tpu.memory_space<vmem>>
      %dma_start3A_81 = tpu.memref_squeeze %dma_start3A_80 : memref<1x128xi32, #tpu.memory_space<vmem>> -> memref<128xi32, #tpu.memory_space<vmem>>
      %dma_start3A_82 = arith.constant 0 : i32
      %dma_start3A_83 = arith.constant 0 : i32
      %dma_start3A_84 = tpu.memref_slice %arg21[%dma_start3A_82, %dma_start3A_83] : memref<10240x32xbf16, #tpu.memory_space<vmem_shared>> -> memref<10240x32xbf16, #tpu.memory_space<vmem_shared>>
      tpu.enqueue_indirect_dma source(%arg9 : memref<128x32xbf16, #tpu.memory_space<vmem>>) target(%dma_start3A_84 : memref<10240x32xbf16, #tpu.memory_space<vmem_shared>>) offsets(%dma_start3A_81 : memref<128xi32, #tpu.memory_space<vmem>>) semaphore(%arg17 : memref<!tpu.dma_semaphore, #tpu.memory_space<semaphore_mem>>) {add = true}
      %dma_start3A_85 = arith.constant 3 : i32
      %dma_start3A_86 = arith.constant 0 : i32
      %dma_start3A_87 = tpu.memref_slice %arg6[%dma_start3A_85, %dma_start3A_86] : memref<16x128xi32, #tpu.memory_space<vmem>> -> memref<1x128xi32, #tpu.memory_space<vmem>>
      %dma_start3A_88 = tpu.memref_squeeze %dma_start3A_87 : memref<1x128xi32, #tpu.memory_space<vmem>> -> memref<128xi32, #tpu.memory_space<vmem>>
      %dma_start3A_89 = arith.constant 0 : i32
      %dma_start3A_90 = arith.constant 0 : i32
      %dma_start3A_91 = tpu.memref_slice %arg20[%dma_start3A_89, %dma_start3A_90] : memref<10240x32xbf16, #tpu.memory_space<vmem_shared>> -> memref<10240x32xbf16, #tpu.memory_space<vmem_shared>>
      tpu.enqueue_indirect_dma source(%dma_start3A_91 : memref<10240x32xbf16, #tpu.memory_space<vmem_shared>>) target(%arg11 : memref<128x32xbf16, #tpu.memory_space<vmem>>) offsets(%dma_start3A_88 : memref<128xi32, #tpu.memory_space<vmem>>) semaphore(%arg15 : memref<!tpu.dma_semaphore, #tpu.memory_space<semaphore_mem>>)
      %dma_wait3A_92 = arith.constant 2 : i32
      %dma_wait3A_93 = arith.constant 0 : i32
      %dma_wait3A_94 = tpu.memref_slice %arg6[%dma_wait3A_92, %dma_wait3A_93] : memref<16x128xi32, #tpu.memory_space<vmem>> -> memref<1x128xi32, #tpu.memory_space<vmem>>
      %dma_wait3A_95 = tpu.memref_squeeze %dma_wait3A_94 : memref<1x128xi32, #tpu.memory_space<vmem>> -> memref<128xi32, #tpu.memory_space<vmem>>
      %dma_wait3A_96 = arith.constant 0 : i32
      %dma_wait3A_97 = arith.constant 0 : i32
      %dma_wait3A_98 = tpu.memref_slice %arg20[%dma_wait3A_96, %dma_wait3A_97] : memref<10240x32xbf16, #tpu.memory_space<vmem_shared>> -> memref<10240x32xbf16, #tpu.memory_space<vmem_shared>>
      tpu.wait_indirect_dma semaphore(%arg14 : memref<!tpu.dma_semaphore, #tpu.memory_space<semaphore_mem>>) src(%dma_wait3A_98 : memref<10240x32xbf16, #tpu.memory_space<vmem_shared>>) dst(%arg10 : memref<128x32xbf16, #tpu.memory_space<vmem>>)
      %dma_start3A_99 = arith.constant 2 : i32
      %dma_start3A_100 = arith.constant 0 : i32
      %dma_start3A_101 = tpu.memref_slice %arg7[%dma_start3A_99, %dma_start3A_100] : memref<16x128xi32, #tpu.memory_space<vmem>> -> memref<1x128xi32, #tpu.memory_space<vmem>>
      %dma_start3A_102 = tpu.memref_squeeze %dma_start3A_101 : memref<1x128xi32, #tpu.memory_space<vmem>> -> memref<128xi32, #tpu.memory_space<vmem>>
      %dma_start3A_103 = arith.constant 0 : i32
      %dma_start3A_104 = arith.constant 0 : i32
      %dma_start3A_105 = tpu.memref_slice %arg21[%dma_start3A_103, %dma_start3A_104] : memref<10240x32xbf16, #tpu.memory_space<vmem_shared>> -> memref<10240x32xbf16, #tpu.memory_space<vmem_shared>>
      tpu.enqueue_indirect_dma source(%arg10 : memref<128x32xbf16, #tpu.memory_space<vmem>>) target(%dma_start3A_105 : memref<10240x32xbf16, #tpu.memory_space<vmem_shared>>) offsets(%dma_start3A_102 : memref<128xi32, #tpu.memory_space<vmem>>) semaphore(%arg18 : memref<!tpu.dma_semaphore, #tpu.memory_space<semaphore_mem>>) {add = true}
      %dma_wait3A_106 = arith.constant 0 : i32
      %dma_wait3A_107 = arith.constant 0 : i32
      %dma_wait3A_108 = tpu.memref_slice %arg7[%dma_wait3A_106, %dma_wait3A_107] : memref<16x128xi32, #tpu.memory_space<vmem>> -> memref<1x128xi32, #tpu.memory_space<vmem>>
      %dma_wait3A_109 = tpu.memref_squeeze %dma_wait3A_108 : memref<1x128xi32, #tpu.memory_space<vmem>> -> memref<128xi32, #tpu.memory_space<vmem>>
      %dma_wait3A_110 = arith.constant 0 : i32
      %dma_wait3A_111 = arith.constant 0 : i32
      %dma_wait3A_112 = tpu.memref_slice %arg21[%dma_wait3A_110, %dma_wait3A_111] : memref<10240x32xbf16, #tpu.memory_space<vmem_shared>> -> memref<10240x32xbf16, #tpu.memory_space<vmem_shared>>
      tpu.wait_indirect_dma semaphore(%arg16 : memref<!tpu.dma_semaphore, #tpu.memory_space<semaphore_mem>>) src(%arg8 : memref<128x32xbf16, #tpu.memory_space<vmem>>) dst(%dma_wait3A_112 : memref<10240x32xbf16, #tpu.memory_space<vmem_shared>>)
      %dma_start3A_113 = arith.constant 4 : i32
      %dma_start3A_114 = arith.constant 0 : i32
      %dma_start3A_115 = tpu.memref_slice %arg6[%dma_start3A_113, %dma_start3A_114] : memref<16x128xi32, #tpu.memory_space<vmem>> -> memref<1x128xi32, #tpu.memory_space<vmem>>
      %dma_start3A_116 = tpu.memref_squeeze %dma_start3A_115 : memref<1x128xi32, #tpu.memory_space<vmem>> -> memref<128xi32, #tpu.memory_space<vmem>>
      %dma_start3A_117 = arith.constant 0 : i32
      %dma_start3A_118 = arith.constant 0 : i32
      %dma_start3A_119 = tpu.memref_slice %arg20[%dma_start3A_117, %dma_start3A_118] : memref<10240x32xbf16, #tpu.memory_space<vmem_shared>> -> memref<10240x32xbf16, #tpu.memory_space<vmem_shared>>
      tpu.enqueue_indirect_dma source(%dma_start3A_119 : memref<10240x32xbf16, #tpu.memory_space<vmem_shared>>) target(%arg8 : memref<128x32xbf16, #tpu.memory_space<vmem>>) offsets(%dma_start3A_116 : memref<128xi32, #tpu.memory_space<vmem>>) semaphore(%arg12 : memref<!tpu.dma_semaphore, #tpu.memory_space<semaphore_mem>>)
      %dma_wait3A_120 = arith.constant 3 : i32
      %dma_wait3A_121 = arith.constant 0 : i32
      %dma_wait3A_122 = tpu.memref_slice %arg6[%dma_wait3A_120, %dma_wait3A_121] : memref<16x128xi32, #tpu.memory_space<vmem>> -> memref<1x128xi32, #tpu.memory_space<vmem>>
      %dma_wait3A_123 = tpu.memref_squeeze %dma_wait3A_122 : memref<1x128xi32, #tpu.memory_space<vmem>> -> memref<128xi32, #tpu.memory_space<vmem>>
      %dma_wait3A_124 = arith.constant 0 : i32
      %dma_wait3A_125 = arith.constant 0 : i32
      %dma_wait3A_126 = tpu.memref_slice %arg20[%dma_wait3A_124, %dma_wait3A_125] : memref<10240x32xbf16, #tpu.memory_space<vmem_shared>> -> memref<10240x32xbf16, #tpu.memory_space<vmem_shared>>
      tpu.wait_indirect_dma semaphore(%arg15 : memref<!tpu.dma_semaphore, #tpu.memory_space<semaphore_mem>>) src(%dma_wait3A_126 : memref<10240x32xbf16, #tpu.memory_space<vmem_shared>>) dst(%arg11 : memref<128x32xbf16, #tpu.memory_space<vmem>>)
      %dma_start3A_127 = arith.constant 3 : i32
      %dma_start3A_128 = arith.constant 0 : i32
      %dma_start3A_129 = tpu.memref_slice %arg7[%dma_start3A_127, %dma_start3A_128] : memref<16x128xi32, #tpu.memory_space<vmem>> -> memref<1x128xi32, #tpu.memory_space<vmem>>
      %dma_start3A_130 = tpu.memref_squeeze %dma_start3A_129 : memref<1x128xi32, #tpu.memory_space<vmem>> -> memref<128xi32, #tpu.memory_space<vmem>>
      %dma_start3A_131 = arith.constant 0 : i32
      %dma_start3A_132 = arith.constant 0 : i32
      %dma_start3A_133 = tpu.memref_slice %arg21[%dma_start3A_131, %dma_start3A_132] : memref<10240x32xbf16, #tpu.memory_space<vmem_shared>> -> memref<10240x32xbf16, #tpu.memory_space<vmem_shared>>
      tpu.enqueue_indirect_dma source(%arg11 : memref<128x32xbf16, #tpu.memory_space<vmem>>) target(%dma_start3A_133 : memref<10240x32xbf16, #tpu.memory_space<vmem_shared>>) offsets(%dma_start3A_130 : memref<128xi32, #tpu.memory_space<vmem>>) semaphore(%arg19 : memref<!tpu.dma_semaphore, #tpu.memory_space<semaphore_mem>>) {add = true}
      %dma_wait3A_134 = arith.constant 1 : i32
      %dma_wait3A_135 = arith.constant 0 : i32
      %dma_wait3A_136 = tpu.memref_slice %arg7[%dma_wait3A_134, %dma_wait3A_135] : memref<16x128xi32, #tpu.memory_space<vmem>> -> memref<1x128xi32, #tpu.memory_space<vmem>>
      %dma_wait3A_137 = tpu.memref_squeeze %dma_wait3A_136 : memref<1x128xi32, #tpu.memory_space<vmem>> -> memref<128xi32, #tpu.memory_space<vmem>>
      %dma_wait3A_138 = arith.constant 0 : i32
      %dma_wait3A_139 = arith.constant 0 : i32
      %dma_wait3A_140 = tpu.memref_slice %arg21[%dma_wait3A_138, %dma_wait3A_139] : memref<10240x32xbf16, #tpu.memory_space<vmem_shared>> -> memref<10240x32xbf16, #tpu.memory_space<vmem_shared>>
      tpu.wait_indirect_dma semaphore(%arg17 : memref<!tpu.dma_semaphore, #tpu.memory_space<semaphore_mem>>) src(%arg9 : memref<128x32xbf16, #tpu.memory_space<vmem>>) dst(%dma_wait3A_140 : memref<10240x32xbf16, #tpu.memory_space<vmem_shared>>)
      %dma_start3A_141 = arith.constant 5 : i32
      %dma_start3A_142 = arith.constant 0 : i32
      %dma_start3A_143 = tpu.memref_slice %arg6[%dma_start3A_141, %dma_start3A_142] : memref<16x128xi32, #tpu.memory_space<vmem>> -> memref<1x128xi32, #tpu.memory_space<vmem>>
      %dma_start3A_144 = tpu.memref_squeeze %dma_start3A_143 : memref<1x128xi32, #tpu.memory_space<vmem>> -> memref<128xi32, #tpu.memory_space<vmem>>
      %dma_start3A_145 = arith.constant 0 : i32
      %dma_start3A_146 = arith.constant 0 : i32
      %dma_start3A_147 = tpu.memref_slice %arg20[%dma_start3A_145, %dma_start3A_146] : memref<10240x32xbf16, #tpu.memory_space<vmem_shared>> -> memref<10240x32xbf16, #tpu.memory_space<vmem_shared>>
      tpu.enqueue_indirect_dma source(%dma_start3A_147 : memref<10240x32xbf16, #tpu.memory_space<vmem_shared>>) target(%arg9 : memref<128x32xbf16, #tpu.memory_space<vmem>>) offsets(%dma_start3A_144 : memref<128xi32, #tpu.memory_space<vmem>>) semaphore(%arg13 : memref<!tpu.dma_semaphore, #tpu.memory_space<semaphore_mem>>)
      %dma_wait3A_148 = arith.constant 4 : i32
      %dma_wait3A_149 = arith.constant 0 : i32
      %dma_wait3A_150 = tpu.memref_slice %arg6[%dma_wait3A_148, %dma_wait3A_149] : memref<16x128xi32, #tpu.memory_space<vmem>> -> memref<1x128xi32, #tpu.memory_space<vmem>>
      %dma_wait3A_151 = tpu.memref_squeeze %dma_wait3A_150 : memref<1x128xi32, #tpu.memory_space<vmem>> -> memref<128xi32, #tpu.memory_space<vmem>>
      %dma_wait3A_152 = arith.constant 0 : i32
      %dma_wait3A_153 = arith.constant 0 : i32
      %dma_wait3A_154 = tpu.memref_slice %arg20[%dma_wait3A_152, %dma_wait3A_153] : memref<10240x32xbf16, #tpu.memory_space<vmem_shared>> -> memref<10240x32xbf16, #tpu.memory_space<vmem_shared>>
      tpu.wait_indirect_dma semaphore(%arg12 : memref<!tpu.dma_semaphore, #tpu.memory_space<semaphore_mem>>) src(%dma_wait3A_154 : memref<10240x32xbf16, #tpu.memory_space<vmem_shared>>) dst(%arg8 : memref<128x32xbf16, #tpu.memory_space<vmem>>)
      %dma_start3A_155 = arith.constant 4 : i32
      %dma_start3A_156 = arith.constant 0 : i32
      %dma_start3A_157 = tpu.memref_slice %arg7[%dma_start3A_155, %dma_start3A_156] : memref<16x128xi32, #tpu.memory_space<vmem>> -> memref<1x128xi32, #tpu.memory_space<vmem>>
      %dma_start3A_158 = tpu.memref_squeeze %dma_start3A_157 : memref<1x128xi32, #tpu.memory_space<vmem>> -> memref<128xi32, #tpu.memory_space<vmem>>
      %dma_start3A_159 = arith.constant 0 : i32
      %dma_start3A_160 = arith.constant 0 : i32
      %dma_start3A_161 = tpu.memref_slice %arg21[%dma_start3A_159, %dma_start3A_160] : memref<10240x32xbf16, #tpu.memory_space<vmem_shared>> -> memref<10240x32xbf16, #tpu.memory_space<vmem_shared>>
      tpu.enqueue_indirect_dma source(%arg8 : memref<128x32xbf16, #tpu.memory_space<vmem>>) target(%dma_start3A_161 : memref<10240x32xbf16, #tpu.memory_space<vmem_shared>>) offsets(%dma_start3A_158 : memref<128xi32, #tpu.memory_space<vmem>>) semaphore(%arg16 : memref<!tpu.dma_semaphore, #tpu.memory_space<semaphore_mem>>) {add = true}
      %dma_wait3A_162 = arith.constant 2 : i32
      %dma_wait3A_163 = arith.constant 0 : i32
      %dma_wait3A_164 = tpu.memref_slice %arg7[%dma_wait3A_162, %dma_wait3A_163] : memref<16x128xi32, #tpu.memory_space<vmem>> -> memref<1x128xi32, #tpu.memory_space<vmem>>
      %dma_wait3A_165 = tpu.memref_squeeze %dma_wait3A_164 : memref<1x128xi32, #tpu.memory_space<vmem>> -> memref<128xi32, #tpu.memory_space<vmem>>
      %dma_wait3A_166 = arith.constant 0 : i32
      %dma_wait3A_167 = arith.constant 0 : i32
      %dma_wait3A_168 = tpu.memref_slice %arg21[%dma_wait3A_166, %dma_wait3A_167] : memref<10240x32xbf16, #tpu.memory_space<vmem_shared>> -> memref<10240x32xbf16, #tpu.memory_space<vmem_shared>>
      tpu.wait_indirect_dma semaphore(%arg18 : memref<!tpu.dma_semaphore, #tpu.memory_space<semaphore_mem>>) src(%arg10 : memref<128x32xbf16, #tpu.memory_space<vmem>>) dst(%dma_wait3A_168 : memref<10240x32xbf16, #tpu.memory_space<vmem_shared>>)
      %dma_start3A_169 = arith.constant 6 : i32
      %dma_start3A_170 = arith.constant 0 : i32
      %dma_start3A_171 = tpu.memref_slice %arg6[%dma_start3A_169, %dma_start3A_170] : memref<16x128xi32, #tpu.memory_space<vmem>> -> memref<1x128xi32, #tpu.memory_space<vmem>>
      %dma_start3A_172 = tpu.memref_squeeze %dma_start3A_171 : memref<1x128xi32, #tpu.memory_space<vmem>> -> memref<128xi32, #tpu.memory_space<vmem>>
      %dma_start3A_173 = arith.constant 0 : i32
      %dma_start3A_174 = arith.constant 0 : i32
      %dma_start3A_175 = tpu.memref_slice %arg20[%dma_start3A_173, %dma_start3A_174] : memref<10240x32xbf16, #tpu.memory_space<vmem_shared>> -> memref<10240x32xbf16, #tpu.memory_space<vmem_shared>>
      tpu.enqueue_indirect_dma source(%dma_start3A_175 : memref<10240x32xbf16, #tpu.memory_space<vmem_shared>>) target(%arg10 : memref<128x32xbf16, #tpu.memory_space<vmem>>) offsets(%dma_start3A_172 : memref<128xi32, #tpu.memory_space<vmem>>) semaphore(%arg14 : memref<!tpu.dma_semaphore, #tpu.memory_space<semaphore_mem>>)
      %dma_wait3A_176 = arith.constant 5 : i32
      %dma_wait3A_177 = arith.constant 0 : i32
      %dma_wait3A_178 = tpu.memref_slice %arg6[%dma_wait3A_176, %dma_wait3A_177] : memref<16x128xi32, #tpu.memory_space<vmem>> -> memref<1x128xi32, #tpu.memory_space<vmem>>
      %dma_wait3A_179 = tpu.memref_squeeze %dma_wait3A_178 : memref<1x128xi32, #tpu.memory_space<vmem>> -> memref<128xi32, #tpu.memory_space<vmem>>
      %dma_wait3A_180 = arith.constant 0 : i32
      %dma_wait3A_181 = arith.constant 0 : i32
      %dma_wait3A_182 = tpu.memref_slice %arg20[%dma_wait3A_180, %dma_wait3A_181] : memref<10240x32xbf16, #tpu.memory_space<vmem_shared>> -> memref<10240x32xbf16, #tpu.memory_space<vmem_shared>>
      tpu.wait_indirect_dma semaphore(%arg13 : memref<!tpu.dma_semaphore, #tpu.memory_space<semaphore_mem>>) src(%dma_wait3A_182 : memref<10240x32xbf16, #tpu.memory_space<vmem_shared>>) dst(%arg9 : memref<128x32xbf16, #tpu.memory_space<vmem>>)
      %dma_start3A_183 = arith.constant 5 : i32
      %dma_start3A_184 = arith.constant 0 : i32
      %dma_start3A_185 = tpu.memref_slice %arg7[%dma_start3A_183, %dma_start3A_184] : memref<16x128xi32, #tpu.memory_space<vmem>> -> memref<1x128xi32, #tpu.memory_space<vmem>>
      %dma_start3A_186 = tpu.memref_squeeze %dma_start3A_185 : memref<1x128xi32, #tpu.memory_space<vmem>> -> memref<128xi32, #tpu.memory_space<vmem>>
      %dma_start3A_187 = arith.constant 0 : i32
      %dma_start3A_188 = arith.constant 0 : i32
      %dma_start3A_189 = tpu.memref_slice %arg21[%dma_start3A_187, %dma_start3A_188] : memref<10240x32xbf16, #tpu.memory_space<vmem_shared>> -> memref<10240x32xbf16, #tpu.memory_space<vmem_shared>>
      tpu.enqueue_indirect_dma source(%arg9 : memref<128x32xbf16, #tpu.memory_space<vmem>>) target(%dma_start3A_189 : memref<10240x32xbf16, #tpu.memory_space<vmem_shared>>) offsets(%dma_start3A_186 : memref<128xi32, #tpu.memory_space<vmem>>) semaphore(%arg17 : memref<!tpu.dma_semaphore, #tpu.memory_space<semaphore_mem>>) {add = true}
      %dma_wait3A_190 = arith.constant 3 : i32
      %dma_wait3A_191 = arith.constant 0 : i32
      %dma_wait3A_192 = tpu.memref_slice %arg7[%dma_wait3A_190, %dma_wait3A_191] : memref<16x128xi32, #tpu.memory_space<vmem>> -> memref<1x128xi32, #tpu.memory_space<vmem>>
      %dma_wait3A_193 = tpu.memref_squeeze %dma_wait3A_192 : memref<1x128xi32, #tpu.memory_space<vmem>> -> memref<128xi32, #tpu.memory_space<vmem>>
      %dma_wait3A_194 = arith.constant 0 : i32
      %dma_wait3A_195 = arith.constant 0 : i32
      %dma_wait3A_196 = tpu.memref_slice %arg21[%dma_wait3A_194, %dma_wait3A_195] : memref<10240x32xbf16, #tpu.memory_space<vmem_shared>> -> memref<10240x32xbf16, #tpu.memory_space<vmem_shared>>
      tpu.wait_indirect_dma semaphore(%arg19 : memref<!tpu.dma_semaphore, #tpu.memory_space<semaphore_mem>>) src(%arg11 : memref<128x32xbf16, #tpu.memory_space<vmem>>) dst(%dma_wait3A_196 : memref<10240x32xbf16, #tpu.memory_space<vmem_shared>>)
      %dma_start3A_197 = arith.constant 7 : i32
      %dma_start3A_198 = arith.constant 0 : i32
      %dma_start3A_199 = tpu.memref_slice %arg6[%dma_start3A_197, %dma_start3A_198] : memref<16x128xi32, #tpu.memory_space<vmem>> -> memref<1x128xi32, #tpu.memory_space<vmem>>
      %dma_start3A_200 = tpu.memref_squeeze %dma_start3A_199 : memref<1x128xi32, #tpu.memory_space<vmem>> -> memref<128xi32, #tpu.memory_space<vmem>>
      %dma_start3A_201 = arith.constant 0 : i32
      %dma_start3A_202 = arith.constant 0 : i32
      %dma_start3A_203 = tpu.memref_slice %arg20[%dma_start3A_201, %dma_start3A_202] : memref<10240x32xbf16, #tpu.memory_space<vmem_shared>> -> memref<10240x32xbf16, #tpu.memory_space<vmem_shared>>
      tpu.enqueue_indirect_dma source(%dma_start3A_203 : memref<10240x32xbf16, #tpu.memory_space<vmem_shared>>) target(%arg11 : memref<128x32xbf16, #tpu.memory_space<vmem>>) offsets(%dma_start3A_200 : memref<128xi32, #tpu.memory_space<vmem>>) semaphore(%arg15 : memref<!tpu.dma_semaphore, #tpu.memory_space<semaphore_mem>>)
      %dma_wait3A_204 = arith.constant 6 : i32
      %dma_wait3A_205 = arith.constant 0 : i32
      %dma_wait3A_206 = tpu.memref_slice %arg6[%dma_wait3A_204, %dma_wait3A_205] : memref<16x128xi32, #tpu.memory_space<vmem>> -> memref<1x128xi32, #tpu.memory_space<vmem>>
      %dma_wait3A_207 = tpu.memref_squeeze %dma_wait3A_206 : memref<1x128xi32, #tpu.memory_space<vmem>> -> memref<128xi32, #tpu.memory_space<vmem>>
      %dma_wait3A_208 = arith.constant 0 : i32
      %dma_wait3A_209 = arith.constant 0 : i32
      %dma_wait3A_210 = tpu.memref_slice %arg20[%dma_wait3A_208, %dma_wait3A_209] : memref<10240x32xbf16, #tpu.memory_space<vmem_shared>> -> memref<10240x32xbf16, #tpu.memory_space<vmem_shared>>
      tpu.wait_indirect_dma semaphore(%arg14 : memref<!tpu.dma_semaphore, #tpu.memory_space<semaphore_mem>>) src(%dma_wait3A_210 : memref<10240x32xbf16, #tpu.memory_space<vmem_shared>>) dst(%arg10 : memref<128x32xbf16, #tpu.memory_space<vmem>>)
      %dma_start3A_211 = arith.constant 6 : i32
      %dma_start3A_212 = arith.constant 0 : i32
      %dma_start3A_213 = tpu.memref_slice %arg7[%dma_start3A_211, %dma_start3A_212] : memref<16x128xi32, #tpu.memory_space<vmem>> -> memref<1x128xi32, #tpu.memory_space<vmem>>
      %dma_start3A_214 = tpu.memref_squeeze %dma_start3A_213 : memref<1x128xi32, #tpu.memory_space<vmem>> -> memref<128xi32, #tpu.memory_space<vmem>>
      %dma_start3A_215 = arith.constant 0 : i32
      %dma_start3A_216 = arith.constant 0 : i32
      %dma_start3A_217 = tpu.memref_slice %arg21[%dma_start3A_215, %dma_start3A_216] : memref<10240x32xbf16, #tpu.memory_space<vmem_shared>> -> memref<10240x32xbf16, #tpu.memory_space<vmem_shared>>
      tpu.enqueue_indirect_dma source(%arg10 : memref<128x32xbf16, #tpu.memory_space<vmem>>) target(%dma_start3A_217 : memref<10240x32xbf16, #tpu.memory_space<vmem_shared>>) offsets(%dma_start3A_214 : memref<128xi32, #tpu.memory_space<vmem>>) semaphore(%arg18 : memref<!tpu.dma_semaphore, #tpu.memory_space<semaphore_mem>>) {add = true}
      %dma_wait3A_218 = arith.constant 4 : i32
      %dma_wait3A_219 = arith.constant 0 : i32
      %dma_wait3A_220 = tpu.memref_slice %arg7[%dma_wait3A_218, %dma_wait3A_219] : memref<16x128xi32, #tpu.memory_space<vmem>> -> memref<1x128xi32, #tpu.memory_space<vmem>>
      %dma_wait3A_221 = tpu.memref_squeeze %dma_wait3A_220 : memref<1x128xi32, #tpu.memory_space<vmem>> -> memref<128xi32, #tpu.memory_space<vmem>>
      %dma_wait3A_222 = arith.constant 0 : i32
      %dma_wait3A_223 = arith.constant 0 : i32
      %dma_wait3A_224 = tpu.memref_slice %arg21[%dma_wait3A_222, %dma_wait3A_223] : memref<10240x32xbf16, #tpu.memory_space<vmem_shared>> -> memref<10240x32xbf16, #tpu.memory_space<vmem_shared>>
      tpu.wait_indirect_dma semaphore(%arg16 : memref<!tpu.dma_semaphore, #tpu.memory_space<semaphore_mem>>) src(%arg8 : memref<128x32xbf16, #tpu.memory_space<vmem>>) dst(%dma_wait3A_224 : memref<10240x32xbf16, #tpu.memory_space<vmem_shared>>)
      %dma_start3A_225 = arith.constant 8 : i32
      %dma_start3A_226 = arith.constant 0 : i32
      %dma_start3A_227 = tpu.memref_slice %arg6[%dma_start3A_225, %dma_start3A_226] : memref<16x128xi32, #tpu.memory_space<vmem>> -> memref<1x128xi32, #tpu.memory_space<vmem>>
      %dma_start3A_228 = tpu.memref_squeeze %dma_start3A_227 : memref<1x128xi32, #tpu.memory_space<vmem>> -> memref<128xi32, #tpu.memory_space<vmem>>
      %dma_start3A_229 = arith.constant 0 : i32
      %dma_start3A_230 = arith.constant 0 : i32
      %dma_start3A_231 = tpu.memref_slice %arg20[%dma_start3A_229, %dma_start3A_230] : memref<10240x32xbf16, #tpu.memory_space<vmem_shared>> -> memref<10240x32xbf16, #tpu.memory_space<vmem_shared>>
      tpu.enqueue_indirect_dma source(%dma_start3A_231 : memref<10240x32xbf16, #tpu.memory_space<vmem_shared>>) target(%arg8 : memref<128x32xbf16, #tpu.memory_space<vmem>>) offsets(%dma_start3A_228 : memref<128xi32, #tpu.memory_space<vmem>>) semaphore(%arg12 : memref<!tpu.dma_semaphore, #tpu.memory_space<semaphore_mem>>)
      %dma_wait3A_232 = arith.constant 7 : i32
      %dma_wait3A_233 = arith.constant 0 : i32
      %dma_wait3A_234 = tpu.memref_slice %arg6[%dma_wait3A_232, %dma_wait3A_233] : memref<16x128xi32, #tpu.memory_space<vmem>> -> memref<1x128xi32, #tpu.memory_space<vmem>>
      %dma_wait3A_235 = tpu.memref_squeeze %dma_wait3A_234 : memref<1x128xi32, #tpu.memory_space<vmem>> -> memref<128xi32, #tpu.memory_space<vmem>>
      %dma_wait3A_236 = arith.constant 0 : i32
      %dma_wait3A_237 = arith.constant 0 : i32
      %dma_wait3A_238 = tpu.memref_slice %arg20[%dma_wait3A_236, %dma_wait3A_237] : memref<10240x32xbf16, #tpu.memory_space<vmem_shared>> -> memref<10240x32xbf16, #tpu.memory_space<vmem_shared>>
      tpu.wait_indirect_dma semaphore(%arg15 : memref<!tpu.dma_semaphore, #tpu.memory_space<semaphore_mem>>) src(%dma_wait3A_238 : memref<10240x32xbf16, #tpu.memory_space<vmem_shared>>) dst(%arg11 : memref<128x32xbf16, #tpu.memory_space<vmem>>)
      %dma_start3A_239 = arith.constant 7 : i32
      %dma_start3A_240 = arith.constant 0 : i32
      %dma_start3A_241 = tpu.memref_slice %arg7[%dma_start3A_239, %dma_start3A_240] : memref<16x128xi32, #tpu.memory_space<vmem>> -> memref<1x128xi32, #tpu.memory_space<vmem>>
      %dma_start3A_242 = tpu.memref_squeeze %dma_start3A_241 : memref<1x128xi32, #tpu.memory_space<vmem>> -> memref<128xi32, #tpu.memory_space<vmem>>
      %dma_start3A_243 = arith.constant 0 : i32
      %dma_start3A_244 = arith.constant 0 : i32
      %dma_start3A_245 = tpu.memref_slice %arg21[%dma_start3A_243, %dma_start3A_244] : memref<10240x32xbf16, #tpu.memory_space<vmem_shared>> -> memref<10240x32xbf16, #tpu.memory_space<vmem_shared>>
      tpu.enqueue_indirect_dma source(%arg11 : memref<128x32xbf16, #tpu.memory_space<vmem>>) target(%dma_start3A_245 : memref<10240x32xbf16, #tpu.memory_space<vmem_shared>>) offsets(%dma_start3A_242 : memref<128xi32, #tpu.memory_space<vmem>>) semaphore(%arg19 : memref<!tpu.dma_semaphore, #tpu.memory_space<semaphore_mem>>) {add = true}
      %dma_wait3A_246 = arith.constant 5 : i32
      %dma_wait3A_247 = arith.constant 0 : i32
      %dma_wait3A_248 = tpu.memref_slice %arg7[%dma_wait3A_246, %dma_wait3A_247] : memref<16x128xi32, #tpu.memory_space<vmem>> -> memref<1x128xi32, #tpu.memory_space<vmem>>
      %dma_wait3A_249 = tpu.memref_squeeze %dma_wait3A_248 : memref<1x128xi32, #tpu.memory_space<vmem>> -> memref<128xi32, #tpu.memory_space<vmem>>
      %dma_wait3A_250 = arith.constant 0 : i32
      %dma_wait3A_251 = arith.constant 0 : i32
      %dma_wait3A_252 = tpu.memref_slice %arg21[%dma_wait3A_250, %dma_wait3A_251] : memref<10240x32xbf16, #tpu.memory_space<vmem_shared>> -> memref<10240x32xbf16, #tpu.memory_space<vmem_shared>>
      tpu.wait_indirect_dma semaphore(%arg17 : memref<!tpu.dma_semaphore, #tpu.memory_space<semaphore_mem>>) src(%arg9 : memref<128x32xbf16, #tpu.memory_space<vmem>>) dst(%dma_wait3A_252 : memref<10240x32xbf16, #tpu.memory_space<vmem_shared>>)
      %dma_start3A_253 = arith.constant 9 : i32
      %dma_start3A_254 = arith.constant 0 : i32
      %dma_start3A_255 = tpu.memref_slice %arg6[%dma_start3A_253, %dma_start3A_254] : memref<16x128xi32, #tpu.memory_space<vmem>> -> memref<1x128xi32, #tpu.memory_space<vmem>>
      %dma_start3A_256 = tpu.memref_squeeze %dma_start3A_255 : memref<1x128xi32, #tpu.memory_space<vmem>> -> memref<128xi32, #tpu.memory_space<vmem>>
      %dma_start3A_257 = arith.constant 0 : i32
      %dma_start3A_258 = arith.constant 0 : i32
      %dma_start3A_259 = tpu.memref_slice %arg20[%dma_start3A_257, %dma_start3A_258] : memref<10240x32xbf16, #tpu.memory_space<vmem_shared>> -> memref<10240x32xbf16, #tpu.memory_space<vmem_shared>>
      tpu.enqueue_indirect_dma source(%dma_start3A_259 : memref<10240x32xbf16, #tpu.memory_space<vmem_shared>>) target(%arg9 : memref<128x32xbf16, #tpu.memory_space<vmem>>) offsets(%dma_start3A_256 : memref<128xi32, #tpu.memory_space<vmem>>) semaphore(%arg13 : memref<!tpu.dma_semaphore, #tpu.memory_space<semaphore_mem>>)
      %dma_wait3A_260 = arith.constant 8 : i32
      %dma_wait3A_261 = arith.constant 0 : i32
      %dma_wait3A_262 = tpu.memref_slice %arg6[%dma_wait3A_260, %dma_wait3A_261] : memref<16x128xi32, #tpu.memory_space<vmem>> -> memref<1x128xi32, #tpu.memory_space<vmem>>
      %dma_wait3A_263 = tpu.memref_squeeze %dma_wait3A_262 : memref<1x128xi32, #tpu.memory_space<vmem>> -> memref<128xi32, #tpu.memory_space<vmem>>
      %dma_wait3A_264 = arith.constant 0 : i32
      %dma_wait3A_265 = arith.constant 0 : i32
      %dma_wait3A_266 = tpu.memref_slice %arg20[%dma_wait3A_264, %dma_wait3A_265] : memref<10240x32xbf16, #tpu.memory_space<vmem_shared>> -> memref<10240x32xbf16, #tpu.memory_space<vmem_shared>>
      tpu.wait_indirect_dma semaphore(%arg12 : memref<!tpu.dma_semaphore, #tpu.memory_space<semaphore_mem>>) src(%dma_wait3A_266 : memref<10240x32xbf16, #tpu.memory_space<vmem_shared>>) dst(%arg8 : memref<128x32xbf16, #tpu.memory_space<vmem>>)
      %dma_start3A_267 = arith.constant 8 : i32
      %dma_start3A_268 = arith.constant 0 : i32
      %dma_start3A_269 = tpu.memref_slice %arg7[%dma_start3A_267, %dma_start3A_268] : memref<16x128xi32, #tpu.memory_space<vmem>> -> memref<1x128xi32, #tpu.memory_space<vmem>>
      %dma_start3A_270 = tpu.memref_squeeze %dma_start3A_269 : memref<1x128xi32, #tpu.memory_space<vmem>> -> memref<128xi32, #tpu.memory_space<vmem>>
      %dma_start3A_271 = arith.constant 0 : i32
      %dma_start3A_272 = arith.constant 0 : i32
      %dma_start3A_273 = tpu.memref_slice %arg21[%dma_start3A_271, %dma_start3A_272] : memref<10240x32xbf16, #tpu.memory_space<vmem_shared>> -> memref<10240x32xbf16, #tpu.memory_space<vmem_shared>>
      tpu.enqueue_indirect_dma source(%arg8 : memref<128x32xbf16, #tpu.memory_space<vmem>>) target(%dma_start3A_273 : memref<10240x32xbf16, #tpu.memory_space<vmem_shared>>) offsets(%dma_start3A_270 : memref<128xi32, #tpu.memory_space<vmem>>) semaphore(%arg16 : memref<!tpu.dma_semaphore, #tpu.memory_space<semaphore_mem>>) {add = true}
      %dma_wait3A_274 = arith.constant 6 : i32
      %dma_wait3A_275 = arith.constant 0 : i32
      %dma_wait3A_276 = tpu.memref_slice %arg7[%dma_wait3A_274, %dma_wait3A_275] : memref<16x128xi32, #tpu.memory_space<vmem>> -> memref<1x128xi32, #tpu.memory_space<vmem>>
      %dma_wait3A_277 = tpu.memref_squeeze %dma_wait3A_276 : memref<1x128xi32, #tpu.memory_space<vmem>> -> memref<128xi32, #tpu.memory_space<vmem>>
      %dma_wait3A_278 = arith.constant 0 : i32
      %dma_wait3A_279 = arith.constant 0 : i32
      %dma_wait3A_280 = tpu.memref_slice %arg21[%dma_wait3A_278, %dma_wait3A_279] : memref<10240x32xbf16, #tpu.memory_space<vmem_shared>> -> memref<10240x32xbf16, #tpu.memory_space<vmem_shared>>
      tpu.wait_indirect_dma semaphore(%arg18 : memref<!tpu.dma_semaphore, #tpu.memory_space<semaphore_mem>>) src(%arg10 : memref<128x32xbf16, #tpu.memory_space<vmem>>) dst(%dma_wait3A_280 : memref<10240x32xbf16, #tpu.memory_space<vmem_shared>>)
      %dma_start3A_281 = arith.constant 10 : i32
      %dma_start3A_282 = arith.constant 0 : i32
      %dma_start3A_283 = tpu.memref_slice %arg6[%dma_start3A_281, %dma_start3A_282] : memref<16x128xi32, #tpu.memory_space<vmem>> -> memref<1x128xi32, #tpu.memory_space<vmem>>
      %dma_start3A_284 = tpu.memref_squeeze %dma_start3A_283 : memref<1x128xi32, #tpu.memory_space<vmem>> -> memref<128xi32, #tpu.memory_space<vmem>>
      %dma_start3A_285 = arith.constant 0 : i32
      %dma_start3A_286 = arith.constant 0 : i32
      %dma_start3A_287 = tpu.memref_slice %arg20[%dma_start3A_285, %dma_start3A_286] : memref<10240x32xbf16, #tpu.memory_space<vmem_shared>> -> memref<10240x32xbf16, #tpu.memory_space<vmem_shared>>
      tpu.enqueue_indirect_dma source(%dma_start3A_287 : memref<10240x32xbf16, #tpu.memory_space<vmem_shared>>) target(%arg10 : memref<128x32xbf16, #tpu.memory_space<vmem>>) offsets(%dma_start3A_284 : memref<128xi32, #tpu.memory_space<vmem>>) semaphore(%arg14 : memref<!tpu.dma_semaphore, #tpu.memory_space<semaphore_mem>>)
      %dma_wait3A_288 = arith.constant 9 : i32
      %dma_wait3A_289 = arith.constant 0 : i32
      %dma_wait3A_290 = tpu.memref_slice %arg6[%dma_wait3A_288, %dma_wait3A_289] : memref<16x128xi32, #tpu.memory_space<vmem>> -> memref<1x128xi32, #tpu.memory_space<vmem>>
      %dma_wait3A_291 = tpu.memref_squeeze %dma_wait3A_290 : memref<1x128xi32, #tpu.memory_space<vmem>> -> memref<128xi32, #tpu.memory_space<vmem>>
      %dma_wait3A_292 = arith.constant 0 : i32
      %dma_wait3A_293 = arith.constant 0 : i32
      %dma_wait3A_294 = tpu.memref_slice %arg20[%dma_wait3A_292, %dma_wait3A_293] : memref<10240x32xbf16, #tpu.memory_space<vmem_shared>> -> memref<10240x32xbf16, #tpu.memory_space<vmem_shared>>
      tpu.wait_indirect_dma semaphore(%arg13 : memref<!tpu.dma_semaphore, #tpu.memory_space<semaphore_mem>>) src(%dma_wait3A_294 : memref<10240x32xbf16, #tpu.memory_space<vmem_shared>>) dst(%arg9 : memref<128x32xbf16, #tpu.memory_space<vmem>>)
      %dma_start3A_295 = arith.constant 9 : i32
      %dma_start3A_296 = arith.constant 0 : i32
      %dma_start3A_297 = tpu.memref_slice %arg7[%dma_start3A_295, %dma_start3A_296] : memref<16x128xi32, #tpu.memory_space<vmem>> -> memref<1x128xi32, #tpu.memory_space<vmem>>
      %dma_start3A_298 = tpu.memref_squeeze %dma_start3A_297 : memref<1x128xi32, #tpu.memory_space<vmem>> -> memref<128xi32, #tpu.memory_space<vmem>>
      %dma_start3A_299 = arith.constant 0 : i32
      %dma_start3A_300 = arith.constant 0 : i32
      %dma_start3A_301 = tpu.memref_slice %arg21[%dma_start3A_299, %dma_start3A_300] : memref<10240x32xbf16, #tpu.memory_space<vmem_shared>> -> memref<10240x32xbf16, #tpu.memory_space<vmem_shared>>
      tpu.enqueue_indirect_dma source(%arg9 : memref<128x32xbf16, #tpu.memory_space<vmem>>) target(%dma_start3A_301 : memref<10240x32xbf16, #tpu.memory_space<vmem_shared>>) offsets(%dma_start3A_298 : memref<128xi32, #tpu.memory_space<vmem>>) semaphore(%arg17 : memref<!tpu.dma_semaphore, #tpu.memory_space<semaphore_mem>>) {add = true}
      %dma_wait3A_302 = arith.constant 7 : i32
      %dma_wait3A_303 = arith.constant 0 : i32
      %dma_wait3A_304 = tpu.memref_slice %arg7[%dma_wait3A_302, %dma_wait3A_303] : memref<16x128xi32, #tpu.memory_space<vmem>> -> memref<1x128xi32, #tpu.memory_space<vmem>>
      %dma_wait3A_305 = tpu.memref_squeeze %dma_wait3A_304 : memref<1x128xi32, #tpu.memory_space<vmem>> -> memref<128xi32, #tpu.memory_space<vmem>>
      %dma_wait3A_306 = arith.constant 0 : i32
      %dma_wait3A_307 = arith.constant 0 : i32
      %dma_wait3A_308 = tpu.memref_slice %arg21[%dma_wait3A_306, %dma_wait3A_307] : memref<10240x32xbf16, #tpu.memory_space<vmem_shared>> -> memref<10240x32xbf16, #tpu.memory_space<vmem_shared>>
      tpu.wait_indirect_dma semaphore(%arg19 : memref<!tpu.dma_semaphore, #tpu.memory_space<semaphore_mem>>) src(%arg11 : memref<128x32xbf16, #tpu.memory_space<vmem>>) dst(%dma_wait3A_308 : memref<10240x32xbf16, #tpu.memory_space<vmem_shared>>)
      %dma_start3A_309 = arith.constant 11 : i32
      %dma_start3A_310 = arith.constant 0 : i32
      %dma_start3A_311 = tpu.memref_slice %arg6[%dma_start3A_309, %dma_start3A_310] : memref<16x128xi32, #tpu.memory_space<vmem>> -> memref<1x128xi32, #tpu.memory_space<vmem>>
      %dma_start3A_312 = tpu.memref_squeeze %dma_start3A_311 : memref<1x128xi32, #tpu.memory_space<vmem>> -> memref<128xi32, #tpu.memory_space<vmem>>
      %dma_start3A_313 = arith.constant 0 : i32
      %dma_start3A_314 = arith.constant 0 : i32
      %dma_start3A_315 = tpu.memref_slice %arg20[%dma_start3A_313, %dma_start3A_314] : memref<10240x32xbf16, #tpu.memory_space<vmem_shared>> -> memref<10240x32xbf16, #tpu.memory_space<vmem_shared>>
      tpu.enqueue_indirect_dma source(%dma_start3A_315 : memref<10240x32xbf16, #tpu.memory_space<vmem_shared>>) target(%arg11 : memref<128x32xbf16, #tpu.memory_space<vmem>>) offsets(%dma_start3A_312 : memref<128xi32, #tpu.memory_space<vmem>>) semaphore(%arg15 : memref<!tpu.dma_semaphore, #tpu.memory_space<semaphore_mem>>)
      %dma_wait3A_316 = arith.constant 10 : i32
      %dma_wait3A_317 = arith.constant 0 : i32
      %dma_wait3A_318 = tpu.memref_slice %arg6[%dma_wait3A_316, %dma_wait3A_317] : memref<16x128xi32, #tpu.memory_space<vmem>> -> memref<1x128xi32, #tpu.memory_space<vmem>>
      %dma_wait3A_319 = tpu.memref_squeeze %dma_wait3A_318 : memref<1x128xi32, #tpu.memory_space<vmem>> -> memref<128xi32, #tpu.memory_space<vmem>>
      %dma_wait3A_320 = arith.constant 0 : i32
      %dma_wait3A_321 = arith.constant 0 : i32
      %dma_wait3A_322 = tpu.memref_slice %arg20[%dma_wait3A_320, %dma_wait3A_321] : memref<10240x32xbf16, #tpu.memory_space<vmem_shared>> -> memref<10240x32xbf16, #tpu.memory_space<vmem_shared>>
      tpu.wait_indirect_dma semaphore(%arg14 : memref<!tpu.dma_semaphore, #tpu.memory_space<semaphore_mem>>) src(%dma_wait3A_322 : memref<10240x32xbf16, #tpu.memory_space<vmem_shared>>) dst(%arg10 : memref<128x32xbf16, #tpu.memory_space<vmem>>)
      %dma_start3A_323 = arith.constant 10 : i32
      %dma_start3A_324 = arith.constant 0 : i32
      %dma_start3A_325 = tpu.memref_slice %arg7[%dma_start3A_323, %dma_start3A_324] : memref<16x128xi32, #tpu.memory_space<vmem>> -> memref<1x128xi32, #tpu.memory_space<vmem>>
      %dma_start3A_326 = tpu.memref_squeeze %dma_start3A_325 : memref<1x128xi32, #tpu.memory_space<vmem>> -> memref<128xi32, #tpu.memory_space<vmem>>
      %dma_start3A_327 = arith.constant 0 : i32
      %dma_start3A_328 = arith.constant 0 : i32
      %dma_start3A_329 = tpu.memref_slice %arg21[%dma_start3A_327, %dma_start3A_328] : memref<10240x32xbf16, #tpu.memory_space<vmem_shared>> -> memref<10240x32xbf16, #tpu.memory_space<vmem_shared>>
      tpu.enqueue_indirect_dma source(%arg10 : memref<128x32xbf16, #tpu.memory_space<vmem>>) target(%dma_start3A_329 : memref<10240x32xbf16, #tpu.memory_space<vmem_shared>>) offsets(%dma_start3A_326 : memref<128xi32, #tpu.memory_space<vmem>>) semaphore(%arg18 : memref<!tpu.dma_semaphore, #tpu.memory_space<semaphore_mem>>) {add = true}
      %dma_wait3A_330 = arith.constant 8 : i32
      %dma_wait3A_331 = arith.constant 0 : i32
      %dma_wait3A_332 = tpu.memref_slice %arg7[%dma_wait3A_330, %dma_wait3A_331] : memref<16x128xi32, #tpu.memory_space<vmem>> -> memref<1x128xi32, #tpu.memory_space<vmem>>
      %dma_wait3A_333 = tpu.memref_squeeze %dma_wait3A_332 : memref<1x128xi32, #tpu.memory_space<vmem>> -> memref<128xi32, #tpu.memory_space<vmem>>
      %dma_wait3A_334 = arith.constant 0 : i32
      %dma_wait3A_335 = arith.constant 0 : i32
      %dma_wait3A_336 = tpu.memref_slice %arg21[%dma_wait3A_334, %dma_wait3A_335] : memref<10240x32xbf16, #tpu.memory_space<vmem_shared>> -> memref<10240x32xbf16, #tpu.memory_space<vmem_shared>>
      tpu.wait_indirect_dma semaphore(%arg16 : memref<!tpu.dma_semaphore, #tpu.memory_space<semaphore_mem>>) src(%arg8 : memref<128x32xbf16, #tpu.memory_space<vmem>>) dst(%dma_wait3A_336 : memref<10240x32xbf16, #tpu.memory_space<vmem_shared>>)
      %dma_start3A_337 = arith.constant 12 : i32
      %dma_start3A_338 = arith.constant 0 : i32
      %dma_start3A_339 = tpu.memref_slice %arg6[%dma_start3A_337, %dma_start3A_338] : memref<16x128xi32, #tpu.memory_space<vmem>> -> memref<1x128xi32, #tpu.memory_space<vmem>>
      %dma_start3A_340 = tpu.memref_squeeze %dma_start3A_339 : memref<1x128xi32, #tpu.memory_space<vmem>> -> memref<128xi32, #tpu.memory_space<vmem>>
      %dma_start3A_341 = arith.constant 0 : i32
      %dma_start3A_342 = arith.constant 0 : i32
      %dma_start3A_343 = tpu.memref_slice %arg20[%dma_start3A_341, %dma_start3A_342] : memref<10240x32xbf16, #tpu.memory_space<vmem_shared>> -> memref<10240x32xbf16, #tpu.memory_space<vmem_shared>>
      tpu.enqueue_indirect_dma source(%dma_start3A_343 : memref<10240x32xbf16, #tpu.memory_space<vmem_shared>>) target(%arg8 : memref<128x32xbf16, #tpu.memory_space<vmem>>) offsets(%dma_start3A_340 : memref<128xi32, #tpu.memory_space<vmem>>) semaphore(%arg12 : memref<!tpu.dma_semaphore, #tpu.memory_space<semaphore_mem>>)
      %dma_wait3A_344 = arith.constant 11 : i32
      %dma_wait3A_345 = arith.constant 0 : i32
      %dma_wait3A_346 = tpu.memref_slice %arg6[%dma_wait3A_344, %dma_wait3A_345] : memref<16x128xi32, #tpu.memory_space<vmem>> -> memref<1x128xi32, #tpu.memory_space<vmem>>
      %dma_wait3A_347 = tpu.memref_squeeze %dma_wait3A_346 : memref<1x128xi32, #tpu.memory_space<vmem>> -> memref<128xi32, #tpu.memory_space<vmem>>
      %dma_wait3A_348 = arith.constant 0 : i32
      %dma_wait3A_349 = arith.constant 0 : i32
      %dma_wait3A_350 = tpu.memref_slice %arg20[%dma_wait3A_348, %dma_wait3A_349] : memref<10240x32xbf16, #tpu.memory_space<vmem_shared>> -> memref<10240x32xbf16, #tpu.memory_space<vmem_shared>>
      tpu.wait_indirect_dma semaphore(%arg15 : memref<!tpu.dma_semaphore, #tpu.memory_space<semaphore_mem>>) src(%dma_wait3A_350 : memref<10240x32xbf16, #tpu.memory_space<vmem_shared>>) dst(%arg11 : memref<128x32xbf16, #tpu.memory_space<vmem>>)
      %dma_start3A_351 = arith.constant 11 : i32
      %dma_start3A_352 = arith.constant 0 : i32
      %dma_start3A_353 = tpu.memref_slice %arg7[%dma_start3A_351, %dma_start3A_352] : memref<16x128xi32, #tpu.memory_space<vmem>> -> memref<1x128xi32, #tpu.memory_space<vmem>>
      %dma_start3A_354 = tpu.memref_squeeze %dma_start3A_353 : memref<1x128xi32, #tpu.memory_space<vmem>> -> memref<128xi32, #tpu.memory_space<vmem>>
      %dma_start3A_355 = arith.constant 0 : i32
      %dma_start3A_356 = arith.constant 0 : i32
      %dma_start3A_357 = tpu.memref_slice %arg21[%dma_start3A_355, %dma_start3A_356] : memref<10240x32xbf16, #tpu.memory_space<vmem_shared>> -> memref<10240x32xbf16, #tpu.memory_space<vmem_shared>>
      tpu.enqueue_indirect_dma source(%arg11 : memref<128x32xbf16, #tpu.memory_space<vmem>>) target(%dma_start3A_357 : memref<10240x32xbf16, #tpu.memory_space<vmem_shared>>) offsets(%dma_start3A_354 : memref<128xi32, #tpu.memory_space<vmem>>) semaphore(%arg19 : memref<!tpu.dma_semaphore, #tpu.memory_space<semaphore_mem>>) {add = true}
      %dma_wait3A_358 = arith.constant 9 : i32
      %dma_wait3A_359 = arith.constant 0 : i32
      %dma_wait3A_360 = tpu.memref_slice %arg7[%dma_wait3A_358, %dma_wait3A_359] : memref<16x128xi32, #tpu.memory_space<vmem>> -> memref<1x128xi32, #tpu.memory_space<vmem>>
      %dma_wait3A_361 = tpu.memref_squeeze %dma_wait3A_360 : memref<1x128xi32, #tpu.memory_space<vmem>> -> memref<128xi32, #tpu.memory_space<vmem>>
      %dma_wait3A_362 = arith.constant 0 : i32
      %dma_wait3A_363 = arith.constant 0 : i32
      %dma_wait3A_364 = tpu.memref_slice %arg21[%dma_wait3A_362, %dma_wait3A_363] : memref<10240x32xbf16, #tpu.memory_space<vmem_shared>> -> memref<10240x32xbf16, #tpu.memory_space<vmem_shared>>
      tpu.wait_indirect_dma semaphore(%arg17 : memref<!tpu.dma_semaphore, #tpu.memory_space<semaphore_mem>>) src(%arg9 : memref<128x32xbf16, #tpu.memory_space<vmem>>) dst(%dma_wait3A_364 : memref<10240x32xbf16, #tpu.memory_space<vmem_shared>>)
      %dma_start3A_365 = arith.constant 13 : i32
      %dma_start3A_366 = arith.constant 0 : i32
      %dma_start3A_367 = tpu.memref_slice %arg6[%dma_start3A_365, %dma_start3A_366] : memref<16x128xi32, #tpu.memory_space<vmem>> -> memref<1x128xi32, #tpu.memory_space<vmem>>
      %dma_start3A_368 = tpu.memref_squeeze %dma_start3A_367 : memref<1x128xi32, #tpu.memory_space<vmem>> -> memref<128xi32, #tpu.memory_space<vmem>>
      %dma_start3A_369 = arith.constant 0 : i32
      %dma_start3A_370 = arith.constant 0 : i32
      %dma_start3A_371 = tpu.memref_slice %arg20[%dma_start3A_369, %dma_start3A_370] : memref<10240x32xbf16, #tpu.memory_space<vmem_shared>> -> memref<10240x32xbf16, #tpu.memory_space<vmem_shared>>
      tpu.enqueue_indirect_dma source(%dma_start3A_371 : memref<10240x32xbf16, #tpu.memory_space<vmem_shared>>) target(%arg9 : memref<128x32xbf16, #tpu.memory_space<vmem>>) offsets(%dma_start3A_368 : memref<128xi32, #tpu.memory_space<vmem>>) semaphore(%arg13 : memref<!tpu.dma_semaphore, #tpu.memory_space<semaphore_mem>>)
      %dma_wait3A_372 = arith.constant 12 : i32
      %dma_wait3A_373 = arith.constant 0 : i32
      %dma_wait3A_374 = tpu.memref_slice %arg6[%dma_wait3A_372, %dma_wait3A_373] : memref<16x128xi32, #tpu.memory_space<vmem>> -> memref<1x128xi32, #tpu.memory_space<vmem>>
      %dma_wait3A_375 = tpu.memref_squeeze %dma_wait3A_374 : memref<1x128xi32, #tpu.memory_space<vmem>> -> memref<128xi32, #tpu.memory_space<vmem>>
      %dma_wait3A_376 = arith.constant 0 : i32
      %dma_wait3A_377 = arith.constant 0 : i32
      %dma_wait3A_378 = tpu.memref_slice %arg20[%dma_wait3A_376, %dma_wait3A_377] : memref<10240x32xbf16, #tpu.memory_space<vmem_shared>> -> memref<10240x32xbf16, #tpu.memory_space<vmem_shared>>
      tpu.wait_indirect_dma semaphore(%arg12 : memref<!tpu.dma_semaphore, #tpu.memory_space<semaphore_mem>>) src(%dma_wait3A_378 : memref<10240x32xbf16, #tpu.memory_space<vmem_shared>>) dst(%arg8 : memref<128x32xbf16, #tpu.memory_space<vmem>>)
      %dma_start3A_379 = arith.constant 12 : i32
      %dma_start3A_380 = arith.constant 0 : i32
      %dma_start3A_381 = tpu.memref_slice %arg7[%dma_start3A_379, %dma_start3A_380] : memref<16x128xi32, #tpu.memory_space<vmem>> -> memref<1x128xi32, #tpu.memory_space<vmem>>
      %dma_start3A_382 = tpu.memref_squeeze %dma_start3A_381 : memref<1x128xi32, #tpu.memory_space<vmem>> -> memref<128xi32, #tpu.memory_space<vmem>>
      %dma_start3A_383 = arith.constant 0 : i32
      %dma_start3A_384 = arith.constant 0 : i32
      %dma_start3A_385 = tpu.memref_slice %arg21[%dma_start3A_383, %dma_start3A_384] : memref<10240x32xbf16, #tpu.memory_space<vmem_shared>> -> memref<10240x32xbf16, #tpu.memory_space<vmem_shared>>
      tpu.enqueue_indirect_dma source(%arg8 : memref<128x32xbf16, #tpu.memory_space<vmem>>) target(%dma_start3A_385 : memref<10240x32xbf16, #tpu.memory_space<vmem_shared>>) offsets(%dma_start3A_382 : memref<128xi32, #tpu.memory_space<vmem>>) semaphore(%arg16 : memref<!tpu.dma_semaphore, #tpu.memory_space<semaphore_mem>>) {add = true}
      %dma_wait3A_386 = arith.constant 10 : i32
      %dma_wait3A_387 = arith.constant 0 : i32
      %dma_wait3A_388 = tpu.memref_slice %arg7[%dma_wait3A_386, %dma_wait3A_387] : memref<16x128xi32, #tpu.memory_space<vmem>> -> memref<1x128xi32, #tpu.memory_space<vmem>>
      %dma_wait3A_389 = tpu.memref_squeeze %dma_wait3A_388 : memref<1x128xi32, #tpu.memory_space<vmem>> -> memref<128xi32, #tpu.memory_space<vmem>>
      %dma_wait3A_390 = arith.constant 0 : i32
      %dma_wait3A_391 = arith.constant 0 : i32
      %dma_wait3A_392 = tpu.memref_slice %arg21[%dma_wait3A_390, %dma_wait3A_391] : memref<10240x32xbf16, #tpu.memory_space<vmem_shared>> -> memref<10240x32xbf16, #tpu.memory_space<vmem_shared>>
      tpu.wait_indirect_dma semaphore(%arg18 : memref<!tpu.dma_semaphore, #tpu.memory_space<semaphore_mem>>) src(%arg10 : memref<128x32xbf16, #tpu.memory_space<vmem>>) dst(%dma_wait3A_392 : memref<10240x32xbf16, #tpu.memory_space<vmem_shared>>)
      %dma_start3A_393 = arith.constant 14 : i32
      %dma_start3A_394 = arith.constant 0 : i32
      %dma_start3A_395 = tpu.memref_slice %arg6[%dma_start3A_393, %dma_start3A_394] : memref<16x128xi32, #tpu.memory_space<vmem>> -> memref<1x128xi32, #tpu.memory_space<vmem>>
      %dma_start3A_396 = tpu.memref_squeeze %dma_start3A_395 : memref<1x128xi32, #tpu.memory_space<vmem>> -> memref<128xi32, #tpu.memory_space<vmem>>
      %dma_start3A_397 = arith.constant 0 : i32
      %dma_start3A_398 = arith.constant 0 : i32
      %dma_start3A_399 = tpu.memref_slice %arg20[%dma_start3A_397, %dma_start3A_398] : memref<10240x32xbf16, #tpu.memory_space<vmem_shared>> -> memref<10240x32xbf16, #tpu.memory_space<vmem_shared>>
      tpu.enqueue_indirect_dma source(%dma_start3A_399 : memref<10240x32xbf16, #tpu.memory_space<vmem_shared>>) target(%arg10 : memref<128x32xbf16, #tpu.memory_space<vmem>>) offsets(%dma_start3A_396 : memref<128xi32, #tpu.memory_space<vmem>>) semaphore(%arg14 : memref<!tpu.dma_semaphore, #tpu.memory_space<semaphore_mem>>)
      %dma_wait3A_400 = arith.constant 13 : i32
      %dma_wait3A_401 = arith.constant 0 : i32
      %dma_wait3A_402 = tpu.memref_slice %arg6[%dma_wait3A_400, %dma_wait3A_401] : memref<16x128xi32, #tpu.memory_space<vmem>> -> memref<1x128xi32, #tpu.memory_space<vmem>>
      %dma_wait3A_403 = tpu.memref_squeeze %dma_wait3A_402 : memref<1x128xi32, #tpu.memory_space<vmem>> -> memref<128xi32, #tpu.memory_space<vmem>>
      %dma_wait3A_404 = arith.constant 0 : i32
      %dma_wait3A_405 = arith.constant 0 : i32
      %dma_wait3A_406 = tpu.memref_slice %arg20[%dma_wait3A_404, %dma_wait3A_405] : memref<10240x32xbf16, #tpu.memory_space<vmem_shared>> -> memref<10240x32xbf16, #tpu.memory_space<vmem_shared>>
      tpu.wait_indirect_dma semaphore(%arg13 : memref<!tpu.dma_semaphore, #tpu.memory_space<semaphore_mem>>) src(%dma_wait3A_406 : memref<10240x32xbf16, #tpu.memory_space<vmem_shared>>) dst(%arg9 : memref<128x32xbf16, #tpu.memory_space<vmem>>)
      %dma_start3A_407 = arith.constant 13 : i32
      %dma_start3A_408 = arith.constant 0 : i32
      %dma_start3A_409 = tpu.memref_slice %arg7[%dma_start3A_407, %dma_start3A_408] : memref<16x128xi32, #tpu.memory_space<vmem>> -> memref<1x128xi32, #tpu.memory_space<vmem>>
      %dma_start3A_410 = tpu.memref_squeeze %dma_start3A_409 : memref<1x128xi32, #tpu.memory_space<vmem>> -> memref<128xi32, #tpu.memory_space<vmem>>
      %dma_start3A_411 = arith.constant 0 : i32
      %dma_start3A_412 = arith.constant 0 : i32
      %dma_start3A_413 = tpu.memref_slice %arg21[%dma_start3A_411, %dma_start3A_412] : memref<10240x32xbf16, #tpu.memory_space<vmem_shared>> -> memref<10240x32xbf16, #tpu.memory_space<vmem_shared>>
      tpu.enqueue_indirect_dma source(%arg9 : memref<128x32xbf16, #tpu.memory_space<vmem>>) target(%dma_start3A_413 : memref<10240x32xbf16, #tpu.memory_space<vmem_shared>>) offsets(%dma_start3A_410 : memref<128xi32, #tpu.memory_space<vmem>>) semaphore(%arg17 : memref<!tpu.dma_semaphore, #tpu.memory_space<semaphore_mem>>) {add = true}
      %dma_wait3A_414 = arith.constant 11 : i32
      %dma_wait3A_415 = arith.constant 0 : i32
      %dma_wait3A_416 = tpu.memref_slice %arg7[%dma_wait3A_414, %dma_wait3A_415] : memref<16x128xi32, #tpu.memory_space<vmem>> -> memref<1x128xi32, #tpu.memory_space<vmem>>
      %dma_wait3A_417 = tpu.memref_squeeze %dma_wait3A_416 : memref<1x128xi32, #tpu.memory_space<vmem>> -> memref<128xi32, #tpu.memory_space<vmem>>
      %dma_wait3A_418 = arith.constant 0 : i32
      %dma_wait3A_419 = arith.constant 0 : i32
      %dma_wait3A_420 = tpu.memref_slice %arg21[%dma_wait3A_418, %dma_wait3A_419] : memref<10240x32xbf16, #tpu.memory_space<vmem_shared>> -> memref<10240x32xbf16, #tpu.memory_space<vmem_shared>>
      tpu.wait_indirect_dma semaphore(%arg19 : memref<!tpu.dma_semaphore, #tpu.memory_space<semaphore_mem>>) src(%arg11 : memref<128x32xbf16, #tpu.memory_space<vmem>>) dst(%dma_wait3A_420 : memref<10240x32xbf16, #tpu.memory_space<vmem_shared>>)
      %dma_start3A_421 = arith.constant 15 : i32
      %dma_start3A_422 = arith.constant 0 : i32
      %dma_start3A_423 = tpu.memref_slice %arg6[%dma_start3A_421, %dma_start3A_422] : memref<16x128xi32, #tpu.memory_space<vmem>> -> memref<1x128xi32, #tpu.memory_space<vmem>>
      %dma_start3A_424 = tpu.memref_squeeze %dma_start3A_423 : memref<1x128xi32, #tpu.memory_space<vmem>> -> memref<128xi32, #tpu.memory_space<vmem>>
      %dma_start3A_425 = arith.constant 0 : i32
      %dma_start3A_426 = arith.constant 0 : i32
      %dma_start3A_427 = tpu.memref_slice %arg20[%dma_start3A_425, %dma_start3A_426] : memref<10240x32xbf16, #tpu.memory_space<vmem_shared>> -> memref<10240x32xbf16, #tpu.memory_space<vmem_shared>>
      tpu.enqueue_indirect_dma source(%dma_start3A_427 : memref<10240x32xbf16, #tpu.memory_space<vmem_shared>>) target(%arg11 : memref<128x32xbf16, #tpu.memory_space<vmem>>) offsets(%dma_start3A_424 : memref<128xi32, #tpu.memory_space<vmem>>) semaphore(%arg15 : memref<!tpu.dma_semaphore, #tpu.memory_space<semaphore_mem>>)
      %dma_wait3A_428 = arith.constant 14 : i32
      %dma_wait3A_429 = arith.constant 0 : i32
      %dma_wait3A_430 = tpu.memref_slice %arg6[%dma_wait3A_428, %dma_wait3A_429] : memref<16x128xi32, #tpu.memory_space<vmem>> -> memref<1x128xi32, #tpu.memory_space<vmem>>
      %dma_wait3A_431 = tpu.memref_squeeze %dma_wait3A_430 : memref<1x128xi32, #tpu.memory_space<vmem>> -> memref<128xi32, #tpu.memory_space<vmem>>
      %dma_wait3A_432 = arith.constant 0 : i32
      %dma_wait3A_433 = arith.constant 0 : i32
      %dma_wait3A_434 = tpu.memref_slice %arg20[%dma_wait3A_432, %dma_wait3A_433] : memref<10240x32xbf16, #tpu.memory_space<vmem_shared>> -> memref<10240x32xbf16, #tpu.memory_space<vmem_shared>>
      tpu.wait_indirect_dma semaphore(%arg14 : memref<!tpu.dma_semaphore, #tpu.memory_space<semaphore_mem>>) src(%dma_wait3A_434 : memref<10240x32xbf16, #tpu.memory_space<vmem_shared>>) dst(%arg10 : memref<128x32xbf16, #tpu.memory_space<vmem>>)
      %dma_start3A_435 = arith.constant 14 : i32
      %dma_start3A_436 = arith.constant 0 : i32
      %dma_start3A_437 = tpu.memref_slice %arg7[%dma_start3A_435, %dma_start3A_436] : memref<16x128xi32, #tpu.memory_space<vmem>> -> memref<1x128xi32, #tpu.memory_space<vmem>>
      %dma_start3A_438 = tpu.memref_squeeze %dma_start3A_437 : memref<1x128xi32, #tpu.memory_space<vmem>> -> memref<128xi32, #tpu.memory_space<vmem>>
      %dma_start3A_439 = arith.constant 0 : i32
      %dma_start3A_440 = arith.constant 0 : i32
      %dma_start3A_441 = tpu.memref_slice %arg21[%dma_start3A_439, %dma_start3A_440] : memref<10240x32xbf16, #tpu.memory_space<vmem_shared>> -> memref<10240x32xbf16, #tpu.memory_space<vmem_shared>>
      tpu.enqueue_indirect_dma source(%arg10 : memref<128x32xbf16, #tpu.memory_space<vmem>>) target(%dma_start3A_441 : memref<10240x32xbf16, #tpu.memory_space<vmem_shared>>) offsets(%dma_start3A_438 : memref<128xi32, #tpu.memory_space<vmem>>) semaphore(%arg18 : memref<!tpu.dma_semaphore, #tpu.memory_space<semaphore_mem>>) {add = true}
      %dma_wait3A_442 = arith.constant 15 : i32
      %dma_wait3A_443 = arith.constant 0 : i32
      %dma_wait3A_444 = tpu.memref_slice %arg6[%dma_wait3A_442, %dma_wait3A_443] : memref<16x128xi32, #tpu.memory_space<vmem>> -> memref<1x128xi32, #tpu.memory_space<vmem>>
      %dma_wait3A_445 = tpu.memref_squeeze %dma_wait3A_444 : memref<1x128xi32, #tpu.memory_space<vmem>> -> memref<128xi32, #tpu.memory_space<vmem>>
      %dma_wait3A_446 = arith.constant 0 : i32
      %dma_wait3A_447 = arith.constant 0 : i32
      %dma_wait3A_448 = tpu.memref_slice %arg20[%dma_wait3A_446, %dma_wait3A_447] : memref<10240x32xbf16, #tpu.memory_space<vmem_shared>> -> memref<10240x32xbf16, #tpu.memory_space<vmem_shared>>
      tpu.wait_indirect_dma semaphore(%arg15 : memref<!tpu.dma_semaphore, #tpu.memory_space<semaphore_mem>>) src(%dma_wait3A_448 : memref<10240x32xbf16, #tpu.memory_space<vmem_shared>>) dst(%arg11 : memref<128x32xbf16, #tpu.memory_space<vmem>>)
      %dma_start3A_449 = arith.constant 15 : i32
      %dma_start3A_450 = arith.constant 0 : i32
      %dma_start3A_451 = tpu.memref_slice %arg7[%dma_start3A_449, %dma_start3A_450] : memref<16x128xi32, #tpu.memory_space<vmem>> -> memref<1x128xi32, #tpu.memory_space<vmem>>
      %dma_start3A_452 = tpu.memref_squeeze %dma_start3A_451 : memref<1x128xi32, #tpu.memory_space<vmem>> -> memref<128xi32, #tpu.memory_space<vmem>>
      %dma_start3A_453 = arith.constant 0 : i32
      %dma_start3A_454 = arith.constant 0 : i32
      %dma_start3A_455 = tpu.memref_slice %arg21[%dma_start3A_453, %dma_start3A_454] : memref<10240x32xbf16, #tpu.memory_space<vmem_shared>> -> memref<10240x32xbf16, #tpu.memory_space<vmem_shared>>
      tpu.enqueue_indirect_dma source(%arg11 : memref<128x32xbf16, #tpu.memory_space<vmem>>) target(%dma_start3A_455 : memref<10240x32xbf16, #tpu.memory_space<vmem_shared>>) offsets(%dma_start3A_452 : memref<128xi32, #tpu.memory_space<vmem>>) semaphore(%arg19 : memref<!tpu.dma_semaphore, #tpu.memory_space<semaphore_mem>>) {add = true}
      %dma_wait3A_456 = arith.constant 12 : i32
      %dma_wait3A_457 = arith.constant 0 : i32
      %dma_wait3A_458 = tpu.memref_slice %arg7[%dma_wait3A_456, %dma_wait3A_457] : memref<16x128xi32, #tpu.memory_space<vmem>> -> memref<1x128xi32, #tpu.memory_space<vmem>>
      %dma_wait3A_459 = tpu.memref_squeeze %dma_wait3A_458 : memref<1x128xi32, #tpu.memory_space<vmem>> -> memref<128xi32, #tpu.memory_space<vmem>>
      %dma_wait3A_460 = arith.constant 0 : i32
      %dma_wait3A_461 = arith.constant 0 : i32
      %dma_wait3A_462 = tpu.memref_slice %arg21[%dma_wait3A_460, %dma_wait3A_461] : memref<10240x32xbf16, #tpu.memory_space<vmem_shared>> -> memref<10240x32xbf16, #tpu.memory_space<vmem_shared>>
      tpu.wait_indirect_dma semaphore(%arg16 : memref<!tpu.dma_semaphore, #tpu.memory_space<semaphore_mem>>) src(%arg8 : memref<128x32xbf16, #tpu.memory_space<vmem>>) dst(%dma_wait3A_462 : memref<10240x32xbf16, #tpu.memory_space<vmem_shared>>)
      %dma_wait3A_463 = arith.constant 13 : i32
      %dma_wait3A_464 = arith.constant 0 : i32
      %dma_wait3A_465 = tpu.memref_slice %arg7[%dma_wait3A_463, %dma_wait3A_464] : memref<16x128xi32, #tpu.memory_space<vmem>> -> memref<1x128xi32, #tpu.memory_space<vmem>>
      %dma_wait3A_466 = tpu.memref_squeeze %dma_wait3A_465 : memref<1x128xi32, #tpu.memory_space<vmem>> -> memref<128xi32, #tpu.memory_space<vmem>>
      %dma_wait3A_467 = arith.constant 0 : i32
      %dma_wait3A_468 = arith.constant 0 : i32
      %dma_wait3A_469 = tpu.memref_slice %arg21[%dma_wait3A_467, %dma_wait3A_468] : memref<10240x32xbf16, #tpu.memory_space<vmem_shared>> -> memref<10240x32xbf16, #tpu.memory_space<vmem_shared>>
      tpu.wait_indirect_dma semaphore(%arg17 : memref<!tpu.dma_semaphore, #tpu.memory_space<semaphore_mem>>) src(%arg9 : memref<128x32xbf16, #tpu.memory_space<vmem>>) dst(%dma_wait3A_469 : memref<10240x32xbf16, #tpu.memory_space<vmem_shared>>)
      %dma_wait3A_470 = arith.constant 14 : i32
      %dma_wait3A_471 = arith.constant 0 : i32
      %dma_wait3A_472 = tpu.memref_slice %arg7[%dma_wait3A_470, %dma_wait3A_471] : memref<16x128xi32, #tpu.memory_space<vmem>> -> memref<1x128xi32, #tpu.memory_space<vmem>>
      %dma_wait3A_473 = tpu.memref_squeeze %dma_wait3A_472 : memref<1x128xi32, #tpu.memory_space<vmem>> -> memref<128xi32, #tpu.memory_space<vmem>>
      %dma_wait3A_474 = arith.constant 0 : i32
      %dma_wait3A_475 = arith.constant 0 : i32
      %dma_wait3A_476 = tpu.memref_slice %arg21[%dma_wait3A_474, %dma_wait3A_475] : memref<10240x32xbf16, #tpu.memory_space<vmem_shared>> -> memref<10240x32xbf16, #tpu.memory_space<vmem_shared>>
      tpu.wait_indirect_dma semaphore(%arg18 : memref<!tpu.dma_semaphore, #tpu.memory_space<semaphore_mem>>) src(%arg10 : memref<128x32xbf16, #tpu.memory_space<vmem>>) dst(%dma_wait3A_476 : memref<10240x32xbf16, #tpu.memory_space<vmem_shared>>)
      %dma_wait3A_477 = arith.constant 15 : i32
      %dma_wait3A_478 = arith.constant 0 : i32
      %dma_wait3A_479 = tpu.memref_slice %arg7[%dma_wait3A_477, %dma_wait3A_478] : memref<16x128xi32, #tpu.memory_space<vmem>> -> memref<1x128xi32, #tpu.memory_space<vmem>>
      %dma_wait3A_480 = tpu.memref_squeeze %dma_wait3A_479 : memref<1x128xi32, #tpu.memory_space<vmem>> -> memref<128xi32, #tpu.memory_space<vmem>>
      %dma_wait3A_481 = arith.constant 0 : i32
      %dma_wait3A_482 = arith.constant 0 : i32
      %dma_wait3A_483 = tpu.memref_slice %arg21[%dma_wait3A_481, %dma_wait3A_482] : memref<10240x32xbf16, #tpu.memory_space<vmem_shared>> -> memref<10240x32xbf16, #tpu.memory_space<vmem_shared>>
      tpu.wait_indirect_dma semaphore(%arg19 : memref<!tpu.dma_semaphore, #tpu.memory_space<semaphore_mem>>) src(%arg11 : memref<128x32xbf16, #tpu.memory_space<vmem>>) dst(%dma_wait3A_483 : memref<10240x32xbf16, #tpu.memory_space<vmem_shared>>)
      %scan3A_484 = arith.constant 0 : i32
      scf.yield %scan3A_484 : i32
    }
    %scan3A_24 = arith.constant 10 : i32
    %barrier3A_25 = arith.constant 0 : index
    tpu.barrier barrier_id(%barrier3A_25)
    %mul3A_26 = arith.constant 640 : i32
    %mul3A_27 = arith.muli %arg1, %mul3A_26 : i32
    %mul3A_28 = arith.constant 640 : i32
    %mul3A_29 = arith.muli %arg1, %mul3A_28 : i32
    %mul3A_30 = arith.constant 32 : i32
    %mul3A_31 = arith.muli %arg0, %mul3A_30 : i32
    "tpu.region"() ({
      %run_scoped3A = tpu.sem_alloc : memref<!tpu.dma_semaphore, #tpu.memory_space<semaphore_mem>>
      %dma_start3A = tpu.memref_slice %arg5[%mul3A_29, %mul3A_31] : memref<10240x64xbf16, #tpu.memory_space<hbm>> -> memref<640x32xbf16, #tpu.memory_space<hbm>>
      %dma_start3A_32 = arith.constant 0 : i32
      %dma_start3A_33 = tpu.memref_slice %arg21[%mul3A_27, %dma_start3A_32] : memref<10240x32xbf16, #tpu.memory_space<vmem_shared>> -> memref<640x32xbf16, #tpu.memory_space<vmem_shared>>
      tpu.enqueue_dma source(%dma_start3A_33 : memref<640x32xbf16, #tpu.memory_space<vmem_shared>>) target(%dma_start3A : memref<640x32xbf16, #tpu.memory_space<hbm>>) target_semaphore(%run_scoped3A : memref<!tpu.dma_semaphore, #tpu.memory_space<semaphore_mem>>)
      %dma_wait3A = tpu.memref_slice %arg5[%mul3A_29, %mul3A_31] : memref<10240x64xbf16, #tpu.memory_space<hbm>> -> memref<640x32xbf16, #tpu.memory_space<hbm>>
      %dma_wait3A_34 = arith.constant 0 : i32
      %dma_wait3A_35 = tpu.memref_slice %arg21[%mul3A_27, %dma_wait3A_34] : memref<10240x32xbf16, #tpu.memory_space<vmem_shared>> -> memref<640x32xbf16, #tpu.memory_space<vmem_shared>>
      tpu.wait_dma2 semaphore(%run_scoped3A : memref<!tpu.dma_semaphore, #tpu.memory_space<semaphore_mem>>) src(%dma_wait3A_35 : memref<640x32xbf16, #tpu.memory_space<vmem_shared>>) dst(%dma_wait3A : memref<640x32xbf16, #tpu.memory_space<hbm>>)
      tpu.yield
    }) : () -> ()
    return
  }
}

#map = affine_map<(d0, d1) -> (0, 0)>
module attributes {stable_mosaic.version = 14 : i64} {
  func.func @_prop_body(%arg0: i32, %arg1: i32, %arg2: memref<10240x128xbf16, #tpu.memory_space<hbm>>, %arg3: memref<2560x128xi32, #tpu.memory_space<hbm>>, %arg4: memref<2560x128xi32, #tpu.memory_space<hbm>>, %arg5: memref<10240x128xbf16, #tpu.memory_space<hbm>>, %arg6: memref<16x128xi32, #tpu.memory_space<vmem>>, %arg7: memref<16x128xi32, #tpu.memory_space<vmem>>, %arg8: memref<128x64xbf16, #tpu.memory_space<vmem>>, %arg9: memref<128x64xbf16, #tpu.memory_space<vmem>>, %arg10: memref<128x64xbf16, #tpu.memory_space<vmem>>, %arg11: memref<128x64xbf16, #tpu.memory_space<vmem>>, %arg12: memref<!tpu.dma_semaphore, #tpu.memory_space<semaphore_mem>>, %arg13: memref<!tpu.dma_semaphore, #tpu.memory_space<semaphore_mem>>, %arg14: memref<!tpu.dma_semaphore, #tpu.memory_space<semaphore_mem>>, %arg15: memref<!tpu.dma_semaphore, #tpu.memory_space<semaphore_mem>>, %arg16: memref<!tpu.dma_semaphore, #tpu.memory_space<semaphore_mem>>, %arg17: memref<!tpu.dma_semaphore, #tpu.memory_space<semaphore_mem>>, %arg18: memref<!tpu.dma_semaphore, #tpu.memory_space<semaphore_mem>>, %arg19: memref<!tpu.dma_semaphore, #tpu.memory_space<semaphore_mem>>, %arg20: memref<10240x64xbf16, #tpu.memory_space<vmem_shared>>, %arg21: memref<10240x64xbf16, #tpu.memory_space<vmem_shared>>) attributes {dimension_semantics = [#tpu.dimension_semantics<core_parallel>, #tpu.dimension_semantics<subcore_parallel>], iteration_bounds = array<i64: 2, 16>, scalar_prefetch = 0 : i64, scratch_operands = 16 : i64, tpu.core_type = #tpu.core_type<sc_vector_subcore>, window_params = [{transform_indices = #map}, {transform_indices = #map}, {transform_indices = #map}, {transform_indices = #map}]} {
    %mul3A = arith.constant 640 : i32
    %mul3A_0 = arith.muli %arg1, %mul3A : i32
    %mul3A_1 = arith.constant 64 : i32
    %mul3A_2 = arith.muli %arg0, %mul3A_1 : i32
    %mul3A_3 = arith.constant 640 : i32
    %mul3A_4 = arith.muli %arg1, %mul3A_3 : i32
    "tpu.region"() ({
      %run_scoped3A = tpu.sem_alloc : memref<!tpu.dma_semaphore, #tpu.memory_space<semaphore_mem>>
      %dma_start3A = arith.constant 0 : i32
      %dma_start3A_32 = tpu.memref_slice %arg20[%mul3A_4, %dma_start3A] : memref<10240x64xbf16, #tpu.memory_space<vmem_shared>> -> memref<640x64xbf16, #tpu.memory_space<vmem_shared>>
      %dma_start3A_33 = tpu.memref_slice %arg2[%mul3A_0, %mul3A_2] : memref<10240x128xbf16, #tpu.memory_space<hbm>> -> memref<640x64xbf16, #tpu.memory_space<hbm>>
      tpu.enqueue_dma source(%dma_start3A_33 : memref<640x64xbf16, #tpu.memory_space<hbm>>) target(%dma_start3A_32 : memref<640x64xbf16, #tpu.memory_space<vmem_shared>>) target_semaphore(%run_scoped3A : memref<!tpu.dma_semaphore, #tpu.memory_space<semaphore_mem>>)
      %dma_wait3A = arith.constant 0 : i32
      %dma_wait3A_34 = tpu.memref_slice %arg20[%mul3A_4, %dma_wait3A] : memref<10240x64xbf16, #tpu.memory_space<vmem_shared>> -> memref<640x64xbf16, #tpu.memory_space<vmem_shared>>
      %dma_wait3A_35 = tpu.memref_slice %arg2[%mul3A_0, %mul3A_2] : memref<10240x128xbf16, #tpu.memory_space<hbm>> -> memref<640x64xbf16, #tpu.memory_space<hbm>>
      tpu.wait_dma2 semaphore(%run_scoped3A : memref<!tpu.dma_semaphore, #tpu.memory_space<semaphore_mem>>) src(%dma_wait3A_35 : memref<640x64xbf16, #tpu.memory_space<hbm>>) dst(%dma_wait3A_34 : memref<640x64xbf16, #tpu.memory_space<vmem_shared>>)
      tpu.yield
    }) : () -> ()
    %scan3A = arith.constant 0 : i32
    %scan3A_5 = arith.constant 0 : i32
    %scan3A_6 = arith.constant 256 : i32
    %scan3A_7 = arith.addi %scan3A_5, %scan3A_6 : i32
    %scan3A_8 = arith.constant 1 : i32
    %scan3A_9 = scf.for %scan3A_32 = %scan3A_5 to %scan3A_7 step %scan3A_8 iter_args(%scan3A_33 = %scan3A) -> (i32)  : i32 {
      %jit3A = arith.constant 2 : i32
      %div3A = arith.divsi %scan3A_32, %jit3A : i32
      %sign3A = arith.constant 0 : i32
      %sign3A_34 = arith.cmpi sgt, %scan3A_32, %sign3A : i32
      %sign3A_35 = arith.extui %sign3A_34 : i1 to i32
      %sign3A_36 = arith.constant 0 : i32
      %sign3A_37 = arith.cmpi slt, %scan3A_32, %sign3A_36 : i32
      %sign3A_38 = arith.extui %sign3A_37 : i1 to i32
      %sign3A_39 = arith.subi %sign3A_35, %sign3A_38 : i32
      %sign3A_40 = arith.constant 0 : i32
      %sign3A_41 = arith.cmpi sgt, %jit3A, %sign3A_40 : i32
      %sign3A_42 = arith.extui %sign3A_41 : i1 to i32
      %sign3A_43 = arith.constant 0 : i32
      %sign3A_44 = arith.cmpi slt, %jit3A, %sign3A_43 : i32
      %sign3A_45 = arith.extui %sign3A_44 : i1 to i32
      %sign3A_46 = arith.subi %sign3A_42, %sign3A_45 : i32
      %ne3A = arith.cmpi ne, %sign3A_39, %sign3A_46 : i32
      %rem3A = arith.remsi %scan3A_32, %jit3A : i32
      %ne3A_47 = arith.constant 0 : i32
      %ne3A_48 = arith.cmpi ne, %rem3A, %ne3A_47 : i32
      %and3A = arith.andi %ne3A, %ne3A_48 : i1
      %sub3A = arith.constant 1 : i32
      %sub3A_49 = arith.subi %div3A, %sub3A : i32
      %select_n3A = arith.select %and3A, %sub3A_49, %div3A : i32
      %jit3A_50 = arith.constant 2 : i32
      %eq3A = arith.constant 0 : i32
      %eq3A_51 = arith.cmpi eq, %jit3A_50, %eq3A : i32
      %jit3A_52 = arith.constant 1 : i32
      %select_n3A_53 = arith.select %eq3A_51, %jit3A_52, %jit3A_50 : i32
      %rem3A_54 = arith.remsi %scan3A_32, %select_n3A_53 : i32
      %ne3A_55 = arith.constant 0 : i32
      %ne3A_56 = arith.cmpi ne, %rem3A_54, %ne3A_55 : i32
      %lt3A = arith.constant 0 : i32
      %lt3A_57 = arith.cmpi slt, %rem3A_54, %lt3A : i32
      %lt3A_58 = arith.constant 0 : i32
      %lt3A_59 = arith.cmpi slt, %select_n3A_53, %lt3A_58 : i32
      %ne3A_60 = arith.xori %lt3A_57, %lt3A_59 : i1
      %and3A_61 = arith.andi %ne3A_60, %ne3A_56 : i1
      %add3A = arith.addi %rem3A_54, %select_n3A_53 : i32
      %select_n3A_62 = arith.select %and3A_61, %add3A, %rem3A_54 : i32
      %broadcast_in_dim3A = arith.constant 0.000000e+00 : bf16
      %broadcast_in_dim3A_63 = vector.broadcast %broadcast_in_dim3A : bf16 to vector<32xbf16>
      %mul3A_64 = arith.constant 32 : i32
      %mul3A_65 = arith.muli %select_n3A_62, %mul3A_64 : i32
      %swap3A = arith.index_cast %select_n3A : i32 to index
      %swap3A_66 = arith.index_cast %mul3A_65 : i32 to index
      %swap3A_67 = tpu.vector_load %arg8[%swap3A, %swap3A_66] {strides = array<i32>} : memref<128x64xbf16, #tpu.memory_space<vmem>>, vector<1x32xbf16>,
      %swap3A_68 = vector.shape_cast %swap3A_67 : vector<1x32xbf16> to vector<32xbf16>
      %swap3A_69 = vector.shape_cast %broadcast_in_dim3A_63 : vector<32xbf16> to vector<1x32xbf16>
      tpu.vector_store %arg8[%swap3A, %swap3A_66], %swap3A_69 {strides = array<i32>} : memref<128x64xbf16, #tpu.memory_space<vmem>>, vector<1x32xbf16>,
      %scan3A_70 = arith.constant 0 : i32
      scf.yield %scan3A_70 : i32
    }
    %scan3A_10 = arith.constant 256 : i32
    %scan3A_11 = arith.constant 0 : i32
    %scan3A_12 = arith.constant 0 : i32
    %scan3A_13 = arith.constant 5 : i32
    %scan3A_14 = arith.addi %scan3A_12, %scan3A_13 : i32
    %scan3A_15 = arith.constant 1 : i32
    %scan3A_16 = scf.for %scan3A_32 = %scan3A_12 to %scan3A_14 step %scan3A_15 iter_args(%scan3A_33 = %scan3A_11) -> (i32)  : i32 {
      %mul3A_34 = arith.constant 640 : i32
      %mul3A_35 = arith.muli %arg1, %mul3A_34 : i32
      %mul3A_36 = arith.constant 128 : i32
      %mul3A_37 = arith.muli %scan3A_32, %mul3A_36 : i32
      %add3A = arith.addi %mul3A_35, %mul3A_37 : i32
      "tpu.region"() ({
        %run_scoped3A = tpu.sem_alloc : memref<!tpu.dma_semaphore, #tpu.memory_space<semaphore_mem>>
        %dma_start3A = arith.constant 0 : i32
        %dma_start3A_39 = tpu.memref_slice %arg21[%add3A, %dma_start3A] : memref<10240x64xbf16, #tpu.memory_space<vmem_shared>> -> memref<128x64xbf16, #tpu.memory_space<vmem_shared>>
        %dma_start3A_40 = arith.constant 0 : i32
        %dma_start3A_41 = tpu.memref_slice %arg21[%add3A, %dma_start3A_40] : memref<10240x64xbf16, #tpu.memory_space<vmem_shared>> -> memref<128x64xbf16, #tpu.memory_space<vmem_shared>>
        tpu.enqueue_dma source(%arg8 : memref<128x64xbf16, #tpu.memory_space<vmem>>) target(%dma_start3A_41 : memref<128x64xbf16, #tpu.memory_space<vmem_shared>>) target_semaphore(%run_scoped3A : memref<!tpu.dma_semaphore, #tpu.memory_space<semaphore_mem>>)
        %dma_wait3A = arith.constant 0 : i32
        %dma_wait3A_42 = tpu.memref_slice %arg21[%add3A, %dma_wait3A] : memref<10240x64xbf16, #tpu.memory_space<vmem_shared>> -> memref<128x64xbf16, #tpu.memory_space<vmem_shared>>
        %dma_wait3A_43 = arith.constant 0 : i32
        %dma_wait3A_44 = tpu.memref_slice %arg21[%add3A, %dma_wait3A_43] : memref<10240x64xbf16, #tpu.memory_space<vmem_shared>> -> memref<128x64xbf16, #tpu.memory_space<vmem_shared>>
        tpu.wait_dma2 semaphore(%run_scoped3A : memref<!tpu.dma_semaphore, #tpu.memory_space<semaphore_mem>>) src(%arg8 : memref<128x64xbf16, #tpu.memory_space<vmem>>) dst(%dma_wait3A_44 : memref<128x64xbf16, #tpu.memory_space<vmem_shared>>)
        tpu.yield
      }) : () -> ()
      %scan3A_38 = arith.constant 0 : i32
      scf.yield %scan3A_38 : i32
    }
    %scan3A_17 = arith.constant 5 : i32
    %barrier3A = arith.constant 0 : index
    tpu.barrier barrier_id(%barrier3A)
    %scan3A_18 = arith.constant 0 : i32
    %scan3A_19 = arith.constant 0 : i32
    %scan3A_20 = arith.constant 10 : i32
    %scan3A_21 = arith.addi %scan3A_19, %scan3A_20 : i32
    %scan3A_22 = arith.constant 1 : i32
    %scan3A_23 = scf.for %scan3A_32 = %scan3A_19 to %scan3A_21 step %scan3A_22 iter_args(%scan3A_33 = %scan3A_18) -> (i32)  : i32 {
      %mul3A_34 = arith.constant 160 : i32
      %mul3A_35 = arith.muli %arg1, %mul3A_34 : i32
      %mul3A_36 = arith.constant 16 : i32
      %mul3A_37 = arith.muli %scan3A_32, %mul3A_36 : i32
      %add3A = arith.addi %mul3A_35, %mul3A_37 : i32
      "tpu.region"() ({
        %run_scoped3A = tpu.sem_alloc : memref<!tpu.dma_semaphore, #tpu.memory_space<semaphore_mem>>
        %dma_start3A_485 = arith.constant 0 : i32
        %dma_start3A_486 = tpu.memref_slice %arg3[%add3A, %dma_start3A_485] : memref<2560x128xi32, #tpu.memory_space<hbm>> -> memref<16x128xi32, #tpu.memory_space<hbm>>
        %dma_start3A_487 = arith.constant 0 : i32
        %dma_start3A_488 = tpu.memref_slice %arg3[%add3A, %dma_start3A_487] : memref<2560x128xi32, #tpu.memory_space<hbm>> -> memref<16x128xi32, #tpu.memory_space<hbm>>
        tpu.enqueue_dma source(%dma_start3A_488 : memref<16x128xi32, #tpu.memory_space<hbm>>) target(%arg6 : memref<16x128xi32, #tpu.memory_space<vmem>>) target_semaphore(%run_scoped3A : memref<!tpu.dma_semaphore, #tpu.memory_space<semaphore_mem>>)
        %dma_wait3A_489 = arith.constant 0 : i32
        %dma_wait3A_490 = tpu.memref_slice %arg3[%add3A, %dma_wait3A_489] : memref<2560x128xi32, #tpu.memory_space<hbm>> -> memref<16x128xi32, #tpu.memory_space<hbm>>
        %dma_wait3A_491 = arith.constant 0 : i32
        %dma_wait3A_492 = tpu.memref_slice %arg3[%add3A, %dma_wait3A_491] : memref<2560x128xi32, #tpu.memory_space<hbm>> -> memref<16x128xi32, #tpu.memory_space<hbm>>
        tpu.wait_dma2 semaphore(%run_scoped3A : memref<!tpu.dma_semaphore, #tpu.memory_space<semaphore_mem>>) src(%dma_wait3A_492 : memref<16x128xi32, #tpu.memory_space<hbm>>) dst(%arg6 : memref<16x128xi32, #tpu.memory_space<vmem>>)
        tpu.yield
      }) : () -> ()
      "tpu.region"() ({
        %run_scoped3A = tpu.sem_alloc : memref<!tpu.dma_semaphore, #tpu.memory_space<semaphore_mem>>
        %dma_start3A_485 = arith.constant 0 : i32
        %dma_start3A_486 = tpu.memref_slice %arg4[%add3A, %dma_start3A_485] : memref<2560x128xi32, #tpu.memory_space<hbm>> -> memref<16x128xi32, #tpu.memory_space<hbm>>
        %dma_start3A_487 = arith.constant 0 : i32
        %dma_start3A_488 = tpu.memref_slice %arg4[%add3A, %dma_start3A_487] : memref<2560x128xi32, #tpu.memory_space<hbm>> -> memref<16x128xi32, #tpu.memory_space<hbm>>
        tpu.enqueue_dma source(%dma_start3A_488 : memref<16x128xi32, #tpu.memory_space<hbm>>) target(%arg7 : memref<16x128xi32, #tpu.memory_space<vmem>>) target_semaphore(%run_scoped3A : memref<!tpu.dma_semaphore, #tpu.memory_space<semaphore_mem>>)
        %dma_wait3A_489 = arith.constant 0 : i32
        %dma_wait3A_490 = tpu.memref_slice %arg4[%add3A, %dma_wait3A_489] : memref<2560x128xi32, #tpu.memory_space<hbm>> -> memref<16x128xi32, #tpu.memory_space<hbm>>
        %dma_wait3A_491 = arith.constant 0 : i32
        %dma_wait3A_492 = tpu.memref_slice %arg4[%add3A, %dma_wait3A_491] : memref<2560x128xi32, #tpu.memory_space<hbm>> -> memref<16x128xi32, #tpu.memory_space<hbm>>
        tpu.wait_dma2 semaphore(%run_scoped3A : memref<!tpu.dma_semaphore, #tpu.memory_space<semaphore_mem>>) src(%dma_wait3A_492 : memref<16x128xi32, #tpu.memory_space<hbm>>) dst(%arg7 : memref<16x128xi32, #tpu.memory_space<vmem>>)
        tpu.yield
      }) : () -> ()
      %dma_start3A = arith.constant 0 : i32
      %dma_start3A_38 = arith.constant 0 : i32
      %dma_start3A_39 = tpu.memref_slice %arg6[%dma_start3A, %dma_start3A_38] : memref<16x128xi32, #tpu.memory_space<vmem>> -> memref<1x128xi32, #tpu.memory_space<vmem>>
      %dma_start3A_40 = tpu.memref_squeeze %dma_start3A_39 : memref<1x128xi32, #tpu.memory_space<vmem>> -> memref<128xi32, #tpu.memory_space<vmem>>
      %dma_start3A_41 = arith.constant 0 : i32
      %dma_start3A_42 = arith.constant 0 : i32
      %dma_start3A_43 = tpu.memref_slice %arg20[%dma_start3A_41, %dma_start3A_42] : memref<10240x64xbf16, #tpu.memory_space<vmem_shared>> -> memref<10240x64xbf16, #tpu.memory_space<vmem_shared>>
      tpu.enqueue_indirect_dma source(%dma_start3A_43 : memref<10240x64xbf16, #tpu.memory_space<vmem_shared>>) target(%arg8 : memref<128x64xbf16, #tpu.memory_space<vmem>>) offsets(%dma_start3A_40 : memref<128xi32, #tpu.memory_space<vmem>>) semaphore(%arg12 : memref<!tpu.dma_semaphore, #tpu.memory_space<semaphore_mem>>)
      %dma_start3A_44 = arith.constant 1 : i32
      %dma_start3A_45 = arith.constant 0 : i32
      %dma_start3A_46 = tpu.memref_slice %arg6[%dma_start3A_44, %dma_start3A_45] : memref<16x128xi32, #tpu.memory_space<vmem>> -> memref<1x128xi32, #tpu.memory_space<vmem>>
      %dma_start3A_47 = tpu.memref_squeeze %dma_start3A_46 : memref<1x128xi32, #tpu.memory_space<vmem>> -> memref<128xi32, #tpu.memory_space<vmem>>
      %dma_start3A_48 = arith.constant 0 : i32
      %dma_start3A_49 = arith.constant 0 : i32
      %dma_start3A_50 = tpu.memref_slice %arg20[%dma_start3A_48, %dma_start3A_49] : memref<10240x64xbf16, #tpu.memory_space<vmem_shared>> -> memref<10240x64xbf16, #tpu.memory_space<vmem_shared>>
      tpu.enqueue_indirect_dma source(%dma_start3A_50 : memref<10240x64xbf16, #tpu.memory_space<vmem_shared>>) target(%arg9 : memref<128x64xbf16, #tpu.memory_space<vmem>>) offsets(%dma_start3A_47 : memref<128xi32, #tpu.memory_space<vmem>>) semaphore(%arg13 : memref<!tpu.dma_semaphore, #tpu.memory_space<semaphore_mem>>)
      %dma_wait3A = arith.constant 0 : i32
      %dma_wait3A_51 = arith.constant 0 : i32
      %dma_wait3A_52 = tpu.memref_slice %arg6[%dma_wait3A, %dma_wait3A_51] : memref<16x128xi32, #tpu.memory_space<vmem>> -> memref<1x128xi32, #tpu.memory_space<vmem>>
      %dma_wait3A_53 = tpu.memref_squeeze %dma_wait3A_52 : memref<1x128xi32, #tpu.memory_space<vmem>> -> memref<128xi32, #tpu.memory_space<vmem>>
      %dma_wait3A_54 = arith.constant 0 : i32
      %dma_wait3A_55 = arith.constant 0 : i32
      %dma_wait3A_56 = tpu.memref_slice %arg20[%dma_wait3A_54, %dma_wait3A_55] : memref<10240x64xbf16, #tpu.memory_space<vmem_shared>> -> memref<10240x64xbf16, #tpu.memory_space<vmem_shared>>
      tpu.wait_indirect_dma semaphore(%arg12 : memref<!tpu.dma_semaphore, #tpu.memory_space<semaphore_mem>>) src(%dma_wait3A_56 : memref<10240x64xbf16, #tpu.memory_space<vmem_shared>>) dst(%arg8 : memref<128x64xbf16, #tpu.memory_space<vmem>>)
      %dma_start3A_57 = arith.constant 0 : i32
      %dma_start3A_58 = arith.constant 0 : i32
      %dma_start3A_59 = tpu.memref_slice %arg7[%dma_start3A_57, %dma_start3A_58] : memref<16x128xi32, #tpu.memory_space<vmem>> -> memref<1x128xi32, #tpu.memory_space<vmem>>
      %dma_start3A_60 = tpu.memref_squeeze %dma_start3A_59 : memref<1x128xi32, #tpu.memory_space<vmem>> -> memref<128xi32, #tpu.memory_space<vmem>>
      %dma_start3A_61 = arith.constant 0 : i32
      %dma_start3A_62 = arith.constant 0 : i32
      %dma_start3A_63 = tpu.memref_slice %arg21[%dma_start3A_61, %dma_start3A_62] : memref<10240x64xbf16, #tpu.memory_space<vmem_shared>> -> memref<10240x64xbf16, #tpu.memory_space<vmem_shared>>
      tpu.enqueue_indirect_dma source(%arg8 : memref<128x64xbf16, #tpu.memory_space<vmem>>) target(%dma_start3A_63 : memref<10240x64xbf16, #tpu.memory_space<vmem_shared>>) offsets(%dma_start3A_60 : memref<128xi32, #tpu.memory_space<vmem>>) semaphore(%arg16 : memref<!tpu.dma_semaphore, #tpu.memory_space<semaphore_mem>>) {add = true}
      %dma_start3A_64 = arith.constant 2 : i32
      %dma_start3A_65 = arith.constant 0 : i32
      %dma_start3A_66 = tpu.memref_slice %arg6[%dma_start3A_64, %dma_start3A_65] : memref<16x128xi32, #tpu.memory_space<vmem>> -> memref<1x128xi32, #tpu.memory_space<vmem>>
      %dma_start3A_67 = tpu.memref_squeeze %dma_start3A_66 : memref<1x128xi32, #tpu.memory_space<vmem>> -> memref<128xi32, #tpu.memory_space<vmem>>
      %dma_start3A_68 = arith.constant 0 : i32
      %dma_start3A_69 = arith.constant 0 : i32
      %dma_start3A_70 = tpu.memref_slice %arg20[%dma_start3A_68, %dma_start3A_69] : memref<10240x64xbf16, #tpu.memory_space<vmem_shared>> -> memref<10240x64xbf16, #tpu.memory_space<vmem_shared>>
      tpu.enqueue_indirect_dma source(%dma_start3A_70 : memref<10240x64xbf16, #tpu.memory_space<vmem_shared>>) target(%arg10 : memref<128x64xbf16, #tpu.memory_space<vmem>>) offsets(%dma_start3A_67 : memref<128xi32, #tpu.memory_space<vmem>>) semaphore(%arg14 : memref<!tpu.dma_semaphore, #tpu.memory_space<semaphore_mem>>)
      %dma_wait3A_71 = arith.constant 1 : i32
      %dma_wait3A_72 = arith.constant 0 : i32
      %dma_wait3A_73 = tpu.memref_slice %arg6[%dma_wait3A_71, %dma_wait3A_72] : memref<16x128xi32, #tpu.memory_space<vmem>> -> memref<1x128xi32, #tpu.memory_space<vmem>>
      %dma_wait3A_74 = tpu.memref_squeeze %dma_wait3A_73 : memref<1x128xi32, #tpu.memory_space<vmem>> -> memref<128xi32, #tpu.memory_space<vmem>>
      %dma_wait3A_75 = arith.constant 0 : i32
      %dma_wait3A_76 = arith.constant 0 : i32
      %dma_wait3A_77 = tpu.memref_slice %arg20[%dma_wait3A_75, %dma_wait3A_76] : memref<10240x64xbf16, #tpu.memory_space<vmem_shared>> -> memref<10240x64xbf16, #tpu.memory_space<vmem_shared>>
      tpu.wait_indirect_dma semaphore(%arg13 : memref<!tpu.dma_semaphore, #tpu.memory_space<semaphore_mem>>) src(%dma_wait3A_77 : memref<10240x64xbf16, #tpu.memory_space<vmem_shared>>) dst(%arg9 : memref<128x64xbf16, #tpu.memory_space<vmem>>)
      %dma_start3A_78 = arith.constant 1 : i32
      %dma_start3A_79 = arith.constant 0 : i32
      %dma_start3A_80 = tpu.memref_slice %arg7[%dma_start3A_78, %dma_start3A_79] : memref<16x128xi32, #tpu.memory_space<vmem>> -> memref<1x128xi32, #tpu.memory_space<vmem>>
      %dma_start3A_81 = tpu.memref_squeeze %dma_start3A_80 : memref<1x128xi32, #tpu.memory_space<vmem>> -> memref<128xi32, #tpu.memory_space<vmem>>
      %dma_start3A_82 = arith.constant 0 : i32
      %dma_start3A_83 = arith.constant 0 : i32
      %dma_start3A_84 = tpu.memref_slice %arg21[%dma_start3A_82, %dma_start3A_83] : memref<10240x64xbf16, #tpu.memory_space<vmem_shared>> -> memref<10240x64xbf16, #tpu.memory_space<vmem_shared>>
      tpu.enqueue_indirect_dma source(%arg9 : memref<128x64xbf16, #tpu.memory_space<vmem>>) target(%dma_start3A_84 : memref<10240x64xbf16, #tpu.memory_space<vmem_shared>>) offsets(%dma_start3A_81 : memref<128xi32, #tpu.memory_space<vmem>>) semaphore(%arg17 : memref<!tpu.dma_semaphore, #tpu.memory_space<semaphore_mem>>) {add = true}
      %dma_start3A_85 = arith.constant 3 : i32
      %dma_start3A_86 = arith.constant 0 : i32
      %dma_start3A_87 = tpu.memref_slice %arg6[%dma_start3A_85, %dma_start3A_86] : memref<16x128xi32, #tpu.memory_space<vmem>> -> memref<1x128xi32, #tpu.memory_space<vmem>>
      %dma_start3A_88 = tpu.memref_squeeze %dma_start3A_87 : memref<1x128xi32, #tpu.memory_space<vmem>> -> memref<128xi32, #tpu.memory_space<vmem>>
      %dma_start3A_89 = arith.constant 0 : i32
      %dma_start3A_90 = arith.constant 0 : i32
      %dma_start3A_91 = tpu.memref_slice %arg20[%dma_start3A_89, %dma_start3A_90] : memref<10240x64xbf16, #tpu.memory_space<vmem_shared>> -> memref<10240x64xbf16, #tpu.memory_space<vmem_shared>>
      tpu.enqueue_indirect_dma source(%dma_start3A_91 : memref<10240x64xbf16, #tpu.memory_space<vmem_shared>>) target(%arg11 : memref<128x64xbf16, #tpu.memory_space<vmem>>) offsets(%dma_start3A_88 : memref<128xi32, #tpu.memory_space<vmem>>) semaphore(%arg15 : memref<!tpu.dma_semaphore, #tpu.memory_space<semaphore_mem>>)
      %dma_wait3A_92 = arith.constant 2 : i32
      %dma_wait3A_93 = arith.constant 0 : i32
      %dma_wait3A_94 = tpu.memref_slice %arg6[%dma_wait3A_92, %dma_wait3A_93] : memref<16x128xi32, #tpu.memory_space<vmem>> -> memref<1x128xi32, #tpu.memory_space<vmem>>
      %dma_wait3A_95 = tpu.memref_squeeze %dma_wait3A_94 : memref<1x128xi32, #tpu.memory_space<vmem>> -> memref<128xi32, #tpu.memory_space<vmem>>
      %dma_wait3A_96 = arith.constant 0 : i32
      %dma_wait3A_97 = arith.constant 0 : i32
      %dma_wait3A_98 = tpu.memref_slice %arg20[%dma_wait3A_96, %dma_wait3A_97] : memref<10240x64xbf16, #tpu.memory_space<vmem_shared>> -> memref<10240x64xbf16, #tpu.memory_space<vmem_shared>>
      tpu.wait_indirect_dma semaphore(%arg14 : memref<!tpu.dma_semaphore, #tpu.memory_space<semaphore_mem>>) src(%dma_wait3A_98 : memref<10240x64xbf16, #tpu.memory_space<vmem_shared>>) dst(%arg10 : memref<128x64xbf16, #tpu.memory_space<vmem>>)
      %dma_start3A_99 = arith.constant 2 : i32
      %dma_start3A_100 = arith.constant 0 : i32
      %dma_start3A_101 = tpu.memref_slice %arg7[%dma_start3A_99, %dma_start3A_100] : memref<16x128xi32, #tpu.memory_space<vmem>> -> memref<1x128xi32, #tpu.memory_space<vmem>>
      %dma_start3A_102 = tpu.memref_squeeze %dma_start3A_101 : memref<1x128xi32, #tpu.memory_space<vmem>> -> memref<128xi32, #tpu.memory_space<vmem>>
      %dma_start3A_103 = arith.constant 0 : i32
      %dma_start3A_104 = arith.constant 0 : i32
      %dma_start3A_105 = tpu.memref_slice %arg21[%dma_start3A_103, %dma_start3A_104] : memref<10240x64xbf16, #tpu.memory_space<vmem_shared>> -> memref<10240x64xbf16, #tpu.memory_space<vmem_shared>>
      tpu.enqueue_indirect_dma source(%arg10 : memref<128x64xbf16, #tpu.memory_space<vmem>>) target(%dma_start3A_105 : memref<10240x64xbf16, #tpu.memory_space<vmem_shared>>) offsets(%dma_start3A_102 : memref<128xi32, #tpu.memory_space<vmem>>) semaphore(%arg18 : memref<!tpu.dma_semaphore, #tpu.memory_space<semaphore_mem>>) {add = true}
      %dma_wait3A_106 = arith.constant 0 : i32
      %dma_wait3A_107 = arith.constant 0 : i32
      %dma_wait3A_108 = tpu.memref_slice %arg7[%dma_wait3A_106, %dma_wait3A_107] : memref<16x128xi32, #tpu.memory_space<vmem>> -> memref<1x128xi32, #tpu.memory_space<vmem>>
      %dma_wait3A_109 = tpu.memref_squeeze %dma_wait3A_108 : memref<1x128xi32, #tpu.memory_space<vmem>> -> memref<128xi32, #tpu.memory_space<vmem>>
      %dma_wait3A_110 = arith.constant 0 : i32
      %dma_wait3A_111 = arith.constant 0 : i32
      %dma_wait3A_112 = tpu.memref_slice %arg21[%dma_wait3A_110, %dma_wait3A_111] : memref<10240x64xbf16, #tpu.memory_space<vmem_shared>> -> memref<10240x64xbf16, #tpu.memory_space<vmem_shared>>
      tpu.wait_indirect_dma semaphore(%arg16 : memref<!tpu.dma_semaphore, #tpu.memory_space<semaphore_mem>>) src(%arg8 : memref<128x64xbf16, #tpu.memory_space<vmem>>) dst(%dma_wait3A_112 : memref<10240x64xbf16, #tpu.memory_space<vmem_shared>>)
      %dma_start3A_113 = arith.constant 4 : i32
      %dma_start3A_114 = arith.constant 0 : i32
      %dma_start3A_115 = tpu.memref_slice %arg6[%dma_start3A_113, %dma_start3A_114] : memref<16x128xi32, #tpu.memory_space<vmem>> -> memref<1x128xi32, #tpu.memory_space<vmem>>
      %dma_start3A_116 = tpu.memref_squeeze %dma_start3A_115 : memref<1x128xi32, #tpu.memory_space<vmem>> -> memref<128xi32, #tpu.memory_space<vmem>>
      %dma_start3A_117 = arith.constant 0 : i32
      %dma_start3A_118 = arith.constant 0 : i32
      %dma_start3A_119 = tpu.memref_slice %arg20[%dma_start3A_117, %dma_start3A_118] : memref<10240x64xbf16, #tpu.memory_space<vmem_shared>> -> memref<10240x64xbf16, #tpu.memory_space<vmem_shared>>
      tpu.enqueue_indirect_dma source(%dma_start3A_119 : memref<10240x64xbf16, #tpu.memory_space<vmem_shared>>) target(%arg8 : memref<128x64xbf16, #tpu.memory_space<vmem>>) offsets(%dma_start3A_116 : memref<128xi32, #tpu.memory_space<vmem>>) semaphore(%arg12 : memref<!tpu.dma_semaphore, #tpu.memory_space<semaphore_mem>>)
      %dma_wait3A_120 = arith.constant 3 : i32
      %dma_wait3A_121 = arith.constant 0 : i32
      %dma_wait3A_122 = tpu.memref_slice %arg6[%dma_wait3A_120, %dma_wait3A_121] : memref<16x128xi32, #tpu.memory_space<vmem>> -> memref<1x128xi32, #tpu.memory_space<vmem>>
      %dma_wait3A_123 = tpu.memref_squeeze %dma_wait3A_122 : memref<1x128xi32, #tpu.memory_space<vmem>> -> memref<128xi32, #tpu.memory_space<vmem>>
      %dma_wait3A_124 = arith.constant 0 : i32
      %dma_wait3A_125 = arith.constant 0 : i32
      %dma_wait3A_126 = tpu.memref_slice %arg20[%dma_wait3A_124, %dma_wait3A_125] : memref<10240x64xbf16, #tpu.memory_space<vmem_shared>> -> memref<10240x64xbf16, #tpu.memory_space<vmem_shared>>
      tpu.wait_indirect_dma semaphore(%arg15 : memref<!tpu.dma_semaphore, #tpu.memory_space<semaphore_mem>>) src(%dma_wait3A_126 : memref<10240x64xbf16, #tpu.memory_space<vmem_shared>>) dst(%arg11 : memref<128x64xbf16, #tpu.memory_space<vmem>>)
      %dma_start3A_127 = arith.constant 3 : i32
      %dma_start3A_128 = arith.constant 0 : i32
      %dma_start3A_129 = tpu.memref_slice %arg7[%dma_start3A_127, %dma_start3A_128] : memref<16x128xi32, #tpu.memory_space<vmem>> -> memref<1x128xi32, #tpu.memory_space<vmem>>
      %dma_start3A_130 = tpu.memref_squeeze %dma_start3A_129 : memref<1x128xi32, #tpu.memory_space<vmem>> -> memref<128xi32, #tpu.memory_space<vmem>>
      %dma_start3A_131 = arith.constant 0 : i32
      %dma_start3A_132 = arith.constant 0 : i32
      %dma_start3A_133 = tpu.memref_slice %arg21[%dma_start3A_131, %dma_start3A_132] : memref<10240x64xbf16, #tpu.memory_space<vmem_shared>> -> memref<10240x64xbf16, #tpu.memory_space<vmem_shared>>
      tpu.enqueue_indirect_dma source(%arg11 : memref<128x64xbf16, #tpu.memory_space<vmem>>) target(%dma_start3A_133 : memref<10240x64xbf16, #tpu.memory_space<vmem_shared>>) offsets(%dma_start3A_130 : memref<128xi32, #tpu.memory_space<vmem>>) semaphore(%arg19 : memref<!tpu.dma_semaphore, #tpu.memory_space<semaphore_mem>>) {add = true}
      %dma_wait3A_134 = arith.constant 1 : i32
      %dma_wait3A_135 = arith.constant 0 : i32
      %dma_wait3A_136 = tpu.memref_slice %arg7[%dma_wait3A_134, %dma_wait3A_135] : memref<16x128xi32, #tpu.memory_space<vmem>> -> memref<1x128xi32, #tpu.memory_space<vmem>>
      %dma_wait3A_137 = tpu.memref_squeeze %dma_wait3A_136 : memref<1x128xi32, #tpu.memory_space<vmem>> -> memref<128xi32, #tpu.memory_space<vmem>>
      %dma_wait3A_138 = arith.constant 0 : i32
      %dma_wait3A_139 = arith.constant 0 : i32
      %dma_wait3A_140 = tpu.memref_slice %arg21[%dma_wait3A_138, %dma_wait3A_139] : memref<10240x64xbf16, #tpu.memory_space<vmem_shared>> -> memref<10240x64xbf16, #tpu.memory_space<vmem_shared>>
      tpu.wait_indirect_dma semaphore(%arg17 : memref<!tpu.dma_semaphore, #tpu.memory_space<semaphore_mem>>) src(%arg9 : memref<128x64xbf16, #tpu.memory_space<vmem>>) dst(%dma_wait3A_140 : memref<10240x64xbf16, #tpu.memory_space<vmem_shared>>)
      %dma_start3A_141 = arith.constant 5 : i32
      %dma_start3A_142 = arith.constant 0 : i32
      %dma_start3A_143 = tpu.memref_slice %arg6[%dma_start3A_141, %dma_start3A_142] : memref<16x128xi32, #tpu.memory_space<vmem>> -> memref<1x128xi32, #tpu.memory_space<vmem>>
      %dma_start3A_144 = tpu.memref_squeeze %dma_start3A_143 : memref<1x128xi32, #tpu.memory_space<vmem>> -> memref<128xi32, #tpu.memory_space<vmem>>
      %dma_start3A_145 = arith.constant 0 : i32
      %dma_start3A_146 = arith.constant 0 : i32
      %dma_start3A_147 = tpu.memref_slice %arg20[%dma_start3A_145, %dma_start3A_146] : memref<10240x64xbf16, #tpu.memory_space<vmem_shared>> -> memref<10240x64xbf16, #tpu.memory_space<vmem_shared>>
      tpu.enqueue_indirect_dma source(%dma_start3A_147 : memref<10240x64xbf16, #tpu.memory_space<vmem_shared>>) target(%arg9 : memref<128x64xbf16, #tpu.memory_space<vmem>>) offsets(%dma_start3A_144 : memref<128xi32, #tpu.memory_space<vmem>>) semaphore(%arg13 : memref<!tpu.dma_semaphore, #tpu.memory_space<semaphore_mem>>)
      %dma_wait3A_148 = arith.constant 4 : i32
      %dma_wait3A_149 = arith.constant 0 : i32
      %dma_wait3A_150 = tpu.memref_slice %arg6[%dma_wait3A_148, %dma_wait3A_149] : memref<16x128xi32, #tpu.memory_space<vmem>> -> memref<1x128xi32, #tpu.memory_space<vmem>>
      %dma_wait3A_151 = tpu.memref_squeeze %dma_wait3A_150 : memref<1x128xi32, #tpu.memory_space<vmem>> -> memref<128xi32, #tpu.memory_space<vmem>>
      %dma_wait3A_152 = arith.constant 0 : i32
      %dma_wait3A_153 = arith.constant 0 : i32
      %dma_wait3A_154 = tpu.memref_slice %arg20[%dma_wait3A_152, %dma_wait3A_153] : memref<10240x64xbf16, #tpu.memory_space<vmem_shared>> -> memref<10240x64xbf16, #tpu.memory_space<vmem_shared>>
      tpu.wait_indirect_dma semaphore(%arg12 : memref<!tpu.dma_semaphore, #tpu.memory_space<semaphore_mem>>) src(%dma_wait3A_154 : memref<10240x64xbf16, #tpu.memory_space<vmem_shared>>) dst(%arg8 : memref<128x64xbf16, #tpu.memory_space<vmem>>)
      %dma_start3A_155 = arith.constant 4 : i32
      %dma_start3A_156 = arith.constant 0 : i32
      %dma_start3A_157 = tpu.memref_slice %arg7[%dma_start3A_155, %dma_start3A_156] : memref<16x128xi32, #tpu.memory_space<vmem>> -> memref<1x128xi32, #tpu.memory_space<vmem>>
      %dma_start3A_158 = tpu.memref_squeeze %dma_start3A_157 : memref<1x128xi32, #tpu.memory_space<vmem>> -> memref<128xi32, #tpu.memory_space<vmem>>
      %dma_start3A_159 = arith.constant 0 : i32
      %dma_start3A_160 = arith.constant 0 : i32
      %dma_start3A_161 = tpu.memref_slice %arg21[%dma_start3A_159, %dma_start3A_160] : memref<10240x64xbf16, #tpu.memory_space<vmem_shared>> -> memref<10240x64xbf16, #tpu.memory_space<vmem_shared>>
      tpu.enqueue_indirect_dma source(%arg8 : memref<128x64xbf16, #tpu.memory_space<vmem>>) target(%dma_start3A_161 : memref<10240x64xbf16, #tpu.memory_space<vmem_shared>>) offsets(%dma_start3A_158 : memref<128xi32, #tpu.memory_space<vmem>>) semaphore(%arg16 : memref<!tpu.dma_semaphore, #tpu.memory_space<semaphore_mem>>) {add = true}
      %dma_wait3A_162 = arith.constant 2 : i32
      %dma_wait3A_163 = arith.constant 0 : i32
      %dma_wait3A_164 = tpu.memref_slice %arg7[%dma_wait3A_162, %dma_wait3A_163] : memref<16x128xi32, #tpu.memory_space<vmem>> -> memref<1x128xi32, #tpu.memory_space<vmem>>
      %dma_wait3A_165 = tpu.memref_squeeze %dma_wait3A_164 : memref<1x128xi32, #tpu.memory_space<vmem>> -> memref<128xi32, #tpu.memory_space<vmem>>
      %dma_wait3A_166 = arith.constant 0 : i32
      %dma_wait3A_167 = arith.constant 0 : i32
      %dma_wait3A_168 = tpu.memref_slice %arg21[%dma_wait3A_166, %dma_wait3A_167] : memref<10240x64xbf16, #tpu.memory_space<vmem_shared>> -> memref<10240x64xbf16, #tpu.memory_space<vmem_shared>>
      tpu.wait_indirect_dma semaphore(%arg18 : memref<!tpu.dma_semaphore, #tpu.memory_space<semaphore_mem>>) src(%arg10 : memref<128x64xbf16, #tpu.memory_space<vmem>>) dst(%dma_wait3A_168 : memref<10240x64xbf16, #tpu.memory_space<vmem_shared>>)
      %dma_start3A_169 = arith.constant 6 : i32
      %dma_start3A_170 = arith.constant 0 : i32
      %dma_start3A_171 = tpu.memref_slice %arg6[%dma_start3A_169, %dma_start3A_170] : memref<16x128xi32, #tpu.memory_space<vmem>> -> memref<1x128xi32, #tpu.memory_space<vmem>>
      %dma_start3A_172 = tpu.memref_squeeze %dma_start3A_171 : memref<1x128xi32, #tpu.memory_space<vmem>> -> memref<128xi32, #tpu.memory_space<vmem>>
      %dma_start3A_173 = arith.constant 0 : i32
      %dma_start3A_174 = arith.constant 0 : i32
      %dma_start3A_175 = tpu.memref_slice %arg20[%dma_start3A_173, %dma_start3A_174] : memref<10240x64xbf16, #tpu.memory_space<vmem_shared>> -> memref<10240x64xbf16, #tpu.memory_space<vmem_shared>>
      tpu.enqueue_indirect_dma source(%dma_start3A_175 : memref<10240x64xbf16, #tpu.memory_space<vmem_shared>>) target(%arg10 : memref<128x64xbf16, #tpu.memory_space<vmem>>) offsets(%dma_start3A_172 : memref<128xi32, #tpu.memory_space<vmem>>) semaphore(%arg14 : memref<!tpu.dma_semaphore, #tpu.memory_space<semaphore_mem>>)
      %dma_wait3A_176 = arith.constant 5 : i32
      %dma_wait3A_177 = arith.constant 0 : i32
      %dma_wait3A_178 = tpu.memref_slice %arg6[%dma_wait3A_176, %dma_wait3A_177] : memref<16x128xi32, #tpu.memory_space<vmem>> -> memref<1x128xi32, #tpu.memory_space<vmem>>
      %dma_wait3A_179 = tpu.memref_squeeze %dma_wait3A_178 : memref<1x128xi32, #tpu.memory_space<vmem>> -> memref<128xi32, #tpu.memory_space<vmem>>
      %dma_wait3A_180 = arith.constant 0 : i32
      %dma_wait3A_181 = arith.constant 0 : i32
      %dma_wait3A_182 = tpu.memref_slice %arg20[%dma_wait3A_180, %dma_wait3A_181] : memref<10240x64xbf16, #tpu.memory_space<vmem_shared>> -> memref<10240x64xbf16, #tpu.memory_space<vmem_shared>>
      tpu.wait_indirect_dma semaphore(%arg13 : memref<!tpu.dma_semaphore, #tpu.memory_space<semaphore_mem>>) src(%dma_wait3A_182 : memref<10240x64xbf16, #tpu.memory_space<vmem_shared>>) dst(%arg9 : memref<128x64xbf16, #tpu.memory_space<vmem>>)
      %dma_start3A_183 = arith.constant 5 : i32
      %dma_start3A_184 = arith.constant 0 : i32
      %dma_start3A_185 = tpu.memref_slice %arg7[%dma_start3A_183, %dma_start3A_184] : memref<16x128xi32, #tpu.memory_space<vmem>> -> memref<1x128xi32, #tpu.memory_space<vmem>>
      %dma_start3A_186 = tpu.memref_squeeze %dma_start3A_185 : memref<1x128xi32, #tpu.memory_space<vmem>> -> memref<128xi32, #tpu.memory_space<vmem>>
      %dma_start3A_187 = arith.constant 0 : i32
      %dma_start3A_188 = arith.constant 0 : i32
      %dma_start3A_189 = tpu.memref_slice %arg21[%dma_start3A_187, %dma_start3A_188] : memref<10240x64xbf16, #tpu.memory_space<vmem_shared>> -> memref<10240x64xbf16, #tpu.memory_space<vmem_shared>>
      tpu.enqueue_indirect_dma source(%arg9 : memref<128x64xbf16, #tpu.memory_space<vmem>>) target(%dma_start3A_189 : memref<10240x64xbf16, #tpu.memory_space<vmem_shared>>) offsets(%dma_start3A_186 : memref<128xi32, #tpu.memory_space<vmem>>) semaphore(%arg17 : memref<!tpu.dma_semaphore, #tpu.memory_space<semaphore_mem>>) {add = true}
      %dma_wait3A_190 = arith.constant 3 : i32
      %dma_wait3A_191 = arith.constant 0 : i32
      %dma_wait3A_192 = tpu.memref_slice %arg7[%dma_wait3A_190, %dma_wait3A_191] : memref<16x128xi32, #tpu.memory_space<vmem>> -> memref<1x128xi32, #tpu.memory_space<vmem>>
      %dma_wait3A_193 = tpu.memref_squeeze %dma_wait3A_192 : memref<1x128xi32, #tpu.memory_space<vmem>> -> memref<128xi32, #tpu.memory_space<vmem>>
      %dma_wait3A_194 = arith.constant 0 : i32
      %dma_wait3A_195 = arith.constant 0 : i32
      %dma_wait3A_196 = tpu.memref_slice %arg21[%dma_wait3A_194, %dma_wait3A_195] : memref<10240x64xbf16, #tpu.memory_space<vmem_shared>> -> memref<10240x64xbf16, #tpu.memory_space<vmem_shared>>
      tpu.wait_indirect_dma semaphore(%arg19 : memref<!tpu.dma_semaphore, #tpu.memory_space<semaphore_mem>>) src(%arg11 : memref<128x64xbf16, #tpu.memory_space<vmem>>) dst(%dma_wait3A_196 : memref<10240x64xbf16, #tpu.memory_space<vmem_shared>>)
      %dma_start3A_197 = arith.constant 7 : i32
      %dma_start3A_198 = arith.constant 0 : i32
      %dma_start3A_199 = tpu.memref_slice %arg6[%dma_start3A_197, %dma_start3A_198] : memref<16x128xi32, #tpu.memory_space<vmem>> -> memref<1x128xi32, #tpu.memory_space<vmem>>
      %dma_start3A_200 = tpu.memref_squeeze %dma_start3A_199 : memref<1x128xi32, #tpu.memory_space<vmem>> -> memref<128xi32, #tpu.memory_space<vmem>>
      %dma_start3A_201 = arith.constant 0 : i32
      %dma_start3A_202 = arith.constant 0 : i32
      %dma_start3A_203 = tpu.memref_slice %arg20[%dma_start3A_201, %dma_start3A_202] : memref<10240x64xbf16, #tpu.memory_space<vmem_shared>> -> memref<10240x64xbf16, #tpu.memory_space<vmem_shared>>
      tpu.enqueue_indirect_dma source(%dma_start3A_203 : memref<10240x64xbf16, #tpu.memory_space<vmem_shared>>) target(%arg11 : memref<128x64xbf16, #tpu.memory_space<vmem>>) offsets(%dma_start3A_200 : memref<128xi32, #tpu.memory_space<vmem>>) semaphore(%arg15 : memref<!tpu.dma_semaphore, #tpu.memory_space<semaphore_mem>>)
      %dma_wait3A_204 = arith.constant 6 : i32
      %dma_wait3A_205 = arith.constant 0 : i32
      %dma_wait3A_206 = tpu.memref_slice %arg6[%dma_wait3A_204, %dma_wait3A_205] : memref<16x128xi32, #tpu.memory_space<vmem>> -> memref<1x128xi32, #tpu.memory_space<vmem>>
      %dma_wait3A_207 = tpu.memref_squeeze %dma_wait3A_206 : memref<1x128xi32, #tpu.memory_space<vmem>> -> memref<128xi32, #tpu.memory_space<vmem>>
      %dma_wait3A_208 = arith.constant 0 : i32
      %dma_wait3A_209 = arith.constant 0 : i32
      %dma_wait3A_210 = tpu.memref_slice %arg20[%dma_wait3A_208, %dma_wait3A_209] : memref<10240x64xbf16, #tpu.memory_space<vmem_shared>> -> memref<10240x64xbf16, #tpu.memory_space<vmem_shared>>
      tpu.wait_indirect_dma semaphore(%arg14 : memref<!tpu.dma_semaphore, #tpu.memory_space<semaphore_mem>>) src(%dma_wait3A_210 : memref<10240x64xbf16, #tpu.memory_space<vmem_shared>>) dst(%arg10 : memref<128x64xbf16, #tpu.memory_space<vmem>>)
      %dma_start3A_211 = arith.constant 6 : i32
      %dma_start3A_212 = arith.constant 0 : i32
      %dma_start3A_213 = tpu.memref_slice %arg7[%dma_start3A_211, %dma_start3A_212] : memref<16x128xi32, #tpu.memory_space<vmem>> -> memref<1x128xi32, #tpu.memory_space<vmem>>
      %dma_start3A_214 = tpu.memref_squeeze %dma_start3A_213 : memref<1x128xi32, #tpu.memory_space<vmem>> -> memref<128xi32, #tpu.memory_space<vmem>>
      %dma_start3A_215 = arith.constant 0 : i32
      %dma_start3A_216 = arith.constant 0 : i32
      %dma_start3A_217 = tpu.memref_slice %arg21[%dma_start3A_215, %dma_start3A_216] : memref<10240x64xbf16, #tpu.memory_space<vmem_shared>> -> memref<10240x64xbf16, #tpu.memory_space<vmem_shared>>
      tpu.enqueue_indirect_dma source(%arg10 : memref<128x64xbf16, #tpu.memory_space<vmem>>) target(%dma_start3A_217 : memref<10240x64xbf16, #tpu.memory_space<vmem_shared>>) offsets(%dma_start3A_214 : memref<128xi32, #tpu.memory_space<vmem>>) semaphore(%arg18 : memref<!tpu.dma_semaphore, #tpu.memory_space<semaphore_mem>>) {add = true}
      %dma_wait3A_218 = arith.constant 4 : i32
      %dma_wait3A_219 = arith.constant 0 : i32
      %dma_wait3A_220 = tpu.memref_slice %arg7[%dma_wait3A_218, %dma_wait3A_219] : memref<16x128xi32, #tpu.memory_space<vmem>> -> memref<1x128xi32, #tpu.memory_space<vmem>>
      %dma_wait3A_221 = tpu.memref_squeeze %dma_wait3A_220 : memref<1x128xi32, #tpu.memory_space<vmem>> -> memref<128xi32, #tpu.memory_space<vmem>>
      %dma_wait3A_222 = arith.constant 0 : i32
      %dma_wait3A_223 = arith.constant 0 : i32
      %dma_wait3A_224 = tpu.memref_slice %arg21[%dma_wait3A_222, %dma_wait3A_223] : memref<10240x64xbf16, #tpu.memory_space<vmem_shared>> -> memref<10240x64xbf16, #tpu.memory_space<vmem_shared>>
      tpu.wait_indirect_dma semaphore(%arg16 : memref<!tpu.dma_semaphore, #tpu.memory_space<semaphore_mem>>) src(%arg8 : memref<128x64xbf16, #tpu.memory_space<vmem>>) dst(%dma_wait3A_224 : memref<10240x64xbf16, #tpu.memory_space<vmem_shared>>)
      %dma_start3A_225 = arith.constant 8 : i32
      %dma_start3A_226 = arith.constant 0 : i32
      %dma_start3A_227 = tpu.memref_slice %arg6[%dma_start3A_225, %dma_start3A_226] : memref<16x128xi32, #tpu.memory_space<vmem>> -> memref<1x128xi32, #tpu.memory_space<vmem>>
      %dma_start3A_228 = tpu.memref_squeeze %dma_start3A_227 : memref<1x128xi32, #tpu.memory_space<vmem>> -> memref<128xi32, #tpu.memory_space<vmem>>
      %dma_start3A_229 = arith.constant 0 : i32
      %dma_start3A_230 = arith.constant 0 : i32
      %dma_start3A_231 = tpu.memref_slice %arg20[%dma_start3A_229, %dma_start3A_230] : memref<10240x64xbf16, #tpu.memory_space<vmem_shared>> -> memref<10240x64xbf16, #tpu.memory_space<vmem_shared>>
      tpu.enqueue_indirect_dma source(%dma_start3A_231 : memref<10240x64xbf16, #tpu.memory_space<vmem_shared>>) target(%arg8 : memref<128x64xbf16, #tpu.memory_space<vmem>>) offsets(%dma_start3A_228 : memref<128xi32, #tpu.memory_space<vmem>>) semaphore(%arg12 : memref<!tpu.dma_semaphore, #tpu.memory_space<semaphore_mem>>)
      %dma_wait3A_232 = arith.constant 7 : i32
      %dma_wait3A_233 = arith.constant 0 : i32
      %dma_wait3A_234 = tpu.memref_slice %arg6[%dma_wait3A_232, %dma_wait3A_233] : memref<16x128xi32, #tpu.memory_space<vmem>> -> memref<1x128xi32, #tpu.memory_space<vmem>>
      %dma_wait3A_235 = tpu.memref_squeeze %dma_wait3A_234 : memref<1x128xi32, #tpu.memory_space<vmem>> -> memref<128xi32, #tpu.memory_space<vmem>>
      %dma_wait3A_236 = arith.constant 0 : i32
      %dma_wait3A_237 = arith.constant 0 : i32
      %dma_wait3A_238 = tpu.memref_slice %arg20[%dma_wait3A_236, %dma_wait3A_237] : memref<10240x64xbf16, #tpu.memory_space<vmem_shared>> -> memref<10240x64xbf16, #tpu.memory_space<vmem_shared>>
      tpu.wait_indirect_dma semaphore(%arg15 : memref<!tpu.dma_semaphore, #tpu.memory_space<semaphore_mem>>) src(%dma_wait3A_238 : memref<10240x64xbf16, #tpu.memory_space<vmem_shared>>) dst(%arg11 : memref<128x64xbf16, #tpu.memory_space<vmem>>)
      %dma_start3A_239 = arith.constant 7 : i32
      %dma_start3A_240 = arith.constant 0 : i32
      %dma_start3A_241 = tpu.memref_slice %arg7[%dma_start3A_239, %dma_start3A_240] : memref<16x128xi32, #tpu.memory_space<vmem>> -> memref<1x128xi32, #tpu.memory_space<vmem>>
      %dma_start3A_242 = tpu.memref_squeeze %dma_start3A_241 : memref<1x128xi32, #tpu.memory_space<vmem>> -> memref<128xi32, #tpu.memory_space<vmem>>
      %dma_start3A_243 = arith.constant 0 : i32
      %dma_start3A_244 = arith.constant 0 : i32
      %dma_start3A_245 = tpu.memref_slice %arg21[%dma_start3A_243, %dma_start3A_244] : memref<10240x64xbf16, #tpu.memory_space<vmem_shared>> -> memref<10240x64xbf16, #tpu.memory_space<vmem_shared>>
      tpu.enqueue_indirect_dma source(%arg11 : memref<128x64xbf16, #tpu.memory_space<vmem>>) target(%dma_start3A_245 : memref<10240x64xbf16, #tpu.memory_space<vmem_shared>>) offsets(%dma_start3A_242 : memref<128xi32, #tpu.memory_space<vmem>>) semaphore(%arg19 : memref<!tpu.dma_semaphore, #tpu.memory_space<semaphore_mem>>) {add = true}
      %dma_wait3A_246 = arith.constant 5 : i32
      %dma_wait3A_247 = arith.constant 0 : i32
      %dma_wait3A_248 = tpu.memref_slice %arg7[%dma_wait3A_246, %dma_wait3A_247] : memref<16x128xi32, #tpu.memory_space<vmem>> -> memref<1x128xi32, #tpu.memory_space<vmem>>
      %dma_wait3A_249 = tpu.memref_squeeze %dma_wait3A_248 : memref<1x128xi32, #tpu.memory_space<vmem>> -> memref<128xi32, #tpu.memory_space<vmem>>
      %dma_wait3A_250 = arith.constant 0 : i32
      %dma_wait3A_251 = arith.constant 0 : i32
      %dma_wait3A_252 = tpu.memref_slice %arg21[%dma_wait3A_250, %dma_wait3A_251] : memref<10240x64xbf16, #tpu.memory_space<vmem_shared>> -> memref<10240x64xbf16, #tpu.memory_space<vmem_shared>>
      tpu.wait_indirect_dma semaphore(%arg17 : memref<!tpu.dma_semaphore, #tpu.memory_space<semaphore_mem>>) src(%arg9 : memref<128x64xbf16, #tpu.memory_space<vmem>>) dst(%dma_wait3A_252 : memref<10240x64xbf16, #tpu.memory_space<vmem_shared>>)
      %dma_start3A_253 = arith.constant 9 : i32
      %dma_start3A_254 = arith.constant 0 : i32
      %dma_start3A_255 = tpu.memref_slice %arg6[%dma_start3A_253, %dma_start3A_254] : memref<16x128xi32, #tpu.memory_space<vmem>> -> memref<1x128xi32, #tpu.memory_space<vmem>>
      %dma_start3A_256 = tpu.memref_squeeze %dma_start3A_255 : memref<1x128xi32, #tpu.memory_space<vmem>> -> memref<128xi32, #tpu.memory_space<vmem>>
      %dma_start3A_257 = arith.constant 0 : i32
      %dma_start3A_258 = arith.constant 0 : i32
      %dma_start3A_259 = tpu.memref_slice %arg20[%dma_start3A_257, %dma_start3A_258] : memref<10240x64xbf16, #tpu.memory_space<vmem_shared>> -> memref<10240x64xbf16, #tpu.memory_space<vmem_shared>>
      tpu.enqueue_indirect_dma source(%dma_start3A_259 : memref<10240x64xbf16, #tpu.memory_space<vmem_shared>>) target(%arg9 : memref<128x64xbf16, #tpu.memory_space<vmem>>) offsets(%dma_start3A_256 : memref<128xi32, #tpu.memory_space<vmem>>) semaphore(%arg13 : memref<!tpu.dma_semaphore, #tpu.memory_space<semaphore_mem>>)
      %dma_wait3A_260 = arith.constant 8 : i32
      %dma_wait3A_261 = arith.constant 0 : i32
      %dma_wait3A_262 = tpu.memref_slice %arg6[%dma_wait3A_260, %dma_wait3A_261] : memref<16x128xi32, #tpu.memory_space<vmem>> -> memref<1x128xi32, #tpu.memory_space<vmem>>
      %dma_wait3A_263 = tpu.memref_squeeze %dma_wait3A_262 : memref<1x128xi32, #tpu.memory_space<vmem>> -> memref<128xi32, #tpu.memory_space<vmem>>
      %dma_wait3A_264 = arith.constant 0 : i32
      %dma_wait3A_265 = arith.constant 0 : i32
      %dma_wait3A_266 = tpu.memref_slice %arg20[%dma_wait3A_264, %dma_wait3A_265] : memref<10240x64xbf16, #tpu.memory_space<vmem_shared>> -> memref<10240x64xbf16, #tpu.memory_space<vmem_shared>>
      tpu.wait_indirect_dma semaphore(%arg12 : memref<!tpu.dma_semaphore, #tpu.memory_space<semaphore_mem>>) src(%dma_wait3A_266 : memref<10240x64xbf16, #tpu.memory_space<vmem_shared>>) dst(%arg8 : memref<128x64xbf16, #tpu.memory_space<vmem>>)
      %dma_start3A_267 = arith.constant 8 : i32
      %dma_start3A_268 = arith.constant 0 : i32
      %dma_start3A_269 = tpu.memref_slice %arg7[%dma_start3A_267, %dma_start3A_268] : memref<16x128xi32, #tpu.memory_space<vmem>> -> memref<1x128xi32, #tpu.memory_space<vmem>>
      %dma_start3A_270 = tpu.memref_squeeze %dma_start3A_269 : memref<1x128xi32, #tpu.memory_space<vmem>> -> memref<128xi32, #tpu.memory_space<vmem>>
      %dma_start3A_271 = arith.constant 0 : i32
      %dma_start3A_272 = arith.constant 0 : i32
      %dma_start3A_273 = tpu.memref_slice %arg21[%dma_start3A_271, %dma_start3A_272] : memref<10240x64xbf16, #tpu.memory_space<vmem_shared>> -> memref<10240x64xbf16, #tpu.memory_space<vmem_shared>>
      tpu.enqueue_indirect_dma source(%arg8 : memref<128x64xbf16, #tpu.memory_space<vmem>>) target(%dma_start3A_273 : memref<10240x64xbf16, #tpu.memory_space<vmem_shared>>) offsets(%dma_start3A_270 : memref<128xi32, #tpu.memory_space<vmem>>) semaphore(%arg16 : memref<!tpu.dma_semaphore, #tpu.memory_space<semaphore_mem>>) {add = true}
      %dma_wait3A_274 = arith.constant 6 : i32
      %dma_wait3A_275 = arith.constant 0 : i32
      %dma_wait3A_276 = tpu.memref_slice %arg7[%dma_wait3A_274, %dma_wait3A_275] : memref<16x128xi32, #tpu.memory_space<vmem>> -> memref<1x128xi32, #tpu.memory_space<vmem>>
      %dma_wait3A_277 = tpu.memref_squeeze %dma_wait3A_276 : memref<1x128xi32, #tpu.memory_space<vmem>> -> memref<128xi32, #tpu.memory_space<vmem>>
      %dma_wait3A_278 = arith.constant 0 : i32
      %dma_wait3A_279 = arith.constant 0 : i32
      %dma_wait3A_280 = tpu.memref_slice %arg21[%dma_wait3A_278, %dma_wait3A_279] : memref<10240x64xbf16, #tpu.memory_space<vmem_shared>> -> memref<10240x64xbf16, #tpu.memory_space<vmem_shared>>
      tpu.wait_indirect_dma semaphore(%arg18 : memref<!tpu.dma_semaphore, #tpu.memory_space<semaphore_mem>>) src(%arg10 : memref<128x64xbf16, #tpu.memory_space<vmem>>) dst(%dma_wait3A_280 : memref<10240x64xbf16, #tpu.memory_space<vmem_shared>>)
      %dma_start3A_281 = arith.constant 10 : i32
      %dma_start3A_282 = arith.constant 0 : i32
      %dma_start3A_283 = tpu.memref_slice %arg6[%dma_start3A_281, %dma_start3A_282] : memref<16x128xi32, #tpu.memory_space<vmem>> -> memref<1x128xi32, #tpu.memory_space<vmem>>
      %dma_start3A_284 = tpu.memref_squeeze %dma_start3A_283 : memref<1x128xi32, #tpu.memory_space<vmem>> -> memref<128xi32, #tpu.memory_space<vmem>>
      %dma_start3A_285 = arith.constant 0 : i32
      %dma_start3A_286 = arith.constant 0 : i32
      %dma_start3A_287 = tpu.memref_slice %arg20[%dma_start3A_285, %dma_start3A_286] : memref<10240x64xbf16, #tpu.memory_space<vmem_shared>> -> memref<10240x64xbf16, #tpu.memory_space<vmem_shared>>
      tpu.enqueue_indirect_dma source(%dma_start3A_287 : memref<10240x64xbf16, #tpu.memory_space<vmem_shared>>) target(%arg10 : memref<128x64xbf16, #tpu.memory_space<vmem>>) offsets(%dma_start3A_284 : memref<128xi32, #tpu.memory_space<vmem>>) semaphore(%arg14 : memref<!tpu.dma_semaphore, #tpu.memory_space<semaphore_mem>>)
      %dma_wait3A_288 = arith.constant 9 : i32
      %dma_wait3A_289 = arith.constant 0 : i32
      %dma_wait3A_290 = tpu.memref_slice %arg6[%dma_wait3A_288, %dma_wait3A_289] : memref<16x128xi32, #tpu.memory_space<vmem>> -> memref<1x128xi32, #tpu.memory_space<vmem>>
      %dma_wait3A_291 = tpu.memref_squeeze %dma_wait3A_290 : memref<1x128xi32, #tpu.memory_space<vmem>> -> memref<128xi32, #tpu.memory_space<vmem>>
      %dma_wait3A_292 = arith.constant 0 : i32
      %dma_wait3A_293 = arith.constant 0 : i32
      %dma_wait3A_294 = tpu.memref_slice %arg20[%dma_wait3A_292, %dma_wait3A_293] : memref<10240x64xbf16, #tpu.memory_space<vmem_shared>> -> memref<10240x64xbf16, #tpu.memory_space<vmem_shared>>
      tpu.wait_indirect_dma semaphore(%arg13 : memref<!tpu.dma_semaphore, #tpu.memory_space<semaphore_mem>>) src(%dma_wait3A_294 : memref<10240x64xbf16, #tpu.memory_space<vmem_shared>>) dst(%arg9 : memref<128x64xbf16, #tpu.memory_space<vmem>>)
      %dma_start3A_295 = arith.constant 9 : i32
      %dma_start3A_296 = arith.constant 0 : i32
      %dma_start3A_297 = tpu.memref_slice %arg7[%dma_start3A_295, %dma_start3A_296] : memref<16x128xi32, #tpu.memory_space<vmem>> -> memref<1x128xi32, #tpu.memory_space<vmem>>
      %dma_start3A_298 = tpu.memref_squeeze %dma_start3A_297 : memref<1x128xi32, #tpu.memory_space<vmem>> -> memref<128xi32, #tpu.memory_space<vmem>>
      %dma_start3A_299 = arith.constant 0 : i32
      %dma_start3A_300 = arith.constant 0 : i32
      %dma_start3A_301 = tpu.memref_slice %arg21[%dma_start3A_299, %dma_start3A_300] : memref<10240x64xbf16, #tpu.memory_space<vmem_shared>> -> memref<10240x64xbf16, #tpu.memory_space<vmem_shared>>
      tpu.enqueue_indirect_dma source(%arg9 : memref<128x64xbf16, #tpu.memory_space<vmem>>) target(%dma_start3A_301 : memref<10240x64xbf16, #tpu.memory_space<vmem_shared>>) offsets(%dma_start3A_298 : memref<128xi32, #tpu.memory_space<vmem>>) semaphore(%arg17 : memref<!tpu.dma_semaphore, #tpu.memory_space<semaphore_mem>>) {add = true}
      %dma_wait3A_302 = arith.constant 7 : i32
      %dma_wait3A_303 = arith.constant 0 : i32
      %dma_wait3A_304 = tpu.memref_slice %arg7[%dma_wait3A_302, %dma_wait3A_303] : memref<16x128xi32, #tpu.memory_space<vmem>> -> memref<1x128xi32, #tpu.memory_space<vmem>>
      %dma_wait3A_305 = tpu.memref_squeeze %dma_wait3A_304 : memref<1x128xi32, #tpu.memory_space<vmem>> -> memref<128xi32, #tpu.memory_space<vmem>>
      %dma_wait3A_306 = arith.constant 0 : i32
      %dma_wait3A_307 = arith.constant 0 : i32
      %dma_wait3A_308 = tpu.memref_slice %arg21[%dma_wait3A_306, %dma_wait3A_307] : memref<10240x64xbf16, #tpu.memory_space<vmem_shared>> -> memref<10240x64xbf16, #tpu.memory_space<vmem_shared>>
      tpu.wait_indirect_dma semaphore(%arg19 : memref<!tpu.dma_semaphore, #tpu.memory_space<semaphore_mem>>) src(%arg11 : memref<128x64xbf16, #tpu.memory_space<vmem>>) dst(%dma_wait3A_308 : memref<10240x64xbf16, #tpu.memory_space<vmem_shared>>)
      %dma_start3A_309 = arith.constant 11 : i32
      %dma_start3A_310 = arith.constant 0 : i32
      %dma_start3A_311 = tpu.memref_slice %arg6[%dma_start3A_309, %dma_start3A_310] : memref<16x128xi32, #tpu.memory_space<vmem>> -> memref<1x128xi32, #tpu.memory_space<vmem>>
      %dma_start3A_312 = tpu.memref_squeeze %dma_start3A_311 : memref<1x128xi32, #tpu.memory_space<vmem>> -> memref<128xi32, #tpu.memory_space<vmem>>
      %dma_start3A_313 = arith.constant 0 : i32
      %dma_start3A_314 = arith.constant 0 : i32
      %dma_start3A_315 = tpu.memref_slice %arg20[%dma_start3A_313, %dma_start3A_314] : memref<10240x64xbf16, #tpu.memory_space<vmem_shared>> -> memref<10240x64xbf16, #tpu.memory_space<vmem_shared>>
      tpu.enqueue_indirect_dma source(%dma_start3A_315 : memref<10240x64xbf16, #tpu.memory_space<vmem_shared>>) target(%arg11 : memref<128x64xbf16, #tpu.memory_space<vmem>>) offsets(%dma_start3A_312 : memref<128xi32, #tpu.memory_space<vmem>>) semaphore(%arg15 : memref<!tpu.dma_semaphore, #tpu.memory_space<semaphore_mem>>)
      %dma_wait3A_316 = arith.constant 10 : i32
      %dma_wait3A_317 = arith.constant 0 : i32
      %dma_wait3A_318 = tpu.memref_slice %arg6[%dma_wait3A_316, %dma_wait3A_317] : memref<16x128xi32, #tpu.memory_space<vmem>> -> memref<1x128xi32, #tpu.memory_space<vmem>>
      %dma_wait3A_319 = tpu.memref_squeeze %dma_wait3A_318 : memref<1x128xi32, #tpu.memory_space<vmem>> -> memref<128xi32, #tpu.memory_space<vmem>>
      %dma_wait3A_320 = arith.constant 0 : i32
      %dma_wait3A_321 = arith.constant 0 : i32
      %dma_wait3A_322 = tpu.memref_slice %arg20[%dma_wait3A_320, %dma_wait3A_321] : memref<10240x64xbf16, #tpu.memory_space<vmem_shared>> -> memref<10240x64xbf16, #tpu.memory_space<vmem_shared>>
      tpu.wait_indirect_dma semaphore(%arg14 : memref<!tpu.dma_semaphore, #tpu.memory_space<semaphore_mem>>) src(%dma_wait3A_322 : memref<10240x64xbf16, #tpu.memory_space<vmem_shared>>) dst(%arg10 : memref<128x64xbf16, #tpu.memory_space<vmem>>)
      %dma_start3A_323 = arith.constant 10 : i32
      %dma_start3A_324 = arith.constant 0 : i32
      %dma_start3A_325 = tpu.memref_slice %arg7[%dma_start3A_323, %dma_start3A_324] : memref<16x128xi32, #tpu.memory_space<vmem>> -> memref<1x128xi32, #tpu.memory_space<vmem>>
      %dma_start3A_326 = tpu.memref_squeeze %dma_start3A_325 : memref<1x128xi32, #tpu.memory_space<vmem>> -> memref<128xi32, #tpu.memory_space<vmem>>
      %dma_start3A_327 = arith.constant 0 : i32
      %dma_start3A_328 = arith.constant 0 : i32
      %dma_start3A_329 = tpu.memref_slice %arg21[%dma_start3A_327, %dma_start3A_328] : memref<10240x64xbf16, #tpu.memory_space<vmem_shared>> -> memref<10240x64xbf16, #tpu.memory_space<vmem_shared>>
      tpu.enqueue_indirect_dma source(%arg10 : memref<128x64xbf16, #tpu.memory_space<vmem>>) target(%dma_start3A_329 : memref<10240x64xbf16, #tpu.memory_space<vmem_shared>>) offsets(%dma_start3A_326 : memref<128xi32, #tpu.memory_space<vmem>>) semaphore(%arg18 : memref<!tpu.dma_semaphore, #tpu.memory_space<semaphore_mem>>) {add = true}
      %dma_wait3A_330 = arith.constant 8 : i32
      %dma_wait3A_331 = arith.constant 0 : i32
      %dma_wait3A_332 = tpu.memref_slice %arg7[%dma_wait3A_330, %dma_wait3A_331] : memref<16x128xi32, #tpu.memory_space<vmem>> -> memref<1x128xi32, #tpu.memory_space<vmem>>
      %dma_wait3A_333 = tpu.memref_squeeze %dma_wait3A_332 : memref<1x128xi32, #tpu.memory_space<vmem>> -> memref<128xi32, #tpu.memory_space<vmem>>
      %dma_wait3A_334 = arith.constant 0 : i32
      %dma_wait3A_335 = arith.constant 0 : i32
      %dma_wait3A_336 = tpu.memref_slice %arg21[%dma_wait3A_334, %dma_wait3A_335] : memref<10240x64xbf16, #tpu.memory_space<vmem_shared>> -> memref<10240x64xbf16, #tpu.memory_space<vmem_shared>>
      tpu.wait_indirect_dma semaphore(%arg16 : memref<!tpu.dma_semaphore, #tpu.memory_space<semaphore_mem>>) src(%arg8 : memref<128x64xbf16, #tpu.memory_space<vmem>>) dst(%dma_wait3A_336 : memref<10240x64xbf16, #tpu.memory_space<vmem_shared>>)
      %dma_start3A_337 = arith.constant 12 : i32
      %dma_start3A_338 = arith.constant 0 : i32
      %dma_start3A_339 = tpu.memref_slice %arg6[%dma_start3A_337, %dma_start3A_338] : memref<16x128xi32, #tpu.memory_space<vmem>> -> memref<1x128xi32, #tpu.memory_space<vmem>>
      %dma_start3A_340 = tpu.memref_squeeze %dma_start3A_339 : memref<1x128xi32, #tpu.memory_space<vmem>> -> memref<128xi32, #tpu.memory_space<vmem>>
      %dma_start3A_341 = arith.constant 0 : i32
      %dma_start3A_342 = arith.constant 0 : i32
      %dma_start3A_343 = tpu.memref_slice %arg20[%dma_start3A_341, %dma_start3A_342] : memref<10240x64xbf16, #tpu.memory_space<vmem_shared>> -> memref<10240x64xbf16, #tpu.memory_space<vmem_shared>>
      tpu.enqueue_indirect_dma source(%dma_start3A_343 : memref<10240x64xbf16, #tpu.memory_space<vmem_shared>>) target(%arg8 : memref<128x64xbf16, #tpu.memory_space<vmem>>) offsets(%dma_start3A_340 : memref<128xi32, #tpu.memory_space<vmem>>) semaphore(%arg12 : memref<!tpu.dma_semaphore, #tpu.memory_space<semaphore_mem>>)
      %dma_wait3A_344 = arith.constant 11 : i32
      %dma_wait3A_345 = arith.constant 0 : i32
      %dma_wait3A_346 = tpu.memref_slice %arg6[%dma_wait3A_344, %dma_wait3A_345] : memref<16x128xi32, #tpu.memory_space<vmem>> -> memref<1x128xi32, #tpu.memory_space<vmem>>
      %dma_wait3A_347 = tpu.memref_squeeze %dma_wait3A_346 : memref<1x128xi32, #tpu.memory_space<vmem>> -> memref<128xi32, #tpu.memory_space<vmem>>
      %dma_wait3A_348 = arith.constant 0 : i32
      %dma_wait3A_349 = arith.constant 0 : i32
      %dma_wait3A_350 = tpu.memref_slice %arg20[%dma_wait3A_348, %dma_wait3A_349] : memref<10240x64xbf16, #tpu.memory_space<vmem_shared>> -> memref<10240x64xbf16, #tpu.memory_space<vmem_shared>>
      tpu.wait_indirect_dma semaphore(%arg15 : memref<!tpu.dma_semaphore, #tpu.memory_space<semaphore_mem>>) src(%dma_wait3A_350 : memref<10240x64xbf16, #tpu.memory_space<vmem_shared>>) dst(%arg11 : memref<128x64xbf16, #tpu.memory_space<vmem>>)
      %dma_start3A_351 = arith.constant 11 : i32
      %dma_start3A_352 = arith.constant 0 : i32
      %dma_start3A_353 = tpu.memref_slice %arg7[%dma_start3A_351, %dma_start3A_352] : memref<16x128xi32, #tpu.memory_space<vmem>> -> memref<1x128xi32, #tpu.memory_space<vmem>>
      %dma_start3A_354 = tpu.memref_squeeze %dma_start3A_353 : memref<1x128xi32, #tpu.memory_space<vmem>> -> memref<128xi32, #tpu.memory_space<vmem>>
      %dma_start3A_355 = arith.constant 0 : i32
      %dma_start3A_356 = arith.constant 0 : i32
      %dma_start3A_357 = tpu.memref_slice %arg21[%dma_start3A_355, %dma_start3A_356] : memref<10240x64xbf16, #tpu.memory_space<vmem_shared>> -> memref<10240x64xbf16, #tpu.memory_space<vmem_shared>>
      tpu.enqueue_indirect_dma source(%arg11 : memref<128x64xbf16, #tpu.memory_space<vmem>>) target(%dma_start3A_357 : memref<10240x64xbf16, #tpu.memory_space<vmem_shared>>) offsets(%dma_start3A_354 : memref<128xi32, #tpu.memory_space<vmem>>) semaphore(%arg19 : memref<!tpu.dma_semaphore, #tpu.memory_space<semaphore_mem>>) {add = true}
      %dma_wait3A_358 = arith.constant 9 : i32
      %dma_wait3A_359 = arith.constant 0 : i32
      %dma_wait3A_360 = tpu.memref_slice %arg7[%dma_wait3A_358, %dma_wait3A_359] : memref<16x128xi32, #tpu.memory_space<vmem>> -> memref<1x128xi32, #tpu.memory_space<vmem>>
      %dma_wait3A_361 = tpu.memref_squeeze %dma_wait3A_360 : memref<1x128xi32, #tpu.memory_space<vmem>> -> memref<128xi32, #tpu.memory_space<vmem>>
      %dma_wait3A_362 = arith.constant 0 : i32
      %dma_wait3A_363 = arith.constant 0 : i32
      %dma_wait3A_364 = tpu.memref_slice %arg21[%dma_wait3A_362, %dma_wait3A_363] : memref<10240x64xbf16, #tpu.memory_space<vmem_shared>> -> memref<10240x64xbf16, #tpu.memory_space<vmem_shared>>
      tpu.wait_indirect_dma semaphore(%arg17 : memref<!tpu.dma_semaphore, #tpu.memory_space<semaphore_mem>>) src(%arg9 : memref<128x64xbf16, #tpu.memory_space<vmem>>) dst(%dma_wait3A_364 : memref<10240x64xbf16, #tpu.memory_space<vmem_shared>>)
      %dma_start3A_365 = arith.constant 13 : i32
      %dma_start3A_366 = arith.constant 0 : i32
      %dma_start3A_367 = tpu.memref_slice %arg6[%dma_start3A_365, %dma_start3A_366] : memref<16x128xi32, #tpu.memory_space<vmem>> -> memref<1x128xi32, #tpu.memory_space<vmem>>
      %dma_start3A_368 = tpu.memref_squeeze %dma_start3A_367 : memref<1x128xi32, #tpu.memory_space<vmem>> -> memref<128xi32, #tpu.memory_space<vmem>>
      %dma_start3A_369 = arith.constant 0 : i32
      %dma_start3A_370 = arith.constant 0 : i32
      %dma_start3A_371 = tpu.memref_slice %arg20[%dma_start3A_369, %dma_start3A_370] : memref<10240x64xbf16, #tpu.memory_space<vmem_shared>> -> memref<10240x64xbf16, #tpu.memory_space<vmem_shared>>
      tpu.enqueue_indirect_dma source(%dma_start3A_371 : memref<10240x64xbf16, #tpu.memory_space<vmem_shared>>) target(%arg9 : memref<128x64xbf16, #tpu.memory_space<vmem>>) offsets(%dma_start3A_368 : memref<128xi32, #tpu.memory_space<vmem>>) semaphore(%arg13 : memref<!tpu.dma_semaphore, #tpu.memory_space<semaphore_mem>>)
      %dma_wait3A_372 = arith.constant 12 : i32
      %dma_wait3A_373 = arith.constant 0 : i32
      %dma_wait3A_374 = tpu.memref_slice %arg6[%dma_wait3A_372, %dma_wait3A_373] : memref<16x128xi32, #tpu.memory_space<vmem>> -> memref<1x128xi32, #tpu.memory_space<vmem>>
      %dma_wait3A_375 = tpu.memref_squeeze %dma_wait3A_374 : memref<1x128xi32, #tpu.memory_space<vmem>> -> memref<128xi32, #tpu.memory_space<vmem>>
      %dma_wait3A_376 = arith.constant 0 : i32
      %dma_wait3A_377 = arith.constant 0 : i32
      %dma_wait3A_378 = tpu.memref_slice %arg20[%dma_wait3A_376, %dma_wait3A_377] : memref<10240x64xbf16, #tpu.memory_space<vmem_shared>> -> memref<10240x64xbf16, #tpu.memory_space<vmem_shared>>
      tpu.wait_indirect_dma semaphore(%arg12 : memref<!tpu.dma_semaphore, #tpu.memory_space<semaphore_mem>>) src(%dma_wait3A_378 : memref<10240x64xbf16, #tpu.memory_space<vmem_shared>>) dst(%arg8 : memref<128x64xbf16, #tpu.memory_space<vmem>>)
      %dma_start3A_379 = arith.constant 12 : i32
      %dma_start3A_380 = arith.constant 0 : i32
      %dma_start3A_381 = tpu.memref_slice %arg7[%dma_start3A_379, %dma_start3A_380] : memref<16x128xi32, #tpu.memory_space<vmem>> -> memref<1x128xi32, #tpu.memory_space<vmem>>
      %dma_start3A_382 = tpu.memref_squeeze %dma_start3A_381 : memref<1x128xi32, #tpu.memory_space<vmem>> -> memref<128xi32, #tpu.memory_space<vmem>>
      %dma_start3A_383 = arith.constant 0 : i32
      %dma_start3A_384 = arith.constant 0 : i32
      %dma_start3A_385 = tpu.memref_slice %arg21[%dma_start3A_383, %dma_start3A_384] : memref<10240x64xbf16, #tpu.memory_space<vmem_shared>> -> memref<10240x64xbf16, #tpu.memory_space<vmem_shared>>
      tpu.enqueue_indirect_dma source(%arg8 : memref<128x64xbf16, #tpu.memory_space<vmem>>) target(%dma_start3A_385 : memref<10240x64xbf16, #tpu.memory_space<vmem_shared>>) offsets(%dma_start3A_382 : memref<128xi32, #tpu.memory_space<vmem>>) semaphore(%arg16 : memref<!tpu.dma_semaphore, #tpu.memory_space<semaphore_mem>>) {add = true}
      %dma_wait3A_386 = arith.constant 10 : i32
      %dma_wait3A_387 = arith.constant 0 : i32
      %dma_wait3A_388 = tpu.memref_slice %arg7[%dma_wait3A_386, %dma_wait3A_387] : memref<16x128xi32, #tpu.memory_space<vmem>> -> memref<1x128xi32, #tpu.memory_space<vmem>>
      %dma_wait3A_389 = tpu.memref_squeeze %dma_wait3A_388 : memref<1x128xi32, #tpu.memory_space<vmem>> -> memref<128xi32, #tpu.memory_space<vmem>>
      %dma_wait3A_390 = arith.constant 0 : i32
      %dma_wait3A_391 = arith.constant 0 : i32
      %dma_wait3A_392 = tpu.memref_slice %arg21[%dma_wait3A_390, %dma_wait3A_391] : memref<10240x64xbf16, #tpu.memory_space<vmem_shared>> -> memref<10240x64xbf16, #tpu.memory_space<vmem_shared>>
      tpu.wait_indirect_dma semaphore(%arg18 : memref<!tpu.dma_semaphore, #tpu.memory_space<semaphore_mem>>) src(%arg10 : memref<128x64xbf16, #tpu.memory_space<vmem>>) dst(%dma_wait3A_392 : memref<10240x64xbf16, #tpu.memory_space<vmem_shared>>)
      %dma_start3A_393 = arith.constant 14 : i32
      %dma_start3A_394 = arith.constant 0 : i32
      %dma_start3A_395 = tpu.memref_slice %arg6[%dma_start3A_393, %dma_start3A_394] : memref<16x128xi32, #tpu.memory_space<vmem>> -> memref<1x128xi32, #tpu.memory_space<vmem>>
      %dma_start3A_396 = tpu.memref_squeeze %dma_start3A_395 : memref<1x128xi32, #tpu.memory_space<vmem>> -> memref<128xi32, #tpu.memory_space<vmem>>
      %dma_start3A_397 = arith.constant 0 : i32
      %dma_start3A_398 = arith.constant 0 : i32
      %dma_start3A_399 = tpu.memref_slice %arg20[%dma_start3A_397, %dma_start3A_398] : memref<10240x64xbf16, #tpu.memory_space<vmem_shared>> -> memref<10240x64xbf16, #tpu.memory_space<vmem_shared>>
      tpu.enqueue_indirect_dma source(%dma_start3A_399 : memref<10240x64xbf16, #tpu.memory_space<vmem_shared>>) target(%arg10 : memref<128x64xbf16, #tpu.memory_space<vmem>>) offsets(%dma_start3A_396 : memref<128xi32, #tpu.memory_space<vmem>>) semaphore(%arg14 : memref<!tpu.dma_semaphore, #tpu.memory_space<semaphore_mem>>)
      %dma_wait3A_400 = arith.constant 13 : i32
      %dma_wait3A_401 = arith.constant 0 : i32
      %dma_wait3A_402 = tpu.memref_slice %arg6[%dma_wait3A_400, %dma_wait3A_401] : memref<16x128xi32, #tpu.memory_space<vmem>> -> memref<1x128xi32, #tpu.memory_space<vmem>>
      %dma_wait3A_403 = tpu.memref_squeeze %dma_wait3A_402 : memref<1x128xi32, #tpu.memory_space<vmem>> -> memref<128xi32, #tpu.memory_space<vmem>>
      %dma_wait3A_404 = arith.constant 0 : i32
      %dma_wait3A_405 = arith.constant 0 : i32
      %dma_wait3A_406 = tpu.memref_slice %arg20[%dma_wait3A_404, %dma_wait3A_405] : memref<10240x64xbf16, #tpu.memory_space<vmem_shared>> -> memref<10240x64xbf16, #tpu.memory_space<vmem_shared>>
      tpu.wait_indirect_dma semaphore(%arg13 : memref<!tpu.dma_semaphore, #tpu.memory_space<semaphore_mem>>) src(%dma_wait3A_406 : memref<10240x64xbf16, #tpu.memory_space<vmem_shared>>) dst(%arg9 : memref<128x64xbf16, #tpu.memory_space<vmem>>)
      %dma_start3A_407 = arith.constant 13 : i32
      %dma_start3A_408 = arith.constant 0 : i32
      %dma_start3A_409 = tpu.memref_slice %arg7[%dma_start3A_407, %dma_start3A_408] : memref<16x128xi32, #tpu.memory_space<vmem>> -> memref<1x128xi32, #tpu.memory_space<vmem>>
      %dma_start3A_410 = tpu.memref_squeeze %dma_start3A_409 : memref<1x128xi32, #tpu.memory_space<vmem>> -> memref<128xi32, #tpu.memory_space<vmem>>
      %dma_start3A_411 = arith.constant 0 : i32
      %dma_start3A_412 = arith.constant 0 : i32
      %dma_start3A_413 = tpu.memref_slice %arg21[%dma_start3A_411, %dma_start3A_412] : memref<10240x64xbf16, #tpu.memory_space<vmem_shared>> -> memref<10240x64xbf16, #tpu.memory_space<vmem_shared>>
      tpu.enqueue_indirect_dma source(%arg9 : memref<128x64xbf16, #tpu.memory_space<vmem>>) target(%dma_start3A_413 : memref<10240x64xbf16, #tpu.memory_space<vmem_shared>>) offsets(%dma_start3A_410 : memref<128xi32, #tpu.memory_space<vmem>>) semaphore(%arg17 : memref<!tpu.dma_semaphore, #tpu.memory_space<semaphore_mem>>) {add = true}
      %dma_wait3A_414 = arith.constant 11 : i32
      %dma_wait3A_415 = arith.constant 0 : i32
      %dma_wait3A_416 = tpu.memref_slice %arg7[%dma_wait3A_414, %dma_wait3A_415] : memref<16x128xi32, #tpu.memory_space<vmem>> -> memref<1x128xi32, #tpu.memory_space<vmem>>
      %dma_wait3A_417 = tpu.memref_squeeze %dma_wait3A_416 : memref<1x128xi32, #tpu.memory_space<vmem>> -> memref<128xi32, #tpu.memory_space<vmem>>
      %dma_wait3A_418 = arith.constant 0 : i32
      %dma_wait3A_419 = arith.constant 0 : i32
      %dma_wait3A_420 = tpu.memref_slice %arg21[%dma_wait3A_418, %dma_wait3A_419] : memref<10240x64xbf16, #tpu.memory_space<vmem_shared>> -> memref<10240x64xbf16, #tpu.memory_space<vmem_shared>>
      tpu.wait_indirect_dma semaphore(%arg19 : memref<!tpu.dma_semaphore, #tpu.memory_space<semaphore_mem>>) src(%arg11 : memref<128x64xbf16, #tpu.memory_space<vmem>>) dst(%dma_wait3A_420 : memref<10240x64xbf16, #tpu.memory_space<vmem_shared>>)
      %dma_start3A_421 = arith.constant 15 : i32
      %dma_start3A_422 = arith.constant 0 : i32
      %dma_start3A_423 = tpu.memref_slice %arg6[%dma_start3A_421, %dma_start3A_422] : memref<16x128xi32, #tpu.memory_space<vmem>> -> memref<1x128xi32, #tpu.memory_space<vmem>>
      %dma_start3A_424 = tpu.memref_squeeze %dma_start3A_423 : memref<1x128xi32, #tpu.memory_space<vmem>> -> memref<128xi32, #tpu.memory_space<vmem>>
      %dma_start3A_425 = arith.constant 0 : i32
      %dma_start3A_426 = arith.constant 0 : i32
      %dma_start3A_427 = tpu.memref_slice %arg20[%dma_start3A_425, %dma_start3A_426] : memref<10240x64xbf16, #tpu.memory_space<vmem_shared>> -> memref<10240x64xbf16, #tpu.memory_space<vmem_shared>>
      tpu.enqueue_indirect_dma source(%dma_start3A_427 : memref<10240x64xbf16, #tpu.memory_space<vmem_shared>>) target(%arg11 : memref<128x64xbf16, #tpu.memory_space<vmem>>) offsets(%dma_start3A_424 : memref<128xi32, #tpu.memory_space<vmem>>) semaphore(%arg15 : memref<!tpu.dma_semaphore, #tpu.memory_space<semaphore_mem>>)
      %dma_wait3A_428 = arith.constant 14 : i32
      %dma_wait3A_429 = arith.constant 0 : i32
      %dma_wait3A_430 = tpu.memref_slice %arg6[%dma_wait3A_428, %dma_wait3A_429] : memref<16x128xi32, #tpu.memory_space<vmem>> -> memref<1x128xi32, #tpu.memory_space<vmem>>
      %dma_wait3A_431 = tpu.memref_squeeze %dma_wait3A_430 : memref<1x128xi32, #tpu.memory_space<vmem>> -> memref<128xi32, #tpu.memory_space<vmem>>
      %dma_wait3A_432 = arith.constant 0 : i32
      %dma_wait3A_433 = arith.constant 0 : i32
      %dma_wait3A_434 = tpu.memref_slice %arg20[%dma_wait3A_432, %dma_wait3A_433] : memref<10240x64xbf16, #tpu.memory_space<vmem_shared>> -> memref<10240x64xbf16, #tpu.memory_space<vmem_shared>>
      tpu.wait_indirect_dma semaphore(%arg14 : memref<!tpu.dma_semaphore, #tpu.memory_space<semaphore_mem>>) src(%dma_wait3A_434 : memref<10240x64xbf16, #tpu.memory_space<vmem_shared>>) dst(%arg10 : memref<128x64xbf16, #tpu.memory_space<vmem>>)
      %dma_start3A_435 = arith.constant 14 : i32
      %dma_start3A_436 = arith.constant 0 : i32
      %dma_start3A_437 = tpu.memref_slice %arg7[%dma_start3A_435, %dma_start3A_436] : memref<16x128xi32, #tpu.memory_space<vmem>> -> memref<1x128xi32, #tpu.memory_space<vmem>>
      %dma_start3A_438 = tpu.memref_squeeze %dma_start3A_437 : memref<1x128xi32, #tpu.memory_space<vmem>> -> memref<128xi32, #tpu.memory_space<vmem>>
      %dma_start3A_439 = arith.constant 0 : i32
      %dma_start3A_440 = arith.constant 0 : i32
      %dma_start3A_441 = tpu.memref_slice %arg21[%dma_start3A_439, %dma_start3A_440] : memref<10240x64xbf16, #tpu.memory_space<vmem_shared>> -> memref<10240x64xbf16, #tpu.memory_space<vmem_shared>>
      tpu.enqueue_indirect_dma source(%arg10 : memref<128x64xbf16, #tpu.memory_space<vmem>>) target(%dma_start3A_441 : memref<10240x64xbf16, #tpu.memory_space<vmem_shared>>) offsets(%dma_start3A_438 : memref<128xi32, #tpu.memory_space<vmem>>) semaphore(%arg18 : memref<!tpu.dma_semaphore, #tpu.memory_space<semaphore_mem>>) {add = true}
      %dma_wait3A_442 = arith.constant 15 : i32
      %dma_wait3A_443 = arith.constant 0 : i32
      %dma_wait3A_444 = tpu.memref_slice %arg6[%dma_wait3A_442, %dma_wait3A_443] : memref<16x128xi32, #tpu.memory_space<vmem>> -> memref<1x128xi32, #tpu.memory_space<vmem>>
      %dma_wait3A_445 = tpu.memref_squeeze %dma_wait3A_444 : memref<1x128xi32, #tpu.memory_space<vmem>> -> memref<128xi32, #tpu.memory_space<vmem>>
      %dma_wait3A_446 = arith.constant 0 : i32
      %dma_wait3A_447 = arith.constant 0 : i32
      %dma_wait3A_448 = tpu.memref_slice %arg20[%dma_wait3A_446, %dma_wait3A_447] : memref<10240x64xbf16, #tpu.memory_space<vmem_shared>> -> memref<10240x64xbf16, #tpu.memory_space<vmem_shared>>
      tpu.wait_indirect_dma semaphore(%arg15 : memref<!tpu.dma_semaphore, #tpu.memory_space<semaphore_mem>>) src(%dma_wait3A_448 : memref<10240x64xbf16, #tpu.memory_space<vmem_shared>>) dst(%arg11 : memref<128x64xbf16, #tpu.memory_space<vmem>>)
      %dma_start3A_449 = arith.constant 15 : i32
      %dma_start3A_450 = arith.constant 0 : i32
      %dma_start3A_451 = tpu.memref_slice %arg7[%dma_start3A_449, %dma_start3A_450] : memref<16x128xi32, #tpu.memory_space<vmem>> -> memref<1x128xi32, #tpu.memory_space<vmem>>
      %dma_start3A_452 = tpu.memref_squeeze %dma_start3A_451 : memref<1x128xi32, #tpu.memory_space<vmem>> -> memref<128xi32, #tpu.memory_space<vmem>>
      %dma_start3A_453 = arith.constant 0 : i32
      %dma_start3A_454 = arith.constant 0 : i32
      %dma_start3A_455 = tpu.memref_slice %arg21[%dma_start3A_453, %dma_start3A_454] : memref<10240x64xbf16, #tpu.memory_space<vmem_shared>> -> memref<10240x64xbf16, #tpu.memory_space<vmem_shared>>
      tpu.enqueue_indirect_dma source(%arg11 : memref<128x64xbf16, #tpu.memory_space<vmem>>) target(%dma_start3A_455 : memref<10240x64xbf16, #tpu.memory_space<vmem_shared>>) offsets(%dma_start3A_452 : memref<128xi32, #tpu.memory_space<vmem>>) semaphore(%arg19 : memref<!tpu.dma_semaphore, #tpu.memory_space<semaphore_mem>>) {add = true}
      %dma_wait3A_456 = arith.constant 12 : i32
      %dma_wait3A_457 = arith.constant 0 : i32
      %dma_wait3A_458 = tpu.memref_slice %arg7[%dma_wait3A_456, %dma_wait3A_457] : memref<16x128xi32, #tpu.memory_space<vmem>> -> memref<1x128xi32, #tpu.memory_space<vmem>>
      %dma_wait3A_459 = tpu.memref_squeeze %dma_wait3A_458 : memref<1x128xi32, #tpu.memory_space<vmem>> -> memref<128xi32, #tpu.memory_space<vmem>>
      %dma_wait3A_460 = arith.constant 0 : i32
      %dma_wait3A_461 = arith.constant 0 : i32
      %dma_wait3A_462 = tpu.memref_slice %arg21[%dma_wait3A_460, %dma_wait3A_461] : memref<10240x64xbf16, #tpu.memory_space<vmem_shared>> -> memref<10240x64xbf16, #tpu.memory_space<vmem_shared>>
      tpu.wait_indirect_dma semaphore(%arg16 : memref<!tpu.dma_semaphore, #tpu.memory_space<semaphore_mem>>) src(%arg8 : memref<128x64xbf16, #tpu.memory_space<vmem>>) dst(%dma_wait3A_462 : memref<10240x64xbf16, #tpu.memory_space<vmem_shared>>)
      %dma_wait3A_463 = arith.constant 13 : i32
      %dma_wait3A_464 = arith.constant 0 : i32
      %dma_wait3A_465 = tpu.memref_slice %arg7[%dma_wait3A_463, %dma_wait3A_464] : memref<16x128xi32, #tpu.memory_space<vmem>> -> memref<1x128xi32, #tpu.memory_space<vmem>>
      %dma_wait3A_466 = tpu.memref_squeeze %dma_wait3A_465 : memref<1x128xi32, #tpu.memory_space<vmem>> -> memref<128xi32, #tpu.memory_space<vmem>>
      %dma_wait3A_467 = arith.constant 0 : i32
      %dma_wait3A_468 = arith.constant 0 : i32
      %dma_wait3A_469 = tpu.memref_slice %arg21[%dma_wait3A_467, %dma_wait3A_468] : memref<10240x64xbf16, #tpu.memory_space<vmem_shared>> -> memref<10240x64xbf16, #tpu.memory_space<vmem_shared>>
      tpu.wait_indirect_dma semaphore(%arg17 : memref<!tpu.dma_semaphore, #tpu.memory_space<semaphore_mem>>) src(%arg9 : memref<128x64xbf16, #tpu.memory_space<vmem>>) dst(%dma_wait3A_469 : memref<10240x64xbf16, #tpu.memory_space<vmem_shared>>)
      %dma_wait3A_470 = arith.constant 14 : i32
      %dma_wait3A_471 = arith.constant 0 : i32
      %dma_wait3A_472 = tpu.memref_slice %arg7[%dma_wait3A_470, %dma_wait3A_471] : memref<16x128xi32, #tpu.memory_space<vmem>> -> memref<1x128xi32, #tpu.memory_space<vmem>>
      %dma_wait3A_473 = tpu.memref_squeeze %dma_wait3A_472 : memref<1x128xi32, #tpu.memory_space<vmem>> -> memref<128xi32, #tpu.memory_space<vmem>>
      %dma_wait3A_474 = arith.constant 0 : i32
      %dma_wait3A_475 = arith.constant 0 : i32
      %dma_wait3A_476 = tpu.memref_slice %arg21[%dma_wait3A_474, %dma_wait3A_475] : memref<10240x64xbf16, #tpu.memory_space<vmem_shared>> -> memref<10240x64xbf16, #tpu.memory_space<vmem_shared>>
      tpu.wait_indirect_dma semaphore(%arg18 : memref<!tpu.dma_semaphore, #tpu.memory_space<semaphore_mem>>) src(%arg10 : memref<128x64xbf16, #tpu.memory_space<vmem>>) dst(%dma_wait3A_476 : memref<10240x64xbf16, #tpu.memory_space<vmem_shared>>)
      %dma_wait3A_477 = arith.constant 15 : i32
      %dma_wait3A_478 = arith.constant 0 : i32
      %dma_wait3A_479 = tpu.memref_slice %arg7[%dma_wait3A_477, %dma_wait3A_478] : memref<16x128xi32, #tpu.memory_space<vmem>> -> memref<1x128xi32, #tpu.memory_space<vmem>>
      %dma_wait3A_480 = tpu.memref_squeeze %dma_wait3A_479 : memref<1x128xi32, #tpu.memory_space<vmem>> -> memref<128xi32, #tpu.memory_space<vmem>>
      %dma_wait3A_481 = arith.constant 0 : i32
      %dma_wait3A_482 = arith.constant 0 : i32
      %dma_wait3A_483 = tpu.memref_slice %arg21[%dma_wait3A_481, %dma_wait3A_482] : memref<10240x64xbf16, #tpu.memory_space<vmem_shared>> -> memref<10240x64xbf16, #tpu.memory_space<vmem_shared>>
      tpu.wait_indirect_dma semaphore(%arg19 : memref<!tpu.dma_semaphore, #tpu.memory_space<semaphore_mem>>) src(%arg11 : memref<128x64xbf16, #tpu.memory_space<vmem>>) dst(%dma_wait3A_483 : memref<10240x64xbf16, #tpu.memory_space<vmem_shared>>)
      %scan3A_484 = arith.constant 0 : i32
      scf.yield %scan3A_484 : i32
    }
    %scan3A_24 = arith.constant 10 : i32
    %barrier3A_25 = arith.constant 0 : index
    tpu.barrier barrier_id(%barrier3A_25)
    %mul3A_26 = arith.constant 640 : i32
    %mul3A_27 = arith.muli %arg1, %mul3A_26 : i32
    %mul3A_28 = arith.constant 640 : i32
    %mul3A_29 = arith.muli %arg1, %mul3A_28 : i32
    %mul3A_30 = arith.constant 64 : i32
    %mul3A_31 = arith.muli %arg0, %mul3A_30 : i32
    "tpu.region"() ({
      %run_scoped3A = tpu.sem_alloc : memref<!tpu.dma_semaphore, #tpu.memory_space<semaphore_mem>>
      %dma_start3A = tpu.memref_slice %arg5[%mul3A_29, %mul3A_31] : memref<10240x128xbf16, #tpu.memory_space<hbm>> -> memref<640x64xbf16, #tpu.memory_space<hbm>>
      %dma_start3A_32 = arith.constant 0 : i32
      %dma_start3A_33 = tpu.memref_slice %arg21[%mul3A_27, %dma_start3A_32] : memref<10240x64xbf16, #tpu.memory_space<vmem_shared>> -> memref<640x64xbf16, #tpu.memory_space<vmem_shared>>
      tpu.enqueue_dma source(%dma_start3A_33 : memref<640x64xbf16, #tpu.memory_space<vmem_shared>>) target(%dma_start3A : memref<640x64xbf16, #tpu.memory_space<hbm>>) target_semaphore(%run_scoped3A : memref<!tpu.dma_semaphore, #tpu.memory_space<semaphore_mem>>)
      %dma_wait3A = tpu.memref_slice %arg5[%mul3A_29, %mul3A_31] : memref<10240x128xbf16, #tpu.memory_space<hbm>> -> memref<640x64xbf16, #tpu.memory_space<hbm>>
      %dma_wait3A_34 = arith.constant 0 : i32
      %dma_wait3A_35 = tpu.memref_slice %arg21[%mul3A_27, %dma_wait3A_34] : memref<10240x64xbf16, #tpu.memory_space<vmem_shared>> -> memref<640x64xbf16, #tpu.memory_space<vmem_shared>>
      tpu.wait_dma2 semaphore(%run_scoped3A : memref<!tpu.dma_semaphore, #tpu.memory_space<semaphore_mem>>) src(%dma_wait3A_35 : memref<640x64xbf16, #tpu.memory_space<vmem_shared>>) dst(%dma_wait3A : memref<640x64xbf16, #tpu.memory_space<hbm>>)
      tpu.yield
    }) : () -> ()
    return
  }
}

module attributes {stable_mosaic.version = 14 : i64} {
  func.func @_tc1_body(%arg0: i32, %arg1: memref<1024x1xf32, #tpu.memory_space<vmem>>, %arg2: memref<1024x1xf32, #tpu.memory_space<vmem>>, %arg3: memref<1024x1xf32, #tpu.memory_space<vmem>>, %arg4: memref<1024x128xf32, #tpu.memory_space<vmem>>, %arg5: memref<128x128xf32, #tpu.memory_space<vmem>>, %arg6: memref<1024x128xbf16, #tpu.memory_space<vmem>>, %arg7: memref<1024x1xf32, #tpu.memory_space<vmem>>) attributes {dimension_semantics = [#tpu.dimension_semantics<arbitrary>], iteration_bounds = array<i64: 10>, scalar_prefetch = 0 : i64, scratch_operands = 0 : i64, tpu.core_type = #tpu.core_type<tc>, window_params = [{transform_indices = @transform_0, window_bounds = array<i64: 1024, 1>}, {transform_indices = @transform_1, window_bounds = array<i64: 1024, 1>}, {transform_indices = @transform_2, window_bounds = array<i64: 1024, 1>}, {transform_indices = @transform_3, window_bounds = array<i64: 1024, 128>}, {pipeline_mode = #tpu.pipeline_mode<synchronous>, transform_indices = @transform_4, window_bounds = array<i64: 128, 128>}, {transform_indices = @transform_5, window_bounds = array<i64: 1024, 128>}, {transform_indices = @transform_6, window_bounds = array<i64: 1024, 1>}]} {
    %get3A = arith.constant 0 : index
    %get3A_0 = arith.constant 0 : index
    %get3A_1 = vector.load %arg1[%get3A, %get3A_0] : memref<1024x1xf32, #tpu.memory_space<vmem>>, vector<1024x1xf32>
    %get3A_2 = arith.constant 0 : index
    %get3A_3 = arith.constant 0 : index
    %get3A_4 = vector.load %arg2[%get3A_2, %get3A_3] : memref<1024x1xf32, #tpu.memory_space<vmem>>, vector<1024x1xf32>
    %add3A = arith.addf %get3A_1, %get3A_4 : vector<1024x1xf32>
    %get3A_5 = arith.constant 0 : index
    %get3A_6 = arith.constant 0 : index
    %get3A_7 = vector.load %arg3[%get3A_5, %get3A_6] : memref<1024x1xf32, #tpu.memory_space<vmem>>, vector<1024x1xf32>
    %add3A_8 = arith.addf %add3A, %get3A_7 : vector<1024x1xf32>
    %gt3A = arith.constant 0.000000e+00 : f32
    %gt3A_9 = vector.broadcast %gt3A : f32 to vector<1024x1xf32>
    %gt3A_10 = arith.cmpf ogt, %add3A_8, %gt3A_9 : vector<1024x1xf32>
    %rsqrt3A = math.rsqrt %add3A_8 : vector<1024x1xf32>
    %jit3A = arith.constant 0.000000e+00 : f32
    %broadcast_in_dim3A = vector.broadcast %jit3A : f32 to vector<1024x1xf32>
    %select_n3A = arith.select %gt3A_10, %rsqrt3A, %broadcast_in_dim3A : vector<1024x1xi1>, vector<1024x1xf32>
    %get3A_11 = arith.constant 0 : index
    %get3A_12 = arith.constant 0 : index
    %get3A_13 = vector.load %arg4[%get3A_11, %get3A_12] : memref<1024x128xf32, #tpu.memory_space<vmem>>, vector<1024x128xf32>
    %get3A_14 = arith.constant 0 : index
    %get3A_15 = arith.constant 0 : index
    %get3A_16 = vector.load %arg5[%get3A_14, %get3A_15] : memref<128x128xf32, #tpu.memory_space<vmem>>, vector<128x128xf32>
    %dot_general3A = arith.constant dense<0.000000e+00> : vector<1024x128xf32>
    %dot_general3A_17 = tpu.matmul %get3A_13, %get3A_16, %dot_general3A {dimension_numbers = #tpu.dot_dimension_numbers<[1], [0], [0], [1], [0, 0, 1, 1], [], []>, transpose_lhs_hint = false} : vector<1024x128xf32>, vector<128x128xf32>, vector<1024x128xf32> -> vector<1024x128xf32>
    %mul3A = vector.broadcast %select_n3A : vector<1024x1xf32> to vector<1024x128xf32>
    %mul3A_18 = arith.mulf %mul3A, %dot_general3A_17 : vector<1024x128xf32>
    %convert_element_type3A = arith.truncf %mul3A_18 : vector<1024x128xf32> to vector<1024x128xbf16>
    %swap3A = arith.constant 0 : index
    %swap3A_19 = arith.constant 0 : index
    %swap3A_20 = vector.load %arg6[%swap3A, %swap3A_19] : memref<1024x128xbf16, #tpu.memory_space<vmem>>, vector<1024x128xbf16>
    tpu.vector_store %arg6[%swap3A, %swap3A_19], %convert_element_type3A {strides = array<i32>} : memref<1024x128xbf16, #tpu.memory_space<vmem>>, vector<1024x128xbf16>,
    %swap3A_21 = arith.constant 0 : index
    %swap3A_22 = arith.constant 0 : index
    %swap3A_23 = vector.load %arg7[%swap3A_21, %swap3A_22] : memref<1024x1xf32, #tpu.memory_space<vmem>>, vector<1024x1xf32>
    tpu.vector_store %arg7[%swap3A_21, %swap3A_22], %select_n3A {strides = array<i32>} : memref<1024x1xf32, #tpu.memory_space<vmem>>, vector<1024x1xf32>,
    return
  }
  func.func @transform_0(%arg0: i32) -> (i32, i32) {
    %c0_i32 = arith.constant 0 : i32
    %c0_i32_0 = arith.constant 0 : i32
    return %arg0, %c0_i32 : i32, i32
  }
  func.func @transform_1(%arg0: i32) -> (i32, i32) {
    %c0_i32 = arith.constant 0 : i32
    %c0_i32_0 = arith.constant 0 : i32
    return %arg0, %c0_i32 : i32, i32
  }
  func.func @transform_2(%arg0: i32) -> (i32, i32) {
    %c0_i32 = arith.constant 0 : i32
    %c0_i32_0 = arith.constant 0 : i32
    return %arg0, %c0_i32 : i32, i32
  }
  func.func @transform_3(%arg0: i32) -> (i32, i32) {
    %c0_i32 = arith.constant 0 : i32
    %c0_i32_0 = arith.constant 0 : i32
    return %arg0, %c0_i32 : i32, i32
  }
  func.func @transform_4(%arg0: i32) -> (i32, i32) {
    %c0_i32 = arith.constant 0 : i32
    %c0_i32_0 = arith.constant 0 : i32
    %c0_i32_1 = arith.constant 0 : i32
    return %c0_i32, %c0_i32_0 : i32, i32
  }
  func.func @transform_5(%arg0: i32) -> (i32, i32) {
    %c0_i32 = arith.constant 0 : i32
    %c0_i32_0 = arith.constant 0 : i32
    return %arg0, %c0_i32 : i32, i32
  }
  func.func @transform_6(%arg0: i32) -> (i32, i32) {
    %c0_i32 = arith.constant 0 : i32
    %c0_i32_0 = arith.constant 0 : i32
    return %arg0, %c0_i32 : i32, i32
  }
}

module attributes {stable_mosaic.version = 14 : i64} {
  func.func @_tc2_body(%arg0: i32, %arg1: memref<1024x128xbf16, #tpu.memory_space<vmem>>, %arg2: memref<1024x128xbf16, #tpu.memory_space<vmem>>, %arg3: memref<1024x1xf32, #tpu.memory_space<vmem>>, %arg4: memref<1x128xf32, #tpu.memory_space<vmem>>, %arg5: memref<128x64xf32, #tpu.memory_space<vmem>>, %arg6: memref<1024x64xbf16, #tpu.memory_space<vmem>>) attributes {dimension_semantics = [#tpu.dimension_semantics<arbitrary>], iteration_bounds = array<i64: 10>, scalar_prefetch = 0 : i64, scratch_operands = 0 : i64, tpu.core_type = #tpu.core_type<tc>, window_params = [{transform_indices = @transform_0, window_bounds = array<i64: 1024, 128>}, {transform_indices = @transform_1, window_bounds = array<i64: 1024, 128>}, {transform_indices = @transform_2, window_bounds = array<i64: 1024, 1>}, {pipeline_mode = #tpu.pipeline_mode<synchronous>, transform_indices = @transform_3, window_bounds = array<i64: 1, 128>}, {pipeline_mode = #tpu.pipeline_mode<synchronous>, transform_indices = @transform_4, window_bounds = array<i64: 128, 64>}, {transform_indices = @transform_5, window_bounds = array<i64: 1024, 64>}]} {
    %get3A = arith.constant 0 : index
    %get3A_0 = arith.constant 0 : index
    %get3A_1 = vector.load %arg3[%get3A, %get3A_0] : memref<1024x1xf32, #tpu.memory_space<vmem>>, vector<1024x1xf32>
    %get3A_2 = arith.constant 0 : index
    %get3A_3 = arith.constant 0 : index
    %get3A_4 = vector.load %arg1[%get3A_2, %get3A_3] : memref<1024x128xbf16, #tpu.memory_space<vmem>>, vector<1024x128xbf16>
    %convert_element_type3A = arith.extf %get3A_4 : vector<1024x128xbf16> to vector<1024x128xf32>
    %get3A_5 = arith.constant 0 : index
    %get3A_6 = arith.constant 0 : index
    %get3A_7 = vector.load %arg2[%get3A_5, %get3A_6] : memref<1024x128xbf16, #tpu.memory_space<vmem>>, vector<1024x128xbf16>
    %convert_element_type3A_8 = arith.extf %get3A_7 : vector<1024x128xbf16> to vector<1024x128xf32>
    %add3A = arith.addf %convert_element_type3A, %convert_element_type3A_8 : vector<1024x128xf32>
    %mul3A = vector.broadcast %get3A_1 : vector<1024x1xf32> to vector<1024x128xf32>
    %mul3A_9 = arith.mulf %mul3A, %add3A : vector<1024x128xf32>
    %get3A_10 = arith.constant 0 : index
    %get3A_11 = arith.constant 0 : index
    %get3A_12 = vector.load %arg4[%get3A_10, %get3A_11] : memref<1x128xf32, #tpu.memory_space<vmem>>, vector<1x128xf32>
    %add3A_13 = vector.broadcast %get3A_12 : vector<1x128xf32> to vector<1024x128xf32>
    %add3A_14 = arith.addf %mul3A_9, %add3A_13 : vector<1024x128xf32>
    %max3A = arith.constant 0.000000e+00 : f32
    %max3A_15 = vector.broadcast %max3A : f32 to vector<1024x128xf32>
    %max3A_16 = arith.maximumf %add3A_14, %max3A_15 : vector<1024x128xf32>
    %get3A_17 = arith.constant 0 : index
    %get3A_18 = arith.constant 0 : index
    %get3A_19 = vector.load %arg5[%get3A_17, %get3A_18] : memref<128x64xf32, #tpu.memory_space<vmem>>, vector<128x64xf32>
    %dot_general3A = arith.constant dense<0.000000e+00> : vector<1024x64xf32>
    %dot_general3A_20 = tpu.matmul %max3A_16, %get3A_19, %dot_general3A {dimension_numbers = #tpu.dot_dimension_numbers<[1], [0], [0], [1], [0, 0, 1, 1], [], []>, transpose_lhs_hint = false} : vector<1024x128xf32>, vector<128x64xf32>, vector<1024x64xf32> -> vector<1024x64xf32>
    %mul3A_21 = vector.broadcast %get3A_1 : vector<1024x1xf32> to vector<1024x64xf32>
    %mul3A_22 = arith.mulf %mul3A_21, %dot_general3A_20 : vector<1024x64xf32>
    %convert_element_type3A_23 = arith.truncf %mul3A_22 : vector<1024x64xf32> to vector<1024x64xbf16>
    %swap3A = arith.constant 0 : index
    %swap3A_24 = arith.constant 0 : index
    %swap3A_25 = vector.load %arg6[%swap3A, %swap3A_24] : memref<1024x64xbf16, #tpu.memory_space<vmem>>, vector<1024x64xbf16>
    tpu.vector_store %arg6[%swap3A, %swap3A_24], %convert_element_type3A_23 {strides = array<i32>} : memref<1024x64xbf16, #tpu.memory_space<vmem>>, vector<1024x64xbf16>,
    return
  }
  func.func @transform_0(%arg0: i32) -> (i32, i32) {
    %c0_i32 = arith.constant 0 : i32
    %c0_i32_0 = arith.constant 0 : i32
    return %arg0, %c0_i32 : i32, i32
  }
  func.func @transform_1(%arg0: i32) -> (i32, i32) {
    %c0_i32 = arith.constant 0 : i32
    %c0_i32_0 = arith.constant 0 : i32
    return %arg0, %c0_i32 : i32, i32
  }
  func.func @transform_2(%arg0: i32) -> (i32, i32) {
    %c0_i32 = arith.constant 0 : i32
    %c0_i32_0 = arith.constant 0 : i32
    return %arg0, %c0_i32 : i32, i32
  }
  func.func @transform_3(%arg0: i32) -> (i32, i32) {
    %c0_i32 = arith.constant 0 : i32
    %c0_i32_0 = arith.constant 0 : i32
    %c0_i32_1 = arith.constant 0 : i32
    return %c0_i32, %c0_i32_0 : i32, i32
  }
  func.func @transform_4(%arg0: i32) -> (i32, i32) {
    %c0_i32 = arith.constant 0 : i32
    %c0_i32_0 = arith.constant 0 : i32
    %c0_i32_1 = arith.constant 0 : i32
    return %c0_i32, %c0_i32_0 : i32, i32
  }
  func.func @transform_5(%arg0: i32) -> (i32, i32) {
    %c0_i32 = arith.constant 0 : i32
    %c0_i32_0 = arith.constant 0 : i32
    return %arg0, %c0_i32 : i32, i32
  }
}

module attributes {stable_mosaic.version = 14 : i64} {
  func.func @_tc3_body(%arg0: i32, %arg1: memref<1024x64xbf16, #tpu.memory_space<vmem>>, %arg2: memref<1024x64xbf16, #tpu.memory_space<vmem>>, %arg3: memref<1024x1xf32, #tpu.memory_space<vmem>>, %arg4: memref<1x64xf32, #tpu.memory_space<vmem>>, %arg5: memref<1024x64xf32, #tpu.memory_space<vmem>>) attributes {dimension_semantics = [#tpu.dimension_semantics<arbitrary>], iteration_bounds = array<i64: 10>, scalar_prefetch = 0 : i64, scratch_operands = 0 : i64, tpu.core_type = #tpu.core_type<tc>, window_params = [{transform_indices = @transform_0, window_bounds = array<i64: 1024, 64>}, {transform_indices = @transform_1, window_bounds = array<i64: 1024, 64>}, {transform_indices = @transform_2, window_bounds = array<i64: 1024, 1>}, {pipeline_mode = #tpu.pipeline_mode<synchronous>, transform_indices = @transform_3, window_bounds = array<i64: 1, 64>}, {transform_indices = @transform_4, window_bounds = array<i64: 1024, 64>}]} {
    %get3A = arith.constant 0 : index
    %get3A_0 = arith.constant 0 : index
    %get3A_1 = vector.load %arg1[%get3A, %get3A_0] : memref<1024x64xbf16, #tpu.memory_space<vmem>>, vector<1024x64xbf16>
    %convert_element_type3A = arith.extf %get3A_1 : vector<1024x64xbf16> to vector<1024x64xf32>
    %get3A_2 = arith.constant 0 : index
    %get3A_3 = arith.constant 0 : index
    %get3A_4 = vector.load %arg2[%get3A_2, %get3A_3] : memref<1024x64xbf16, #tpu.memory_space<vmem>>, vector<1024x64xbf16>
    %convert_element_type3A_5 = arith.extf %get3A_4 : vector<1024x64xbf16> to vector<1024x64xf32>
    %add3A = arith.addf %convert_element_type3A, %convert_element_type3A_5 : vector<1024x64xf32>
    %get3A_6 = arith.constant 0 : index
    %get3A_7 = arith.constant 0 : index
    %get3A_8 = vector.load %arg3[%get3A_6, %get3A_7] : memref<1024x1xf32, #tpu.memory_space<vmem>>, vector<1024x1xf32>
    %mul3A = vector.broadcast %get3A_8 : vector<1024x1xf32> to vector<1024x64xf32>
    %mul3A_9 = arith.mulf %mul3A, %add3A : vector<1024x64xf32>
    %get3A_10 = arith.constant 0 : index
    %get3A_11 = arith.constant 0 : index
    %get3A_12 = vector.load %arg4[%get3A_10, %get3A_11] : memref<1x64xf32, #tpu.memory_space<vmem>>, vector<1x64xf32>
    %add3A_13 = vector.broadcast %get3A_12 : vector<1x64xf32> to vector<1024x64xf32>
    %add3A_14 = arith.addf %mul3A_9, %add3A_13 : vector<1024x64xf32>
    %max3A = arith.constant 0.000000e+00 : f32
    %max3A_15 = vector.broadcast %max3A : f32 to vector<1024x64xf32>
    %max3A_16 = arith.maximumf %add3A_14, %max3A_15 : vector<1024x64xf32>
    %swap3A = arith.constant 0 : index
    %swap3A_17 = arith.constant 0 : index
    %swap3A_18 = vector.load %arg5[%swap3A, %swap3A_17] : memref<1024x64xf32, #tpu.memory_space<vmem>>, vector<1024x64xf32>
    tpu.vector_store %arg5[%swap3A, %swap3A_17], %max3A_16 {strides = array<i32>} : memref<1024x64xf32, #tpu.memory_space<vmem>>, vector<1024x64xf32>,
    return
  }
  func.func @transform_0(%arg0: i32) -> (i32, i32) {
    %c0_i32 = arith.constant 0 : i32
    %c0_i32_0 = arith.constant 0 : i32
    return %arg0, %c0_i32 : i32, i32
  }
  func.func @transform_1(%arg0: i32) -> (i32, i32) {
    %c0_i32 = arith.constant 0 : i32
    %c0_i32_0 = arith.constant 0 : i32
    return %arg0, %c0_i32 : i32, i32
  }
  func.func @transform_2(%arg0: i32) -> (i32, i32) {
    %c0_i32 = arith.constant 0 : i32
    %c0_i32_0 = arith.constant 0 : i32
    return %arg0, %c0_i32 : i32, i32
  }
  func.func @transform_3(%arg0: i32) -> (i32, i32) {
    %c0_i32 = arith.constant 0 : i32
    %c0_i32_0 = arith.constant 0 : i32
    %c0_i32_1 = arith.constant 0 : i32
    return %c0_i32, %c0_i32_0 : i32, i32
  }
  func.func @transform_4(%arg0: i32) -> (i32, i32) {
    %c0_i32 = arith.constant 0 : i32
    %c0_i32_0 = arith.constant 0 : i32
    return %arg0, %c0_i32 : i32, i32
  }
}

</mosaic_0001>

<sc_bundles>
// kernel: kernel.11.cloned.1.call-start
scs
__scs_entry_jumppad:
0x0: {  	(pc) =	sbr.rel $0x88, $3  }
0x1: {  	(tag) =	ssettag $0x0;
	lr =	simm.s32 $0x1  }
0x2: {  	[smem:$0x3F9B] =	sst lr;
	_ =	strace $0xD0000000  }
0x3: {  	_ = 	snop  }
0x4: {  	_ = 	snop  }
0x5: {  	_ = 	snop  }
0x6: {  	_ = 	snop  }
0x7: {  	_ = 	snop  }
__scs_overlays_trampoline_lowered:
0x8: {  	[smem:$0x3FAA] =	sst s0  }
0x9: {  	[smem:$0x3FAB] =	sst s1  }
0xa: {  	[smem:$0x3FAC] =	sst s2  }
0xb: {  	[smem:$0x3FAD] =	sst s3  }
0xc: {  	[smem:$0x3FAE] =	sst s4  }
0xd: {  	[smem:$0x3FAF] =	sst s5  }
0xe: {  	[smem:$0x3FB0] =	sst s6  }
0xf: {  	[smem:$0x3FB1] =	sst s7  }
0x10: {  	[smem:$0x3FB2] =	sst s8  }
0x11: {  	[smem:$0x3FB3] =	sst s9;
	s0 =	simm.s32 @!p0 $0x0  }
0x12: {  	s1 =	sld [smem:$0x3F99];
	s0 =	simm.s32 @p0 $0x1  }
0x13: {  	[smem:$0x3FB4] =	sst s0;
	s0 =	simm.s32 @!p1 $0x0  }
0x14: {  	s2 =	sld [smem:$0x3F98];
	s0 =	simm.s32 @p1 $0x1  }
0x15: {  	[smem:$0x3FB5] =	sst s0;
	s0 =	simm.s32 @!p2 $0x0  }
0x16: {  	s3 =	sld [smem:$0x3FDB];
	s0 =	simm.s32 @p2 $0x1  }
0x17: {  	s4 =	simm.s32 $0x1BF5;
	[smem:$0x3FB7] =	sst s0  }
0x18: {  	s0 =	sld [smem:$0x3F9A];
	_ =	swait.ge [sflag:s4], $0x0  }
0x19: {  	s7 =	sld [smem:$0x3F9B]  }
0x1a: {  	s8 =	sadd.s32 $0xFFFFE003, lr  }
0x1b: {  	s9 =	sadd.s32 $0xFFFFFEF7, lr;
	s5 =	simm.s32 $0xFFFFFFFF;
	p2 =	slt.u32 s8, $0xFFFFF086  }
0x1c: {  	p1 =	slt.u32 s9, $0xF7A;
	s5 =	simm.s32 @!p2 $0x0  }
0x1d: {  	s5 =	simm.s32 @p1 $0x1;
	p0 =	seq.s32 s7, s2  }
0x1e: {  	s7 =	smul.u32 @!p0 $0xF7A, s2;
	p2 =	seq.s32 @!p0 s5, $0x0  }
0x1f: {  	s9 =	smul.u32 $0xF7A, s1;
	s8 =	simm.s32 @!p0 $0x1BF5;
	p2 =	por !p2, p0  }
0x20: {  	[sflag:s8] =	ssyncset.s32 @!p0 $0xFFFFF086;
	s6 =	sadd.s32 @!p0 s3, s7;
	s7 =	simm.s32 @!p0 $0x108  }
0x21: {  	s3 =	sadd.s32 s3, s9;
	s6 =	sadd.s32 @!p0 $0x88, s6;
	s7 =	simm.s32 @p2 $0x1082  }
0x22: {  	[simem:s7], [sflag:s8] =	dma.local @!p0 [hbm:s6], $0xF7A  }
0x23: {  	s9 =	sor.u32 $0xD0000000, s2;
	s6 =	simm.s32 $0x108;
	_ =	swait.ge @!p0 [sflag:s8], $0x0  }
0x24: {  	s3 =	sadd.s32 $0x88, s3;
	s6 =	simm.s32 @!p1 $0x1082;
	[sflag:s4] =	ssyncset.s32 $0xFFFFF086  }
0x25: {  	[simem:s6], [sflag:s4] =	dma.local [hbm:s3], $0xF7A  }
0x26: {  	[smem:$0x3F9B] =	sst s1;
	(tag) =	ssettag s2;
	_ =	strace s9  }
0x27: {  	s1 =	sld [smem:$0x3FAB]  }
0x28: {  	s2 =	sld [smem:$0x3FAC]  }
0x29: {  	s4 =	sld [smem:$0x3FAE]  }
0x2a: {  	p0 =	seq.s32 s5, $0x0;
	s5 =	sld [smem:$0x3FAF]  }
0x2b: {  	s6 =	sld [smem:$0x3FB0]  }
0x2c: {  	s7 =	sld [smem:$0x3FB1]  }
0x2d: {  	s3 =	simm.s32 $0x108;
	s8 =	sld [smem:$0x3FB2]  }
0x2e: {  	s3 =	simm.s32 @!p0 $0x1082;
	s9 =	sld [smem:$0x3FB3]  }
0x2f: {  	lr =	sadd.s32 s0, s3;
	s0 =	sld [smem:$0x3FAA]  }
0x30: {  	s3 =	sld [smem:$0x3FAD]  }
0x31: {  	[smem:$0x3FB6] =	sst s10  }
0x32: {  	s10 =	sld [smem:$0x3FB4];
	_ =	sdelay $0x3  }
0x33: {  	p0 =	seq.s32 s10, $0x1;
	s10 =	sld [smem:$0x3FB6];
	_ =	sdelay $0x3  }
0x34: {  	[smem:$0x3FB6] =	sst s10  }
0x35: {  	s10 =	sld [smem:$0x3FB5];
	_ =	sdelay $0x3  }
0x36: {  	p1 =	seq.s32 s10, $0x1;
	s10 =	sld [smem:$0x3FB6];
	_ =	sdelay $0x3  }
0x37: {  	[smem:$0x3FB6] =	sst s10  }
0x38: {  	s10 =	sld [smem:$0x3FB7]  }
0x39: {  	_ = 	snop;
	(pc) =	sbr.ind lr, $3  }
0x3a: {  	_ = 	snop  }
0x3b: {  	_ = 	snop  }
0x3c: {  	p2 =	seq.s32 s10, $0x1;
	s10 =	sld [smem:$0x3FB6]  }
0x3d: {  	_ =	shalt  }
0x3e: {  	_ =	shalt  }
0x3f: {  	_ =	shalt  }
0x40: {  	_ =	shalt  }
0x41: {  	_ =	shalt  }
0x42: {  	_ =	shalt  }
0x43: {  	_ =	shalt  }
0x44: {  	_ =	shalt  }
0x45: {  	_ =	shalt  }
0x46: {  	_ =	shalt  }
0x47: {  	_ =	shalt  }
0x48: {  	_ =	shalt  }
0x49: {  	_ =	shalt  }
0x4a: {  	_ =	shalt  }
0x4b: {  	_ =	shalt  }
0x4c: {  	_ =	shalt  }
0x4d: {  	_ =	shalt  }
0x4e: {  	_ =	shalt  }
0x4f: {  	_ =	shalt  }
0x50: {  	_ =	shalt  }
0x51: {  	_ =	shalt  }
0x52: {  	_ =	shalt  }
0x53: {  	_ =	shalt  }
0x54: {  	_ =	shalt  }
0x55: {  	_ =	shalt  }
0x56: {  	_ =	shalt  }
0x57: {  	_ =	shalt  }
0x58: {  	_ =	shalt  }
0x59: {  	_ =	shalt  }
0x5a: {  	_ =	shalt  }
0x5b: {  	_ =	shalt  }
0x5c: {  	_ =	shalt  }
0x5d: {  	_ =	shalt  }
0x5e: {  	_ =	shalt  }
0x5f: {  	_ =	shalt  }
0x60: {  	_ =	shalt  }
0x61: {  	_ =	shalt  }
0x62: {  	_ =	shalt  }
0x63: {  	_ =	shalt  }
0x64: {  	_ =	shalt  }
0x65: {  	_ =	shalt  }
0x66: {  	_ =	shalt  }
0x67: {  	_ =	shalt  }
0x68: {  	_ =	shalt  }
0x69: {  	_ =	shalt  }
0x6a: {  	_ =	shalt  }
0x6b: {  	_ =	shalt  }
0x6c: {  	_ =	shalt  }
0x6d: {  	_ =	shalt  }
0x6e: {  	_ =	shalt  }
0x6f: {  	_ =	shalt  }
0x70: {  	_ =	shalt  }
0x71: {  	_ =	shalt  }
0x72: {  	_ =	shalt  }
0x73: {  	_ =	shalt  }
0x74: {  	_ =	shalt  }
0x75: {  	_ =	shalt  }
0x76: {  	_ =	shalt  }
0x77: {  	_ =	shalt  }
0x78: {  	_ =	shalt  }
0x79: {  	_ =	shalt  }
0x7a: {  	_ =	shalt  }
0x7b: {  	_ =	shalt  }
0x7c: {  	_ =	shalt  }
0x7d: {  	_ =	shalt  }
0x7e: {  	_ =	shalt  }
0x7f: {  	_ =	shalt  }
0x80: {  	_ =	shalt  }
0x81: {  	_ =	shalt  }
0x82: {  	_ =	shalt  }
0x83: {  	_ =	shalt  }
0x84: {  	_ =	shalt  }
0x85: {  	_ =	shalt  }
0x86: {  	_ =	shalt  }
0x87: {  	_ =	shalt  }
.Lfunc_end0:
.L_simem_size_0:
called_computation.1_lowered:
.L_overlay_start_0:
0x88: {  	s2 =	sld [smem:$0x3FD9]  }
0x89: {  	s3 =	sld [smem:$0x3FFE];
	_ =	sdelay $0x1  }
0x8a: {  	s1 =	srdreg.scid  }
0x8b: {  	s0 =	sand.u32 $0x1, s1  }
0x8c: {  	s17 =	sshll.u32 s0, $0xA;
	s2 =	sadd.s32 s3, s2  }
0x8d: {  	s2 =	sadd.s32 s2, s17  }
0x8e: {  	[smem:$0x3FC2] =	sst s2  }
0x8f: {  	_ = 	snop  }
0x90: {  	s2 =	sld [smem:$0x3FD0];
	(tm) =	ssettm $0x1  }
0x91: {  	s18 =	sld [smem:$0x3FFB];
	_ =	sdelay $0x3  }
0x92: {  	_ =	strace s18  }
0x93: {  	s3 =	sld [smem:$0x3FFC];
	_ =	sdelay $0x3  }
0x94: {  	_ =	strace s3  }
0x95: {  	s3 =	sld [smem:$0x3FFD];
	_ =	sdelay $0x3  }
0x96: {  	_ =	strace s3  }
0x97: {  	_ =	strace $0x8FFFFFFF  }
0x98: {  	s19 =	sld [smem:$0x3FDB];
	_ =	sdelay $0x1  }
0x99: {  	s4 =	simm.s32 $_scs_section_size  }
0x9a: {  	s5 =	simm.s32 $_size__tile_overlayer_lowered;
	s6 =	simm.s32 $_tile_overlayer_lowered  }
0x9b: {  	s22 =	simm.s32 $0x1BFF;
	s21 =	sshll.u32 s6, $0x1;
	s3 =	sadd.s32 s4, s19  }
0x9c: {  	s7 =	simm.s32 $0x0;
	s20 =	sshll.u32 s5, $0x1;
	s5 =	sadd.s32 s21, s3  }
0x9d: {  	[timem:s7], [sflag:s22] =	dma.local [hbm:s5], s20  }
0x9e: {  	_ =	swait.ge [sflag:s22], s20  }
0x9f: {  	s4 =	ssub.s32 $0x0, s20;
	[sflag:s22] =	ssyncset.done $0x0  }
0xa0: {  	[sflag:s22] =	ssyncadd.s32 s4;
	_ =	sdelay $0x1  }
0xa1: {  	s23 =	simm.s32 $0x1B8B  }
0xa2: {  	_ =	swait.ge [sflag:s23], $0x1  }
0xa3: {  	[sflag:s23] =	ssyncset.done $0x0  }
0xa4: {  	s25 =	simm.s32 $0x1B8E;
	s24 =	sld [smem:$0x3FFE];
	[sflag:s23] =	ssyncadd.s32 $0xFFFFFFFF  }
0xa5: {  	s26 =	simm.s32 $execute0_lowered;
	[smem:$0x3FD2] =	sst s25  }
0xa6: {  	s5 =	sshll.u32 s26, $0x1;
	_ =	strace $0x80000049;
	[dreg:$0x1] =	wrdreg $0xFFFFFFFF  }
0xa7: {  	s28 =	simm.s32 $_size_execute0_lowered;
	s3 =	sadd.s32 s3, s5;
	[dreg:$0x0] =	wrdreg $0x0  }
0xa8: {  	s5 =	sshll.u32 s28, $0x1;
	[dreg:$0x2] =	wrdreg s3  }
0xa9: {  	[dreg:$0x3] =	wrdreg s5  }
0xaa: {  	[dreg:$0x4] =	wrdreg $0xC0  }
0xab: {  	_ =	task [dreg:s7], $0x5FFFF  }
0xac: {  	[dreg:$0x1] =	wrdreg $0xFFFFFFFF  }
0xad: {  	[dreg:$0x0] =	wrdreg $0x60  }
0xae: {  	[dreg:$0x2] =	wrdreg s24  }
0xaf: {  	[dreg:$0x3] =	wrdreg s2  }
0xb0: {  	[dreg:$0x4] =	wrdreg $0x50000  }
0xb1: {  	[dreg:$0x5] =	wrdreg $0xA0000  }
0xb2: {  	[dreg:$0x6] =	wrdreg $0x9  }
0xb3: {  	_ =	task.clear_ibuf [dreg:s7], $0x7FFFF;
	_ =	strace $0x90000049  }
0xb4: {  	s29 =	simm.s32 $0x9;
	_ =	strace $0x8000004B  }
0xb5: {  	_ =	swait.ge [sflag:s29], $0x1  }
0xb6: {  	[sflag:s29] =	ssyncadd.s32 $0xFFFFFFFF  }
0xb7: {  	_ =	strace $0x9000004B  }
0xb8: {  	_ =	sfence  }
0xb9: {  	s30 =	sld [smem:$0x0];
	_ =	sdelay $0x2  }
0xba: {  	s31 =	sshll.u32 s1, $0xD;
	s1 =	sshrl.u32 s1, $0x2  }
0xbb: {  	s3 =	sand.u32 $0x4000, s31;
	s1 =	sadd.s32 s1, s30  }
0xbc: {  	s0 =	sor.u32 s3, s0;
	s1 =	sshll.u32 s1, $0x11  }
0xbd: {  	s0 =	sor.u32 s1, s0  }
0xbe: {  	s0 =	sadd.s32 $0x8F2B, s0  }
0xbf: {  	[sflag:s0] =	ssyncadd.remote.s32 $0x1  }
0xc0: {  	_ =	sfence.sel $0xFFFF  }
0xc1: {  	[dreg:$0x0] =	wrdreg $0xFFFFFFFF;
	(pc) =	sbr.abs _section_cstart, $3  }
0xc2: {  	[dreg:$0x1] =	wrdreg $0xFFFFFFFF  }
0xc3: {  	_ =	task.clear_ibuf [dreg:s7], $0x2FFFF;
	_ =	strace $0x9FFFFFFF  }
0xc4: {  	(tm) =	ssettm $0x7FFFFFFF  }
0xc5: {  	_ =	shalt  }
tec
execute0_lowered:
.L_overlay_start_1:
0x0: {  	(tag) =	ssettag $0x1  }
0x1: {  	s0 =	rddreg [dreg:$0x0]  }
0x2: {  	s1 =	rddreg [dreg:$0x1]  }
0x3: {  	s2 =	rddreg [dreg:$0x2]  }
0x4: {  	s3 =	rddreg [dreg:$0x3];
	s4 =	simm.s32 $0x0;
	s12 =	stileid.u32  }
0x5: {  	s5 =	srdreg.scid;
	s19 =	simm.s32 $0x100;
	s20 =	simm.s32 $0x880  }
0x6: {  	s21 =	simm.s32 $0x180;
	s22 =	simm.s32 $0x900;
	[smem:$0x7FF] =	sst s4  }
0x7: {  	s23 =	simm.s32 $0x200;
	_ =	strace $0x8000004A;
	[dreg:$0x7] =	wrdreg s19  }
0x8: {  	s24 =	simm.s32 $0x980;
	s26 =	simm.s32 $0x280;
	[dreg:$0x8] =	wrdreg s20  }
0x9: {  	s14 =	simm.s32 $0xA80;
	s28 =	simm.s32 $0x3;
	[dreg:$0x9] =	wrdreg s21  }
0xa: {  	s29 =	simm.s32 $0x5;
	s6 =	smul.u32 $0x14000, s12;
	[dreg:$0xa] =	wrdreg s22  }
0xb: {  	s30 =	simm.s32 $0x6;
	s7 =	smul.u32 $0xA00, s12;
	[dreg:$0xb] =	wrdreg s23  }
0xc: {  	s5 =	sand.u32 $0x1, s5;
	s9 =	smul.u32 $0xA000, s12;
	[dreg:$0xc] =	wrdreg s24  }
0xd: {  	s17 =	sshll.u32 s12, $0x6;
	s12 =	simm.s32 $0x300;
	[dreg:$0xd] =	wrdreg s26  }
0xe: {  	s31 =	simm.s32 $0x7;
	s8 =	sshll.u32 s5, $0x6;
	[dreg:$0xf] =	wrdreg s12  }
0xf: {  	s5 =	ssub.s32 $0x2, s5;
	[dreg:$0x10] =	wrdreg s14;
	s19 =	simm.s32 $0xB80  }
0x10: {  	s20 =	simm.s32 $0x480;
	s21 =	simm.s32 $0xC00;
	s22 =	simm.s32 $0x500  }
0x11: {  	s23 =	simm.s32 $0xC80;
	s24 =	simm.s32 $0x580;
	s12 =	simm.s32 $0xF00  }
0x12: {  	s14 =	simm.s32 $0x0;
	s8 =	sor.u32 s8, s6;
	[dreg:$0x14] =	wrdreg s19  }
0x13: {  	s10 =	sadd.s32 s7, s0;
	s11 =	sshrl.u32 s5, $0x1;
	[dreg:$0x15] =	wrdreg s20  }
0x14: {  	s15 =	sshrl.u32 s9, $0x1;
	s1 =	sadd.s32 s7, s1;
	[dreg:$0x16] =	wrdreg s21  }
0x15: {  	s7 =	sor.u32 $0x1C09, s17;
	s6 =	sshrl.u32 s6, $0x2;
	[dreg:$0x17] =	wrdreg s22  }
0x16: {  	s17 =	simm.s32 $0xB00;
	s19 =	simm.s32 $0x1000;
	[dreg:$0x18] =	wrdreg s23  }
0x17: {  	s20 =	simm.s32 $0x800;
	s21 =	simm.s32 $0x80;
	[dreg:$0x19] =	wrdreg s24  }
0x18: {  	s22 =	simm.s32 $0x2000;
	s23 =	simm.s32 $0x3000;
	[dreg:$0x5] =	wrdreg s1  }
0x19: {  	s24 =	simm.s32 $0x2;
	s8 =	sshrl.u32 s8, $0x4;
	[dreg:$0x12] =	wrdreg s17  }
0x1a: {  	s5 =	ssub.s32 s5, s11;
	s18 =	sadd.s32 $0x34400, s10;
	[dreg:$0x1c] =	wrdreg s7  }
0x1b: {  	s9 =	sadd.s32 s15, s2;
	s10 =	simm.s32 $0xA00;
	[dreg:$0x6] =	wrdreg s18  }
0x1c: {  	s6 =	sadd.s32 s6, s3;
	s1 =	sadd.s32 s15, s3;
	[dreg:$0xe] =	wrdreg s10  }
0x1d: {  	s17 =	simm.s32 $0x8;
	s5 =	smax.u32 s5, $0x1;
	[dreg:$0x1d] =	wrdreg s6  }
0x1e: {  	s0 =	sadd.s32 s8, s0;
	s25 =	sadd.s32 $0x1000, s6;
	[dreg:$0x1f] =	wrdreg s5  }
0x1f: {  	s8 =	sadd.s32 $0x2000, s6;
	s11 =	sadd.s32 $0x3000, s6;
	[smem:$0x7F8] =	sst s25  }
0x20: {  	s13 =	sadd.s32 $0x4000, s6;
	s15 =	sshrl.u32 s9, $0x3;
	[smem:$0x7F9] =	sst s8  }
0x21: {  	s18 =	simm.s32 $0x400;
	s26 =	sshrl.u32 s1, $0x3;
	[smem:$0x7FA] =	sst s11  }
0x22: {  	s1 =	simm.s32 $0xD80;
	s9 =	simm.s32 $0x700;
	[smem:$0x7FB] =	sst s13  }
0x23: {  	s10 =	simm.s32 $0xE80;
	s16 =	sadd.s32 $0x1A00, s0;
	[smem:$0x7FC] =	sst s15  }
0x24: {  	s0 =	sadd.s32 $0x15A00, s0;
	s15 =	simm.s32 $0x1;
	[dreg:$0x13] =	wrdreg s18  }
0x25: {  	s18 =	simm.s32 $0x9;
	s25 =	simm.s32 $0xD00;
	[smem:$0x7FD] =	sst s26  }
0x26: {  	s26 =	simm.s32 $0x4000;
	s5 =	simm.s32 $0x680;
	[dreg:$0x1b] =	wrdreg s16  }
0x27: {  	s8 =	simm.s32 $0xE00;
	s11 =	simm.s32 $0x780;
	[dreg:$0x1e] =	wrdreg s0  }
0x28: {  	s13 =	simm.s32 $0xF80;
	s16 =	simm.s32 $0x380;
	[dreg:$0x1a] =	wrdreg s25  }
0x29: {  	v0 =	vimm.bf16 $0.0e+00;
	s0 =	simm.s32 $0x600;
	[dreg:$0x11] =	wrdreg s16;
	s16 =	simm.s32 $0x4  }
.LBB2_1:
0x2a: {  	s25 =	sld [smem:$0x7FC]  }
0x2b: {  	[smem:$0x7F7] =	sst s14  }
0x2c: {  	s6 =	rddreg [dreg:$0x1b]  }
0x2d: {  	[spmem:s25@s16], [sflag:s7] =	dma.strided [hbm:s6@s17], $0xA00, s15, $0x4   }
0x2e: {  	s14 =	sand.u32 $0x3F80, s4;
	s25 =	sand.u32 $0x20, s4;
	_ =	swait.ge [sflag:s18], $0xA00  }
0x2f: {  	s6 =	sshrl.u32 s14, $0x2;
	s7 =	sshrl.u32 s25, $0x1;
	[sflag:s18] =	ssyncset.done $0x0  }
0x30: {  	s6 =	sor.u32 s7, s6;
	[sflag:s18] =	ssyncadd.s32 $0xFFFFF600  }
0x31: {  	s25 =	simm.s32 $0x0;
	s7 =	simm.s32 $0x40;
	[tilespmem:s6+$0x1000] =	vst v0  }
.LBB2_2:
0x32: {  	p0 =	sne.s32 s7, $0x3FC0  }
.Ltmp0:
0x33: {  	s6 =	sand.u32 $0x3F80, s7;
	s25 =	sadd.s32 $0x20, s25;
	(pc) =	sbr.rel @p0 .LBB2_2-.Ltmp0, $4  }
0x34: {  	s7 =	sadd.s32 $0x40, s7;
	s14 =	sand.u32 $0x20, s25  }
0x35: {  	s6 =	sshrl.u32 s6, $0x2;
	s14 =	sshrl.u32 s14, $0x1  }
0x36: {  	s6 =	sor.u32 s14, s6  }
0x37: {  	[tilespmem:s6+$0x1000] =	vst v0  }
0x38: {  	s6 =	rddreg [dreg:$0x1d]  }
0x39: {  	[spmem:s6] =	stream.linear.scatter [tilespmem:s19], [sflag:$0x9], $0x1000, $0x38;
	[tilespmem:$0xF000] =	vst v63  }
0x3a: {  	_ =	swait.ge [sflag:s18], $0x1000  }
0x3b: {  	s14 =	sld [smem:$0x7F8]  }
0x3c: {  	[sflag:s18] =	ssyncset.done $0x0  }
0x3d: {  	[sflag:s18] =	ssyncadd.s32 $0xFFFFF000  }
0x3e: {  	[spmem:s14] =	stream.linear.scatter [tilespmem:s19], [sflag:$0x9], $0x1000, $0x38;
	[tilespmem:$0xF000] =	vst v63  }
0x3f: {  	_ =	swait.ge [sflag:s18], $0x1000  }
0x40: {  	s25 =	sld [smem:$0x7F9]  }
0x41: {  	[sflag:s18] =	ssyncset.done $0x0  }
0x42: {  	[sflag:s18] =	ssyncadd.s32 $0xFFFFF000  }
0x43: {  	[spmem:s25] =	stream.linear.scatter [tilespmem:s19], [sflag:$0x9], $0x1000, $0x38;
	[tilespmem:$0xF000] =	vst v63  }
0x44: {  	_ =	swait.ge [sflag:s18], $0x1000  }
0x45: {  	s7 =	sld [smem:$0x7FA]  }
0x46: {  	[sflag:s18] =	ssyncset.done $0x0  }
0x47: {  	[sflag:s18] =	ssyncadd.s32 $0xFFFFF000  }
0x48: {  	[spmem:s7] =	stream.linear.scatter [tilespmem:s19], [sflag:$0x9], $0x1000, $0x38;
	[tilespmem:$0xF000] =	vst v63  }
0x49: {  	_ =	swait.ge [sflag:s18], $0x1000  }
0x4a: {  	s14 =	sld [smem:$0x7FB]  }
0x4b: {  	[sflag:s18] =	ssyncset.done $0x0  }
0x4c: {  	[sflag:s18] =	ssyncadd.s32 $0xFFFFF000  }
0x4d: {  	[spmem:s14] =	stream.linear.scatter [tilespmem:s19], [sflag:$0x9], $0x1000, $0x38;
	[tilespmem:$0xF000] =	vst v63  }
0x4e: {  	_ =	swait.ge [sflag:s18], $0x1000  }
0x4f: {  	[sflag:s18] =	ssyncset.done $0x0  }
0x50: {  	[sflag:s18] =	ssyncadd.s32 $0xFFFFF000  }
0x51: {  	[bflag:$0x0] =	sbarrier.arrive $0xFFFF  }
0x52: {  	s25 =	rddreg [dreg:$0x6]  }
0x53: {  	s6 =	sadd.s32 $0x0, s25  }
0x54: {  	[tilespmem:s4], [sflag:$0x9] =	stream.linear.gather [hbm4b:s6+s4], $0x800, $0x38;
	[tilespmem:$0xF000] =	vst v63  }
0x55: {  	_ =	swait.ge [sflag:s18], $0x800  }
0x56: {  	s7 =	rddreg [dreg:$0x5];
	[sflag:s18] =	ssyncset.done $0x0  }
0x57: {  	[sflag:s18] =	ssyncadd.s32 $0xFFFFF800;
	s6 =	sadd.s32 $0x0, s7  }
0x58: {  	[tilespmem:s20], [sflag:$0x9] =	stream.linear.gather [hbm4b:s6+s4], $0x800, $0x38;
	[tilespmem:$0xF000] =	vst v63  }
0x59: {  	_ =	swait.ge [sflag:s18], $0x800  }
0x5a: {  	[sflag:s18] =	ssyncset.done $0x0  }
0x5b: {  	[sflag:s18] =	ssyncadd.s32 $0xFFFFF800  }
0x5c: {  	[tilespmem:s19], [sflag:$0x1] =	stream.indirect.gather [spmem:s2], $0x20, s4, s21, $0xb8;
	[tilespmem:$0xF000] =	vst v63  }
0x5d: {  	_ = 	snop  }
0x5e: {  	[tilespmem:s22], [sflag:$0x2] =	stream.indirect.gather [spmem:s2], $0x20, s21, s21, $0xb8;
	[tilespmem:$0xF000] =	vst v63  }
0x5f: {  	_ =	swait.ge [sflag:s15], $0x1000  }
0x60: {  	[sflag:s15] =	ssyncset.done $0x0  }
0x61: {  	[sflag:s15] =	ssyncadd.s32 $0xFFFFF000  }
0x62: {  	[spmem:s3] =	stream.indirect.scatter.add.bf16 [tilespmem:s19], [sflag:$0x5], $0x20, s20, s21, $0xb8;
	[tilespmem:$0xF000] =	vst v63  }
0x63: {  	s14 =	rddreg [dreg:$0x7]  }
0x64: {  	[tilespmem:s23], [sflag:$0x3] =	stream.indirect.gather [spmem:s2], $0x20, s14, s21, $0xb8;
	[tilespmem:$0xF000] =	vst v63  }
0x65: {  	_ =	swait.ge [sflag:s24], $0x1000  }
0x66: {  	[sflag:s24] =	ssyncset.done $0x0  }
0x67: {  	s25 =	rddreg [dreg:$0x8];
	[sflag:s24] =	ssyncadd.s32 $0xFFFFF000  }
0x68: {  	[spmem:s3] =	stream.indirect.scatter.add.bf16 [tilespmem:s22], [sflag:$0x6], $0x20, s25, s21, $0xb8;
	[tilespmem:$0xF000] =	vst v63  }
0x69: {  	s7 =	rddreg [dreg:$0x9]  }
0x6a: {  	[tilespmem:s26], [sflag:$0x4] =	stream.indirect.gather [spmem:s2], $0x20, s7, s21, $0xb8;
	[tilespmem:$0xF000] =	vst v63  }
0x6b: {  	_ =	swait.ge [sflag:s28], $0x1000  }
0x6c: {  	[sflag:s28] =	ssyncset.done $0x0  }
0x6d: {  	s14 =	rddreg [dreg:$0xa];
	[sflag:s28] =	ssyncadd.s32 $0xFFFFF000  }
0x6e: {  	[spmem:s3] =	stream.indirect.scatter.add.bf16 [tilespmem:s23], [sflag:$0x7], $0x20, s14, s21, $0xb8;
	[tilespmem:$0xF000] =	vst v63  }
0x6f: {  	_ =	swait.ge [sflag:s29], $0x1000  }
0x70: {  	[sflag:s29] =	ssyncset.done $0x0  }
0x71: {  	s25 =	rddreg [dreg:$0xb];
	[sflag:s29] =	ssyncadd.s32 $0xFFFFF000  }
0x72: {  	[tilespmem:s19], [sflag:$0x1] =	stream.indirect.gather [spmem:s2], $0x20, s25, s21, $0xb8;
	[tilespmem:$0xF000] =	vst v63  }
0x73: {  	_ =	swait.ge [sflag:s16], $0x1000  }
0x74: {  	[sflag:s16] =	ssyncset.done $0x0  }
0x75: {  	s7 =	rddreg [dreg:$0xc];
	[sflag:s16] =	ssyncadd.s32 $0xFFFFF000  }
0x76: {  	[spmem:s3] =	stream.indirect.scatter.add.bf16 [tilespmem:s26], [sflag:$0x8], $0x20, s7, s21, $0xb8;
	[tilespmem:$0xF000] =	vst v63  }
0x77: {  	_ =	swait.ge [sflag:s30], $0x1000  }
0x78: {  	[sflag:s30] =	ssyncset.done $0x0  }
0x79: {  	s14 =	rddreg [dreg:$0xd];
	[sflag:s30] =	ssyncadd.s32 $0xFFFFF000  }
0x7a: {  	[tilespmem:s22], [sflag:$0x2] =	stream.indirect.gather [spmem:s2], $0x20, s14, s21, $0xb8;
	[tilespmem:$0xF000] =	vst v63  }
0x7b: {  	_ =	swait.ge [sflag:s15], $0x1000  }
0x7c: {  	[sflag:s15] =	ssyncset.done $0x0  }
0x7d: {  	s25 =	rddreg [dreg:$0xe];
	[sflag:s15] =	ssyncadd.s32 $0xFFFFF000  }
0x7e: {  	[spmem:s3] =	stream.indirect.scatter.add.bf16 [tilespmem:s19], [sflag:$0x5], $0x20, s25, s21, $0xb8;
	[tilespmem:$0xF000] =	vst v63  }
0x7f: {  	_ =	swait.ge [sflag:s31], $0x1000  }
0x80: {  	[sflag:s31] =	ssyncset.done $0x0  }
0x81: {  	s7 =	rddreg [dreg:$0xf];
	[sflag:s31] =	ssyncadd.s32 $0xFFFFF000  }
0x82: {  	[tilespmem:s23], [sflag:$0x3] =	stream.indirect.gather [spmem:s2], $0x20, s7, s21, $0xb8;
	[tilespmem:$0xF000] =	vst v63  }
0x83: {  	_ =	swait.ge [sflag:s24], $0x1000  }
0x84: {  	[sflag:s24] =	ssyncset.done $0x0  }
0x85: {  	s14 =	rddreg [dreg:$0x10];
	[sflag:s24] =	ssyncadd.s32 $0xFFFFF000  }
0x86: {  	[spmem:s3] =	stream.indirect.scatter.add.bf16 [tilespmem:s22], [sflag:$0x6], $0x20, s14, s21, $0xb8;
	[tilespmem:$0xF000] =	vst v63  }
0x87: {  	_ =	swait.ge [sflag:s17], $0x1000  }
0x88: {  	[sflag:s17] =	ssyncset.done $0x0  }
0x89: {  	s25 =	rddreg [dreg:$0x11];
	[sflag:s17] =	ssyncadd.s32 $0xFFFFF000  }
0x8a: {  	[tilespmem:s26], [sflag:$0x4] =	stream.indirect.gather [spmem:s2], $0x20, s25, s21, $0xb8;
	[tilespmem:$0xF000] =	vst v63  }
0x8b: {  	_ =	swait.ge [sflag:s28], $0x1000  }
0x8c: {  	[sflag:s28] =	ssyncset.done $0x0  }
0x8d: {  	s7 =	rddreg [dreg:$0x12];
	[sflag:s28] =	ssyncadd.s32 $0xFFFFF000  }
0x8e: {  	[spmem:s3] =	stream.indirect.scatter.add.bf16 [tilespmem:s23], [sflag:$0x7], $0x20, s7, s21, $0xb8;
	[tilespmem:$0xF000] =	vst v63  }
0x8f: {  	_ =	swait.ge [sflag:s29], $0x1000  }
0x90: {  	[sflag:s29] =	ssyncset.done $0x0  }
0x91: {  	s14 =	rddreg [dreg:$0x13];
	[sflag:s29] =	ssyncadd.s32 $0xFFFFF000  }
0x92: {  	[tilespmem:s19], [sflag:$0x1] =	stream.indirect.gather [spmem:s2], $0x20, s14, s21, $0xb8;
	[tilespmem:$0xF000] =	vst v63  }
0x93: {  	_ =	swait.ge [sflag:s16], $0x1000  }
0x94: {  	[sflag:s16] =	ssyncset.done $0x0  }
0x95: {  	s25 =	rddreg [dreg:$0x14];
	[sflag:s16] =	ssyncadd.s32 $0xFFFFF000  }
0x96: {  	[spmem:s3] =	stream.indirect.scatter.add.bf16 [tilespmem:s26], [sflag:$0x8], $0x20, s25, s21, $0xb8;
	[tilespmem:$0xF000] =	vst v63  }
0x97: {  	_ =	swait.ge [sflag:s30], $0x1000  }
0x98: {  	[sflag:s30] =	ssyncset.done $0x0  }
0x99: {  	s7 =	rddreg [dreg:$0x15];
	[sflag:s30] =	ssyncadd.s32 $0xFFFFF000  }
0x9a: {  	[tilespmem:s22], [sflag:$0x2] =	stream.indirect.gather [spmem:s2], $0x20, s7, s21, $0xb8;
	[tilespmem:$0xF000] =	vst v63  }
0x9b: {  	_ =	swait.ge [sflag:s15], $0x1000  }
0x9c: {  	[sflag:s15] =	ssyncset.done $0x0  }
0x9d: {  	s14 =	rddreg [dreg:$0x16];
	[sflag:s15] =	ssyncadd.s32 $0xFFFFF000  }
0x9e: {  	[spmem:s3] =	stream.indirect.scatter.add.bf16 [tilespmem:s19], [sflag:$0x5], $0x20, s14, s21, $0xb8;
	[tilespmem:$0xF000] =	vst v63  }
0x9f: {  	_ =	swait.ge [sflag:s31], $0x1000  }
0xa0: {  	[sflag:s31] =	ssyncset.done $0x0  }
0xa1: {  	s25 =	rddreg [dreg:$0x17];
	[sflag:s31] =	ssyncadd.s32 $0xFFFFF000  }
0xa2: {  	[tilespmem:s23], [sflag:$0x3] =	stream.indirect.gather [spmem:s2], $0x20, s25, s21, $0xb8;
	[tilespmem:$0xF000] =	vst v63  }
0xa3: {  	_ =	swait.ge [sflag:s24], $0x1000  }
0xa4: {  	[sflag:s24] =	ssyncset.done $0x0  }
0xa5: {  	s7 =	rddreg [dreg:$0x18];
	[sflag:s24] =	ssyncadd.s32 $0xFFFFF000  }
0xa6: {  	[spmem:s3] =	stream.indirect.scatter.add.bf16 [tilespmem:s22], [sflag:$0x6], $0x20, s7, s21, $0xb8;
	[tilespmem:$0xF000] =	vst v63  }
0xa7: {  	_ =	swait.ge [sflag:s17], $0x1000  }
0xa8: {  	[sflag:s17] =	ssyncset.done $0x0  }
0xa9: {  	s14 =	rddreg [dreg:$0x19];
	[sflag:s17] =	ssyncadd.s32 $0xFFFFF000  }
0xaa: {  	[tilespmem:s26], [sflag:$0x4] =	stream.indirect.gather [spmem:s2], $0x20, s14, s21, $0xb8;
	[tilespmem:$0xF000] =	vst v63  }
0xab: {  	_ =	swait.ge [sflag:s28], $0x1000  }
0xac: {  	[sflag:s28] =	ssyncset.done $0x0  }
0xad: {  	s25 =	rddreg [dreg:$0x1a];
	[sflag:s28] =	ssyncadd.s32 $0xFFFFF000  }
0xae: {  	[spmem:s3] =	stream.indirect.scatter.add.bf16 [tilespmem:s23], [sflag:$0x7], $0x20, s25, s21, $0xb8;
	[tilespmem:$0xF000] =	vst v63  }
0xaf: {  	_ =	swait.ge [sflag:s29], $0x1000  }
0xb0: {  	[sflag:s29] =	ssyncset.done $0x0  }
0xb1: {  	[sflag:s29] =	ssyncadd.s32 $0xFFFFF000  }
0xb2: {  	[tilespmem:s19], [sflag:$0x1] =	stream.indirect.gather [spmem:s2], $0x20, s0, s21, $0xb8;
	[tilespmem:$0xF000] =	vst v63  }
0xb3: {  	_ =	swait.ge [sflag:s16], $0x1000  }
0xb4: {  	[sflag:s16] =	ssyncset.done $0x0  }
0xb5: {  	[sflag:s16] =	ssyncadd.s32 $0xFFFFF000  }
0xb6: {  	[spmem:s3] =	stream.indirect.scatter.add.bf16 [tilespmem:s26], [sflag:$0x8], $0x20, s1, s21, $0xb8;
	[tilespmem:$0xF000] =	vst v63  }
0xb7: {  	_ =	swait.ge [sflag:s30], $0x1000  }
0xb8: {  	[sflag:s30] =	ssyncset.done $0x0  }
0xb9: {  	[sflag:s30] =	ssyncadd.s32 $0xFFFFF000  }
0xba: {  	[tilespmem:s22], [sflag:$0x2] =	stream.indirect.gather [spmem:s2], $0x20, s5, s21, $0xb8;
	[tilespmem:$0xF000] =	vst v63  }
0xbb: {  	_ =	swait.ge [sflag:s15], $0x1000  }
0xbc: {  	[sflag:s15] =	ssyncset.done $0x0  }
0xbd: {  	[sflag:s15] =	ssyncadd.s32 $0xFFFFF000  }
0xbe: {  	[spmem:s3] =	stream.indirect.scatter.add.bf16 [tilespmem:s19], [sflag:$0x5], $0x20, s8, s21, $0xb8;
	[tilespmem:$0xF000] =	vst v63  }
0xbf: {  	_ =	swait.ge [sflag:s31], $0x1000  }
0xc0: {  	[sflag:s31] =	ssyncset.done $0x0  }
0xc1: {  	[sflag:s31] =	ssyncadd.s32 $0xFFFFF000  }
0xc2: {  	[tilespmem:s23], [sflag:$0x3] =	stream.indirect.gather [spmem:s2], $0x20, s9, s21, $0xb8;
	[tilespmem:$0xF000] =	vst v63  }
0xc3: {  	_ =	swait.ge [sflag:s24], $0x1000  }
0xc4: {  	[sflag:s24] =	ssyncset.done $0x0  }
0xc5: {  	[sflag:s24] =	ssyncadd.s32 $0xFFFFF000  }
0xc6: {  	[spmem:s3] =	stream.indirect.scatter.add.bf16 [tilespmem:s22], [sflag:$0x6], $0x20, s10, s21, $0xb8;
	[tilespmem:$0xF000] =	vst v63  }
0xc7: {  	_ =	swait.ge [sflag:s17], $0x1000  }
0xc8: {  	[sflag:s17] =	ssyncset.done $0x0  }
0xc9: {  	[sflag:s17] =	ssyncadd.s32 $0xFFFFF000  }
0xca: {  	[tilespmem:s26], [sflag:$0x4] =	stream.indirect.gather [spmem:s2], $0x20, s11, s21, $0xb8;
	[tilespmem:$0xF000] =	vst v63  }
0xcb: {  	_ =	swait.ge [sflag:s28], $0x1000  }
0xcc: {  	[sflag:s28] =	ssyncset.done $0x0  }
0xcd: {  	[sflag:s28] =	ssyncadd.s32 $0xFFFFF000  }
0xce: {  	[spmem:s3] =	stream.indirect.scatter.add.bf16 [tilespmem:s23], [sflag:$0x7], $0x20, s12, s21, $0xb8;
	[tilespmem:$0xF000] =	vst v63  }
0xcf: {  	_ =	swait.ge [sflag:s16], $0x1000  }
0xd0: {  	[sflag:s16] =	ssyncset.done $0x0  }
0xd1: {  	[sflag:s16] =	ssyncadd.s32 $0xFFFFF000  }
0xd2: {  	[spmem:s3] =	stream.indirect.scatter.add.bf16 [tilespmem:s26], [sflag:$0x8], $0x20, s13, s21, $0xb8;
	[tilespmem:$0xF000] =	vst v63  }
0xd3: {  	_ =	swait.ge [sflag:s29], $0x1000  }
0xd4: {  	[sflag:s29] =	ssyncset.done $0x0  }
0xd5: {  	[sflag:s29] =	ssyncadd.s32 $0xFFFFF000  }
0xd6: {  	_ =	swait.ge [sflag:s30], $0x1000  }
0xd7: {  	[sflag:s30] =	ssyncset.done $0x0  }
0xd8: {  	[sflag:s30] =	ssyncadd.s32 $0xFFFFF000  }
0xd9: {  	_ =	swait.ge [sflag:s31], $0x1000  }
0xda: {  	[sflag:s31] =	ssyncset.done $0x0  }
0xdb: {  	[sflag:s31] =	ssyncadd.s32 $0xFFFFF000  }
0xdc: {  	s7 =	simm.s32 $0x200;
	_ =	swait.ge [sflag:s17], $0x1000  }
0xdd: {  	s25 =	simm.s32 $0x100;
	s6 =	rddreg [dreg:$0x6];
	[sflag:s17] =	ssyncset.done $0x0  }
.LBB2_4:
0xde: {  	[sflag:s17] =	ssyncadd.s32 $0xFFFFF000;
	s6 =	sadd.s32 s25, s6  }
0xdf: {  	[tilespmem:s4], [sflag:$0x9] =	stream.linear.gather [hbm4b:s6+s4], $0x800, $0x38;
	[tilespmem:$0xF000] =	vst v63  }
0xe0: {  	_ =	swait.ge [sflag:s18], $0x800  }
0xe1: {  	s6 =	rddreg [dreg:$0x5];
	[sflag:s18] =	ssyncset.done $0x0  }
0xe2: {  	[sflag:s18] =	ssyncadd.s32 $0xFFFFF800;
	s6 =	sadd.s32 s25, s6  }
0xe3: {  	[tilespmem:s20], [sflag:$0x9] =	stream.linear.gather [hbm4b:s6+s4], $0x800, $0x38;
	[tilespmem:$0xF000] =	vst v63  }
0xe4: {  	_ =	swait.ge [sflag:s18], $0x800  }
0xe5: {  	[sflag:s18] =	ssyncset.done $0x0  }
0xe6: {  	[sflag:s18] =	ssyncadd.s32 $0xFFFFF800  }
0xe7: {  	[tilespmem:s19], [sflag:$0x1] =	stream.indirect.gather [spmem:s2], $0x20, s4, s21, $0xb8;
	[tilespmem:$0xF000] =	vst v63  }
0xe8: {  	_ = 	snop  }
0xe9: {  	[tilespmem:s22], [sflag:$0x2] =	stream.indirect.gather [spmem:s2], $0x20, s21, s21, $0xb8;
	[tilespmem:$0xF000] =	vst v63  }
0xea: {  	_ =	swait.ge [sflag:s15], $0x1000  }
0xeb: {  	[sflag:s15] =	ssyncset.done $0x0  }
0xec: {  	s14 =	smov.u32 s7;
	[sflag:s15] =	ssyncadd.s32 $0xFFFFF000  }
0xed: {  	[spmem:s3] =	stream.indirect.scatter.add.bf16 [tilespmem:s19], [sflag:$0x5], $0x20, s20, s21, $0xb8;
	[tilespmem:$0xF000] =	vst v63  }
0xee: {  	s25 =	smov.u32 s14;
	s14 =	rddreg [dreg:$0x7]  }
0xef: {  	[tilespmem:s23], [sflag:$0x3] =	stream.indirect.gather [spmem:s2], $0x20, s14, s21, $0xb8;
	[tilespmem:$0xF000] =	vst v63  }
0xf0: {  	_ =	swait.ge [sflag:s24], $0x1000  }
0xf1: {  	[sflag:s24] =	ssyncset.done $0x0  }
0xf2: {  	s6 =	rddreg [dreg:$0x8];
	[sflag:s24] =	ssyncadd.s32 $0xFFFFF000  }
0xf3: {  	[spmem:s3] =	stream.indirect.scatter.add.bf16 [tilespmem:s22], [sflag:$0x6], $0x20, s6, s21, $0xb8;
	[tilespmem:$0xF000] =	vst v63  }
0xf4: {  	s14 =	rddreg [dreg:$0x9]  }
0xf5: {  	[tilespmem:s26], [sflag:$0x4] =	stream.indirect.gather [spmem:s2], $0x20, s14, s21, $0xb8;
	[tilespmem:$0xF000] =	vst v63  }
0xf6: {  	_ =	swait.ge [sflag:s28], $0x1000  }
0xf7: {  	[sflag:s28] =	ssyncset.done $0x0  }
0xf8: {  	s14 =	rddreg [dreg:$0xa];
	[sflag:s28] =	ssyncadd.s32 $0xFFFFF000  }
0xf9: {  	[spmem:s3] =	stream.indirect.scatter.add.bf16 [tilespmem:s23], [sflag:$0x7], $0x20, s14, s21, $0xb8;
	[tilespmem:$0xF000] =	vst v63  }
0xfa: {  	_ =	swait.ge [sflag:s29], $0x1000  }
0xfb: {  	[sflag:s29] =	ssyncset.done $0x0  }
0xfc: {  	s14 =	rddreg [dreg:$0xb];
	[sflag:s29] =	ssyncadd.s32 $0xFFFFF000  }
0xfd: {  	[tilespmem:s19], [sflag:$0x1] =	stream.indirect.gather [spmem:s2], $0x20, s14, s21, $0xb8;
	[tilespmem:$0xF000] =	vst v63  }
0xfe: {  	_ =	swait.ge [sflag:s16], $0x1000  }
0xff: {  	[sflag:s16] =	ssyncset.done $0x0  }
0x100: {  	s14 =	rddreg [dreg:$0xc];
	[sflag:s16] =	ssyncadd.s32 $0xFFFFF000  }
0x101: {  	[spmem:s3] =	stream.indirect.scatter.add.bf16 [tilespmem:s26], [sflag:$0x8], $0x20, s14, s21, $0xb8;
	[tilespmem:$0xF000] =	vst v63  }
0x102: {  	_ =	swait.ge [sflag:s30], $0x1000  }
0x103: {  	[sflag:s30] =	ssyncset.done $0x0  }
0x104: {  	s14 =	rddreg [dreg:$0xd];
	[sflag:s30] =	ssyncadd.s32 $0xFFFFF000  }
0x105: {  	[tilespmem:s22], [sflag:$0x2] =	stream.indirect.gather [spmem:s2], $0x20, s14, s21, $0xb8;
	[tilespmem:$0xF000] =	vst v63  }
0x106: {  	_ =	swait.ge [sflag:s15], $0x1000  }
0x107: {  	[sflag:s15] =	ssyncset.done $0x0  }
0x108: {  	s14 =	rddreg [dreg:$0xe];
	[sflag:s15] =	ssyncadd.s32 $0xFFFFF000  }
0x109: {  	[spmem:s3] =	stream.indirect.scatter.add.bf16 [tilespmem:s19], [sflag:$0x5], $0x20, s14, s21, $0xb8;
	[tilespmem:$0xF000] =	vst v63  }
0x10a: {  	_ =	swait.ge [sflag:s31], $0x1000  }
0x10b: {  	[sflag:s31] =	ssyncset.done $0x0  }
0x10c: {  	s14 =	rddreg [dreg:$0xf];
	[sflag:s31] =	ssyncadd.s32 $0xFFFFF000  }
0x10d: {  	[tilespmem:s23], [sflag:$0x3] =	stream.indirect.gather [spmem:s2], $0x20, s14, s21, $0xb8;
	[tilespmem:$0xF000] =	vst v63  }
0x10e: {  	_ =	swait.ge [sflag:s24], $0x1000  }
0x10f: {  	[sflag:s24] =	ssyncset.done $0x0  }
0x110: {  	s14 =	rddreg [dreg:$0x10];
	[sflag:s24] =	ssyncadd.s32 $0xFFFFF000  }
0x111: {  	[spmem:s3] =	stream.indirect.scatter.add.bf16 [tilespmem:s22], [sflag:$0x6], $0x20, s14, s21, $0xb8;
	[tilespmem:$0xF000] =	vst v63  }
0x112: {  	_ =	swait.ge [sflag:s17], $0x1000  }
0x113: {  	[sflag:s17] =	ssyncset.done $0x0  }
0x114: {  	s14 =	rddreg [dreg:$0x11];
	[sflag:s17] =	ssyncadd.s32 $0xFFFFF000  }
0x115: {  	[tilespmem:s26], [sflag:$0x4] =	stream.indirect.gather [spmem:s2], $0x20, s14, s21, $0xb8;
	[tilespmem:$0xF000] =	vst v63  }
0x116: {  	_ =	swait.ge [sflag:s28], $0x1000  }
0x117: {  	[sflag:s28] =	ssyncset.done $0x0  }
0x118: {  	s14 =	rddreg [dreg:$0x12];
	[sflag:s28] =	ssyncadd.s32 $0xFFFFF000  }
0x119: {  	[spmem:s3] =	stream.indirect.scatter.add.bf16 [tilespmem:s23], [sflag:$0x7], $0x20, s14, s21, $0xb8;
	[tilespmem:$0xF000] =	vst v63  }
0x11a: {  	_ =	swait.ge [sflag:s29], $0x1000  }
0x11b: {  	[sflag:s29] =	ssyncset.done $0x0  }
0x11c: {  	s14 =	rddreg [dreg:$0x13];
	[sflag:s29] =	ssyncadd.s32 $0xFFFFF000  }
0x11d: {  	[tilespmem:s19], [sflag:$0x1] =	stream.indirect.gather [spmem:s2], $0x20, s14, s21, $0xb8;
	[tilespmem:$0xF000] =	vst v63  }
0x11e: {  	_ =	swait.ge [sflag:s16], $0x1000  }
0x11f: {  	[sflag:s16] =	ssyncset.done $0x0  }
0x120: {  	s14 =	rddreg [dreg:$0x14];
	[sflag:s16] =	ssyncadd.s32 $0xFFFFF000  }
0x121: {  	[spmem:s3] =	stream.indirect.scatter.add.bf16 [tilespmem:s26], [sflag:$0x8], $0x20, s14, s21, $0xb8;
	[tilespmem:$0xF000] =	vst v63  }
0x122: {  	_ =	swait.ge [sflag:s30], $0x1000  }
0x123: {  	[sflag:s30] =	ssyncset.done $0x0  }
0x124: {  	s14 =	rddreg [dreg:$0x15];
	[sflag:s30] =	ssyncadd.s32 $0xFFFFF000  }
0x125: {  	[tilespmem:s22], [sflag:$0x2] =	stream.indirect.gather [spmem:s2], $0x20, s14, s21, $0xb8;
	[tilespmem:$0xF000] =	vst v63  }
0x126: {  	_ =	swait.ge [sflag:s15], $0x1000  }
0x127: {  	[sflag:s15] =	ssyncset.done $0x0  }
0x128: {  	s14 =	rddreg [dreg:$0x16];
	[sflag:s15] =	ssyncadd.s32 $0xFFFFF000  }
0x129: {  	[spmem:s3] =	stream.indirect.scatter.add.bf16 [tilespmem:s19], [sflag:$0x5], $0x20, s14, s21, $0xb8;
	[tilespmem:$0xF000] =	vst v63  }
0x12a: {  	_ =	swait.ge [sflag:s31], $0x1000  }
0x12b: {  	[sflag:s31] =	ssyncset.done $0x0  }
0x12c: {  	s14 =	rddreg [dreg:$0x17];
	[sflag:s31] =	ssyncadd.s32 $0xFFFFF000  }
0x12d: {  	[tilespmem:s23], [sflag:$0x3] =	stream.indirect.gather [spmem:s2], $0x20, s14, s21, $0xb8;
	[tilespmem:$0xF000] =	vst v63  }
0x12e: {  	_ =	swait.ge [sflag:s24], $0x1000  }
0x12f: {  	[sflag:s24] =	ssyncset.done $0x0  }
0x130: {  	s14 =	rddreg [dreg:$0x18];
	[sflag:s24] =	ssyncadd.s32 $0xFFFFF000  }
0x131: {  	[spmem:s3] =	stream.indirect.scatter.add.bf16 [tilespmem:s22], [sflag:$0x6], $0x20, s14, s21, $0xb8;
	[tilespmem:$0xF000] =	vst v63  }
0x132: {  	_ =	swait.ge [sflag:s17], $0x1000  }
0x133: {  	[sflag:s17] =	ssyncset.done $0x0  }
0x134: {  	s14 =	rddreg [dreg:$0x19];
	[sflag:s17] =	ssyncadd.s32 $0xFFFFF000  }
0x135: {  	[tilespmem:s26], [sflag:$0x4] =	stream.indirect.gather [spmem:s2], $0x20, s14, s21, $0xb8;
	[tilespmem:$0xF000] =	vst v63  }
0x136: {  	_ =	swait.ge [sflag:s28], $0x1000  }
0x137: {  	[sflag:s28] =	ssyncset.done $0x0  }
0x138: {  	s14 =	rddreg [dreg:$0x1a];
	[sflag:s28] =	ssyncadd.s32 $0xFFFFF000  }
0x139: {  	[spmem:s3] =	stream.indirect.scatter.add.bf16 [tilespmem:s23], [sflag:$0x7], $0x20, s14, s21, $0xb8;
	[tilespmem:$0xF000] =	vst v63  }
0x13a: {  	_ =	swait.ge [sflag:s29], $0x1000  }
0x13b: {  	[sflag:s29] =	ssyncset.done $0x0  }
0x13c: {  	[sflag:s29] =	ssyncadd.s32 $0xFFFFF000  }
0x13d: {  	[tilespmem:s19], [sflag:$0x1] =	stream.indirect.gather [spmem:s2], $0x20, s0, s21, $0xb8;
	[tilespmem:$0xF000] =	vst v63  }
0x13e: {  	_ =	swait.ge [sflag:s16], $0x1000  }
0x13f: {  	[sflag:s16] =	ssyncset.done $0x0  }
0x140: {  	[sflag:s16] =	ssyncadd.s32 $0xFFFFF000  }
0x141: {  	[spmem:s3] =	stream.indirect.scatter.add.bf16 [tilespmem:s26], [sflag:$0x8], $0x20, s1, s21, $0xb8;
	[tilespmem:$0xF000] =	vst v63  }
0x142: {  	_ =	swait.ge [sflag:s30], $0x1000  }
0x143: {  	[sflag:s30] =	ssyncset.done $0x0  }
0x144: {  	[sflag:s30] =	ssyncadd.s32 $0xFFFFF000  }
0x145: {  	[tilespmem:s22], [sflag:$0x2] =	stream.indirect.gather [spmem:s2], $0x20, s5, s21, $0xb8;
	[tilespmem:$0xF000] =	vst v63  }
0x146: {  	_ =	swait.ge [sflag:s15], $0x1000  }
0x147: {  	[sflag:s15] =	ssyncset.done $0x0  }
0x148: {  	[sflag:s15] =	ssyncadd.s32 $0xFFFFF000  }
0x149: {  	[spmem:s3] =	stream.indirect.scatter.add.bf16 [tilespmem:s19], [sflag:$0x5], $0x20, s8, s21, $0xb8;
	[tilespmem:$0xF000] =	vst v63  }
0x14a: {  	_ =	swait.ge [sflag:s31], $0x1000  }
0x14b: {  	[sflag:s31] =	ssyncset.done $0x0  }
0x14c: {  	[sflag:s31] =	ssyncadd.s32 $0xFFFFF000  }
0x14d: {  	[tilespmem:s23], [sflag:$0x3] =	stream.indirect.gather [spmem:s2], $0x20, s9, s21, $0xb8;
	[tilespmem:$0xF000] =	vst v63  }
0x14e: {  	_ =	swait.ge [sflag:s24], $0x1000  }
0x14f: {  	[sflag:s24] =	ssyncset.done $0x0  }
0x150: {  	[sflag:s24] =	ssyncadd.s32 $0xFFFFF000  }
0x151: {  	[spmem:s3] =	stream.indirect.scatter.add.bf16 [tilespmem:s22], [sflag:$0x6], $0x20, s10, s21, $0xb8;
	[tilespmem:$0xF000] =	vst v63  }
0x152: {  	_ =	swait.ge [sflag:s17], $0x1000  }
0x153: {  	[sflag:s17] =	ssyncset.done $0x0  }
0x154: {  	[sflag:s17] =	ssyncadd.s32 $0xFFFFF000  }
0x155: {  	[tilespmem:s26], [sflag:$0x4] =	stream.indirect.gather [spmem:s2], $0x20, s11, s21, $0xb8;
	[tilespmem:$0xF000] =	vst v63  }
0x156: {  	_ =	swait.ge [sflag:s28], $0x1000  }
0x157: {  	[sflag:s28] =	ssyncset.done $0x0  }
0x158: {  	[sflag:s28] =	ssyncadd.s32 $0xFFFFF000  }
0x159: {  	[spmem:s3] =	stream.indirect.scatter.add.bf16 [tilespmem:s23], [sflag:$0x7], $0x20, s12, s21, $0xb8;
	[tilespmem:$0xF000] =	vst v63  }
0x15a: {  	_ =	swait.ge [sflag:s16], $0x1000  }
0x15b: {  	[sflag:s16] =	ssyncset.done $0x0  }
0x15c: {  	[sflag:s16] =	ssyncadd.s32 $0xFFFFF000  }
0x15d: {  	[spmem:s3] =	stream.indirect.scatter.add.bf16 [tilespmem:s26], [sflag:$0x8], $0x20, s13, s21, $0xb8;
	[tilespmem:$0xF000] =	vst v63  }
0x15e: {  	_ =	swait.ge [sflag:s29], $0x1000  }
0x15f: {  	[sflag:s29] =	ssyncset.done $0x0  }
0x160: {  	[sflag:s29] =	ssyncadd.s32 $0xFFFFF000  }
0x161: {  	_ =	swait.ge [sflag:s30], $0x1000  }
0x162: {  	[sflag:s30] =	ssyncset.done $0x0  }
0x163: {  	p0 =	sne.s32 s7, $0x900;
	[sflag:s30] =	ssyncadd.s32 $0xFFFFF000  }
.Ltmp1:
0x164: {  	_ =	swait.ge [sflag:s31], $0x1000;
	(pc) =	sbr.rel @p0 .LBB2_4-.Ltmp1, $4  }
0x165: {  	[sflag:s31] =	ssyncset.done $0x0  }
0x166: {  	[sflag:s31] =	ssyncadd.s32 $0xFFFFF000  }
0x167: {  	_ =	swait.ge [sflag:s17], $0x1000  }
0x168: {  	s7 =	sadd.s32 $0x100, s7;
	s6 =	rddreg [dreg:$0x6];
	[sflag:s17] =	ssyncset.done $0x0  }
0x169: {  	[sflag:s17] =	ssyncadd.s32 $0xFFFFF000;
	s6 =	sadd.s32 s25, s6  }
0x16a: {  	[tilespmem:s4], [sflag:$0x9] =	stream.linear.gather [hbm4b:s6+s4], $0x800, $0x38;
	[tilespmem:$0xF000] =	vst v63  }
0x16b: {  	_ =	swait.ge [sflag:s18], $0x800  }
0x16c: {  	s7 =	rddreg [dreg:$0x5];
	[sflag:s18] =	ssyncset.done $0x0  }
0x16d: {  	[sflag:s18] =	ssyncadd.s32 $0xFFFFF800;
	s6 =	sadd.s32 s25, s7  }
0x16e: {  	[tilespmem:s20], [sflag:$0x9] =	stream.linear.gather [hbm4b:s6+s4], $0x800, $0x38;
	[tilespmem:$0xF000] =	vst v63  }
0x16f: {  	_ =	swait.ge [sflag:s18], $0x800  }
0x170: {  	[sflag:s18] =	ssyncset.done $0x0  }
0x171: {  	[sflag:s18] =	ssyncadd.s32 $0xFFFFF800  }
0x172: {  	[tilespmem:s19], [sflag:$0x1] =	stream.indirect.gather [spmem:s2], $0x20, s4, s21, $0xb8;
	[tilespmem:$0xF000] =	vst v63  }
0x173: {  	_ = 	snop  }
0x174: {  	[tilespmem:s22], [sflag:$0x2] =	stream.indirect.gather [spmem:s2], $0x20, s21, s21, $0xb8;
	[tilespmem:$0xF000] =	vst v63  }
0x175: {  	_ =	swait.ge [sflag:s15], $0x1000  }
0x176: {  	[sflag:s15] =	ssyncset.done $0x0  }
0x177: {  	[sflag:s15] =	ssyncadd.s32 $0xFFFFF000  }
0x178: {  	[spmem:s3] =	stream.indirect.scatter.add.bf16 [tilespmem:s19], [sflag:$0x5], $0x20, s20, s21, $0xb8;
	[tilespmem:$0xF000] =	vst v63  }
0x179: {  	s14 =	rddreg [dreg:$0x7]  }
0x17a: {  	[tilespmem:s23], [sflag:$0x3] =	stream.indirect.gather [spmem:s2], $0x20, s14, s21, $0xb8;
	[tilespmem:$0xF000] =	vst v63  }
0x17b: {  	_ =	swait.ge [sflag:s24], $0x1000  }
0x17c: {  	[sflag:s24] =	ssyncset.done $0x0  }
0x17d: {  	s25 =	rddreg [dreg:$0x8];
	[sflag:s24] =	ssyncadd.s32 $0xFFFFF000  }
0x17e: {  	[spmem:s3] =	stream.indirect.scatter.add.bf16 [tilespmem:s22], [sflag:$0x6], $0x20, s25, s21, $0xb8;
	[tilespmem:$0xF000] =	vst v63  }
0x17f: {  	s7 =	rddreg [dreg:$0x9]  }
0x180: {  	[tilespmem:s26], [sflag:$0x4] =	stream.indirect.gather [spmem:s2], $0x20, s7, s21, $0xb8;
	[tilespmem:$0xF000] =	vst v63  }
0x181: {  	_ =	swait.ge [sflag:s28], $0x1000  }
0x182: {  	[sflag:s28] =	ssyncset.done $0x0  }
0x183: {  	s7 =	rddreg [dreg:$0xa];
	[sflag:s28] =	ssyncadd.s32 $0xFFFFF000  }
0x184: {  	[spmem:s3] =	stream.indirect.scatter.add.bf16 [tilespmem:s23], [sflag:$0x7], $0x20, s7, s21, $0xb8;
	[tilespmem:$0xF000] =	vst v63  }
0x185: {  	_ =	swait.ge [sflag:s29], $0x1000  }
0x186: {  	[sflag:s29] =	ssyncset.done $0x0  }
0x187: {  	s14 =	rddreg [dreg:$0xb];
	[sflag:s29] =	ssyncadd.s32 $0xFFFFF000  }
0x188: {  	[tilespmem:s19], [sflag:$0x1] =	stream.indirect.gather [spmem:s2], $0x20, s14, s21, $0xb8;
	[tilespmem:$0xF000] =	vst v63  }
0x189: {  	_ =	swait.ge [sflag:s16], $0x1000  }
0x18a: {  	[sflag:s16] =	ssyncset.done $0x0  }
0x18b: {  	s25 =	rddreg [dreg:$0xc];
	[sflag:s16] =	ssyncadd.s32 $0xFFFFF000  }
0x18c: {  	[spmem:s3] =	stream.indirect.scatter.add.bf16 [tilespmem:s26], [sflag:$0x8], $0x20, s25, s21, $0xb8;
	[tilespmem:$0xF000] =	vst v63  }
0x18d: {  	_ =	swait.ge [sflag:s30], $0x1000  }
0x18e: {  	[sflag:s30] =	ssyncset.done $0x0  }
0x18f: {  	s7 =	rddreg [dreg:$0xd];
	[sflag:s30] =	ssyncadd.s32 $0xFFFFF000  }
0x190: {  	[tilespmem:s22], [sflag:$0x2] =	stream.indirect.gather [spmem:s2], $0x20, s7, s21, $0xb8;
	[tilespmem:$0xF000] =	vst v63  }
0x191: {  	_ =	swait.ge [sflag:s15], $0x1000  }
0x192: {  	[sflag:s15] =	ssyncset.done $0x0  }
0x193: {  	s14 =	rddreg [dreg:$0xe];
	[sflag:s15] =	ssyncadd.s32 $0xFFFFF000  }
0x194: {  	[spmem:s3] =	stream.indirect.scatter.add.bf16 [tilespmem:s19], [sflag:$0x5], $0x20, s14, s21, $0xb8;
	[tilespmem:$0xF000] =	vst v63  }
0x195: {  	_ =	swait.ge [sflag:s31], $0x1000  }
0x196: {  	[sflag:s31] =	ssyncset.done $0x0  }
0x197: {  	s25 =	rddreg [dreg:$0xf];
	[sflag:s31] =	ssyncadd.s32 $0xFFFFF000  }
0x198: {  	[tilespmem:s23], [sflag:$0x3] =	stream.indirect.gather [spmem:s2], $0x20, s25, s21, $0xb8;
	[tilespmem:$0xF000] =	vst v63  }
0x199: {  	_ =	swait.ge [sflag:s24], $0x1000  }
0x19a: {  	[sflag:s24] =	ssyncset.done $0x0  }
0x19b: {  	s7 =	rddreg [dreg:$0x10];
	[sflag:s24] =	ssyncadd.s32 $0xFFFFF000  }
0x19c: {  	[spmem:s3] =	stream.indirect.scatter.add.bf16 [tilespmem:s22], [sflag:$0x6], $0x20, s7, s21, $0xb8;
	[tilespmem:$0xF000] =	vst v63  }
0x19d: {  	_ =	swait.ge [sflag:s17], $0x1000  }
0x19e: {  	[sflag:s17] =	ssyncset.done $0x0  }
0x19f: {  	s14 =	rddreg [dreg:$0x11];
	[sflag:s17] =	ssyncadd.s32 $0xFFFFF000  }
0x1a0: {  	[tilespmem:s26], [sflag:$0x4] =	stream.indirect.gather [spmem:s2], $0x20, s14, s21, $0xb8;
	[tilespmem:$0xF000] =	vst v63  }
0x1a1: {  	_ =	swait.ge [sflag:s28], $0x1000  }
0x1a2: {  	[sflag:s28] =	ssyncset.done $0x0  }
0x1a3: {  	s25 =	rddreg [dreg:$0x12];
	[sflag:s28] =	ssyncadd.s32 $0xFFFFF000  }
0x1a4: {  	[spmem:s3] =	stream.indirect.scatter.add.bf16 [tilespmem:s23], [sflag:$0x7], $0x20, s25, s21, $0xb8;
	[tilespmem:$0xF000] =	vst v63  }
0x1a5: {  	_ =	swait.ge [sflag:s29], $0x1000  }
0x1a6: {  	[sflag:s29] =	ssyncset.done $0x0  }
0x1a7: {  	s7 =	rddreg [dreg:$0x13];
	[sflag:s29] =	ssyncadd.s32 $0xFFFFF000  }
0x1a8: {  	[tilespmem:s19], [sflag:$0x1] =	stream.indirect.gather [spmem:s2], $0x20, s7, s21, $0xb8;
	[tilespmem:$0xF000] =	vst v63  }
0x1a9: {  	_ =	swait.ge [sflag:s16], $0x1000  }
0x1aa: {  	[sflag:s16] =	ssyncset.done $0x0  }
0x1ab: {  	s14 =	rddreg [dreg:$0x14];
	[sflag:s16] =	ssyncadd.s32 $0xFFFFF000  }
0x1ac: {  	[spmem:s3] =	stream.indirect.scatter.add.bf16 [tilespmem:s26], [sflag:$0x8], $0x20, s14, s21, $0xb8;
	[tilespmem:$0xF000] =	vst v63  }
0x1ad: {  	_ =	swait.ge [sflag:s30], $0x1000  }
0x1ae: {  	[sflag:s30] =	ssyncset.done $0x0  }
0x1af: {  	s25 =	rddreg [dreg:$0x15];
	[sflag:s30] =	ssyncadd.s32 $0xFFFFF000  }
0x1b0: {  	[tilespmem:s22], [sflag:$0x2] =	stream.indirect.gather [spmem:s2], $0x20, s25, s21, $0xb8;
	[tilespmem:$0xF000] =	vst v63  }
0x1b1: {  	_ =	swait.ge [sflag:s15], $0x1000  }
0x1b2: {  	[sflag:s15] =	ssyncset.done $0x0  }
0x1b3: {  	s7 =	rddreg [dreg:$0x16];
	[sflag:s15] =	ssyncadd.s32 $0xFFFFF000  }
0x1b4: {  	[spmem:s3] =	stream.indirect.scatter.add.bf16 [tilespmem:s19], [sflag:$0x5], $0x20, s7, s21, $0xb8;
	[tilespmem:$0xF000] =	vst v63  }
0x1b5: {  	_ =	swait.ge [sflag:s31], $0x1000  }
0x1b6: {  	[sflag:s31] =	ssyncset.done $0x0  }
0x1b7: {  	s14 =	rddreg [dreg:$0x17];
	[sflag:s31] =	ssyncadd.s32 $0xFFFFF000  }
0x1b8: {  	[tilespmem:s23], [sflag:$0x3] =	stream.indirect.gather [spmem:s2], $0x20, s14, s21, $0xb8;
	[tilespmem:$0xF000] =	vst v63  }
0x1b9: {  	_ =	swait.ge [sflag:s24], $0x1000  }
0x1ba: {  	[sflag:s24] =	ssyncset.done $0x0  }
0x1bb: {  	s25 =	rddreg [dreg:$0x18];
	[sflag:s24] =	ssyncadd.s32 $0xFFFFF000  }
0x1bc: {  	[spmem:s3] =	stream.indirect.scatter.add.bf16 [tilespmem:s22], [sflag:$0x6], $0x20, s25, s21, $0xb8;
	[tilespmem:$0xF000] =	vst v63  }
0x1bd: {  	_ =	swait.ge [sflag:s17], $0x1000  }
0x1be: {  	[sflag:s17] =	ssyncset.done $0x0  }
0x1bf: {  	s7 =	rddreg [dreg:$0x19];
	[sflag:s17] =	ssyncadd.s32 $0xFFFFF000  }
0x1c0: {  	[tilespmem:s26], [sflag:$0x4] =	stream.indirect.gather [spmem:s2], $0x20, s7, s21, $0xb8;
	[tilespmem:$0xF000] =	vst v63  }
0x1c1: {  	_ =	swait.ge [sflag:s28], $0x1000  }
0x1c2: {  	[sflag:s28] =	ssyncset.done $0x0  }
0x1c3: {  	s14 =	rddreg [dreg:$0x1a];
	[sflag:s28] =	ssyncadd.s32 $0xFFFFF000  }
0x1c4: {  	[spmem:s3] =	stream.indirect.scatter.add.bf16 [tilespmem:s23], [sflag:$0x7], $0x20, s14, s21, $0xb8;
	[tilespmem:$0xF000] =	vst v63  }
0x1c5: {  	_ =	swait.ge [sflag:s29], $0x1000  }
0x1c6: {  	[sflag:s29] =	ssyncset.done $0x0  }
0x1c7: {  	[sflag:s29] =	ssyncadd.s32 $0xFFFFF000  }
0x1c8: {  	[tilespmem:s19], [sflag:$0x1] =	stream.indirect.gather [spmem:s2], $0x20, s0, s21, $0xb8;
	[tilespmem:$0xF000] =	vst v63  }
0x1c9: {  	_ =	swait.ge [sflag:s16], $0x1000  }
0x1ca: {  	[sflag:s16] =	ssyncset.done $0x0  }
0x1cb: {  	[sflag:s16] =	ssyncadd.s32 $0xFFFFF000  }
0x1cc: {  	[spmem:s3] =	stream.indirect.scatter.add.bf16 [tilespmem:s26], [sflag:$0x8], $0x20, s1, s21, $0xb8;
	[tilespmem:$0xF000] =	vst v63  }
0x1cd: {  	_ =	swait.ge [sflag:s30], $0x1000  }
0x1ce: {  	[sflag:s30] =	ssyncset.done $0x0  }
0x1cf: {  	[sflag:s30] =	ssyncadd.s32 $0xFFFFF000  }
0x1d0: {  	[tilespmem:s22], [sflag:$0x2] =	stream.indirect.gather [spmem:s2], $0x20, s5, s21, $0xb8;
	[tilespmem:$0xF000] =	vst v63  }
0x1d1: {  	_ =	swait.ge [sflag:s15], $0x1000  }
0x1d2: {  	[sflag:s15] =	ssyncset.done $0x0  }
0x1d3: {  	[sflag:s15] =	ssyncadd.s32 $0xFFFFF000  }
0x1d4: {  	[spmem:s3] =	stream.indirect.scatter.add.bf16 [tilespmem:s19], [sflag:$0x5], $0x20, s8, s21, $0xb8;
	[tilespmem:$0xF000] =	vst v63  }
0x1d5: {  	_ =	swait.ge [sflag:s31], $0x1000  }
0x1d6: {  	[sflag:s31] =	ssyncset.done $0x0  }
0x1d7: {  	[sflag:s31] =	ssyncadd.s32 $0xFFFFF000  }
0x1d8: {  	[tilespmem:s23], [sflag:$0x3] =	stream.indirect.gather [spmem:s2], $0x20, s9, s21, $0xb8;
	[tilespmem:$0xF000] =	vst v63  }
0x1d9: {  	_ =	swait.ge [sflag:s24], $0x1000  }
0x1da: {  	[sflag:s24] =	ssyncset.done $0x0  }
0x1db: {  	[sflag:s24] =	ssyncadd.s32 $0xFFFFF000  }
0x1dc: {  	[spmem:s3] =	stream.indirect.scatter.add.bf16 [tilespmem:s22], [sflag:$0x6], $0x20, s10, s21, $0xb8;
	[tilespmem:$0xF000] =	vst v63  }
0x1dd: {  	_ =	swait.ge [sflag:s17], $0x1000  }
0x1de: {  	[sflag:s17] =	ssyncset.done $0x0  }
0x1df: {  	[sflag:s17] =	ssyncadd.s32 $0xFFFFF000  }
0x1e0: {  	[tilespmem:s26], [sflag:$0x4] =	stream.indirect.gather [spmem:s2], $0x20, s11, s21, $0xb8;
	[tilespmem:$0xF000] =	vst v63  }
0x1e1: {  	_ =	swait.ge [sflag:s28], $0x1000  }
0x1e2: {  	[sflag:s28] =	ssyncset.done $0x0  }
0x1e3: {  	[sflag:s28] =	ssyncadd.s32 $0xFFFFF000  }
0x1e4: {  	[spmem:s3] =	stream.indirect.scatter.add.bf16 [tilespmem:s23], [sflag:$0x7], $0x20, s12, s21, $0xb8;
	[tilespmem:$0xF000] =	vst v63  }
0x1e5: {  	_ =	swait.ge [sflag:s16], $0x1000  }
0x1e6: {  	[sflag:s16] =	ssyncset.done $0x0  }
0x1e7: {  	[sflag:s16] =	ssyncadd.s32 $0xFFFFF000  }
0x1e8: {  	[spmem:s3] =	stream.indirect.scatter.add.bf16 [tilespmem:s26], [sflag:$0x8], $0x20, s13, s21, $0xb8;
	[tilespmem:$0xF000] =	vst v63  }
0x1e9: {  	_ =	swait.ge [sflag:s29], $0x1000  }
0x1ea: {  	[sflag:s29] =	ssyncset.done $0x0  }
0x1eb: {  	[sflag:s29] =	ssyncadd.s32 $0xFFFFF000  }
0x1ec: {  	_ =	swait.ge [sflag:s30], $0x1000  }
0x1ed: {  	[sflag:s30] =	ssyncset.done $0x0  }
0x1ee: {  	[sflag:s30] =	ssyncadd.s32 $0xFFFFF000  }
0x1ef: {  	_ =	swait.ge [sflag:s31], $0x1000  }
0x1f0: {  	[sflag:s31] =	ssyncset.done $0x0  }
0x1f1: {  	[sflag:s31] =	ssyncadd.s32 $0xFFFFF000  }
0x1f2: {  	_ =	swait.ge [sflag:s17], $0x1000  }
0x1f3: {  	[sflag:s17] =	ssyncset.done $0x0  }
0x1f4: {  	[sflag:s17] =	ssyncadd.s32 $0xFFFFF000  }
0x1f5: {  	[bflag:$0x0] =	sbarrier.arrive $0xFFFF  }
0x1f6: {  	s14 =	sld [smem:$0x7FD]  }
0x1f7: {  	s7 =	rddreg [dreg:$0x1c]  }
0x1f8: {  	s25 =	rddreg [dreg:$0x1e]  }
0x1f9: {  	[hbm:s25@s17], [sflag:s7] =	dma.strided [spmem:s14@s16], $0xA00, s15, $0x4   }
0x1fa: {  	_ =	swait.ge [sflag:s18], $0xA00  }
0x1fb: {  	s6 =	sld [smem:$0x7F7];
	_ =	sdelay $0x2  }
0x1fc: {  	s25 =	rddreg [dreg:$0x1f];
	s14 =	sadd.s32 $0x1, s6  }
0x1fd: {  	p0 =	sne.s32 s14, s25  }
.Ltmp2:
0x1fe: {  	_ = 	snop;
	(pc) =	sbr.rel @p0 .LBB2_1-.Ltmp2, $3  }
0x1ff: {  	_ =	sdelay $0x1  }
0x200: {  	[sflag:s18] =	ssyncset.done $0x0  }
0x201: {  	[sflag:s18] =	ssyncadd.s32 $0xFFFFF600  }
0x202: {  	_ =	sfence.sel $0x180000  }
0x203: {  	[bflag:$0x0] =	sbarrier.arrive $0xFFFF  }
0x204: {  	_ =	strace $0x9000004A  }
0x205: {  	s0 =	stileid.u32;
	[bflag:$0x2] =	sbarrier.arrive $0xFFFF  }
0x206: {  	p0 =	sne.s32 s0, $0x0;
	s0 =	rddreg [dreg:$0x4]  }
0x207: {  	s0 =	sadd.s32 @!p0 $0x100000, s0  }
0x208: {  	[sflag:s0] =	ssyncadd.tile.s32 @!p0 $0x1;
	_ =	shalt  }
.Lfunc_end2:
_tile_overlayer_lowered:
.L_overlay_start_2:
0x209: {  	(tag) =	ssettag $0x2  }
0x20a: {  	s0 =	rddreg [dreg:$0x0];
	s2 =	stileid.u32  }
0x20b: {  	s1 =	rddreg [dreg:$0x1];
	p0 =	sne.s32 s2, $0x0  }
0x20c: {  	s3 =	rddreg [dreg:$0x2];
	[bflag:$0x3] =	sbarrier.arrive $0xFFFF;
	s2 =	simm.s32 @!p0 $0x1C09  }
0x20d: {  	[timem:s3], [sflag:s2] =	dma.local @!p0 [hbm:s0], s1  }
0x20e: {  	s0 =	simm.s32 @!p0 $0x9  }
0x20f: {  	_ =	swait.ge @!p0 [sflag:s0], s1  }
0x210: {  	s1 =	ssub.s32 @!p0 $0x0, s1;
	[sflag:s0] =	ssyncset.done @!p0 $0x0  }
0x211: {  	[sflag:s0] =	ssyncadd.s32 @!p0 s1  }
0x212: {  	[bflag:$0x3] =	sbarrier.arrive $0xFFFF  }
0x213: {  	_ =	shalt  }

// kernel: kernel.14.cloned.1.call-start
scs
__scs_entry_jumppad:
0x0: {  	(pc) =	sbr.rel $0x88, $3  }
0x1: {  	(tag) =	ssettag $0x0;
	lr =	simm.s32 $0x1  }
0x2: {  	[smem:$0x3F9B] =	sst lr;
	_ =	strace $0xD0000000  }
0x3: {  	_ = 	snop  }
0x4: {  	_ = 	snop  }
0x5: {  	_ = 	snop  }
0x6: {  	_ = 	snop  }
0x7: {  	_ = 	snop  }
__scs_overlays_trampoline_lowered:
0x8: {  	[smem:$0x3FAA] =	sst s0  }
0x9: {  	[smem:$0x3FAB] =	sst s1  }
0xa: {  	[smem:$0x3FAC] =	sst s2  }
0xb: {  	[smem:$0x3FAD] =	sst s3  }
0xc: {  	[smem:$0x3FAE] =	sst s4  }
0xd: {  	[smem:$0x3FAF] =	sst s5  }
0xe: {  	[smem:$0x3FB0] =	sst s6  }
0xf: {  	[smem:$0x3FB1] =	sst s7  }
0x10: {  	[smem:$0x3FB2] =	sst s8  }
0x11: {  	[smem:$0x3FB3] =	sst s9;
	s0 =	simm.s32 @!p0 $0x0  }
0x12: {  	s1 =	sld [smem:$0x3F99];
	s0 =	simm.s32 @p0 $0x1  }
0x13: {  	[smem:$0x3FB4] =	sst s0;
	s0 =	simm.s32 @!p1 $0x0  }
0x14: {  	s2 =	sld [smem:$0x3F98];
	s0 =	simm.s32 @p1 $0x1  }
0x15: {  	[smem:$0x3FB5] =	sst s0;
	s0 =	simm.s32 @!p2 $0x0  }
0x16: {  	s3 =	sld [smem:$0x3FDB];
	s0 =	simm.s32 @p2 $0x1  }
0x17: {  	s4 =	simm.s32 $0x1BF5;
	[smem:$0x3FB7] =	sst s0  }
0x18: {  	s0 =	sld [smem:$0x3F9A];
	_ =	swait.ge [sflag:s4], $0x0  }
0x19: {  	s7 =	sld [smem:$0x3F9B]  }
0x1a: {  	s8 =	sadd.s32 $0xFFFFE003, lr  }
0x1b: {  	s9 =	sadd.s32 $0xFFFFFEF7, lr;
	s5 =	simm.s32 $0xFFFFFFFF;
	p2 =	slt.u32 s8, $0xFFFFF086  }
0x1c: {  	p1 =	slt.u32 s9, $0xF7A;
	s5 =	simm.s32 @!p2 $0x0  }
0x1d: {  	s5 =	simm.s32 @p1 $0x1;
	p0 =	seq.s32 s7, s2  }
0x1e: {  	s7 =	smul.u32 @!p0 $0xF7A, s2;
	p2 =	seq.s32 @!p0 s5, $0x0  }
0x1f: {  	s9 =	smul.u32 $0xF7A, s1;
	s8 =	simm.s32 @!p0 $0x1BF5;
	p2 =	por !p2, p0  }
0x20: {  	[sflag:s8] =	ssyncset.s32 @!p0 $0xFFFFF086;
	s6 =	sadd.s32 @!p0 s3, s7;
	s7 =	simm.s32 @!p0 $0x108  }
0x21: {  	s3 =	sadd.s32 s3, s9;
	s6 =	sadd.s32 @!p0 $0x88, s6;
	s7 =	simm.s32 @p2 $0x1082  }
0x22: {  	[simem:s7], [sflag:s8] =	dma.local @!p0 [hbm:s6], $0xF7A  }
0x23: {  	s9 =	sor.u32 $0xD0000000, s2;
	s6 =	simm.s32 $0x108;
	_ =	swait.ge @!p0 [sflag:s8], $0x0  }
0x24: {  	s3 =	sadd.s32 $0x88, s3;
	s6 =	simm.s32 @!p1 $0x1082;
	[sflag:s4] =	ssyncset.s32 $0xFFFFF086  }
0x25: {  	[simem:s6], [sflag:s4] =	dma.local [hbm:s3], $0xF7A  }
0x26: {  	[smem:$0x3F9B] =	sst s1;
	(tag) =	ssettag s2;
	_ =	strace s9  }
0x27: {  	s1 =	sld [smem:$0x3FAB]  }
0x28: {  	s2 =	sld [smem:$0x3FAC]  }
0x29: {  	s4 =	sld [smem:$0x3FAE]  }
0x2a: {  	p0 =	seq.s32 s5, $0x0;
	s5 =	sld [smem:$0x3FAF]  }
0x2b: {  	s6 =	sld [smem:$0x3FB0]  }
0x2c: {  	s7 =	sld [smem:$0x3FB1]  }
0x2d: {  	s3 =	simm.s32 $0x108;
	s8 =	sld [smem:$0x3FB2]  }
0x2e: {  	s3 =	simm.s32 @!p0 $0x1082;
	s9 =	sld [smem:$0x3FB3]  }
0x2f: {  	lr =	sadd.s32 s0, s3;
	s0 =	sld [smem:$0x3FAA]  }
0x30: {  	s3 =	sld [smem:$0x3FAD]  }
0x31: {  	[smem:$0x3FB6] =	sst s10  }
0x32: {  	s10 =	sld [smem:$0x3FB4];
	_ =	sdelay $0x3  }
0x33: {  	p0 =	seq.s32 s10, $0x1;
	s10 =	sld [smem:$0x3FB6];
	_ =	sdelay $0x3  }
0x34: {  	[smem:$0x3FB6] =	sst s10  }
0x35: {  	s10 =	sld [smem:$0x3FB5];
	_ =	sdelay $0x3  }
0x36: {  	p1 =	seq.s32 s10, $0x1;
	s10 =	sld [smem:$0x3FB6];
	_ =	sdelay $0x3  }
0x37: {  	[smem:$0x3FB6] =	sst s10  }
0x38: {  	s10 =	sld [smem:$0x3FB7]  }
0x39: {  	_ = 	snop;
	(pc) =	sbr.ind lr, $3  }
0x3a: {  	_ = 	snop  }
0x3b: {  	_ = 	snop  }
0x3c: {  	p2 =	seq.s32 s10, $0x1;
	s10 =	sld [smem:$0x3FB6]  }
0x3d: {  	_ =	shalt  }
0x3e: {  	_ =	shalt  }
0x3f: {  	_ =	shalt  }
0x40: {  	_ =	shalt  }
0x41: {  	_ =	shalt  }
0x42: {  	_ =	shalt  }
0x43: {  	_ =	shalt  }
0x44: {  	_ =	shalt  }
0x45: {  	_ =	shalt  }
0x46: {  	_ =	shalt  }
0x47: {  	_ =	shalt  }
0x48: {  	_ =	shalt  }
0x49: {  	_ =	shalt  }
0x4a: {  	_ =	shalt  }
0x4b: {  	_ =	shalt  }
0x4c: {  	_ =	shalt  }
0x4d: {  	_ =	shalt  }
0x4e: {  	_ =	shalt  }
0x4f: {  	_ =	shalt  }
0x50: {  	_ =	shalt  }
0x51: {  	_ =	shalt  }
0x52: {  	_ =	shalt  }
0x53: {  	_ =	shalt  }
0x54: {  	_ =	shalt  }
0x55: {  	_ =	shalt  }
0x56: {  	_ =	shalt  }
0x57: {  	_ =	shalt  }
0x58: {  	_ =	shalt  }
0x59: {  	_ =	shalt  }
0x5a: {  	_ =	shalt  }
0x5b: {  	_ =	shalt  }
0x5c: {  	_ =	shalt  }
0x5d: {  	_ =	shalt  }
0x5e: {  	_ =	shalt  }
0x5f: {  	_ =	shalt  }
0x60: {  	_ =	shalt  }
0x61: {  	_ =	shalt  }
0x62: {  	_ =	shalt  }
0x63: {  	_ =	shalt  }
0x64: {  	_ =	shalt  }
0x65: {  	_ =	shalt  }
0x66: {  	_ =	shalt  }
0x67: {  	_ =	shalt  }
0x68: {  	_ =	shalt  }
0x69: {  	_ =	shalt  }
0x6a: {  	_ =	shalt  }
0x6b: {  	_ =	shalt  }
0x6c: {  	_ =	shalt  }
0x6d: {  	_ =	shalt  }
0x6e: {  	_ =	shalt  }
0x6f: {  	_ =	shalt  }
0x70: {  	_ =	shalt  }
0x71: {  	_ =	shalt  }
0x72: {  	_ =	shalt  }
0x73: {  	_ =	shalt  }
0x74: {  	_ =	shalt  }
0x75: {  	_ =	shalt  }
0x76: {  	_ =	shalt  }
0x77: {  	_ =	shalt  }
0x78: {  	_ =	shalt  }
0x79: {  	_ =	shalt  }
0x7a: {  	_ =	shalt  }
0x7b: {  	_ =	shalt  }
0x7c: {  	_ =	shalt  }
0x7d: {  	_ =	shalt  }
0x7e: {  	_ =	shalt  }
0x7f: {  	_ =	shalt  }
0x80: {  	_ =	shalt  }
0x81: {  	_ =	shalt  }
0x82: {  	_ =	shalt  }
0x83: {  	_ =	shalt  }
0x84: {  	_ =	shalt  }
0x85: {  	_ =	shalt  }
0x86: {  	_ =	shalt  }
0x87: {  	_ =	shalt  }
.Lfunc_end0:
.L_simem_size_0:
called_computation.2_lowered:
.L_overlay_start_0:
0x88: {  	s2 =	sld [smem:$0x3FD9]  }
0x89: {  	s3 =	sld [smem:$0x3FFE];
	_ =	sdelay $0x1  }
0x8a: {  	s1 =	srdreg.scid  }
0x8b: {  	s0 =	sand.u32 $0x1, s1  }
0x8c: {  	s17 =	sshll.u32 s0, $0xA;
	s2 =	sadd.s32 s3, s2  }
0x8d: {  	s2 =	sadd.s32 s2, s17  }
0x8e: {  	[smem:$0x3FC2] =	sst s2  }
0x8f: {  	_ = 	snop  }
0x90: {  	s2 =	sld [smem:$0x3FD0];
	(tm) =	ssettm $0x1  }
0x91: {  	s18 =	sld [smem:$0x3FFB];
	_ =	sdelay $0x3  }
0x92: {  	_ =	strace s18  }
0x93: {  	s3 =	sld [smem:$0x3FFC];
	_ =	sdelay $0x3  }
0x94: {  	_ =	strace s3  }
0x95: {  	s3 =	sld [smem:$0x3FFD];
	_ =	sdelay $0x3  }
0x96: {  	_ =	strace s3  }
0x97: {  	_ =	strace $0x8FFFFFFF  }
0x98: {  	s19 =	sld [smem:$0x3FDB];
	_ =	sdelay $0x1  }
0x99: {  	s4 =	simm.s32 $_scs_section_size  }
0x9a: {  	s5 =	simm.s32 $_size__tile_overlayer_lowered;
	s6 =	simm.s32 $_tile_overlayer_lowered  }
0x9b: {  	s22 =	simm.s32 $0x1BFF;
	s21 =	sshll.u32 s6, $0x1;
	s3 =	sadd.s32 s4, s19  }
0x9c: {  	s7 =	simm.s32 $0x0;
	s20 =	sshll.u32 s5, $0x1;
	s5 =	sadd.s32 s21, s3  }
0x9d: {  	[timem:s7], [sflag:s22] =	dma.local [hbm:s5], s20  }
0x9e: {  	_ =	swait.ge [sflag:s22], s20  }
0x9f: {  	s4 =	ssub.s32 $0x0, s20;
	[sflag:s22] =	ssyncset.done $0x0  }
0xa0: {  	[sflag:s22] =	ssyncadd.s32 s4;
	_ =	sdelay $0x1  }
0xa1: {  	s23 =	simm.s32 $0x1B8B  }
0xa2: {  	_ =	swait.ge [sflag:s23], $0x1  }
0xa3: {  	[sflag:s23] =	ssyncset.done $0x0  }
0xa4: {  	s25 =	simm.s32 $0x1B8E;
	s24 =	sld [smem:$0x3FFE];
	[sflag:s23] =	ssyncadd.s32 $0xFFFFFFFF  }
0xa5: {  	s26 =	simm.s32 $execute0_lowered;
	[smem:$0x3FD2] =	sst s25  }
0xa6: {  	s5 =	sshll.u32 s26, $0x1;
	_ =	strace $0x8000004C;
	[dreg:$0x1] =	wrdreg $0xFFFFFFFF  }
0xa7: {  	s28 =	simm.s32 $_size_execute0_lowered;
	s3 =	sadd.s32 s3, s5;
	[dreg:$0x0] =	wrdreg $0x0  }
0xa8: {  	s5 =	sshll.u32 s28, $0x1;
	[dreg:$0x2] =	wrdreg s3  }
0xa9: {  	[dreg:$0x3] =	wrdreg s5  }
0xaa: {  	[dreg:$0x4] =	wrdreg $0xC0  }
0xab: {  	_ =	task [dreg:s7], $0x5FFFF  }
0xac: {  	[dreg:$0x1] =	wrdreg $0xFFFFFFFF  }
0xad: {  	[dreg:$0x0] =	wrdreg $0x60  }
0xae: {  	[dreg:$0x2] =	wrdreg s24  }
0xaf: {  	[dreg:$0x3] =	wrdreg s2  }
0xb0: {  	[dreg:$0x4] =	wrdreg $0x30000  }
0xb1: {  	[dreg:$0x5] =	wrdreg $0x58000  }
0xb2: {  	[dreg:$0x6] =	wrdreg $0x9  }
0xb3: {  	_ =	task.clear_ibuf [dreg:s7], $0x7FFFF;
	_ =	strace $0x9000004C  }
0xb4: {  	s29 =	simm.s32 $0x9;
	_ =	strace $0x8000004E  }
0xb5: {  	_ =	swait.ge [sflag:s29], $0x1  }
0xb6: {  	[sflag:s29] =	ssyncadd.s32 $0xFFFFFFFF  }
0xb7: {  	_ =	strace $0x9000004E  }
0xb8: {  	_ =	sfence  }
0xb9: {  	s30 =	sld [smem:$0x0];
	_ =	sdelay $0x2  }
0xba: {  	s31 =	sshll.u32 s1, $0xD;
	s1 =	sshrl.u32 s1, $0x2  }
0xbb: {  	s3 =	sand.u32 $0x4000, s31;
	s1 =	sadd.s32 s1, s30  }
0xbc: {  	s0 =	sor.u32 s3, s0;
	s1 =	sshll.u32 s1, $0x11  }
0xbd: {  	s0 =	sor.u32 s1, s0  }
0xbe: {  	s0 =	sadd.s32 $0x8F2B, s0  }
0xbf: {  	[sflag:s0] =	ssyncadd.remote.s32 $0x1  }
0xc0: {  	_ =	sfence.sel $0xFFFF  }
0xc1: {  	[dreg:$0x0] =	wrdreg $0xFFFFFFFF;
	(pc) =	sbr.abs _section_cstart, $3  }
0xc2: {  	[dreg:$0x1] =	wrdreg $0xFFFFFFFF  }
0xc3: {  	_ =	task.clear_ibuf [dreg:s7], $0x2FFFF;
	_ =	strace $0x9FFFFFFF  }
0xc4: {  	(tm) =	ssettm $0x7FFFFFFF  }
0xc5: {  	_ =	shalt  }
tec
execute0_lowered:
.L_overlay_start_1:
0x0: {  	(tag) =	ssettag $0x1  }
0x1: {  	s0 =	rddreg [dreg:$0x0]  }
0x2: {  	s1 =	rddreg [dreg:$0x1]  }
0x3: {  	s2 =	rddreg [dreg:$0x2]  }
0x4: {  	s3 =	rddreg [dreg:$0x3];
	s4 =	simm.s32 $0x0;
	s12 =	stileid.u32  }
0x5: {  	s5 =	srdreg.scid;
	s19 =	simm.s32 $0x100;
	s20 =	simm.s32 $0x880  }
0x6: {  	s21 =	simm.s32 $0x180;
	s22 =	simm.s32 $0x900;
	[smem:$0x7FF] =	sst s4  }
0x7: {  	s23 =	simm.s32 $0x200;
	_ =	strace $0x8000004D;
	[dreg:$0x7] =	wrdreg s19  }
0x8: {  	s24 =	simm.s32 $0x980;
	s26 =	simm.s32 $0x280;
	[dreg:$0x8] =	wrdreg s20  }
0x9: {  	s14 =	simm.s32 $0xA80;
	s28 =	simm.s32 $0x5;
	[dreg:$0x9] =	wrdreg s21  }
0xa: {  	s29 =	simm.s32 $0x6;
	s6 =	smul.u32 $0xA000, s12;
	[dreg:$0xa] =	wrdreg s22  }
0xb: {  	s30 =	simm.s32 $0x7;
	s7 =	smul.u32 $0xA00, s12;
	[dreg:$0xb] =	wrdreg s23  }
0xc: {  	s5 =	sand.u32 $0x1, s5;
	s9 =	smul.u32 $0x5000, s12;
	[dreg:$0xc] =	wrdreg s24  }
0xd: {  	s17 =	sshll.u32 s12, $0x6;
	s12 =	simm.s32 $0x300;
	[dreg:$0xd] =	wrdreg s26  }
0xe: {  	s31 =	simm.s32 $0x8;
	s8 =	sshll.u32 s5, $0x5;
	[dreg:$0xf] =	wrdreg s12  }
0xf: {  	s5 =	ssub.s32 $0x2, s5;
	[dreg:$0x10] =	wrdreg s14;
	s19 =	simm.s32 $0xB80  }
0x10: {  	s20 =	simm.s32 $0x480;
	s21 =	simm.s32 $0xC00;
	s22 =	simm.s32 $0x500  }
0x11: {  	s23 =	simm.s32 $0xC80;
	s24 =	simm.s32 $0x580;
	s12 =	simm.s32 $0xF00  }
0x12: {  	s14 =	simm.s32 $0x0;
	s8 =	sor.u32 s8, s6;
	[dreg:$0x14] =	wrdreg s19  }
0x13: {  	s10 =	sadd.s32 s7, s0;
	s11 =	sshrl.u32 s5, $0x1;
	[dreg:$0x15] =	wrdreg s20  }
0x14: {  	s15 =	sshrl.u32 s9, $0x1;
	s1 =	sadd.s32 s7, s1;
	[dreg:$0x16] =	wrdreg s21  }
0x15: {  	s7 =	sor.u32 $0x1C09, s17;
	s6 =	sshrl.u32 s6, $0x2;
	[dreg:$0x17] =	wrdreg s22  }
0x16: {  	s17 =	simm.s32 $0xB00;
	s19 =	simm.s32 $0x1000;
	[dreg:$0x18] =	wrdreg s23  }
0x17: {  	s20 =	simm.s32 $0x800;
	s21 =	simm.s32 $0x80;
	[dreg:$0x19] =	wrdreg s24  }
0x18: {  	s22 =	simm.s32 $0x1800;
	s23 =	simm.s32 $0x2000;
	[dreg:$0x5] =	wrdreg s1  }
0x19: {  	s24 =	simm.s32 $0x2800;
	s8 =	sshrl.u32 s8, $0x4;
	[dreg:$0x12] =	wrdreg s17  }
0x1a: {  	s5 =	ssub.s32 s5, s11;
	s18 =	sadd.s32 $0x34400, s10;
	[dreg:$0x1c] =	wrdreg s7  }
0x1b: {  	s9 =	sadd.s32 s15, s2;
	s10 =	simm.s32 $0xA00;
	[dreg:$0x6] =	wrdreg s18  }
0x1c: {  	s6 =	sadd.s32 s6, s3;
	s1 =	sadd.s32 s15, s3;
	[dreg:$0xe] =	wrdreg s10  }
0x1d: {  	s17 =	simm.s32 $0x4;
	s5 =	smax.u32 s5, $0x1;
	[dreg:$0x1d] =	wrdreg s6  }
0x1e: {  	s0 =	sadd.s32 s8, s0;
	s25 =	sadd.s32 $0x800, s6;
	[dreg:$0x1f] =	wrdreg s5  }
0x1f: {  	s8 =	sadd.s32 $0x1000, s6;
	s11 =	sadd.s32 $0x1800, s6;
	[smem:$0x7F8] =	sst s25  }
0x20: {  	s13 =	sadd.s32 $0x2000, s6;
	s15 =	sshrl.u32 s9, $0x3;
	[smem:$0x7F9] =	sst s8  }
0x21: {  	s18 =	simm.s32 $0x400;
	s26 =	sshrl.u32 s1, $0x3;
	[smem:$0x7FA] =	sst s11  }
0x22: {  	s1 =	simm.s32 $0xD80;
	s9 =	simm.s32 $0x700;
	[smem:$0x7FB] =	sst s13  }
0x23: {  	s10 =	simm.s32 $0xE80;
	s16 =	sadd.s32 $0x1A00, s0;
	[smem:$0x7FC] =	sst s15  }
0x24: {  	s0 =	sadd.s32 $0xBA00, s0;
	s15 =	simm.s32 $0x1;
	[dreg:$0x13] =	wrdreg s18  }
0x25: {  	s18 =	simm.s32 $0x9;
	s25 =	simm.s32 $0xD00;
	[smem:$0x7FD] =	sst s26  }
0x26: {  	s26 =	simm.s32 $0x3;
	s5 =	simm.s32 $0x680;
	[dreg:$0x1b] =	wrdreg s16  }
0x27: {  	s8 =	simm.s32 $0xE00;
	s11 =	simm.s32 $0x780;
	[dreg:$0x1e] =	wrdreg s0  }
0x28: {  	s13 =	simm.s32 $0xF80;
	s16 =	simm.s32 $0x380;
	[dreg:$0x1a] =	wrdreg s25  }
0x29: {  	v0 =	vimm.bf16 $0.0e+00;
	s0 =	simm.s32 $0x600;
	[dreg:$0x11] =	wrdreg s16;
	s16 =	simm.s32 $0x2  }
.LBB2_1:
0x2a: {  	s25 =	sld [smem:$0x7FC]  }
0x2b: {  	[smem:$0x7F7] =	sst s14  }
0x2c: {  	s6 =	rddreg [dreg:$0x1b]  }
0x2d: {  	[spmem:s25@s16], [sflag:s7] =	dma.strided [hbm:s6@s17], $0x500, s15, $0x2   }
0x2e: {  	_ =	swait.ge [sflag:s18], $0x500  }
0x2f: {  	[sflag:s18] =	ssyncset.done $0x0  }
0x30: {  	s6 =	simm.s32 $0x40;
	s7 =	simm.s32 $0x0;
	[sflag:s18] =	ssyncadd.s32 $0xFFFFFB00  }
.LBB2_2:
0x31: {  	p0 =	sne.s32 s6, $0x1FC0;
	[tilespmem:s7+$0x1000] =	vst v0;
	s7 =	smov.u32 s6;
	s6 =	sadd.s32 $0x40, s6  }
.Ltmp0:
0x32: {  	(pc) =	sbr.rel @p0 .LBB2_2-.Ltmp0, $2  }
0x33: {  	_ =	sdelay $0x2  }
0x34: {  	s7 =	sshra.s32 s7, $0x2  }
0x35: {  	[tilespmem:s7+$0x1000] =	vst v0;
	s6 =	rddreg [dreg:$0x1d]  }
0x36: {  	[spmem:s6] =	stream.linear.scatter [tilespmem:s19], [sflag:$0x9], $0x800, $0x38;
	[tilespmem:$0x8000] =	vst v63  }
0x37: {  	_ =	swait.ge [sflag:s18], $0x800  }
0x38: {  	s7 =	sld [smem:$0x7F8]  }
0x39: {  	[sflag:s18] =	ssyncset.done $0x0  }
0x3a: {  	[sflag:s18] =	ssyncadd.s32 $0xFFFFF800  }
0x3b: {  	[spmem:s7] =	stream.linear.scatter [tilespmem:s19], [sflag:$0x9], $0x800, $0x38;
	[tilespmem:$0x8000] =	vst v63  }
0x3c: {  	_ =	swait.ge [sflag:s18], $0x800  }
0x3d: {  	s14 =	sld [smem:$0x7F9]  }
0x3e: {  	[sflag:s18] =	ssyncset.done $0x0  }
0x3f: {  	[sflag:s18] =	ssyncadd.s32 $0xFFFFF800  }
0x40: {  	[spmem:s14] =	stream.linear.scatter [tilespmem:s19], [sflag:$0x9], $0x800, $0x38;
	[tilespmem:$0x8000] =	vst v63  }
0x41: {  	_ =	swait.ge [sflag:s18], $0x800  }
0x42: {  	s25 =	sld [smem:$0x7FA]  }
0x43: {  	[sflag:s18] =	ssyncset.done $0x0  }
0x44: {  	[sflag:s18] =	ssyncadd.s32 $0xFFFFF800  }
0x45: {  	[spmem:s25] =	stream.linear.scatter [tilespmem:s19], [sflag:$0x9], $0x800, $0x38;
	[tilespmem:$0x8000] =	vst v63  }
0x46: {  	_ =	swait.ge [sflag:s18], $0x800  }
0x47: {  	s7 =	sld [smem:$0x7FB]  }
0x48: {  	[sflag:s18] =	ssyncset.done $0x0  }
0x49: {  	[sflag:s18] =	ssyncadd.s32 $0xFFFFF800  }
0x4a: {  	[spmem:s7] =	stream.linear.scatter [tilespmem:s19], [sflag:$0x9], $0x800, $0x38;
	[tilespmem:$0x8000] =	vst v63  }
0x4b: {  	_ =	swait.ge [sflag:s18], $0x800  }
0x4c: {  	[sflag:s18] =	ssyncset.done $0x0  }
0x4d: {  	[sflag:s18] =	ssyncadd.s32 $0xFFFFF800  }
0x4e: {  	[bflag:$0x0] =	sbarrier.arrive $0xFFFF  }
0x4f: {  	s14 =	rddreg [dreg:$0x6]  }
0x50: {  	s6 =	sadd.s32 $0x0, s14  }
0x51: {  	[tilespmem:s4], [sflag:$0x9] =	stream.linear.gather [hbm4b:s6+s4], $0x800, $0x38;
	[tilespmem:$0x8000] =	vst v63  }
0x52: {  	_ =	swait.ge [sflag:s18], $0x800  }
0x53: {  	s25 =	rddreg [dreg:$0x5];
	[sflag:s18] =	ssyncset.done $0x0  }
0x54: {  	[sflag:s18] =	ssyncadd.s32 $0xFFFFF800;
	s6 =	sadd.s32 $0x0, s25  }
0x55: {  	[tilespmem:s20], [sflag:$0x9] =	stream.linear.gather [hbm4b:s6+s4], $0x800, $0x38;
	[tilespmem:$0x8000] =	vst v63  }
0x56: {  	_ =	swait.ge [sflag:s18], $0x800  }
0x57: {  	[sflag:s18] =	ssyncset.done $0x0  }
0x58: {  	[sflag:s18] =	ssyncadd.s32 $0xFFFFF800  }
0x59: {  	[tilespmem:s19], [sflag:$0x1] =	stream.indirect.gather [spmem:s2], $0x10, s4, s21, $0xb8;
	[tilespmem:$0x8000] =	vst v63  }
0x5a: {  	_ = 	snop  }
0x5b: {  	[tilespmem:s22], [sflag:$0x2] =	stream.indirect.gather [spmem:s2], $0x10, s21, s21, $0xb8;
	[tilespmem:$0x8000] =	vst v63  }
0x5c: {  	_ =	swait.ge [sflag:s15], $0x800  }
0x5d: {  	[sflag:s15] =	ssyncset.done $0x0  }
0x5e: {  	[sflag:s15] =	ssyncadd.s32 $0xFFFFF800  }
0x5f: {  	[spmem:s3] =	stream.indirect.scatter.add.bf16 [tilespmem:s19], [sflag:$0x5], $0x10, s20, s21, $0xb8;
	[tilespmem:$0x8000] =	vst v63  }
0x60: {  	s7 =	rddreg [dreg:$0x7]  }
0x61: {  	[tilespmem:s23], [sflag:$0x3] =	stream.indirect.gather [spmem:s2], $0x10, s7, s21, $0xb8;
	[tilespmem:$0x8000] =	vst v63  }
0x62: {  	_ =	swait.ge [sflag:s16], $0x800  }
0x63: {  	[sflag:s16] =	ssyncset.done $0x0  }
0x64: {  	s14 =	rddreg [dreg:$0x8];
	[sflag:s16] =	ssyncadd.s32 $0xFFFFF800  }
0x65: {  	[spmem:s3] =	stream.indirect.scatter.add.bf16 [tilespmem:s22], [sflag:$0x6], $0x10, s14, s21, $0xb8;
	[tilespmem:$0x8000] =	vst v63  }
0x66: {  	s25 =	rddreg [dreg:$0x9]  }
0x67: {  	[tilespmem:s24], [sflag:$0x4] =	stream.indirect.gather [spmem:s2], $0x10, s25, s21, $0xb8;
	[tilespmem:$0x8000] =	vst v63  }
0x68: {  	_ =	swait.ge [sflag:s26], $0x800  }
0x69: {  	[sflag:s26] =	ssyncset.done $0x0  }
0x6a: {  	s14 =	rddreg [dreg:$0xa];
	[sflag:s26] =	ssyncadd.s32 $0xFFFFF800  }
0x6b: {  	[spmem:s3] =	stream.indirect.scatter.add.bf16 [tilespmem:s23], [sflag:$0x7], $0x10, s14, s21, $0xb8;
	[tilespmem:$0x8000] =	vst v63  }
0x6c: {  	_ =	swait.ge [sflag:s28], $0x800  }
0x6d: {  	[sflag:s28] =	ssyncset.done $0x0  }
0x6e: {  	s25 =	rddreg [dreg:$0xb];
	[sflag:s28] =	ssyncadd.s32 $0xFFFFF800  }
0x6f: {  	[tilespmem:s19], [sflag:$0x1] =	stream.indirect.gather [spmem:s2], $0x10, s25, s21, $0xb8;
	[tilespmem:$0x8000] =	vst v63  }
0x70: {  	_ =	swait.ge [sflag:s17], $0x800  }
0x71: {  	[sflag:s17] =	ssyncset.done $0x0  }
0x72: {  	s7 =	rddreg [dreg:$0xc];
	[sflag:s17] =	ssyncadd.s32 $0xFFFFF800  }
0x73: {  	[spmem:s3] =	stream.indirect.scatter.add.bf16 [tilespmem:s24], [sflag:$0x8], $0x10, s7, s21, $0xb8;
	[tilespmem:$0x8000] =	vst v63  }
0x74: {  	_ =	swait.ge [sflag:s29], $0x800  }
0x75: {  	[sflag:s29] =	ssyncset.done $0x0  }
0x76: {  	s14 =	rddreg [dreg:$0xd];
	[sflag:s29] =	ssyncadd.s32 $0xFFFFF800  }
0x77: {  	[tilespmem:s22], [sflag:$0x2] =	stream.indirect.gather [spmem:s2], $0x10, s14, s21, $0xb8;
	[tilespmem:$0x8000] =	vst v63  }
0x78: {  	_ =	swait.ge [sflag:s15], $0x800  }
0x79: {  	[sflag:s15] =	ssyncset.done $0x0  }
0x7a: {  	s25 =	rddreg [dreg:$0xe];
	[sflag:s15] =	ssyncadd.s32 $0xFFFFF800  }
0x7b: {  	[spmem:s3] =	stream.indirect.scatter.add.bf16 [tilespmem:s19], [sflag:$0x5], $0x10, s25, s21, $0xb8;
	[tilespmem:$0x8000] =	vst v63  }
0x7c: {  	_ =	swait.ge [sflag:s30], $0x800  }
0x7d: {  	[sflag:s30] =	ssyncset.done $0x0  }
0x7e: {  	s7 =	rddreg [dreg:$0xf];
	[sflag:s30] =	ssyncadd.s32 $0xFFFFF800  }
0x7f: {  	[tilespmem:s23], [sflag:$0x3] =	stream.indirect.gather [spmem:s2], $0x10, s7, s21, $0xb8;
	[tilespmem:$0x8000] =	vst v63  }
0x80: {  	_ =	swait.ge [sflag:s16], $0x800  }
0x81: {  	[sflag:s16] =	ssyncset.done $0x0  }
0x82: {  	s14 =	rddreg [dreg:$0x10];
	[sflag:s16] =	ssyncadd.s32 $0xFFFFF800  }
0x83: {  	[spmem:s3] =	stream.indirect.scatter.add.bf16 [tilespmem:s22], [sflag:$0x6], $0x10, s14, s21, $0xb8;
	[tilespmem:$0x8000] =	vst v63  }
0x84: {  	_ =	swait.ge [sflag:s31], $0x800  }
0x85: {  	[sflag:s31] =	ssyncset.done $0x0  }
0x86: {  	s25 =	rddreg [dreg:$0x11];
	[sflag:s31] =	ssyncadd.s32 $0xFFFFF800  }
0x87: {  	[tilespmem:s24], [sflag:$0x4] =	stream.indirect.gather [spmem:s2], $0x10, s25, s21, $0xb8;
	[tilespmem:$0x8000] =	vst v63  }
0x88: {  	_ =	swait.ge [sflag:s26], $0x800  }
0x89: {  	[sflag:s26] =	ssyncset.done $0x0  }
0x8a: {  	s7 =	rddreg [dreg:$0x12];
	[sflag:s26] =	ssyncadd.s32 $0xFFFFF800  }
0x8b: {  	[spmem:s3] =	stream.indirect.scatter.add.bf16 [tilespmem:s23], [sflag:$0x7], $0x10, s7, s21, $0xb8;
	[tilespmem:$0x8000] =	vst v63  }
0x8c: {  	_ =	swait.ge [sflag:s28], $0x800  }
0x8d: {  	[sflag:s28] =	ssyncset.done $0x0  }
0x8e: {  	s14 =	rddreg [dreg:$0x13];
	[sflag:s28] =	ssyncadd.s32 $0xFFFFF800  }
0x8f: {  	[tilespmem:s19], [sflag:$0x1] =	stream.indirect.gather [spmem:s2], $0x10, s14, s21, $0xb8;
	[tilespmem:$0x8000] =	vst v63  }
0x90: {  	_ =	swait.ge [sflag:s17], $0x800  }
0x91: {  	[sflag:s17] =	ssyncset.done $0x0  }
0x92: {  	s25 =	rddreg [dreg:$0x14];
	[sflag:s17] =	ssyncadd.s32 $0xFFFFF800  }
0x93: {  	[spmem:s3] =	stream.indirect.scatter.add.bf16 [tilespmem:s24], [sflag:$0x8], $0x10, s25, s21, $0xb8;
	[tilespmem:$0x8000] =	vst v63  }
0x94: {  	_ =	swait.ge [sflag:s29], $0x800  }
0x95: {  	[sflag:s29] =	ssyncset.done $0x0  }
0x96: {  	s7 =	rddreg [dreg:$0x15];
	[sflag:s29] =	ssyncadd.s32 $0xFFFFF800  }
0x97: {  	[tilespmem:s22], [sflag:$0x2] =	stream.indirect.gather [spmem:s2], $0x10, s7, s21, $0xb8;
	[tilespmem:$0x8000] =	vst v63  }
0x98: {  	_ =	swait.ge [sflag:s15], $0x800  }
0x99: {  	[sflag:s15] =	ssyncset.done $0x0  }
0x9a: {  	s14 =	rddreg [dreg:$0x16];
	[sflag:s15] =	ssyncadd.s32 $0xFFFFF800  }
0x9b: {  	[spmem:s3] =	stream.indirect.scatter.add.bf16 [tilespmem:s19], [sflag:$0x5], $0x10, s14, s21, $0xb8;
	[tilespmem:$0x8000] =	vst v63  }
0x9c: {  	_ =	swait.ge [sflag:s30], $0x800  }
0x9d: {  	[sflag:s30] =	ssyncset.done $0x0  }
0x9e: {  	s25 =	rddreg [dreg:$0x17];
	[sflag:s30] =	ssyncadd.s32 $0xFFFFF800  }
0x9f: {  	[tilespmem:s23], [sflag:$0x3] =	stream.indirect.gather [spmem:s2], $0x10, s25, s21, $0xb8;
	[tilespmem:$0x8000] =	vst v63  }
0xa0: {  	_ =	swait.ge [sflag:s16], $0x800  }
0xa1: {  	[sflag:s16] =	ssyncset.done $0x0  }
0xa2: {  	s7 =	rddreg [dreg:$0x18];
	[sflag:s16] =	ssyncadd.s32 $0xFFFFF800  }
0xa3: {  	[spmem:s3] =	stream.indirect.scatter.add.bf16 [tilespmem:s22], [sflag:$0x6], $0x10, s7, s21, $0xb8;
	[tilespmem:$0x8000] =	vst v63  }
0xa4: {  	_ =	swait.ge [sflag:s31], $0x800  }
0xa5: {  	[sflag:s31] =	ssyncset.done $0x0  }
0xa6: {  	s14 =	rddreg [dreg:$0x19];
	[sflag:s31] =	ssyncadd.s32 $0xFFFFF800  }
0xa7: {  	[tilespmem:s24], [sflag:$0x4] =	stream.indirect.gather [spmem:s2], $0x10, s14, s21, $0xb8;
	[tilespmem:$0x8000] =	vst v63  }
0xa8: {  	_ =	swait.ge [sflag:s26], $0x800  }
0xa9: {  	[sflag:s26] =	ssyncset.done $0x0  }
0xaa: {  	s25 =	rddreg [dreg:$0x1a];
	[sflag:s26] =	ssyncadd.s32 $0xFFFFF800  }
0xab: {  	[spmem:s3] =	stream.indirect.scatter.add.bf16 [tilespmem:s23], [sflag:$0x7], $0x10, s25, s21, $0xb8;
	[tilespmem:$0x8000] =	vst v63  }
0xac: {  	_ =	swait.ge [sflag:s28], $0x800  }
0xad: {  	[sflag:s28] =	ssyncset.done $0x0  }
0xae: {  	[sflag:s28] =	ssyncadd.s32 $0xFFFFF800  }
0xaf: {  	[tilespmem:s19], [sflag:$0x1] =	stream.indirect.gather [spmem:s2], $0x10, s0, s21, $0xb8;
	[tilespmem:$0x8000] =	vst v63  }
0xb0: {  	_ =	swait.ge [sflag:s17], $0x800  }
0xb1: {  	[sflag:s17] =	ssyncset.done $0x0  }
0xb2: {  	[sflag:s17] =	ssyncadd.s32 $0xFFFFF800  }
0xb3: {  	[spmem:s3] =	stream.indirect.scatter.add.bf16 [tilespmem:s24], [sflag:$0x8], $0x10, s1, s21, $0xb8;
	[tilespmem:$0x8000] =	vst v63  }
0xb4: {  	_ =	swait.ge [sflag:s29], $0x800  }
0xb5: {  	[sflag:s29] =	ssyncset.done $0x0  }
0xb6: {  	[sflag:s29] =	ssyncadd.s32 $0xFFFFF800  }
0xb7: {  	[tilespmem:s22], [sflag:$0x2] =	stream.indirect.gather [spmem:s2], $0x10, s5, s21, $0xb8;
	[tilespmem:$0x8000] =	vst v63  }
0xb8: {  	_ =	swait.ge [sflag:s15], $0x800  }
0xb9: {  	[sflag:s15] =	ssyncset.done $0x0  }
0xba: {  	[sflag:s15] =	ssyncadd.s32 $0xFFFFF800  }
0xbb: {  	[spmem:s3] =	stream.indirect.scatter.add.bf16 [tilespmem:s19], [sflag:$0x5], $0x10, s8, s21, $0xb8;
	[tilespmem:$0x8000] =	vst v63  }
0xbc: {  	_ =	swait.ge [sflag:s30], $0x800  }
0xbd: {  	[sflag:s30] =	ssyncset.done $0x0  }
0xbe: {  	[sflag:s30] =	ssyncadd.s32 $0xFFFFF800  }
0xbf: {  	[tilespmem:s23], [sflag:$0x3] =	stream.indirect.gather [spmem:s2], $0x10, s9, s21, $0xb8;
	[tilespmem:$0x8000] =	vst v63  }
0xc0: {  	_ =	swait.ge [sflag:s16], $0x800  }
0xc1: {  	[sflag:s16] =	ssyncset.done $0x0  }
0xc2: {  	[sflag:s16] =	ssyncadd.s32 $0xFFFFF800  }
0xc3: {  	[spmem:s3] =	stream.indirect.scatter.add.bf16 [tilespmem:s22], [sflag:$0x6], $0x10, s10, s21, $0xb8;
	[tilespmem:$0x8000] =	vst v63  }
0xc4: {  	_ =	swait.ge [sflag:s31], $0x800  }
0xc5: {  	[sflag:s31] =	ssyncset.done $0x0  }
0xc6: {  	[sflag:s31] =	ssyncadd.s32 $0xFFFFF800  }
0xc7: {  	[tilespmem:s24], [sflag:$0x4] =	stream.indirect.gather [spmem:s2], $0x10, s11, s21, $0xb8;
	[tilespmem:$0x8000] =	vst v63  }
0xc8: {  	_ =	swait.ge [sflag:s26], $0x800  }
0xc9: {  	[sflag:s26] =	ssyncset.done $0x0  }
0xca: {  	[sflag:s26] =	ssyncadd.s32 $0xFFFFF800  }
0xcb: {  	[spmem:s3] =	stream.indirect.scatter.add.bf16 [tilespmem:s23], [sflag:$0x7], $0x10, s12, s21, $0xb8;
	[tilespmem:$0x8000] =	vst v63  }
0xcc: {  	_ =	swait.ge [sflag:s17], $0x800  }
0xcd: {  	[sflag:s17] =	ssyncset.done $0x0  }
0xce: {  	[sflag:s17] =	ssyncadd.s32 $0xFFFFF800  }
0xcf: {  	[spmem:s3] =	stream.indirect.scatter.add.bf16 [tilespmem:s24], [sflag:$0x8], $0x10, s13, s21, $0xb8;
	[tilespmem:$0x8000] =	vst v63  }
0xd0: {  	_ =	swait.ge [sflag:s28], $0x800  }
0xd1: {  	[sflag:s28] =	ssyncset.done $0x0  }
0xd2: {  	[sflag:s28] =	ssyncadd.s32 $0xFFFFF800  }
0xd3: {  	_ =	swait.ge [sflag:s29], $0x800  }
0xd4: {  	[sflag:s29] =	ssyncset.done $0x0  }
0xd5: {  	[sflag:s29] =	ssyncadd.s32 $0xFFFFF800  }
0xd6: {  	_ =	swait.ge [sflag:s30], $0x800  }
0xd7: {  	[sflag:s30] =	ssyncset.done $0x0  }
0xd8: {  	[sflag:s30] =	ssyncadd.s32 $0xFFFFF800  }
0xd9: {  	s7 =	simm.s32 $0x200;
	_ =	swait.ge [sflag:s31], $0x800  }
0xda: {  	s25 =	simm.s32 $0x100;
	s6 =	rddreg [dreg:$0x6];
	[sflag:s31] =	ssyncset.done $0x0  }
.LBB2_4:
0xdb: {  	[sflag:s31] =	ssyncadd.s32 $0xFFFFF800;
	s6 =	sadd.s32 s25, s6  }
0xdc: {  	[tilespmem:s4], [sflag:$0x9] =	stream.linear.gather [hbm4b:s6+s4], $0x800, $0x38;
	[tilespmem:$0x8000] =	vst v63  }
0xdd: {  	_ =	swait.ge [sflag:s18], $0x800  }
0xde: {  	s6 =	rddreg [dreg:$0x5];
	[sflag:s18] =	ssyncset.done $0x0  }
0xdf: {  	[sflag:s18] =	ssyncadd.s32 $0xFFFFF800;
	s6 =	sadd.s32 s25, s6  }
0xe0: {  	[tilespmem:s20], [sflag:$0x9] =	stream.linear.gather [hbm4b:s6+s4], $0x800, $0x38;
	[tilespmem:$0x8000] =	vst v63  }
0xe1: {  	_ =	swait.ge [sflag:s18], $0x800  }
0xe2: {  	[sflag:s18] =	ssyncset.done $0x0  }
0xe3: {  	[sflag:s18] =	ssyncadd.s32 $0xFFFFF800  }
0xe4: {  	[tilespmem:s19], [sflag:$0x1] =	stream.indirect.gather [spmem:s2], $0x10, s4, s21, $0xb8;
	[tilespmem:$0x8000] =	vst v63  }
0xe5: {  	_ = 	snop  }
0xe6: {  	[tilespmem:s22], [sflag:$0x2] =	stream.indirect.gather [spmem:s2], $0x10, s21, s21, $0xb8;
	[tilespmem:$0x8000] =	vst v63  }
0xe7: {  	_ =	swait.ge [sflag:s15], $0x800  }
0xe8: {  	[sflag:s15] =	ssyncset.done $0x0  }
0xe9: {  	s14 =	smov.u32 s7;
	[sflag:s15] =	ssyncadd.s32 $0xFFFFF800  }
0xea: {  	[spmem:s3] =	stream.indirect.scatter.add.bf16 [tilespmem:s19], [sflag:$0x5], $0x10, s20, s21, $0xb8;
	[tilespmem:$0x8000] =	vst v63  }
0xeb: {  	s25 =	smov.u32 s14;
	s14 =	rddreg [dreg:$0x7]  }
0xec: {  	[tilespmem:s23], [sflag:$0x3] =	stream.indirect.gather [spmem:s2], $0x10, s14, s21, $0xb8;
	[tilespmem:$0x8000] =	vst v63  }
0xed: {  	_ =	swait.ge [sflag:s16], $0x800  }
0xee: {  	[sflag:s16] =	ssyncset.done $0x0  }
0xef: {  	s6 =	rddreg [dreg:$0x8];
	[sflag:s16] =	ssyncadd.s32 $0xFFFFF800  }
0xf0: {  	[spmem:s3] =	stream.indirect.scatter.add.bf16 [tilespmem:s22], [sflag:$0x6], $0x10, s6, s21, $0xb8;
	[tilespmem:$0x8000] =	vst v63  }
0xf1: {  	s14 =	rddreg [dreg:$0x9]  }
0xf2: {  	[tilespmem:s24], [sflag:$0x4] =	stream.indirect.gather [spmem:s2], $0x10, s14, s21, $0xb8;
	[tilespmem:$0x8000] =	vst v63  }
0xf3: {  	_ =	swait.ge [sflag:s26], $0x800  }
0xf4: {  	[sflag:s26] =	ssyncset.done $0x0  }
0xf5: {  	s14 =	rddreg [dreg:$0xa];
	[sflag:s26] =	ssyncadd.s32 $0xFFFFF800  }
0xf6: {  	[spmem:s3] =	stream.indirect.scatter.add.bf16 [tilespmem:s23], [sflag:$0x7], $0x10, s14, s21, $0xb8;
	[tilespmem:$0x8000] =	vst v63  }
0xf7: {  	_ =	swait.ge [sflag:s28], $0x800  }
0xf8: {  	[sflag:s28] =	ssyncset.done $0x0  }
0xf9: {  	s14 =	rddreg [dreg:$0xb];
	[sflag:s28] =	ssyncadd.s32 $0xFFFFF800  }
0xfa: {  	[tilespmem:s19], [sflag:$0x1] =	stream.indirect.gather [spmem:s2], $0x10, s14, s21, $0xb8;
	[tilespmem:$0x8000] =	vst v63  }
0xfb: {  	_ =	swait.ge [sflag:s17], $0x800  }
0xfc: {  	[sflag:s17] =	ssyncset.done $0x0  }
0xfd: {  	s14 =	rddreg [dreg:$0xc];
	[sflag:s17] =	ssyncadd.s32 $0xFFFFF800  }
0xfe: {  	[spmem:s3] =	stream.indirect.scatter.add.bf16 [tilespmem:s24], [sflag:$0x8], $0x10, s14, s21, $0xb8;
	[tilespmem:$0x8000] =	vst v63  }
0xff: {  	_ =	swait.ge [sflag:s29], $0x800  }
0x100: {  	[sflag:s29] =	ssyncset.done $0x0  }
0x101: {  	s14 =	rddreg [dreg:$0xd];
	[sflag:s29] =	ssyncadd.s32 $0xFFFFF800  }
0x102: {  	[tilespmem:s22], [sflag:$0x2] =	stream.indirect.gather [spmem:s2], $0x10, s14, s21, $0xb8;
	[tilespmem:$0x8000] =	vst v63  }
0x103: {  	_ =	swait.ge [sflag:s15], $0x800  }
0x104: {  	[sflag:s15] =	ssyncset.done $0x0  }
0x105: {  	s14 =	rddreg [dreg:$0xe];
	[sflag:s15] =	ssyncadd.s32 $0xFFFFF800  }
0x106: {  	[spmem:s3] =	stream.indirect.scatter.add.bf16 [tilespmem:s19], [sflag:$0x5], $0x10, s14, s21, $0xb8;
	[tilespmem:$0x8000] =	vst v63  }
0x107: {  	_ =	swait.ge [sflag:s30], $0x800  }
0x108: {  	[sflag:s30] =	ssyncset.done $0x0  }
0x109: {  	s14 =	rddreg [dreg:$0xf];
	[sflag:s30] =	ssyncadd.s32 $0xFFFFF800  }
0x10a: {  	[tilespmem:s23], [sflag:$0x3] =	stream.indirect.gather [spmem:s2], $0x10, s14, s21, $0xb8;
	[tilespmem:$0x8000] =	vst v63  }
0x10b: {  	_ =	swait.ge [sflag:s16], $0x800  }
0x10c: {  	[sflag:s16] =	ssyncset.done $0x0  }
0x10d: {  	s14 =	rddreg [dreg:$0x10];
	[sflag:s16] =	ssyncadd.s32 $0xFFFFF800  }
0x10e: {  	[spmem:s3] =	stream.indirect.scatter.add.bf16 [tilespmem:s22], [sflag:$0x6], $0x10, s14, s21, $0xb8;
	[tilespmem:$0x8000] =	vst v63  }
0x10f: {  	_ =	swait.ge [sflag:s31], $0x800  }
0x110: {  	[sflag:s31] =	ssyncset.done $0x0  }
0x111: {  	s14 =	rddreg [dreg:$0x11];
	[sflag:s31] =	ssyncadd.s32 $0xFFFFF800  }
0x112: {  	[tilespmem:s24], [sflag:$0x4] =	stream.indirect.gather [spmem:s2], $0x10, s14, s21, $0xb8;
	[tilespmem:$0x8000] =	vst v63  }
0x113: {  	_ =	swait.ge [sflag:s26], $0x800  }
0x114: {  	[sflag:s26] =	ssyncset.done $0x0  }
0x115: {  	s14 =	rddreg [dreg:$0x12];
	[sflag:s26] =	ssyncadd.s32 $0xFFFFF800  }
0x116: {  	[spmem:s3] =	stream.indirect.scatter.add.bf16 [tilespmem:s23], [sflag:$0x7], $0x10, s14, s21, $0xb8;
	[tilespmem:$0x8000] =	vst v63  }
0x117: {  	_ =	swait.ge [sflag:s28], $0x800  }
0x118: {  	[sflag:s28] =	ssyncset.done $0x0  }
0x119: {  	s14 =	rddreg [dreg:$0x13];
	[sflag:s28] =	ssyncadd.s32 $0xFFFFF800  }
0x11a: {  	[tilespmem:s19], [sflag:$0x1] =	stream.indirect.gather [spmem:s2], $0x10, s14, s21, $0xb8;
	[tilespmem:$0x8000] =	vst v63  }
0x11b: {  	_ =	swait.ge [sflag:s17], $0x800  }
0x11c: {  	[sflag:s17] =	ssyncset.done $0x0  }
0x11d: {  	s14 =	rddreg [dreg:$0x14];
	[sflag:s17] =	ssyncadd.s32 $0xFFFFF800  }
0x11e: {  	[spmem:s3] =	stream.indirect.scatter.add.bf16 [tilespmem:s24], [sflag:$0x8], $0x10, s14, s21, $0xb8;
	[tilespmem:$0x8000] =	vst v63  }
0x11f: {  	_ =	swait.ge [sflag:s29], $0x800  }
0x120: {  	[sflag:s29] =	ssyncset.done $0x0  }
0x121: {  	s14 =	rddreg [dreg:$0x15];
	[sflag:s29] =	ssyncadd.s32 $0xFFFFF800  }
0x122: {  	[tilespmem:s22], [sflag:$0x2] =	stream.indirect.gather [spmem:s2], $0x10, s14, s21, $0xb8;
	[tilespmem:$0x8000] =	vst v63  }
0x123: {  	_ =	swait.ge [sflag:s15], $0x800  }
0x124: {  	[sflag:s15] =	ssyncset.done $0x0  }
0x125: {  	s14 =	rddreg [dreg:$0x16];
	[sflag:s15] =	ssyncadd.s32 $0xFFFFF800  }
0x126: {  	[spmem:s3] =	stream.indirect.scatter.add.bf16 [tilespmem:s19], [sflag:$0x5], $0x10, s14, s21, $0xb8;
	[tilespmem:$0x8000] =	vst v63  }
0x127: {  	_ =	swait.ge [sflag:s30], $0x800  }
0x128: {  	[sflag:s30] =	ssyncset.done $0x0  }
0x129: {  	s14 =	rddreg [dreg:$0x17];
	[sflag:s30] =	ssyncadd.s32 $0xFFFFF800  }
0x12a: {  	[tilespmem:s23], [sflag:$0x3] =	stream.indirect.gather [spmem:s2], $0x10, s14, s21, $0xb8;
	[tilespmem:$0x8000] =	vst v63  }
0x12b: {  	_ =	swait.ge [sflag:s16], $0x800  }
0x12c: {  	[sflag:s16] =	ssyncset.done $0x0  }
0x12d: {  	s14 =	rddreg [dreg:$0x18];
	[sflag:s16] =	ssyncadd.s32 $0xFFFFF800  }
0x12e: {  	[spmem:s3] =	stream.indirect.scatter.add.bf16 [tilespmem:s22], [sflag:$0x6], $0x10, s14, s21, $0xb8;
	[tilespmem:$0x8000] =	vst v63  }
0x12f: {  	_ =	swait.ge [sflag:s31], $0x800  }
0x130: {  	[sflag:s31] =	ssyncset.done $0x0  }
0x131: {  	s14 =	rddreg [dreg:$0x19];
	[sflag:s31] =	ssyncadd.s32 $0xFFFFF800  }
0x132: {  	[tilespmem:s24], [sflag:$0x4] =	stream.indirect.gather [spmem:s2], $0x10, s14, s21, $0xb8;
	[tilespmem:$0x8000] =	vst v63  }
0x133: {  	_ =	swait.ge [sflag:s26], $0x800  }
0x134: {  	[sflag:s26] =	ssyncset.done $0x0  }
0x135: {  	s14 =	rddreg [dreg:$0x1a];
	[sflag:s26] =	ssyncadd.s32 $0xFFFFF800  }
0x136: {  	[spmem:s3] =	stream.indirect.scatter.add.bf16 [tilespmem:s23], [sflag:$0x7], $0x10, s14, s21, $0xb8;
	[tilespmem:$0x8000] =	vst v63  }
0x137: {  	_ =	swait.ge [sflag:s28], $0x800  }
0x138: {  	[sflag:s28] =	ssyncset.done $0x0  }
0x139: {  	[sflag:s28] =	ssyncadd.s32 $0xFFFFF800  }
0x13a: {  	[tilespmem:s19], [sflag:$0x1] =	stream.indirect.gather [spmem:s2], $0x10, s0, s21, $0xb8;
	[tilespmem:$0x8000] =	vst v63  }
0x13b: {  	_ =	swait.ge [sflag:s17], $0x800  }
0x13c: {  	[sflag:s17] =	ssyncset.done $0x0  }
0x13d: {  	[sflag:s17] =	ssyncadd.s32 $0xFFFFF800  }
0x13e: {  	[spmem:s3] =	stream.indirect.scatter.add.bf16 [tilespmem:s24], [sflag:$0x8], $0x10, s1, s21, $0xb8;
	[tilespmem:$0x8000] =	vst v63  }
0x13f: {  	_ =	swait.ge [sflag:s29], $0x800  }
0x140: {  	[sflag:s29] =	ssyncset.done $0x0  }
0x141: {  	[sflag:s29] =	ssyncadd.s32 $0xFFFFF800  }
0x142: {  	[tilespmem:s22], [sflag:$0x2] =	stream.indirect.gather [spmem:s2], $0x10, s5, s21, $0xb8;
	[tilespmem:$0x8000] =	vst v63  }
0x143: {  	_ =	swait.ge [sflag:s15], $0x800  }
0x144: {  	[sflag:s15] =	ssyncset.done $0x0  }
0x145: {  	[sflag:s15] =	ssyncadd.s32 $0xFFFFF800  }
0x146: {  	[spmem:s3] =	stream.indirect.scatter.add.bf16 [tilespmem:s19], [sflag:$0x5], $0x10, s8, s21, $0xb8;
	[tilespmem:$0x8000] =	vst v63  }
0x147: {  	_ =	swait.ge [sflag:s30], $0x800  }
0x148: {  	[sflag:s30] =	ssyncset.done $0x0  }
0x149: {  	[sflag:s30] =	ssyncadd.s32 $0xFFFFF800  }
0x14a: {  	[tilespmem:s23], [sflag:$0x3] =	stream.indirect.gather [spmem:s2], $0x10, s9, s21, $0xb8;
	[tilespmem:$0x8000] =	vst v63  }
0x14b: {  	_ =	swait.ge [sflag:s16], $0x800  }
0x14c: {  	[sflag:s16] =	ssyncset.done $0x0  }
0x14d: {  	[sflag:s16] =	ssyncadd.s32 $0xFFFFF800  }
0x14e: {  	[spmem:s3] =	stream.indirect.scatter.add.bf16 [tilespmem:s22], [sflag:$0x6], $0x10, s10, s21, $0xb8;
	[tilespmem:$0x8000] =	vst v63  }
0x14f: {  	_ =	swait.ge [sflag:s31], $0x800  }
0x150: {  	[sflag:s31] =	ssyncset.done $0x0  }
0x151: {  	[sflag:s31] =	ssyncadd.s32 $0xFFFFF800  }
0x152: {  	[tilespmem:s24], [sflag:$0x4] =	stream.indirect.gather [spmem:s2], $0x10, s11, s21, $0xb8;
	[tilespmem:$0x8000] =	vst v63  }
0x153: {  	_ =	swait.ge [sflag:s26], $0x800  }
0x154: {  	[sflag:s26] =	ssyncset.done $0x0  }
0x155: {  	[sflag:s26] =	ssyncadd.s32 $0xFFFFF800  }
0x156: {  	[spmem:s3] =	stream.indirect.scatter.add.bf16 [tilespmem:s23], [sflag:$0x7], $0x10, s12, s21, $0xb8;
	[tilespmem:$0x8000] =	vst v63  }
0x157: {  	_ =	swait.ge [sflag:s17], $0x800  }
0x158: {  	[sflag:s17] =	ssyncset.done $0x0  }
0x159: {  	[sflag:s17] =	ssyncadd.s32 $0xFFFFF800  }
0x15a: {  	[spmem:s3] =	stream.indirect.scatter.add.bf16 [tilespmem:s24], [sflag:$0x8], $0x10, s13, s21, $0xb8;
	[tilespmem:$0x8000] =	vst v63  }
0x15b: {  	_ =	swait.ge [sflag:s28], $0x800  }
0x15c: {  	[sflag:s28] =	ssyncset.done $0x0  }
0x15d: {  	[sflag:s28] =	ssyncadd.s32 $0xFFFFF800  }
0x15e: {  	_ =	swait.ge [sflag:s29], $0x800  }
0x15f: {  	[sflag:s29] =	ssyncset.done $0x0  }
0x160: {  	p0 =	sne.s32 s7, $0x900;
	[sflag:s29] =	ssyncadd.s32 $0xFFFFF800  }
.Ltmp1:
0x161: {  	_ =	swait.ge [sflag:s30], $0x800;
	(pc) =	sbr.rel @p0 .LBB2_4-.Ltmp1, $4  }
0x162: {  	[sflag:s30] =	ssyncset.done $0x0  }
0x163: {  	[sflag:s30] =	ssyncadd.s32 $0xFFFFF800  }
0x164: {  	_ =	swait.ge [sflag:s31], $0x800  }
0x165: {  	s7 =	sadd.s32 $0x100, s7;
	s6 =	rddreg [dreg:$0x6];
	[sflag:s31] =	ssyncset.done $0x0  }
0x166: {  	[sflag:s31] =	ssyncadd.s32 $0xFFFFF800;
	s6 =	sadd.s32 s25, s6  }
0x167: {  	[tilespmem:s4], [sflag:$0x9] =	stream.linear.gather [hbm4b:s6+s4], $0x800, $0x38;
	[tilespmem:$0x8000] =	vst v63  }
0x168: {  	_ =	swait.ge [sflag:s18], $0x800  }
0x169: {  	s7 =	rddreg [dreg:$0x5];
	[sflag:s18] =	ssyncset.done $0x0  }
0x16a: {  	[sflag:s18] =	ssyncadd.s32 $0xFFFFF800;
	s6 =	sadd.s32 s25, s7  }
0x16b: {  	[tilespmem:s20], [sflag:$0x9] =	stream.linear.gather [hbm4b:s6+s4], $0x800, $0x38;
	[tilespmem:$0x8000] =	vst v63  }
0x16c: {  	_ =	swait.ge [sflag:s18], $0x800  }
0x16d: {  	[sflag:s18] =	ssyncset.done $0x0  }
0x16e: {  	[sflag:s18] =	ssyncadd.s32 $0xFFFFF800  }
0x16f: {  	[tilespmem:s19], [sflag:$0x1] =	stream.indirect.gather [spmem:s2], $0x10, s4, s21, $0xb8;
	[tilespmem:$0x8000] =	vst v63  }
0x170: {  	_ = 	snop  }
0x171: {  	[tilespmem:s22], [sflag:$0x2] =	stream.indirect.gather [spmem:s2], $0x10, s21, s21, $0xb8;
	[tilespmem:$0x8000] =	vst v63  }
0x172: {  	_ =	swait.ge [sflag:s15], $0x800  }
0x173: {  	[sflag:s15] =	ssyncset.done $0x0  }
0x174: {  	[sflag:s15] =	ssyncadd.s32 $0xFFFFF800  }
0x175: {  	[spmem:s3] =	stream.indirect.scatter.add.bf16 [tilespmem:s19], [sflag:$0x5], $0x10, s20, s21, $0xb8;
	[tilespmem:$0x8000] =	vst v63  }
0x176: {  	s14 =	rddreg [dreg:$0x7]  }
0x177: {  	[tilespmem:s23], [sflag:$0x3] =	stream.indirect.gather [spmem:s2], $0x10, s14, s21, $0xb8;
	[tilespmem:$0x8000] =	vst v63  }
0x178: {  	_ =	swait.ge [sflag:s16], $0x800  }
0x179: {  	[sflag:s16] =	ssyncset.done $0x0  }
0x17a: {  	s25 =	rddreg [dreg:$0x8];
	[sflag:s16] =	ssyncadd.s32 $0xFFFFF800  }
0x17b: {  	[spmem:s3] =	stream.indirect.scatter.add.bf16 [tilespmem:s22], [sflag:$0x6], $0x10, s25, s21, $0xb8;
	[tilespmem:$0x8000] =	vst v63  }
0x17c: {  	s7 =	rddreg [dreg:$0x9]  }
0x17d: {  	[tilespmem:s24], [sflag:$0x4] =	stream.indirect.gather [spmem:s2], $0x10, s7, s21, $0xb8;
	[tilespmem:$0x8000] =	vst v63  }
0x17e: {  	_ =	swait.ge [sflag:s26], $0x800  }
0x17f: {  	[sflag:s26] =	ssyncset.done $0x0  }
0x180: {  	s7 =	rddreg [dreg:$0xa];
	[sflag:s26] =	ssyncadd.s32 $0xFFFFF800  }
0x181: {  	[spmem:s3] =	stream.indirect.scatter.add.bf16 [tilespmem:s23], [sflag:$0x7], $0x10, s7, s21, $0xb8;
	[tilespmem:$0x8000] =	vst v63  }
0x182: {  	_ =	swait.ge [sflag:s28], $0x800  }
0x183: {  	[sflag:s28] =	ssyncset.done $0x0  }
0x184: {  	s14 =	rddreg [dreg:$0xb];
	[sflag:s28] =	ssyncadd.s32 $0xFFFFF800  }
0x185: {  	[tilespmem:s19], [sflag:$0x1] =	stream.indirect.gather [spmem:s2], $0x10, s14, s21, $0xb8;
	[tilespmem:$0x8000] =	vst v63  }
0x186: {  	_ =	swait.ge [sflag:s17], $0x800  }
0x187: {  	[sflag:s17] =	ssyncset.done $0x0  }
0x188: {  	s25 =	rddreg [dreg:$0xc];
	[sflag:s17] =	ssyncadd.s32 $0xFFFFF800  }
0x189: {  	[spmem:s3] =	stream.indirect.scatter.add.bf16 [tilespmem:s24], [sflag:$0x8], $0x10, s25, s21, $0xb8;
	[tilespmem:$0x8000] =	vst v63  }
0x18a: {  	_ =	swait.ge [sflag:s29], $0x800  }
0x18b: {  	[sflag:s29] =	ssyncset.done $0x0  }
0x18c: {  	s7 =	rddreg [dreg:$0xd];
	[sflag:s29] =	ssyncadd.s32 $0xFFFFF800  }
0x18d: {  	[tilespmem:s22], [sflag:$0x2] =	stream.indirect.gather [spmem:s2], $0x10, s7, s21, $0xb8;
	[tilespmem:$0x8000] =	vst v63  }
0x18e: {  	_ =	swait.ge [sflag:s15], $0x800  }
0x18f: {  	[sflag:s15] =	ssyncset.done $0x0  }
0x190: {  	s14 =	rddreg [dreg:$0xe];
	[sflag:s15] =	ssyncadd.s32 $0xFFFFF800  }
0x191: {  	[spmem:s3] =	stream.indirect.scatter.add.bf16 [tilespmem:s19], [sflag:$0x5], $0x10, s14, s21, $0xb8;
	[tilespmem:$0x8000] =	vst v63  }
0x192: {  	_ =	swait.ge [sflag:s30], $0x800  }
0x193: {  	[sflag:s30] =	ssyncset.done $0x0  }
0x194: {  	s25 =	rddreg [dreg:$0xf];
	[sflag:s30] =	ssyncadd.s32 $0xFFFFF800  }
0x195: {  	[tilespmem:s23], [sflag:$0x3] =	stream.indirect.gather [spmem:s2], $0x10, s25, s21, $0xb8;
	[tilespmem:$0x8000] =	vst v63  }
0x196: {  	_ =	swait.ge [sflag:s16], $0x800  }
0x197: {  	[sflag:s16] =	ssyncset.done $0x0  }
0x198: {  	s7 =	rddreg [dreg:$0x10];
	[sflag:s16] =	ssyncadd.s32 $0xFFFFF800  }
0x199: {  	[spmem:s3] =	stream.indirect.scatter.add.bf16 [tilespmem:s22], [sflag:$0x6], $0x10, s7, s21, $0xb8;
	[tilespmem:$0x8000] =	vst v63  }
0x19a: {  	_ =	swait.ge [sflag:s31], $0x800  }
0x19b: {  	[sflag:s31] =	ssyncset.done $0x0  }
0x19c: {  	s14 =	rddreg [dreg:$0x11];
	[sflag:s31] =	ssyncadd.s32 $0xFFFFF800  }
0x19d: {  	[tilespmem:s24], [sflag:$0x4] =	stream.indirect.gather [spmem:s2], $0x10, s14, s21, $0xb8;
	[tilespmem:$0x8000] =	vst v63  }
0x19e: {  	_ =	swait.ge [sflag:s26], $0x800  }
0x19f: {  	[sflag:s26] =	ssyncset.done $0x0  }
0x1a0: {  	s25 =	rddreg [dreg:$0x12];
	[sflag:s26] =	ssyncadd.s32 $0xFFFFF800  }
0x1a1: {  	[spmem:s3] =	stream.indirect.scatter.add.bf16 [tilespmem:s23], [sflag:$0x7], $0x10, s25, s21, $0xb8;
	[tilespmem:$0x8000] =	vst v63  }
0x1a2: {  	_ =	swait.ge [sflag:s28], $0x800  }
0x1a3: {  	[sflag:s28] =	ssyncset.done $0x0  }
0x1a4: {  	s7 =	rddreg [dreg:$0x13];
	[sflag:s28] =	ssyncadd.s32 $0xFFFFF800  }
0x1a5: {  	[tilespmem:s19], [sflag:$0x1] =	stream.indirect.gather [spmem:s2], $0x10, s7, s21, $0xb8;
	[tilespmem:$0x8000] =	vst v63  }
0x1a6: {  	_ =	swait.ge [sflag:s17], $0x800  }
0x1a7: {  	[sflag:s17] =	ssyncset.done $0x0  }
0x1a8: {  	s14 =	rddreg [dreg:$0x14];
	[sflag:s17] =	ssyncadd.s32 $0xFFFFF800  }
0x1a9: {  	[spmem:s3] =	stream.indirect.scatter.add.bf16 [tilespmem:s24], [sflag:$0x8], $0x10, s14, s21, $0xb8;
	[tilespmem:$0x8000] =	vst v63  }
0x1aa: {  	_ =	swait.ge [sflag:s29], $0x800  }
0x1ab: {  	[sflag:s29] =	ssyncset.done $0x0  }
0x1ac: {  	s25 =	rddreg [dreg:$0x15];
	[sflag:s29] =	ssyncadd.s32 $0xFFFFF800  }
0x1ad: {  	[tilespmem:s22], [sflag:$0x2] =	stream.indirect.gather [spmem:s2], $0x10, s25, s21, $0xb8;
	[tilespmem:$0x8000] =	vst v63  }
0x1ae: {  	_ =	swait.ge [sflag:s15], $0x800  }
0x1af: {  	[sflag:s15] =	ssyncset.done $0x0  }
0x1b0: {  	s7 =	rddreg [dreg:$0x16];
	[sflag:s15] =	ssyncadd.s32 $0xFFFFF800  }
0x1b1: {  	[spmem:s3] =	stream.indirect.scatter.add.bf16 [tilespmem:s19], [sflag:$0x5], $0x10, s7, s21, $0xb8;
	[tilespmem:$0x8000] =	vst v63  }
0x1b2: {  	_ =	swait.ge [sflag:s30], $0x800  }
0x1b3: {  	[sflag:s30] =	ssyncset.done $0x0  }
0x1b4: {  	s14 =	rddreg [dreg:$0x17];
	[sflag:s30] =	ssyncadd.s32 $0xFFFFF800  }
0x1b5: {  	[tilespmem:s23], [sflag:$0x3] =	stream.indirect.gather [spmem:s2], $0x10, s14, s21, $0xb8;
	[tilespmem:$0x8000] =	vst v63  }
0x1b6: {  	_ =	swait.ge [sflag:s16], $0x800  }
0x1b7: {  	[sflag:s16] =	ssyncset.done $0x0  }
0x1b8: {  	s25 =	rddreg [dreg:$0x18];
	[sflag:s16] =	ssyncadd.s32 $0xFFFFF800  }
0x1b9: {  	[spmem:s3] =	stream.indirect.scatter.add.bf16 [tilespmem:s22], [sflag:$0x6], $0x10, s25, s21, $0xb8;
	[tilespmem:$0x8000] =	vst v63  }
0x1ba: {  	_ =	swait.ge [sflag:s31], $0x800  }
0x1bb: {  	[sflag:s31] =	ssyncset.done $0x0  }
0x1bc: {  	s7 =	rddreg [dreg:$0x19];
	[sflag:s31] =	ssyncadd.s32 $0xFFFFF800  }
0x1bd: {  	[tilespmem:s24], [sflag:$0x4] =	stream.indirect.gather [spmem:s2], $0x10, s7, s21, $0xb8;
	[tilespmem:$0x8000] =	vst v63  }
0x1be: {  	_ =	swait.ge [sflag:s26], $0x800  }
0x1bf: {  	[sflag:s26] =	ssyncset.done $0x0  }
0x1c0: {  	s14 =	rddreg [dreg:$0x1a];
	[sflag:s26] =	ssyncadd.s32 $0xFFFFF800  }
0x1c1: {  	[spmem:s3] =	stream.indirect.scatter.add.bf16 [tilespmem:s23], [sflag:$0x7], $0x10, s14, s21, $0xb8;
	[tilespmem:$0x8000] =	vst v63  }
0x1c2: {  	_ =	swait.ge [sflag:s28], $0x800  }
0x1c3: {  	[sflag:s28] =	ssyncset.done $0x0  }
0x1c4: {  	[sflag:s28] =	ssyncadd.s32 $0xFFFFF800  }
0x1c5: {  	[tilespmem:s19], [sflag:$0x1] =	stream.indirect.gather [spmem:s2], $0x10, s0, s21, $0xb8;
	[tilespmem:$0x8000] =	vst v63  }
0x1c6: {  	_ =	swait.ge [sflag:s17], $0x800  }
0x1c7: {  	[sflag:s17] =	ssyncset.done $0x0  }
0x1c8: {  	[sflag:s17] =	ssyncadd.s32 $0xFFFFF800  }
0x1c9: {  	[spmem:s3] =	stream.indirect.scatter.add.bf16 [tilespmem:s24], [sflag:$0x8], $0x10, s1, s21, $0xb8;
	[tilespmem:$0x8000] =	vst v63  }
0x1ca: {  	_ =	swait.ge [sflag:s29], $0x800  }
0x1cb: {  	[sflag:s29] =	ssyncset.done $0x0  }
0x1cc: {  	[sflag:s29] =	ssyncadd.s32 $0xFFFFF800  }
0x1cd: {  	[tilespmem:s22], [sflag:$0x2] =	stream.indirect.gather [spmem:s2], $0x10, s5, s21, $0xb8;
	[tilespmem:$0x8000] =	vst v63  }
0x1ce: {  	_ =	swait.ge [sflag:s15], $0x800  }
0x1cf: {  	[sflag:s15] =	ssyncset.done $0x0  }
0x1d0: {  	[sflag:s15] =	ssyncadd.s32 $0xFFFFF800  }
0x1d1: {  	[spmem:s3] =	stream.indirect.scatter.add.bf16 [tilespmem:s19], [sflag:$0x5], $0x10, s8, s21, $0xb8;
	[tilespmem:$0x8000] =	vst v63  }
0x1d2: {  	_ =	swait.ge [sflag:s30], $0x800  }
0x1d3: {  	[sflag:s30] =	ssyncset.done $0x0  }
0x1d4: {  	[sflag:s30] =	ssyncadd.s32 $0xFFFFF800  }
0x1d5: {  	[tilespmem:s23], [sflag:$0x3] =	stream.indirect.gather [spmem:s2], $0x10, s9, s21, $0xb8;
	[tilespmem:$0x8000] =	vst v63  }
0x1d6: {  	_ =	swait.ge [sflag:s16], $0x800  }
0x1d7: {  	[sflag:s16] =	ssyncset.done $0x0  }
0x1d8: {  	[sflag:s16] =	ssyncadd.s32 $0xFFFFF800  }
0x1d9: {  	[spmem:s3] =	stream.indirect.scatter.add.bf16 [tilespmem:s22], [sflag:$0x6], $0x10, s10, s21, $0xb8;
	[tilespmem:$0x8000] =	vst v63  }
0x1da: {  	_ =	swait.ge [sflag:s31], $0x800  }
0x1db: {  	[sflag:s31] =	ssyncset.done $0x0  }
0x1dc: {  	[sflag:s31] =	ssyncadd.s32 $0xFFFFF800  }
0x1dd: {  	[tilespmem:s24], [sflag:$0x4] =	stream.indirect.gather [spmem:s2], $0x10, s11, s21, $0xb8;
	[tilespmem:$0x8000] =	vst v63  }
0x1de: {  	_ =	swait.ge [sflag:s26], $0x800  }
0x1df: {  	[sflag:s26] =	ssyncset.done $0x0  }
0x1e0: {  	[sflag:s26] =	ssyncadd.s32 $0xFFFFF800  }
0x1e1: {  	[spmem:s3] =	stream.indirect.scatter.add.bf16 [tilespmem:s23], [sflag:$0x7], $0x10, s12, s21, $0xb8;
	[tilespmem:$0x8000] =	vst v63  }
0x1e2: {  	_ =	swait.ge [sflag:s17], $0x800  }
0x1e3: {  	[sflag:s17] =	ssyncset.done $0x0  }
0x1e4: {  	[sflag:s17] =	ssyncadd.s32 $0xFFFFF800  }
0x1e5: {  	[spmem:s3] =	stream.indirect.scatter.add.bf16 [tilespmem:s24], [sflag:$0x8], $0x10, s13, s21, $0xb8;
	[tilespmem:$0x8000] =	vst v63  }
0x1e6: {  	_ =	swait.ge [sflag:s28], $0x800  }
0x1e7: {  	[sflag:s28] =	ssyncset.done $0x0  }
0x1e8: {  	[sflag:s28] =	ssyncadd.s32 $0xFFFFF800  }
0x1e9: {  	_ =	swait.ge [sflag:s29], $0x800  }
0x1ea: {  	[sflag:s29] =	ssyncset.done $0x0  }
0x1eb: {  	[sflag:s29] =	ssyncadd.s32 $0xFFFFF800  }
0x1ec: {  	_ =	swait.ge [sflag:s30], $0x800  }
0x1ed: {  	[sflag:s30] =	ssyncset.done $0x0  }
0x1ee: {  	[sflag:s30] =	ssyncadd.s32 $0xFFFFF800  }
0x1ef: {  	_ =	swait.ge [sflag:s31], $0x800  }
0x1f0: {  	[sflag:s31] =	ssyncset.done $0x0  }
0x1f1: {  	[sflag:s31] =	ssyncadd.s32 $0xFFFFF800  }
0x1f2: {  	[bflag:$0x0] =	sbarrier.arrive $0xFFFF  }
0x1f3: {  	s14 =	sld [smem:$0x7FD]  }
0x1f4: {  	s7 =	rddreg [dreg:$0x1c]  }
0x1f5: {  	s25 =	rddreg [dreg:$0x1e]  }
0x1f6: {  	[hbm:s25@s17], [sflag:s7] =	dma.strided [spmem:s14@s16], $0x500, s15, $0x2   }
0x1f7: {  	_ =	swait.ge [sflag:s18], $0x500  }
0x1f8: {  	s6 =	sld [smem:$0x7F7];
	_ =	sdelay $0x2  }
0x1f9: {  	s25 =	rddreg [dreg:$0x1f];
	s14 =	sadd.s32 $0x1, s6  }
0x1fa: {  	p0 =	sne.s32 s14, s25  }
.Ltmp2:
0x1fb: {  	_ = 	snop;
	(pc) =	sbr.rel @p0 .LBB2_1-.Ltmp2, $3  }
0x1fc: {  	_ =	sdelay $0x1  }
0x1fd: {  	[sflag:s18] =	ssyncset.done $0x0  }
0x1fe: {  	[sflag:s18] =	ssyncadd.s32 $0xFFFFFB00  }
0x1ff: {  	_ =	sfence.sel $0x180000  }
0x200: {  	[bflag:$0x0] =	sbarrier.arrive $0xFFFF  }
0x201: {  	_ =	strace $0x9000004D  }
0x202: {  	s0 =	stileid.u32;
	[bflag:$0x2] =	sbarrier.arrive $0xFFFF  }
0x203: {  	p0 =	sne.s32 s0, $0x0;
	s0 =	rddreg [dreg:$0x4]  }
0x204: {  	s0 =	sadd.s32 @!p0 $0x100000, s0  }
0x205: {  	[sflag:s0] =	ssyncadd.tile.s32 @!p0 $0x1;
	_ =	shalt  }
.Lfunc_end2:
_tile_overlayer_lowered:
.L_overlay_start_2:
0x206: {  	(tag) =	ssettag $0x2  }
0x207: {  	s0 =	rddreg [dreg:$0x0];
	s2 =	stileid.u32  }
0x208: {  	s1 =	rddreg [dreg:$0x1];
	p0 =	sne.s32 s2, $0x0  }
0x209: {  	s3 =	rddreg [dreg:$0x2];
	[bflag:$0x3] =	sbarrier.arrive $0xFFFF;
	s2 =	simm.s32 @!p0 $0x1C09  }
0x20a: {  	[timem:s3], [sflag:s2] =	dma.local @!p0 [hbm:s0], s1  }
0x20b: {  	s0 =	simm.s32 @!p0 $0x9  }
0x20c: {  	_ =	swait.ge @!p0 [sflag:s0], s1  }
0x20d: {  	s1 =	ssub.s32 @!p0 $0x0, s1;
	[sflag:s0] =	ssyncset.done @!p0 $0x0  }
0x20e: {  	[sflag:s0] =	ssyncadd.s32 @!p0 s1  }
0x20f: {  	[bflag:$0x3] =	sbarrier.arrive $0xFFFF  }
0x210: {  	_ =	shalt  }

// kernel: kernel.8.cloned.1.call-start
scs
__scs_entry_jumppad:
0x0: {  	(pc) =	sbr.rel $0x88, $3  }
0x1: {  	(tag) =	ssettag $0x0;
	lr =	simm.s32 $0x1  }
0x2: {  	[smem:$0x3F9B] =	sst lr;
	_ =	strace $0xD0000000  }
0x3: {  	_ = 	snop  }
0x4: {  	_ = 	snop  }
0x5: {  	_ = 	snop  }
0x6: {  	_ = 	snop  }
0x7: {  	_ = 	snop  }
__scs_overlays_trampoline_lowered:
0x8: {  	[smem:$0x3FAA] =	sst s0  }
0x9: {  	[smem:$0x3FAB] =	sst s1  }
0xa: {  	[smem:$0x3FAC] =	sst s2  }
0xb: {  	[smem:$0x3FAD] =	sst s3  }
0xc: {  	[smem:$0x3FAE] =	sst s4  }
0xd: {  	[smem:$0x3FAF] =	sst s5  }
0xe: {  	[smem:$0x3FB0] =	sst s6  }
0xf: {  	[smem:$0x3FB1] =	sst s7  }
0x10: {  	[smem:$0x3FB2] =	sst s8  }
0x11: {  	[smem:$0x3FB3] =	sst s9;
	s0 =	simm.s32 @!p0 $0x0  }
0x12: {  	s1 =	sld [smem:$0x3F99];
	s0 =	simm.s32 @p0 $0x1  }
0x13: {  	[smem:$0x3FB4] =	sst s0;
	s0 =	simm.s32 @!p1 $0x0  }
0x14: {  	s2 =	sld [smem:$0x3F98];
	s0 =	simm.s32 @p1 $0x1  }
0x15: {  	[smem:$0x3FB5] =	sst s0;
	s0 =	simm.s32 @!p2 $0x0  }
0x16: {  	s3 =	sld [smem:$0x3FDB];
	s0 =	simm.s32 @p2 $0x1  }
0x17: {  	s4 =	simm.s32 $0x1BF5;
	[smem:$0x3FB7] =	sst s0  }
0x18: {  	s0 =	sld [smem:$0x3F9A];
	_ =	swait.ge [sflag:s4], $0x0  }
0x19: {  	s7 =	sld [smem:$0x3F9B]  }
0x1a: {  	s8 =	sadd.s32 $0xFFFFE003, lr  }
0x1b: {  	s9 =	sadd.s32 $0xFFFFFEF7, lr;
	s5 =	simm.s32 $0xFFFFFFFF;
	p2 =	slt.u32 s8, $0xFFFFF086  }
0x1c: {  	p1 =	slt.u32 s9, $0xF7A;
	s5 =	simm.s32 @!p2 $0x0  }
0x1d: {  	s5 =	simm.s32 @p1 $0x1;
	p0 =	seq.s32 s7, s2  }
0x1e: {  	s7 =	smul.u32 @!p0 $0xF7A, s2;
	p2 =	seq.s32 @!p0 s5, $0x0  }
0x1f: {  	s9 =	smul.u32 $0xF7A, s1;
	s8 =	simm.s32 @!p0 $0x1BF5;
	p2 =	por !p2, p0  }
0x20: {  	[sflag:s8] =	ssyncset.s32 @!p0 $0xFFFFF086;
	s6 =	sadd.s32 @!p0 s3, s7;
	s7 =	simm.s32 @!p0 $0x108  }
0x21: {  	s3 =	sadd.s32 s3, s9;
	s6 =	sadd.s32 @!p0 $0x88, s6;
	s7 =	simm.s32 @p2 $0x1082  }
0x22: {  	[simem:s7], [sflag:s8] =	dma.local @!p0 [hbm:s6], $0xF7A  }
0x23: {  	s9 =	sor.u32 $0xD0000000, s2;
	s6 =	simm.s32 $0x108;
	_ =	swait.ge @!p0 [sflag:s8], $0x0  }
0x24: {  	s3 =	sadd.s32 $0x88, s3;
	s6 =	simm.s32 @!p1 $0x1082;
	[sflag:s4] =	ssyncset.s32 $0xFFFFF086  }
0x25: {  	[simem:s6], [sflag:s4] =	dma.local [hbm:s3], $0xF7A  }
0x26: {  	[smem:$0x3F9B] =	sst s1;
	(tag) =	ssettag s2;
	_ =	strace s9  }
0x27: {  	s1 =	sld [smem:$0x3FAB]  }
0x28: {  	s2 =	sld [smem:$0x3FAC]  }
0x29: {  	s4 =	sld [smem:$0x3FAE]  }
0x2a: {  	p0 =	seq.s32 s5, $0x0;
	s5 =	sld [smem:$0x3FAF]  }
0x2b: {  	s6 =	sld [smem:$0x3FB0]  }
0x2c: {  	s7 =	sld [smem:$0x3FB1]  }
0x2d: {  	s3 =	simm.s32 $0x108;
	s8 =	sld [smem:$0x3FB2]  }
0x2e: {  	s3 =	simm.s32 @!p0 $0x1082;
	s9 =	sld [smem:$0x3FB3]  }
0x2f: {  	lr =	sadd.s32 s0, s3;
	s0 =	sld [smem:$0x3FAA]  }
0x30: {  	s3 =	sld [smem:$0x3FAD]  }
0x31: {  	[smem:$0x3FB6] =	sst s10  }
0x32: {  	s10 =	sld [smem:$0x3FB4];
	_ =	sdelay $0x3  }
0x33: {  	p0 =	seq.s32 s10, $0x1;
	s10 =	sld [smem:$0x3FB6];
	_ =	sdelay $0x3  }
0x34: {  	[smem:$0x3FB6] =	sst s10  }
0x35: {  	s10 =	sld [smem:$0x3FB5];
	_ =	sdelay $0x3  }
0x36: {  	p1 =	seq.s32 s10, $0x1;
	s10 =	sld [smem:$0x3FB6];
	_ =	sdelay $0x3  }
0x37: {  	[smem:$0x3FB6] =	sst s10  }
0x38: {  	s10 =	sld [smem:$0x3FB7]  }
0x39: {  	_ = 	snop;
	(pc) =	sbr.ind lr, $3  }
0x3a: {  	_ = 	snop  }
0x3b: {  	_ = 	snop  }
0x3c: {  	p2 =	seq.s32 s10, $0x1;
	s10 =	sld [smem:$0x3FB6]  }
0x3d: {  	_ =	shalt  }
0x3e: {  	_ =	shalt  }
0x3f: {  	_ =	shalt  }
0x40: {  	_ =	shalt  }
0x41: {  	_ =	shalt  }
0x42: {  	_ =	shalt  }
0x43: {  	_ =	shalt  }
0x44: {  	_ =	shalt  }
0x45: {  	_ =	shalt  }
0x46: {  	_ =	shalt  }
0x47: {  	_ =	shalt  }
0x48: {  	_ =	shalt  }
0x49: {  	_ =	shalt  }
0x4a: {  	_ =	shalt  }
0x4b: {  	_ =	shalt  }
0x4c: {  	_ =	shalt  }
0x4d: {  	_ =	shalt  }
0x4e: {  	_ =	shalt  }
0x4f: {  	_ =	shalt  }
0x50: {  	_ =	shalt  }
0x51: {  	_ =	shalt  }
0x52: {  	_ =	shalt  }
0x53: {  	_ =	shalt  }
0x54: {  	_ =	shalt  }
0x55: {  	_ =	shalt  }
0x56: {  	_ =	shalt  }
0x57: {  	_ =	shalt  }
0x58: {  	_ =	shalt  }
0x59: {  	_ =	shalt  }
0x5a: {  	_ =	shalt  }
0x5b: {  	_ =	shalt  }
0x5c: {  	_ =	shalt  }
0x5d: {  	_ =	shalt  }
0x5e: {  	_ =	shalt  }
0x5f: {  	_ =	shalt  }
0x60: {  	_ =	shalt  }
0x61: {  	_ =	shalt  }
0x62: {  	_ =	shalt  }
0x63: {  	_ =	shalt  }
0x64: {  	_ =	shalt  }
0x65: {  	_ =	shalt  }
0x66: {  	_ =	shalt  }
0x67: {  	_ =	shalt  }
0x68: {  	_ =	shalt  }
0x69: {  	_ =	shalt  }
0x6a: {  	_ =	shalt  }
0x6b: {  	_ =	shalt  }
0x6c: {  	_ =	shalt  }
0x6d: {  	_ =	shalt  }
0x6e: {  	_ =	shalt  }
0x6f: {  	_ =	shalt  }
0x70: {  	_ =	shalt  }
0x71: {  	_ =	shalt  }
0x72: {  	_ =	shalt  }
0x73: {  	_ =	shalt  }
0x74: {  	_ =	shalt  }
0x75: {  	_ =	shalt  }
0x76: {  	_ =	shalt  }
0x77: {  	_ =	shalt  }
0x78: {  	_ =	shalt  }
0x79: {  	_ =	shalt  }
0x7a: {  	_ =	shalt  }
0x7b: {  	_ =	shalt  }
0x7c: {  	_ =	shalt  }
0x7d: {  	_ =	shalt  }
0x7e: {  	_ =	shalt  }
0x7f: {  	_ =	shalt  }
0x80: {  	_ =	shalt  }
0x81: {  	_ =	shalt  }
0x82: {  	_ =	shalt  }
0x83: {  	_ =	shalt  }
0x84: {  	_ =	shalt  }
0x85: {  	_ =	shalt  }
0x86: {  	_ =	shalt  }
0x87: {  	_ =	shalt  }
.Lfunc_end0:
.L_simem_size_0:
called_computation_lowered:
.L_overlay_start_0:
0x88: {  	s2 =	sld [smem:$0x3FD9]  }
0x89: {  	s3 =	sld [smem:$0x3FFE];
	_ =	sdelay $0x1  }
0x8a: {  	s1 =	srdreg.scid  }
0x8b: {  	s0 =	sand.u32 $0x1, s1  }
0x8c: {  	s16 =	sshll.u32 s0, $0xA;
	s2 =	sadd.s32 s3, s2  }
0x8d: {  	s2 =	sadd.s32 s2, s16  }
0x8e: {  	[smem:$0x3FC2] =	sst s2  }
0x8f: {  	_ = 	snop  }
0x90: {  	(tm) =	ssettm $0x1  }
0x91: {  	s17 =	sld [smem:$0x3FFB];
	_ =	sdelay $0x3  }
0x92: {  	_ =	strace s17  }
0x93: {  	s2 =	sld [smem:$0x3FFC];
	_ =	sdelay $0x3  }
0x94: {  	_ =	strace s2  }
0x95: {  	s2 =	sld [smem:$0x3FFD];
	_ =	sdelay $0x3  }
0x96: {  	_ =	strace s2  }
0x97: {  	_ =	strace $0x8FFFFFFF  }
0x98: {  	s18 =	sld [smem:$0x3FDB];
	_ =	sdelay $0x1  }
0x99: {  	s19 =	simm.s32 $_scs_section_size  }
0x9a: {  	s4 =	simm.s32 $_size__tile_overlayer_lowered;
	s5 =	simm.s32 $_tile_overlayer_lowered  }
0x9b: {  	s22 =	simm.s32 $0x1BFF;
	s21 =	sshll.u32 s5, $0x1;
	s2 =	sadd.s32 s19, s18  }
0x9c: {  	s6 =	simm.s32 $0x0;
	s20 =	sshll.u32 s4, $0x1;
	s4 =	sadd.s32 s21, s2  }
0x9d: {  	[timem:s6], [sflag:s22] =	dma.local [hbm:s4], s20  }
0x9e: {  	_ =	swait.ge [sflag:s22], s20  }
0x9f: {  	s3 =	ssub.s32 $0x0, s20;
	[sflag:s22] =	ssyncset.done $0x0  }
0xa0: {  	[sflag:s22] =	ssyncadd.s32 s3;
	_ =	sdelay $0x1  }
0xa1: {  	s23 =	simm.s32 $0x1B8B  }
0xa2: {  	_ =	swait.ge [sflag:s23], $0x1  }
0xa3: {  	[sflag:s23] =	ssyncset.done $0x0  }
0xa4: {  	s25 =	simm.s32 $0x1B8E;
	s24 =	sld [smem:$0x3FFE];
	[sflag:s23] =	ssyncadd.s32 $0xFFFFFFFF  }
0xa5: {  	s26 =	simm.s32 $execute0_lowered;
	[smem:$0x3FD2] =	sst s25  }
0xa6: {  	s4 =	sshll.u32 s26, $0x1;
	_ =	strace $0x80000046;
	[dreg:$0x1] =	wrdreg $0xFFFFFFFF  }
0xa7: {  	s28 =	simm.s32 $_size_execute0_lowered;
	s2 =	sadd.s32 s2, s4;
	[dreg:$0x0] =	wrdreg $0x0  }
0xa8: {  	s4 =	sshll.u32 s28, $0x1;
	[dreg:$0x2] =	wrdreg s2  }
0xa9: {  	[dreg:$0x3] =	wrdreg s4  }
0xaa: {  	[dreg:$0x4] =	wrdreg $0xC0  }
0xab: {  	_ =	task [dreg:s6], $0x5FFFF  }
0xac: {  	[dreg:$0x1] =	wrdreg $0xFFFFFFFF  }
0xad: {  	[dreg:$0x0] =	wrdreg $0x60  }
0xae: {  	[dreg:$0x2] =	wrdreg s24  }
0xaf: {  	[dreg:$0x3] =	wrdreg $0x2B000  }
0xb0: {  	[dreg:$0x4] =	wrdreg $0x9  }
0xb1: {  	_ =	task.clear_ibuf [dreg:s6], $0x5FFFF;
	_ =	strace $0x90000046  }
0xb2: {  	s29 =	simm.s32 $0x9;
	_ =	strace $0x80000048  }
0xb3: {  	_ =	swait.ge [sflag:s29], $0x1  }
0xb4: {  	[sflag:s29] =	ssyncadd.s32 $0xFFFFFFFF  }
0xb5: {  	_ =	strace $0x90000048  }
0xb6: {  	_ =	sfence  }
0xb7: {  	s30 =	sld [smem:$0x0];
	_ =	sdelay $0x2  }
0xb8: {  	s31 =	sshll.u32 s1, $0xD;
	s1 =	sshrl.u32 s1, $0x2  }
0xb9: {  	s3 =	sand.u32 $0x4000, s31;
	s1 =	sadd.s32 s1, s30  }
0xba: {  	s0 =	sor.u32 s3, s0;
	s1 =	sshll.u32 s1, $0x11  }
0xbb: {  	s0 =	sor.u32 s1, s0  }
0xbc: {  	s0 =	sadd.s32 $0x8F2B, s0  }
0xbd: {  	[sflag:s0] =	ssyncadd.remote.s32 $0x1  }
0xbe: {  	_ =	sfence.sel $0xFFFF  }
0xbf: {  	[dreg:$0x0] =	wrdreg $0xFFFFFFFF;
	(pc) =	sbr.abs _section_cstart, $3  }
0xc0: {  	[dreg:$0x1] =	wrdreg $0xFFFFFFFF  }
0xc1: {  	_ =	task.clear_ibuf [dreg:s6], $0x2FFFF;
	_ =	strace $0x9FFFFFFF  }
0xc2: {  	(tm) =	ssettm $0x7FFFFFFF  }
0xc3: {  	_ =	shalt  }
tec
execute0_lowered:
.L_overlay_start_1:
0x0: {  	(tag) =	ssettag $0x1  }
0x1: {  	s4 =	rddreg [dreg:$0x0];
	s0 =	srdreg.scid  }
0x2: {  	s2 =	rddreg [dreg:$0x1];
	s1 =	stileid.u32  }
0x3: {  	s3 =	simm.s32 $0x0;
	s10 =	simm.s32 $0x80;
	s11 =	simm.s32 $0x2800  }
0x4: {  	s14 =	simm.s32 $0x20;
	s15 =	simm.s32 $0x10;
	s16 =	simm.s32 $0x0  }
0x5: {  	s5 =	sand.u32 $0x1, s0;
	s0 =	rddreg [dreg:$0x2];
	s7 =	smul.u32 $0x500, s1  }
0x6: {  	[smem:$0x7FF] =	sst s3;
	s30 =	smul.u32 $0xA00, s1;
	s12 =	sshll.u32 s1, $0x6  }
0x7: {  	s6 =	sshll.u32 s5, $0x4;
	s8 =	sshll.u32 s5, $0x7;
	_ =	strace $0x80000047  }
0x8: {  	s5 =	ssub.s32 $0x2, s5;
	s12 =	sor.u32 $0x1C01, s12;
	s6 =	sor.u32 s1, s6  }
0x9: {  	s7 =	sor.u32 s8, s7;
	s31 =	sshrl.u32 s5, $0x1;
	s6 =	smul.u32 $0x500, s6  }
0xa: {  	s8 =	sshrl.u32 s30, $0x2;
	s7 =	sshrl.u32 s7, $0x3;
	s9 =	ssub.s32 s5, s31  }
0xb: {  	s7 =	sadd.s32 s7, s4;
	s6 =	sadd.s32 s6, s4;
	s4 =	sadd.s32 s8, s2  }
0xc: {  	s8 =	simm.s32 $0x2880;
	s5 =	sadd.s32 $0x1A00, s6;
	s6 =	sadd.s32 $0xBA00, s7  }
0xd: {  	v0 =	vimm.f32 $1.000000000e+00;
	v1 =	vimm.f32 $0.0e+00;
	s7 =	smax.u32 s9, $0x1;
	s9 =	simm.s32 $0x1;
	s13 =	sshrl.u32 s4, $0x3  }
.LBB2_1:
0xe: {  	[tilespmem:$0x2800] =	vst v0  }
0xf: {  	[tilespmem:$0x2810] =	vst v0  }
0x10: {  	[tilespmem:$0x2820] =	vst v0  }
0x11: {  	[tilespmem:$0x2830] =	vst v0  }
0x12: {  	[tilespmem:$0x2840] =	vst v0  }
0x13: {  	[tilespmem:$0x2850] =	vst v0  }
0x14: {  	[tilespmem:$0x2860] =	vst v0  }
0x15: {  	[tilespmem:$0x2870] =	vst v0  }
0x16: {  	[tilespmem:$0x2880] =	vst v1  }
0x17: {  	[tilespmem:$0x2890] =	vst v1  }
0x18: {  	[tilespmem:$0x28A0] =	vst v1  }
0x19: {  	[tilespmem:$0x28B0] =	vst v1  }
0x1a: {  	[tilespmem:$0x28C0] =	vst v1  }
0x1b: {  	[tilespmem:$0x28D0] =	vst v1  }
0x1c: {  	[tilespmem:$0x28E0] =	vst v1  }
0x1d: {  	[tilespmem:$0x28F0] =	vst v1  }
0x1e: {  	[tilespmem:$0x2900] =	vst v1  }
0x1f: {  	[tilespmem:$0x2910] =	vst v1  }
0x20: {  	[tilespmem:$0x2920] =	vst v1  }
0x21: {  	[tilespmem:$0x2930] =	vst v1  }
0x22: {  	[tilespmem:$0x2940] =	vst v1  }
0x23: {  	[tilespmem:$0x2950] =	vst v1  }
0x24: {  	[tilespmem:$0x2960] =	vst v1  }
0x25: {  	[tilespmem:$0x2970] =	vst v1  }
0x26: {  	[tilespmem:$0x2980] =	vst v1  }
0x27: {  	[tilespmem:$0x2990] =	vst v1  }
0x28: {  	[tilespmem:$0x29A0] =	vst v1  }
0x29: {  	[tilespmem:$0x29B0] =	vst v1  }
0x2a: {  	[tilespmem:$0x29C0] =	vst v1  }
0x2b: {  	[tilespmem:$0x29D0] =	vst v1  }
0x2c: {  	[tilespmem:$0x29E0] =	vst v1  }
0x2d: {  	[tilespmem:$0x29F0] =	vst v1  }
0x2e: {  	[tilespmem:$0x2A00] =	vst v1  }
0x2f: {  	[tilespmem:$0x2A10] =	vst v1  }
0x30: {  	[tilespmem:$0x2A20] =	vst v1  }
0x31: {  	[tilespmem:$0x2A30] =	vst v1  }
0x32: {  	[tilespmem:$0x2A40] =	vst v1  }
0x33: {  	[tilespmem:$0x2A50] =	vst v1  }
0x34: {  	[tilespmem:$0x2A60] =	vst v1  }
0x35: {  	[tilespmem:$0x2A70] =	vst v1  }
0x36: {  	[tilespmem:$0x2A80] =	vst v1  }
0x37: {  	[tilespmem:$0x2A90] =	vst v1  }
0x38: {  	[tilespmem:$0x2AA0] =	vst v1  }
0x39: {  	[tilespmem:$0x2AB0] =	vst v1  }
0x3a: {  	[tilespmem:$0x2AC0] =	vst v1  }
0x3b: {  	[tilespmem:$0x2AD0] =	vst v1  }
0x3c: {  	[tilespmem:$0x2AE0] =	vst v1  }
0x3d: {  	[tilespmem:$0x2AF0] =	vst v1  }
0x3e: {  	[spmem:s4] =	stream.linear.scatter [tilespmem:s8], [sflag:$0x1], $0x280, $0x38;
	[tilespmem:$0x2D80] =	vst v63  }
0x3f: {  	_ =	swait.ge [sflag:s9], $0x280  }
0x40: {  	[sflag:s9] =	ssyncset.done $0x0  }
0x41: {  	[sflag:s9] =	ssyncadd.s32 $0xFFFFFD80  }
0x42: {  	[bflag:$0x0] =	sbarrier.arrive $0xFFFF  }
0x43: {  	[tilespmem:s3], [sflag:$0x1] =	stream.linear.gather [hbm4b:s5+s3], $0x2800, $0x38;
	[tilespmem:$0x2D80] =	vst v63  }
0x44: {  	_ =	swait.ge [sflag:s9], $0x2800  }
0x45: {  	[sflag:s9] =	ssyncset.done $0x0  }
0x46: {  	s17 =	simm.s32 $0x0;
	[sflag:s9] =	ssyncadd.s32 $0xFFFFD800  }
0x47: {  	[spmem:s2] =	stream.indirect.scatter.add.f32 [tilespmem:s11], [sflag:$0x1], $0x1, s17, s10, $0xb8;
	[tilespmem:$0x2D80] =	vst v63  }
0x48: {  	_ =	swait.ge [sflag:s9], $0x80  }
0x49: {  	s17 =	simm.s32 $0x200;
	[sflag:s9] =	ssyncset.done $0x0  }
.LBB2_2:
0x4a: {  	s18 =	sshra.s32 s17, $0x2;
	[sflag:s9] =	ssyncadd.s32 $0xFFFFFF80;
	p0 =	sne.s32 s17, $0x9E00  }
0x4b: {  	[spmem:s2] =	stream.indirect.scatter.add.f32 [tilespmem:s11], [sflag:$0x1], $0x1, s18, s10, $0xb8;
	[tilespmem:$0x2D80] =	vst v63  }
.Ltmp0:
0x4c: {  	_ = 	snop;
	(pc) =	sbr.rel @p0 .LBB2_2-.Ltmp0, $4  }
0x4d: {  	_ = 	snop  }
0x4e: {  	s17 =	sadd.s32 $0x200, s17  }
0x4f: {  	_ =	swait.ge [sflag:s9], $0x80  }
0x50: {  	[sflag:s9] =	ssyncset.done $0x0  }
0x51: {  	s16 =	sadd.s32 $0x1, s16  }
0x52: {  	[sflag:s9] =	ssyncadd.s32 $0xFFFFFF80;
	p0 =	sne.s32 s16, s7  }
.Ltmp1:
0x53: {  	[bflag:$0x0] =	sbarrier.arrive $0xFFFF;
	(pc) =	sbr.rel @p0 .LBB2_1-.Ltmp1, $4  }
0x54: {  	[hbm:s6@s14], [sflag:s12] =	dma.strided [spmem:s13@s15], $0x50, s9, $0x10   }
0x55: {  	_ =	swait.ge [sflag:s9], $0x50  }
0x56: {  	[sflag:s9] =	ssyncset.done $0x0  }
0x57: {  	[sflag:s9] =	ssyncadd.s32 $0xFFFFFFB0  }
0x58: {  	_ =	sfence.sel $0x180000  }
0x59: {  	[bflag:$0x0] =	sbarrier.arrive $0xFFFF  }
0x5a: {  	p0 =	sne.s32 s1, $0x0;
	_ =	strace $0x90000047  }
0x5b: {  	s0 =	sadd.s32 @!p0 $0x100000, s0;
	[bflag:$0x2] =	sbarrier.arrive $0xFFFF  }
0x5c: {  	[sflag:s0] =	ssyncadd.tile.s32 @!p0 $0x1;
	_ =	shalt  }
.Lfunc_end2:
_tile_overlayer_lowered:
.L_overlay_start_2:
0x5d: {  	(tag) =	ssettag $0x2  }
0x5e: {  	s0 =	rddreg [dreg:$0x0];
	s2 =	stileid.u32  }
0x5f: {  	s1 =	rddreg [dreg:$0x1];
	p0 =	sne.s32 s2, $0x0  }
0x60: {  	s3 =	rddreg [dreg:$0x2];
	[bflag:$0x3] =	sbarrier.arrive $0xFFFF;
	s2 =	simm.s32 @!p0 $0x1C01  }
0x61: {  	[timem:s3], [sflag:s2] =	dma.local @!p0 [hbm:s0], s1  }
0x62: {  	s0 =	simm.s32 @!p0 $0x1  }
0x63: {  	_ =	swait.ge @!p0 [sflag:s0], s1  }
0x64: {  	s1 =	ssub.s32 @!p0 $0x0, s1;
	[sflag:s0] =	ssyncset.done @!p0 $0x0  }
0x65: {  	[sflag:s0] =	ssyncadd.s32 @!p0 s1  }
0x66: {  	[bflag:$0x3] =	sbarrier.arrive $0xFFFF  }
0x67: {  	_ =	shalt  }

</sc_bundles>
